<compile_context>
chip_gen: v7x
topology: tpu7x:2x2x1
jax: 0.10.2.dev20260603
libtpu: 0.0.44.dev20260713+nightly
codegen_flags: <defaults>
</compile_context>

<pallas_src>
import functools
import jax
import jax.numpy as jnp
from jax import lax
from jax.experimental import pallas as pl
from jax.experimental.pallas import tpu as pltpu
from jax.experimental.pallas import tpu_sc as plsc

_N, _D, _H, _E = 2048, 1024, 512, 8
_BS = 128
_MPAD = 4096 + _E * _BS
_NB = _MPAD // _BS
_NCH = 16
_CH = _N // _NCH

_NC, _NS = 2, 16
_NW = _NC * _NS
_TPW = _N // _NW
_TCH = 16
_L = 16
_WL = 128


def _route_kernel(x_ref, wg_ref, pos0_ref, pos1_ref, w0_ref, w1_ref, be_ref):
    x = x_ref[...]
    wg = wg_ref[...]
    logits = lax.dot_general(x, wg, (((1,), (1,)), ((), ())),
                             preferred_element_type=jnp.float32)
    m = jnp.max(logits, axis=-1, keepdims=True)
    p = jnp.exp(logits - m)
    lane = lax.broadcasted_iota(jnp.int32, p.shape, 1)
    p0 = jnp.max(p, axis=-1, keepdims=True)
    e0 = jnp.min(jnp.where(p == p0, lane, _E), axis=-1, keepdims=True)
    p_m = jnp.where(lane == e0, -jnp.inf, p)
    p1 = jnp.max(p_m, axis=-1, keepdims=True)
    e1 = jnp.min(jnp.where(p_m == p1, lane, _E), axis=-1, keepdims=True)
    s = p0 + p1
    w0_ref[...] = jnp.broadcast_to(p0 / s, (_N, _WL))
    w1_ref[...] = jnp.broadcast_to(p1 / s, (_N, _WL))

    oh0 = (lane == e0).astype(jnp.float32)
    oh1 = (lane == e1).astype(jnp.float32)
    cnt = oh0 + oh1

    a = jnp.concatenate([cnt[c * _CH:(c + 1) * _CH, :] for c in range(_NCH)],
                        axis=1)
    ri = lax.broadcasted_iota(jnp.int32, (_CH, _CH), 0)
    ci = lax.broadcasted_iota(jnp.int32, (_CH, _CH), 1)
    ltri = (ri >= ci).astype(jnp.float32)
    b = lax.dot_general(ltri, a, (((1,), (0,)), ((), ())),
                        preferred_element_type=jnp.float32)
    tot = b[_CH - 1:_CH, :]
    same_e = (ri % _E) == (ci % _E)
    before = (ri // _E) < (ci // _E)
    mcarry = jnp.where(jnp.logical_and(same_e, before), 1.0, 0.0)
    carry = lax.dot_general(tot, mcarry, (((1,), (0,)), ((), ())),
                            preferred_element_type=jnp.float32)
    bc = b + carry
    csum = jnp.concatenate([bc[:, c * _E:(c + 1) * _E] for c in range(_NCH)],
                           axis=0)

    cnt_tot = csum[_N - 1:_N, :]
    cnt_pad = jnp.floor((cnt_tot + (_BS - 1)) * (1.0 / _BS)) * _BS
    ei = lax.broadcasted_iota(jnp.int32, (_E, _E), 0)
    ej = lax.broadcasted_iota(jnp.int32, (_E, _E), 1)
    excl = jnp.where(ei < ej, 1.0, 0.0)
    off = lax.dot_general(cnt_pad, excl, (((1,), (0,)), ((), ())),
                          preferred_element_type=jnp.float32)

    off_b = jnp.broadcast_to(off, (_N, _E))
    rank0 = jnp.sum(jnp.where(lane == e0, csum, 0.0), -1, keepdims=True) - 1.0
    rank1 = jnp.sum(jnp.where(lane == e1, csum, 0.0), -1, keepdims=True) - 1.0
    base0 = jnp.sum(jnp.where(lane == e0, off_b, 0.0), -1, keepdims=True)
    base1 = jnp.sum(jnp.where(lane == e1, off_b, 0.0), -1, keepdims=True)
    pos0_ref[...] = (base0 + rank0).astype(jnp.int32)
    pos1_ref[...] = (base1 + rank1).astype(jnp.int32)

    blk = lax.broadcasted_iota(jnp.int32, (1, 128), 1).astype(jnp.float32) * float(_BS)
    be = jnp.zeros((1, 128), jnp.float32)
    for e in range(_E):
        lo = off[:, e:e + 1]
        hi = lo + cnt_pad[:, e:e + 1]
        ind = jnp.where(jnp.logical_and(blk >= lo, blk < hi), 1.0, 0.0)
        be = be + float(e) * ind
    be_ref[...] = be.astype(jnp.int32)


def _route(x, Wg):
    return pl.pallas_call(
        _route_kernel,
        out_shape=[
            jax.ShapeDtypeStruct((_N, 1), jnp.int32),
            jax.ShapeDtypeStruct((_N, 1), jnp.int32),
            jax.ShapeDtypeStruct((_N, _WL), jnp.float32),
            jax.ShapeDtypeStruct((_N, _WL), jnp.float32),
            jax.ShapeDtypeStruct((1, 128), jnp.int32),
        ],
    )(x, Wg)


def _dispatch(xb, pos0f, pos1f, w0s, w1s):
    mesh = plsc.VectorSubcoreMesh(core_axis_name="c", subcore_axis_name="s")

    @functools.partial(
        pl.kernel, mesh=mesh,
        out_type=[
            jax.ShapeDtypeStruct((_MPAD, _D), jnp.float32),
            jax.ShapeDtypeStruct((_MPAD, _WL), jnp.float32),
        ],
        scratch_types=[
            pltpu.VMEM((_TPW,), jnp.int32),
            pltpu.VMEM((_TPW,), jnp.int32),
            pltpu.VMEM((_TPW, _D), jnp.float32),
            pltpu.VMEM((_TPW, _WL), jnp.float32),
            pltpu.VMEM((_TPW, _WL), jnp.float32),
            pltpu.SemaphoreType.DMA,
            pltpu.SemaphoreType.DMA,
        ],
    )
    def dispatch_k(x_hbm, pos0_hbm, pos1_hbm, w0_hbm, w1_hbm, xs_hbm, ws_hbm,
                   i0_v, i1_v, rows_v, w0_v, w1_v, sem, semw):
        wid = lax.axis_index("s") * _NC + lax.axis_index("c")
        base = wid * _TPW
        pltpu.sync_copy(pos0_hbm.at[pl.ds(base, _TPW)], i0_v)
        pltpu.sync_copy(pos1_hbm.at[pl.ds(base, _TPW)], i1_v)
        pltpu.sync_copy(x_hbm.at[pl.ds(base, _TPW)], rows_v)
        pltpu.sync_copy(w0_hbm.at[pl.ds(base, _TPW)], w0_v)
        pltpu.sync_copy(w1_hbm.at[pl.ds(base, _TPW)], w1_v)
        cw0 = pltpu.async_copy(w0_v, ws_hbm.at[i0_v], semw)
        cw1 = pltpu.async_copy(w1_v, ws_hbm.at[i1_v], semw)
        cx0 = pltpu.async_copy(rows_v, xs_hbm.at[i0_v], sem)
        cx1 = pltpu.async_copy(rows_v, xs_hbm.at[i1_v], sem)
        cw0.wait()
        cw1.wait()
        cx0.wait()
        cx1.wait()

    return dispatch_k(xb, pos0f, pos1f, w0s, w1s)


def _ffn_kernel(be_ref, xs_ref, ws_ref, w1_ref, w2_ref, lnw_ref, lnb_ref,
                ys_ref):
    xb = xs_ref[...]
    w1 = w1_ref[0]
    w2 = w2_ref[0]
    h = lax.dot_general(xb, w1, (((1,), (1,)), ((), ())),
                        preferred_element_type=jnp.float32)
    mu = jnp.mean(h, axis=-1, keepdims=True)
    var = jnp.mean((h - mu) ** 2, axis=-1, keepdims=True)
    hn = (h - mu) * lax.rsqrt(var + 1e-5)
    hn = hn * lnw_ref[0] + lnb_ref[0]
    a = hn * 0.5 * (1.0 + lax.erf(hn * 0.7071067811865476))
    y = lax.dot_general(a, w2, (((1,), (1,)), ((), ())),
                        preferred_element_type=jnp.float32)
    ys_ref[...] = y * ws_ref[:, :1]


def _ffn(xs, ws, W1, W2, lnw3, lnb3, be):
    grid_spec = pltpu.PrefetchScalarGridSpec(
        num_scalar_prefetch=1,
        grid=(_NB,),
        in_specs=[
            pl.BlockSpec((_BS, _D), lambda b, be: (b, 0)),
            pl.BlockSpec((_BS, _WL), lambda b, be: (b, 0)),
            pl.BlockSpec((1, _H, _D), lambda b, be: (be[b], 0, 0)),
            pl.BlockSpec((1, _D, _H), lambda b, be: (be[b], 0, 0)),
            pl.BlockSpec((1, 1, _H), lambda b, be: (be[b], 0, 0)),
            pl.BlockSpec((1, 1, _H), lambda b, be: (be[b], 0, 0)),
        ],
        out_specs=pl.BlockSpec((_BS, _D), lambda b, be: (b, 0)),
    )
    return pl.pallas_call(
        _ffn_kernel,
        grid_spec=grid_spec,
        out_shape=jax.ShapeDtypeStruct((_MPAD, _D), jnp.float32),
    )(be, xs, ws, W1, W2, lnw3, lnb3)


def _combine(ys, pos0f, pos1f):
    mesh = plsc.VectorSubcoreMesh(core_axis_name="c", subcore_axis_name="s")
    nchk = _TPW // _TCH

    @functools.partial(
        pl.kernel, mesh=mesh,
        out_type=jax.ShapeDtypeStruct((_N, _D), jnp.float32),
        scratch_types=[
            pltpu.VMEM((2, _TCH), jnp.int32),
            pltpu.VMEM((2, _TCH), jnp.int32),
            pltpu.VMEM((2, _TCH, _D), jnp.float32),
            pltpu.VMEM((2, _TCH, _D), jnp.float32),
            pltpu.VMEM((_TCH, _D), jnp.float32),
            pltpu.SemaphoreType.DMA,
            pltpu.SemaphoreType.DMA,
        ],
    )
    def combine_k(ys_hbm, pos0_hbm, pos1_hbm, out_hbm,
                  i0_v, i1_v, y0_v, y1_v, o_v, sem_a, sem_b):
        wid = lax.axis_index("s") * _NC + lax.axis_index("c")
        sems = (sem_a, sem_b)

        def issue(c):
            b = c % 2
            base = wid * _TPW + c * _TCH
            pltpu.sync_copy(pos0_hbm.at[pl.ds(base, _TCH)], i0_v.at[b])
            pltpu.sync_copy(pos1_hbm.at[pl.ds(base, _TCH)], i1_v.at[b])
            cp0 = pltpu.async_copy(ys_hbm.at[i0_v.at[b]], y0_v.at[b], sems[b])
            cp1 = pltpu.async_copy(ys_hbm.at[i1_v.at[b]], y1_v.at[b], sems[b])
            return cp0, cp1

        pend = issue(0)
        for c in range(nchk):
            b = c % 2
            base = wid * _TPW + c * _TCH
            pend[0].wait()
            pend[1].wait()
            if c + 1 < nchk:
                pend = issue(c + 1)

            @pl.loop(0, _D // _L)
            def _body(l, b=b):
                seg = pl.ds(l * _L, _L)
                for j in range(_TCH):
                    o_v[j, seg] = y0_v[b, j, seg] + y1_v[b, j, seg]

            pltpu.sync_copy(o_v, out_hbm.at[pl.ds(base, _TCH)])

    return combine_k(ys, pos0f, pos1f)


def kernel(x, Wg, W1, W2, ln_w, ln_b):
    pos0, pos1, w0s, w1s, be = _route(x, Wg)
    pos0f = pos0.reshape(_N)
    pos1f = pos1.reshape(_N)
    xs, ws = _dispatch(x, pos0f, pos1f, w0s, w1s)
    ys = _ffn(xs, ws, W1, W2, ln_w.reshape(_E, 1, _H), ln_b.reshape(_E, 1, _H),
              be.reshape(128)[:_NB])
    return _combine(ys, pos0f, pos1f)

# --- scband reference (transcript-rebuilt; emitter-appended) ---
"""Pipeline reference for scband-net-89343909691631 (READ-ONLY COPY).

The authoritative reference and input builder live on the scoring server;
editing this copy changes nothing except your own understanding.
"""

import jax, jax.numpy as jnp
import numpy as np

N = 2048
D = 1024
H = 512
E = 8
K = 2


def setup_inputs(seed: int = 0) -> dict:
    key = jax.random.key(seed)
    k_x, k_g, k_w1, k_w2 = jax.random.split(key, 4)
    x = jax.random.normal(k_x, (N, D), dtype=jnp.float32)
    # gate: nn.init.normal_(weight, 0, 0.1), stored as [E, D] (torch Linear weight layout)
    Wg = jax.random.normal(k_g, (E, D), dtype=jnp.float32) * 0.1
    # experts: xavier_uniform for fc1 [H, D] and fc2 [D, H], per expert
    lim1 = float(np.sqrt(6.0 / (D + H)))
    lim2 = float(np.sqrt(6.0 / (H + D)))
    W1 = jax.random.uniform(k_w1, (E, H, D), dtype=jnp.float32, minval=-lim1, maxval=lim1)
    W2 = jax.random.uniform(k_w2, (E, D, H), dtype=jnp.float32, minval=-lim2, maxval=lim2)
    ln_w = jnp.ones((E, H), dtype=jnp.float32)
    ln_b = jnp.zeros((E, H), dtype=jnp.float32)
    return {"x": x, "Wg": Wg, "W1": W1, "W2": W2, "ln_w": ln_w, "ln_b": ln_b}


def reference(x, Wg, W1, W2, ln_w, ln_b):
    # gating (eval mode: no dropout, no noise)
    logits = x @ Wg.T                                    # [N, E]
    gates = jax.nn.softmax(logits, axis=-1)              # [N, E]
    topk_w, topk_idx = jax.lax.top_k(gates, K)           # [N, K]
    # F.normalize(p=1): divide by L1 norm (weights are positive)
    topk_w = topk_w / jnp.sum(topk_w, axis=-1, keepdims=True)
    # combine weights per expert (0 for unselected) -- same math as masked loop
    combine = jnp.sum(jax.nn.one_hot(topk_idx, E, dtype=x.dtype) * topk_w[..., None], axis=1)  # [N, E]
    # expert forward: fc1 -> layernorm -> gelu(exact) -> fc2
    h = jnp.einsum('nd,ehd->enh', x, W1)                 # [E, N, H]
    mu = jnp.mean(h, axis=-1, keepdims=True)
    var = jnp.var(h, axis=-1, keepdims=True)
    hn = (h - mu) / jnp.sqrt(var + 1e-5)
    hn = hn * ln_w[:, None, :] + ln_b[:, None, :]
    a = jax.nn.gelu(hn, approximate=False)
    out_e = jnp.einsum('enh,edh->end', a, W2)            # [E, N, D]
    out = jnp.einsum('ne,end->nd', combine, out_e)       # [N, D]
    return out

if __name__ == "__main__":
    import jax
    _d = setup_inputs()
    print(jax.jit(kernel)(*tuple(_d.values())))

</pallas_src>

<mosaic_0001>
#map = affine_map<(d0, d1) -> (0, 0)>
#map1 = affine_map<(d0, d1) -> (0)>
module attributes {stable_mosaic.version = 14 : i64} {
  func.func @combine_k(%arg0: i32, %arg1: i32, %arg2: memref<5120x1024xf32, #tpu.memory_space<hbm>>, %arg3: memref<2048xi32, #tpu.memory_space<hbm>>, %arg4: memref<2048xi32, #tpu.memory_space<hbm>>, %arg5: memref<2048x1024xf32, #tpu.memory_space<hbm>>, %arg6: memref<2x16xi32, #tpu.memory_space<vmem>>, %arg7: memref<2x16xi32, #tpu.memory_space<vmem>>, %arg8: memref<2x16x1024xf32, #tpu.memory_space<vmem>>, %arg9: memref<2x16x1024xf32, #tpu.memory_space<vmem>>, %arg10: memref<16x1024xf32, #tpu.memory_space<vmem>>, %arg11: memref<!tpu.dma_semaphore, #tpu.memory_space<semaphore_mem>>, %arg12: memref<!tpu.dma_semaphore, #tpu.memory_space<semaphore_mem>>) attributes {dimension_semantics = [#tpu.dimension_semantics<core_parallel>, #tpu.dimension_semantics<subcore_parallel>], iteration_bounds = array<i64: 2, 16>, scalar_prefetch = 0 : i64, scratch_operands = 7 : i64, tpu.core_type = #tpu.core_type<sc_vector_subcore>, window_params = [{transform_indices = #map}, {transform_indices = #map1}, {transform_indices = #map1}, {transform_indices = #map}]} {
    %mul3A = arith.constant 2 : i32
    %mul3A_0 = arith.muli %arg1, %mul3A : i32
    %add3A = arith.addi %mul3A_0, %arg0 : i32
    %mul3A_1 = arith.constant 64 : i32
    %mul3A_2 = arith.muli %add3A, %mul3A_1 : i32
    %add3A_3 = arith.constant 0 : i32
    %add3A_4 = arith.addi %mul3A_2, %add3A_3 : i32
    %run_scoped3A = arith.constant 0 : i32
    "tpu.region"() ({
      %run_scoped3A_249 = tpu.sem_alloc : memref<!tpu.dma_semaphore, #tpu.memory_space<semaphore_mem>>
      %dma_start3A_250 = arith.constant 0 : i32
      %dma_start3A_251 = tpu.memref_slice %arg6[%run_scoped3A, %dma_start3A_250] : memref<2x16xi32, #tpu.memory_space<vmem>> -> memref<1x16xi32, #tpu.memory_space<vmem>>
      %dma_start3A_252 = tpu.memref_squeeze %dma_start3A_251 : memref<1x16xi32, #tpu.memory_space<vmem>> -> memref<16xi32, #tpu.memory_space<vmem>>
      %dma_start3A_253 = tpu.memref_slice %arg3[%add3A_4] : memref<2048xi32, #tpu.memory_space<hbm>> -> memref<16xi32, #tpu.memory_space<hbm>>
      %dma_start3A_254 = arith.constant 0 : i32
      %dma_start3A_255 = tpu.memref_slice %arg6[%run_scoped3A, %dma_start3A_254] : memref<2x16xi32, #tpu.memory_space<vmem>> -> memref<1x16xi32, #tpu.memory_space<vmem>>
      %dma_start3A_256 = tpu.memref_squeeze %dma_start3A_255 : memref<1x16xi32, #tpu.memory_space<vmem>> -> memref<16xi32, #tpu.memory_space<vmem>>
      %dma_start3A_257 = tpu.memref_slice %arg3[%add3A_4] : memref<2048xi32, #tpu.memory_space<hbm>> -> memref<16xi32, #tpu.memory_space<hbm>>
      tpu.enqueue_dma source(%dma_start3A_257 : memref<16xi32, #tpu.memory_space<hbm>>) target(%dma_start3A_256 : memref<16xi32, #tpu.memory_space<vmem>>) target_semaphore(%run_scoped3A_249 : memref<!tpu.dma_semaphore, #tpu.memory_space<semaphore_mem>>)
      %dma_wait3A_258 = arith.constant 0 : i32
      %dma_wait3A_259 = tpu.memref_slice %arg6[%run_scoped3A, %dma_wait3A_258] : memref<2x16xi32, #tpu.memory_space<vmem>> -> memref<1x16xi32, #tpu.memory_space<vmem>>
      %dma_wait3A_260 = tpu.memref_squeeze %dma_wait3A_259 : memref<1x16xi32, #tpu.memory_space<vmem>> -> memref<16xi32, #tpu.memory_space<vmem>>
      %dma_wait3A_261 = tpu.memref_slice %arg3[%add3A_4] : memref<2048xi32, #tpu.memory_space<hbm>> -> memref<16xi32, #tpu.memory_space<hbm>>
      %dma_wait3A_262 = arith.constant 0 : i32
      %dma_wait3A_263 = tpu.memref_slice %arg6[%run_scoped3A, %dma_wait3A_262] : memref<2x16xi32, #tpu.memory_space<vmem>> -> memref<1x16xi32, #tpu.memory_space<vmem>>
      %dma_wait3A_264 = tpu.memref_squeeze %dma_wait3A_263 : memref<1x16xi32, #tpu.memory_space<vmem>> -> memref<16xi32, #tpu.memory_space<vmem>>
      %dma_wait3A_265 = tpu.memref_slice %arg3[%add3A_4] : memref<2048xi32, #tpu.memory_space<hbm>> -> memref<16xi32, #tpu.memory_space<hbm>>
      tpu.wait_dma2 semaphore(%run_scoped3A_249 : memref<!tpu.dma_semaphore, #tpu.memory_space<semaphore_mem>>) src(%dma_wait3A_265 : memref<16xi32, #tpu.memory_space<hbm>>) dst(%dma_wait3A_264 : memref<16xi32, #tpu.memory_space<vmem>>)
      tpu.yield
    }) : () -> ()
    %run_scoped3A_5 = arith.constant 0 : i32
    "tpu.region"() ({
      %run_scoped3A_249 = tpu.sem_alloc : memref<!tpu.dma_semaphore, #tpu.memory_space<semaphore_mem>>
      %dma_start3A_250 = arith.constant 0 : i32
      %dma_start3A_251 = tpu.memref_slice %arg7[%run_scoped3A_5, %dma_start3A_250] : memref<2x16xi32, #tpu.memory_space<vmem>> -> memref<1x16xi32, #tpu.memory_space<vmem>>
      %dma_start3A_252 = tpu.memref_squeeze %dma_start3A_251 : memref<1x16xi32, #tpu.memory_space<vmem>> -> memref<16xi32, #tpu.memory_space<vmem>>
      %dma_start3A_253 = tpu.memref_slice %arg4[%add3A_4] : memref<2048xi32, #tpu.memory_space<hbm>> -> memref<16xi32, #tpu.memory_space<hbm>>
      %dma_start3A_254 = arith.constant 0 : i32
      %dma_start3A_255 = tpu.memref_slice %arg7[%run_scoped3A_5, %dma_start3A_254] : memref<2x16xi32, #tpu.memory_space<vmem>> -> memref<1x16xi32, #tpu.memory_space<vmem>>
      %dma_start3A_256 = tpu.memref_squeeze %dma_start3A_255 : memref<1x16xi32, #tpu.memory_space<vmem>> -> memref<16xi32, #tpu.memory_space<vmem>>
      %dma_start3A_257 = tpu.memref_slice %arg4[%add3A_4] : memref<2048xi32, #tpu.memory_space<hbm>> -> memref<16xi32, #tpu.memory_space<hbm>>
      tpu.enqueue_dma source(%dma_start3A_257 : memref<16xi32, #tpu.memory_space<hbm>>) target(%dma_start3A_256 : memref<16xi32, #tpu.memory_space<vmem>>) target_semaphore(%run_scoped3A_249 : memref<!tpu.dma_semaphore, #tpu.memory_space<semaphore_mem>>)
      %dma_wait3A_258 = arith.constant 0 : i32
      %dma_wait3A_259 = tpu.memref_slice %arg7[%run_scoped3A_5, %dma_wait3A_258] : memref<2x16xi32, #tpu.memory_space<vmem>> -> memref<1x16xi32, #tpu.memory_space<vmem>>
      %dma_wait3A_260 = tpu.memref_squeeze %dma_wait3A_259 : memref<1x16xi32, #tpu.memory_space<vmem>> -> memref<16xi32, #tpu.memory_space<vmem>>
      %dma_wait3A_261 = tpu.memref_slice %arg4[%add3A_4] : memref<2048xi32, #tpu.memory_space<hbm>> -> memref<16xi32, #tpu.memory_space<hbm>>
      %dma_wait3A_262 = arith.constant 0 : i32
      %dma_wait3A_263 = tpu.memref_slice %arg7[%run_scoped3A_5, %dma_wait3A_262] : memref<2x16xi32, #tpu.memory_space<vmem>> -> memref<1x16xi32, #tpu.memory_space<vmem>>
      %dma_wait3A_264 = tpu.memref_squeeze %dma_wait3A_263 : memref<1x16xi32, #tpu.memory_space<vmem>> -> memref<16xi32, #tpu.memory_space<vmem>>
      %dma_wait3A_265 = tpu.memref_slice %arg4[%add3A_4] : memref<2048xi32, #tpu.memory_space<hbm>> -> memref<16xi32, #tpu.memory_space<hbm>>
      tpu.wait_dma2 semaphore(%run_scoped3A_249 : memref<!tpu.dma_semaphore, #tpu.memory_space<semaphore_mem>>) src(%dma_wait3A_265 : memref<16xi32, #tpu.memory_space<hbm>>) dst(%dma_wait3A_264 : memref<16xi32, #tpu.memory_space<vmem>>)
      tpu.yield
    }) : () -> ()
    %dma_start3A = arith.constant 0 : i32
    %dma_start3A_6 = arith.constant 0 : i32
    %dma_start3A_7 = arith.constant 0 : i32
    %dma_start3A_8 = arith.constant 0 : i32
    %dma_start3A_9 = tpu.memref_slice %arg8[%dma_start3A_6, %dma_start3A_7, %dma_start3A_8] : memref<2x16x1024xf32, #tpu.memory_space<vmem>> -> memref<1x16x1024xf32, #tpu.memory_space<vmem>>
    %dma_start3A_10 = tpu.memref_squeeze %dma_start3A_9 : memref<1x16x1024xf32, #tpu.memory_space<vmem>> -> memref<16x1024xf32, #tpu.memory_space<vmem>>
    %dma_start3A_11 = arith.constant 0 : i32
    %dma_start3A_12 = tpu.memref_slice %arg6[%dma_start3A, %dma_start3A_11] : memref<2x16xi32, #tpu.memory_space<vmem>> -> memref<1x16xi32, #tpu.memory_space<vmem>>
    %dma_start3A_13 = tpu.memref_squeeze %dma_start3A_12 : memref<1x16xi32, #tpu.memory_space<vmem>> -> memref<16xi32, #tpu.memory_space<vmem>>
    %dma_start3A_14 = arith.constant 0 : i32
    %dma_start3A_15 = arith.constant 0 : i32
    %dma_start3A_16 = tpu.memref_slice %arg2[%dma_start3A_14, %dma_start3A_15] : memref<5120x1024xf32, #tpu.memory_space<hbm>> -> memref<5120x1024xf32, #tpu.memory_space<hbm>>
    tpu.enqueue_indirect_dma source(%dma_start3A_16 : memref<5120x1024xf32, #tpu.memory_space<hbm>>) target(%dma_start3A_10 : memref<16x1024xf32, #tpu.memory_space<vmem>>) offsets(%dma_start3A_13 : memref<16xi32, #tpu.memory_space<vmem>>) semaphore(%arg11 : memref<!tpu.dma_semaphore, #tpu.memory_space<semaphore_mem>>)
    %dma_start3A_17 = arith.constant 0 : i32
    %dma_start3A_18 = arith.constant 0 : i32
    %dma_start3A_19 = arith.constant 0 : i32
    %dma_start3A_20 = arith.constant 0 : i32
    %dma_start3A_21 = tpu.memref_slice %arg9[%dma_start3A_18, %dma_start3A_19, %dma_start3A_20] : memref<2x16x1024xf32, #tpu.memory_space<vmem>> -> memref<1x16x1024xf32, #tpu.memory_space<vmem>>
    %dma_start3A_22 = tpu.memref_squeeze %dma_start3A_21 : memref<1x16x1024xf32, #tpu.memory_space<vmem>> -> memref<16x1024xf32, #tpu.memory_space<vmem>>
    %dma_start3A_23 = arith.constant 0 : i32
    %dma_start3A_24 = tpu.memref_slice %arg7[%dma_start3A_17, %dma_start3A_23] : memref<2x16xi32, #tpu.memory_space<vmem>> -> memref<1x16xi32, #tpu.memory_space<vmem>>
    %dma_start3A_25 = tpu.memref_squeeze %dma_start3A_24 : memref<1x16xi32, #tpu.memory_space<vmem>> -> memref<16xi32, #tpu.memory_space<vmem>>
    %dma_start3A_26 = arith.constant 0 : i32
    %dma_start3A_27 = arith.constant 0 : i32
    %dma_start3A_28 = tpu.memref_slice %arg2[%dma_start3A_26, %dma_start3A_27] : memref<5120x1024xf32, #tpu.memory_space<hbm>> -> memref<5120x1024xf32, #tpu.memory_space<hbm>>
    tpu.enqueue_indirect_dma source(%dma_start3A_28 : memref<5120x1024xf32, #tpu.memory_space<hbm>>) target(%dma_start3A_22 : memref<16x1024xf32, #tpu.memory_space<vmem>>) offsets(%dma_start3A_25 : memref<16xi32, #tpu.memory_space<vmem>>) semaphore(%arg11 : memref<!tpu.dma_semaphore, #tpu.memory_space<semaphore_mem>>)
    %mul3A_29 = arith.constant 64 : i32
    %mul3A_30 = arith.muli %add3A, %mul3A_29 : i32
    %add3A_31 = arith.constant 0 : i32
    %add3A_32 = arith.addi %mul3A_30, %add3A_31 : i32
    %dma_wait3A = arith.constant 0 : i32
    %dma_wait3A_33 = arith.constant 0 : i32
    %dma_wait3A_34 = arith.constant 0 : i32
    %dma_wait3A_35 = arith.constant 0 : i32
    %dma_wait3A_36 = tpu.memref_slice %arg8[%dma_wait3A_33, %dma_wait3A_34, %dma_wait3A_35] : memref<2x16x1024xf32, #tpu.memory_space<vmem>> -> memref<1x16x1024xf32, #tpu.memory_space<vmem>>
    %dma_wait3A_37 = tpu.memref_squeeze %dma_wait3A_36 : memref<1x16x1024xf32, #tpu.memory_space<vmem>> -> memref<16x1024xf32, #tpu.memory_space<vmem>>
    %dma_wait3A_38 = arith.constant 0 : i32
    %dma_wait3A_39 = tpu.memref_slice %arg6[%dma_wait3A, %dma_wait3A_38] : memref<2x16xi32, #tpu.memory_space<vmem>> -> memref<1x16xi32, #tpu.memory_space<vmem>>
    %dma_wait3A_40 = tpu.memref_squeeze %dma_wait3A_39 : memref<1x16xi32, #tpu.memory_space<vmem>> -> memref<16xi32, #tpu.memory_space<vmem>>
    %dma_wait3A_41 = arith.constant 0 : i32
    %dma_wait3A_42 = arith.constant 0 : i32
    %dma_wait3A_43 = tpu.memref_slice %arg2[%dma_wait3A_41, %dma_wait3A_42] : memref<5120x1024xf32, #tpu.memory_space<hbm>> -> memref<5120x1024xf32, #tpu.memory_space<hbm>>
    tpu.wait_indirect_dma semaphore(%arg11 : memref<!tpu.dma_semaphore, #tpu.memory_space<semaphore_mem>>) src(%dma_wait3A_43 : memref<5120x1024xf32, #tpu.memory_space<hbm>>) dst(%dma_wait3A_37 : memref<16x1024xf32, #tpu.memory_space<vmem>>)
    %dma_wait3A_44 = arith.constant 0 : i32
    %dma_wait3A_45 = arith.constant 0 : i32
    %dma_wait3A_46 = arith.constant 0 : i32
    %dma_wait3A_47 = arith.constant 0 : i32
    %dma_wait3A_48 = tpu.memref_slice %arg9[%dma_wait3A_45, %dma_wait3A_46, %dma_wait3A_47] : memref<2x16x1024xf32, #tpu.memory_space<vmem>> -> memref<1x16x1024xf32, #tpu.memory_space<vmem>>
    %dma_wait3A_49 = tpu.memref_squeeze %dma_wait3A_48 : memref<1x16x1024xf32, #tpu.memory_space<vmem>> -> memref<16x1024xf32, #tpu.memory_space<vmem>>
    %dma_wait3A_50 = arith.constant 0 : i32
    %dma_wait3A_51 = tpu.memref_slice %arg7[%dma_wait3A_44, %dma_wait3A_50] : memref<2x16xi32, #tpu.memory_space<vmem>> -> memref<1x16xi32, #tpu.memory_space<vmem>>
    %dma_wait3A_52 = tpu.memref_squeeze %dma_wait3A_51 : memref<1x16xi32, #tpu.memory_space<vmem>> -> memref<16xi32, #tpu.memory_space<vmem>>
    %dma_wait3A_53 = arith.constant 0 : i32
    %dma_wait3A_54 = arith.constant 0 : i32
    %dma_wait3A_55 = tpu.memref_slice %arg2[%dma_wait3A_53, %dma_wait3A_54] : memref<5120x1024xf32, #tpu.memory_space<hbm>> -> memref<5120x1024xf32, #tpu.memory_space<hbm>>
    tpu.wait_indirect_dma semaphore(%arg11 : memref<!tpu.dma_semaphore, #tpu.memory_space<semaphore_mem>>) src(%dma_wait3A_55 : memref<5120x1024xf32, #tpu.memory_space<hbm>>) dst(%dma_wait3A_49 : memref<16x1024xf32, #tpu.memory_space<vmem>>)
    %mul3A_56 = arith.constant 64 : i32
    %mul3A_57 = arith.muli %add3A, %mul3A_56 : i32
    %add3A_58 = arith.constant 16 : i32
    %add3A_59 = arith.addi %mul3A_57, %add3A_58 : i32
    %run_scoped3A_60 = arith.constant 1 : i32
    "tpu.region"() ({
      %run_scoped3A_249 = tpu.sem_alloc : memref<!tpu.dma_semaphore, #tpu.memory_space<semaphore_mem>>
      %dma_start3A_250 = arith.constant 0 : i32
      %dma_start3A_251 = tpu.memref_slice %arg6[%run_scoped3A_60, %dma_start3A_250] : memref<2x16xi32, #tpu.memory_space<vmem>> -> memref<1x16xi32, #tpu.memory_space<vmem>>
      %dma_start3A_252 = tpu.memref_squeeze %dma_start3A_251 : memref<1x16xi32, #tpu.memory_space<vmem>> -> memref<16xi32, #tpu.memory_space<vmem>>
      %dma_start3A_253 = tpu.memref_slice %arg3[%add3A_59] : memref<2048xi32, #tpu.memory_space<hbm>> -> memref<16xi32, #tpu.memory_space<hbm>>
      %dma_start3A_254 = arith.constant 0 : i32
      %dma_start3A_255 = tpu.memref_slice %arg6[%run_scoped3A_60, %dma_start3A_254] : memref<2x16xi32, #tpu.memory_space<vmem>> -> memref<1x16xi32, #tpu.memory_space<vmem>>
      %dma_start3A_256 = tpu.memref_squeeze %dma_start3A_255 : memref<1x16xi32, #tpu.memory_space<vmem>> -> memref<16xi32, #tpu.memory_space<vmem>>
      %dma_start3A_257 = tpu.memref_slice %arg3[%add3A_59] : memref<2048xi32, #tpu.memory_space<hbm>> -> memref<16xi32, #tpu.memory_space<hbm>>
      tpu.enqueue_dma source(%dma_start3A_257 : memref<16xi32, #tpu.memory_space<hbm>>) target(%dma_start3A_256 : memref<16xi32, #tpu.memory_space<vmem>>) target_semaphore(%run_scoped3A_249 : memref<!tpu.dma_semaphore, #tpu.memory_space<semaphore_mem>>)
      %dma_wait3A_258 = arith.constant 0 : i32
      %dma_wait3A_259 = tpu.memref_slice %arg6[%run_scoped3A_60, %dma_wait3A_258] : memref<2x16xi32, #tpu.memory_space<vmem>> -> memref<1x16xi32, #tpu.memory_space<vmem>>
      %dma_wait3A_260 = tpu.memref_squeeze %dma_wait3A_259 : memref<1x16xi32, #tpu.memory_space<vmem>> -> memref<16xi32, #tpu.memory_space<vmem>>
      %dma_wait3A_261 = tpu.memref_slice %arg3[%add3A_59] : memref<2048xi32, #tpu.memory_space<hbm>> -> memref<16xi32, #tpu.memory_space<hbm>>
      %dma_wait3A_262 = arith.constant 0 : i32
      %dma_wait3A_263 = tpu.memref_slice %arg6[%run_scoped3A_60, %dma_wait3A_262] : memref<2x16xi32, #tpu.memory_space<vmem>> -> memref<1x16xi32, #tpu.memory_space<vmem>>
      %dma_wait3A_264 = tpu.memref_squeeze %dma_wait3A_263 : memref<1x16xi32, #tpu.memory_space<vmem>> -> memref<16xi32, #tpu.memory_space<vmem>>
      %dma_wait3A_265 = tpu.memref_slice %arg3[%add3A_59] : memref<2048xi32, #tpu.memory_space<hbm>> -> memref<16xi32, #tpu.memory_space<hbm>>
      tpu.wait_dma2 semaphore(%run_scoped3A_249 : memref<!tpu.dma_semaphore, #tpu.memory_space<semaphore_mem>>) src(%dma_wait3A_265 : memref<16xi32, #tpu.memory_space<hbm>>) dst(%dma_wait3A_264 : memref<16xi32, #tpu.memory_space<vmem>>)
      tpu.yield
    }) : () -> ()
    %run_scoped3A_61 = arith.constant 1 : i32
    "tpu.region"() ({
      %run_scoped3A_249 = tpu.sem_alloc : memref<!tpu.dma_semaphore, #tpu.memory_space<semaphore_mem>>
      %dma_start3A_250 = arith.constant 0 : i32
      %dma_start3A_251 = tpu.memref_slice %arg7[%run_scoped3A_61, %dma_start3A_250] : memref<2x16xi32, #tpu.memory_space<vmem>> -> memref<1x16xi32, #tpu.memory_space<vmem>>
      %dma_start3A_252 = tpu.memref_squeeze %dma_start3A_251 : memref<1x16xi32, #tpu.memory_space<vmem>> -> memref<16xi32, #tpu.memory_space<vmem>>
      %dma_start3A_253 = tpu.memref_slice %arg4[%add3A_59] : memref<2048xi32, #tpu.memory_space<hbm>> -> memref<16xi32, #tpu.memory_space<hbm>>
      %dma_start3A_254 = arith.constant 0 : i32
      %dma_start3A_255 = tpu.memref_slice %arg7[%run_scoped3A_61, %dma_start3A_254] : memref<2x16xi32, #tpu.memory_space<vmem>> -> memref<1x16xi32, #tpu.memory_space<vmem>>
      %dma_start3A_256 = tpu.memref_squeeze %dma_start3A_255 : memref<1x16xi32, #tpu.memory_space<vmem>> -> memref<16xi32, #tpu.memory_space<vmem>>
      %dma_start3A_257 = tpu.memref_slice %arg4[%add3A_59] : memref<2048xi32, #tpu.memory_space<hbm>> -> memref<16xi32, #tpu.memory_space<hbm>>
      tpu.enqueue_dma source(%dma_start3A_257 : memref<16xi32, #tpu.memory_space<hbm>>) target(%dma_start3A_256 : memref<16xi32, #tpu.memory_space<vmem>>) target_semaphore(%run_scoped3A_249 : memref<!tpu.dma_semaphore, #tpu.memory_space<semaphore_mem>>)
      %dma_wait3A_258 = arith.constant 0 : i32
      %dma_wait3A_259 = tpu.memref_slice %arg7[%run_scoped3A_61, %dma_wait3A_258] : memref<2x16xi32, #tpu.memory_space<vmem>> -> memref<1x16xi32, #tpu.memory_space<vmem>>
      %dma_wait3A_260 = tpu.memref_squeeze %dma_wait3A_259 : memref<1x16xi32, #tpu.memory_space<vmem>> -> memref<16xi32, #tpu.memory_space<vmem>>
      %dma_wait3A_261 = tpu.memref_slice %arg4[%add3A_59] : memref<2048xi32, #tpu.memory_space<hbm>> -> memref<16xi32, #tpu.memory_space<hbm>>
      %dma_wait3A_262 = arith.constant 0 : i32
      %dma_wait3A_263 = tpu.memref_slice %arg7[%run_scoped3A_61, %dma_wait3A_262] : memref<2x16xi32, #tpu.memory_space<vmem>> -> memref<1x16xi32, #tpu.memory_space<vmem>>
      %dma_wait3A_264 = tpu.memref_squeeze %dma_wait3A_263 : memref<1x16xi32, #tpu.memory_space<vmem>> -> memref<16xi32, #tpu.memory_space<vmem>>
      %dma_wait3A_265 = tpu.memref_slice %arg4[%add3A_59] : memref<2048xi32, #tpu.memory_space<hbm>> -> memref<16xi32, #tpu.memory_space<hbm>>
      tpu.wait_dma2 semaphore(%run_scoped3A_249 : memref<!tpu.dma_semaphore, #tpu.memory_space<semaphore_mem>>) src(%dma_wait3A_265 : memref<16xi32, #tpu.memory_space<hbm>>) dst(%dma_wait3A_264 : memref<16xi32, #tpu.memory_space<vmem>>)
      tpu.yield
    }) : () -> ()
    %dma_start3A_62 = arith.constant 1 : i32
    %dma_start3A_63 = arith.constant 1 : i32
    %dma_start3A_64 = arith.constant 0 : i32
    %dma_start3A_65 = arith.constant 0 : i32
    %dma_start3A_66 = tpu.memref_slice %arg8[%dma_start3A_63, %dma_start3A_64, %dma_start3A_65] : memref<2x16x1024xf32, #tpu.memory_space<vmem>> -> memref<1x16x1024xf32, #tpu.memory_space<vmem>>
    %dma_start3A_67 = tpu.memref_squeeze %dma_start3A_66 : memref<1x16x1024xf32, #tpu.memory_space<vmem>> -> memref<16x1024xf32, #tpu.memory_space<vmem>>
    %dma_start3A_68 = arith.constant 0 : i32
    %dma_start3A_69 = tpu.memref_slice %arg6[%dma_start3A_62, %dma_start3A_68] : memref<2x16xi32, #tpu.memory_space<vmem>> -> memref<1x16xi32, #tpu.memory_space<vmem>>
    %dma_start3A_70 = tpu.memref_squeeze %dma_start3A_69 : memref<1x16xi32, #tpu.memory_space<vmem>> -> memref<16xi32, #tpu.memory_space<vmem>>
    %dma_start3A_71 = arith.constant 0 : i32
    %dma_start3A_72 = arith.constant 0 : i32
    %dma_start3A_73 = tpu.memref_slice %arg2[%dma_start3A_71, %dma_start3A_72] : memref<5120x1024xf32, #tpu.memory_space<hbm>> -> memref<5120x1024xf32, #tpu.memory_space<hbm>>
    tpu.enqueue_indirect_dma source(%dma_start3A_73 : memref<5120x1024xf32, #tpu.memory_space<hbm>>) target(%dma_start3A_67 : memref<16x1024xf32, #tpu.memory_space<vmem>>) offsets(%dma_start3A_70 : memref<16xi32, #tpu.memory_space<vmem>>) semaphore(%arg12 : memref<!tpu.dma_semaphore, #tpu.memory_space<semaphore_mem>>)
    %dma_start3A_74 = arith.constant 1 : i32
    %dma_start3A_75 = arith.constant 1 : i32
    %dma_start3A_76 = arith.constant 0 : i32
    %dma_start3A_77 = arith.constant 0 : i32
    %dma_start3A_78 = tpu.memref_slice %arg9[%dma_start3A_75, %dma_start3A_76, %dma_start3A_77] : memref<2x16x1024xf32, #tpu.memory_space<vmem>> -> memref<1x16x1024xf32, #tpu.memory_space<vmem>>
    %dma_start3A_79 = tpu.memref_squeeze %dma_start3A_78 : memref<1x16x1024xf32, #tpu.memory_space<vmem>> -> memref<16x1024xf32, #tpu.memory_space<vmem>>
    %dma_start3A_80 = arith.constant 0 : i32
    %dma_start3A_81 = tpu.memref_slice %arg7[%dma_start3A_74, %dma_start3A_80] : memref<2x16xi32, #tpu.memory_space<vmem>> -> memref<1x16xi32, #tpu.memory_space<vmem>>
    %dma_start3A_82 = tpu.memref_squeeze %dma_start3A_81 : memref<1x16xi32, #tpu.memory_space<vmem>> -> memref<16xi32, #tpu.memory_space<vmem>>
    %dma_start3A_83 = arith.constant 0 : i32
    %dma_start3A_84 = arith.constant 0 : i32
    %dma_start3A_85 = tpu.memref_slice %arg2[%dma_start3A_83, %dma_start3A_84] : memref<5120x1024xf32, #tpu.memory_space<hbm>> -> memref<5120x1024xf32, #tpu.memory_space<hbm>>
    tpu.enqueue_indirect_dma source(%dma_start3A_85 : memref<5120x1024xf32, #tpu.memory_space<hbm>>) target(%dma_start3A_79 : memref<16x1024xf32, #tpu.memory_space<vmem>>) offsets(%dma_start3A_82 : memref<16xi32, #tpu.memory_space<vmem>>) semaphore(%arg12 : memref<!tpu.dma_semaphore, #tpu.memory_space<semaphore_mem>>)
    %scan3A = arith.constant 0 : i32
    %scan3A_86 = arith.constant 64 : i32
    %scan3A_87 = arith.addi %scan3A, %scan3A_86 : i32
    %scan3A_88 = arith.constant 1 : i32
    scf.for %scan3A_249 = %scan3A to %scan3A_87 step %scan3A_88  : i32 {
      %mul3A_250 = arith.constant 1 : i32
      %mul3A_251 = arith.muli %scan3A_249, %mul3A_250 : i32
      %add3A_252 = arith.constant 0 : i32
      %add3A_253 = arith.addi %add3A_252, %mul3A_251 : i32
      %mul3A_254 = arith.constant 16 : i32
      %mul3A_255 = arith.muli %add3A_253, %mul3A_254 : i32
      %get3A = arith.constant 0 : i32
      %get3A_256 = arith.constant 0 : i32
      %get3A_257 = arith.index_cast %get3A : i32 to index
      %get3A_258 = arith.index_cast %get3A_256 : i32 to index
      %get3A_259 = arith.index_cast %mul3A_255 : i32 to index
      %get3A_260 = tpu.vector_load %arg8[%get3A_257, %get3A_258, %get3A_259] {strides = array<i32>} : memref<2x16x1024xf32, #tpu.memory_space<vmem>>, vector<1x1x16xf32>,
      %get3A_261 = vector.shape_cast %get3A_260 : vector<1x1x16xf32> to vector<16xf32>
      %get3A_262 = arith.constant 0 : i32
      %get3A_263 = arith.constant 0 : i32
      %get3A_264 = arith.index_cast %get3A_262 : i32 to index
      %get3A_265 = arith.index_cast %get3A_263 : i32 to index
      %get3A_266 = arith.index_cast %mul3A_255 : i32 to index
      %get3A_267 = tpu.vector_load %arg9[%get3A_264, %get3A_265, %get3A_266] {strides = array<i32>} : memref<2x16x1024xf32, #tpu.memory_space<vmem>>, vector<1x1x16xf32>,
      %get3A_268 = vector.shape_cast %get3A_267 : vector<1x1x16xf32> to vector<16xf32>
      %add3A_269 = arith.addf %get3A_261, %get3A_268 : vector<16xf32>
      %swap3A = arith.constant 0 : i32
      %swap3A_270 = arith.index_cast %swap3A : i32 to index
      %swap3A_271 = arith.index_cast %mul3A_255 : i32 to index
      %swap3A_272 = tpu.vector_load %arg10[%swap3A_270, %swap3A_271] {strides = array<i32>} : memref<16x1024xf32, #tpu.memory_space<vmem>>, vector<1x16xf32>,
      %swap3A_273 = vector.shape_cast %swap3A_272 : vector<1x16xf32> to vector<16xf32>
      %swap3A_274 = vector.shape_cast %add3A_269 : vector<16xf32> to vector<1x16xf32>
      tpu.vector_store %arg10[%swap3A_270, %swap3A_271], %swap3A_274 {strides = array<i32>} : memref<16x1024xf32, #tpu.memory_space<vmem>>, vector<1x16xf32>,
      %get3A_275 = arith.constant 0 : i32
      %get3A_276 = arith.constant 1 : i32
      %get3A_277 = arith.index_cast %get3A_275 : i32 to index
      %get3A_278 = arith.index_cast %get3A_276 : i32 to index
      %get3A_279 = arith.index_cast %mul3A_255 : i32 to index
      %get3A_280 = tpu.vector_load %arg8[%get3A_277, %get3A_278, %get3A_279] {strides = array<i32>} : memref<2x16x1024xf32, #tpu.memory_space<vmem>>, vector<1x1x16xf32>,
      %get3A_281 = vector.shape_cast %get3A_280 : vector<1x1x16xf32> to vector<16xf32>
      %get3A_282 = arith.constant 0 : i32
      %get3A_283 = arith.constant 1 : i32
      %get3A_284 = arith.index_cast %get3A_282 : i32 to index
      %get3A_285 = arith.index_cast %get3A_283 : i32 to index
      %get3A_286 = arith.index_cast %mul3A_255 : i32 to index
      %get3A_287 = tpu.vector_load %arg9[%get3A_284, %get3A_285, %get3A_286] {strides = array<i32>} : memref<2x16x1024xf32, #tpu.memory_space<vmem>>, vector<1x1x16xf32>,
      %get3A_288 = vector.shape_cast %get3A_287 : vector<1x1x16xf32> to vector<16xf32>
      %add3A_289 = arith.addf %get3A_281, %get3A_288 : vector<16xf32>
      %swap3A_290 = arith.constant 1 : i32
      %swap3A_291 = arith.index_cast %swap3A_290 : i32 to index
      %swap3A_292 = arith.index_cast %mul3A_255 : i32 to index
      %swap3A_293 = tpu.vector_load %arg10[%swap3A_291, %swap3A_292] {strides = array<i32>} : memref<16x1024xf32, #tpu.memory_space<vmem>>, vector<1x16xf32>,
      %swap3A_294 = vector.shape_cast %swap3A_293 : vector<1x16xf32> to vector<16xf32>
      %swap3A_295 = vector.shape_cast %add3A_289 : vector<16xf32> to vector<1x16xf32>
      tpu.vector_store %arg10[%swap3A_291, %swap3A_292], %swap3A_295 {strides = array<i32>} : memref<16x1024xf32, #tpu.memory_space<vmem>>, vector<1x16xf32>,
      %get3A_296 = arith.constant 0 : i32
      %get3A_297 = arith.constant 2 : i32
      %get3A_298 = arith.index_cast %get3A_296 : i32 to index
      %get3A_299 = arith.index_cast %get3A_297 : i32 to index
      %get3A_300 = arith.index_cast %mul3A_255 : i32 to index
      %get3A_301 = tpu.vector_load %arg8[%get3A_298, %get3A_299, %get3A_300] {strides = array<i32>} : memref<2x16x1024xf32, #tpu.memory_space<vmem>>, vector<1x1x16xf32>,
      %get3A_302 = vector.shape_cast %get3A_301 : vector<1x1x16xf32> to vector<16xf32>
      %get3A_303 = arith.constant 0 : i32
      %get3A_304 = arith.constant 2 : i32
      %get3A_305 = arith.index_cast %get3A_303 : i32 to index
      %get3A_306 = arith.index_cast %get3A_304 : i32 to index
      %get3A_307 = arith.index_cast %mul3A_255 : i32 to index
      %get3A_308 = tpu.vector_load %arg9[%get3A_305, %get3A_306, %get3A_307] {strides = array<i32>} : memref<2x16x1024xf32, #tpu.memory_space<vmem>>, vector<1x1x16xf32>,
      %get3A_309 = vector.shape_cast %get3A_308 : vector<1x1x16xf32> to vector<16xf32>
      %add3A_310 = arith.addf %get3A_302, %get3A_309 : vector<16xf32>
      %swap3A_311 = arith.constant 2 : i32
      %swap3A_312 = arith.index_cast %swap3A_311 : i32 to index
      %swap3A_313 = arith.index_cast %mul3A_255 : i32 to index
      %swap3A_314 = tpu.vector_load %arg10[%swap3A_312, %swap3A_313] {strides = array<i32>} : memref<16x1024xf32, #tpu.memory_space<vmem>>, vector<1x16xf32>,
      %swap3A_315 = vector.shape_cast %swap3A_314 : vector<1x16xf32> to vector<16xf32>
      %swap3A_316 = vector.shape_cast %add3A_310 : vector<16xf32> to vector<1x16xf32>
      tpu.vector_store %arg10[%swap3A_312, %swap3A_313], %swap3A_316 {strides = array<i32>} : memref<16x1024xf32, #tpu.memory_space<vmem>>, vector<1x16xf32>,
      %get3A_317 = arith.constant 0 : i32
      %get3A_318 = arith.constant 3 : i32
      %get3A_319 = arith.index_cast %get3A_317 : i32 to index
      %get3A_320 = arith.index_cast %get3A_318 : i32 to index
      %get3A_321 = arith.index_cast %mul3A_255 : i32 to index
      %get3A_322 = tpu.vector_load %arg8[%get3A_319, %get3A_320, %get3A_321] {strides = array<i32>} : memref<2x16x1024xf32, #tpu.memory_space<vmem>>, vector<1x1x16xf32>,
      %get3A_323 = vector.shape_cast %get3A_322 : vector<1x1x16xf32> to vector<16xf32>
      %get3A_324 = arith.constant 0 : i32
      %get3A_325 = arith.constant 3 : i32
      %get3A_326 = arith.index_cast %get3A_324 : i32 to index
      %get3A_327 = arith.index_cast %get3A_325 : i32 to index
      %get3A_328 = arith.index_cast %mul3A_255 : i32 to index
      %get3A_329 = tpu.vector_load %arg9[%get3A_326, %get3A_327, %get3A_328] {strides = array<i32>} : memref<2x16x1024xf32, #tpu.memory_space<vmem>>, vector<1x1x16xf32>,
      %get3A_330 = vector.shape_cast %get3A_329 : vector<1x1x16xf32> to vector<16xf32>
      %add3A_331 = arith.addf %get3A_323, %get3A_330 : vector<16xf32>
      %swap3A_332 = arith.constant 3 : i32
      %swap3A_333 = arith.index_cast %swap3A_332 : i32 to index
      %swap3A_334 = arith.index_cast %mul3A_255 : i32 to index
      %swap3A_335 = tpu.vector_load %arg10[%swap3A_333, %swap3A_334] {strides = array<i32>} : memref<16x1024xf32, #tpu.memory_space<vmem>>, vector<1x16xf32>,
      %swap3A_336 = vector.shape_cast %swap3A_335 : vector<1x16xf32> to vector<16xf32>
      %swap3A_337 = vector.shape_cast %add3A_331 : vector<16xf32> to vector<1x16xf32>
      tpu.vector_store %arg10[%swap3A_333, %swap3A_334], %swap3A_337 {strides = array<i32>} : memref<16x1024xf32, #tpu.memory_space<vmem>>, vector<1x16xf32>,
      %get3A_338 = arith.constant 0 : i32
      %get3A_339 = arith.constant 4 : i32
      %get3A_340 = arith.index_cast %get3A_338 : i32 to index
      %get3A_341 = arith.index_cast %get3A_339 : i32 to index
      %get3A_342 = arith.index_cast %mul3A_255 : i32 to index
      %get3A_343 = tpu.vector_load %arg8[%get3A_340, %get3A_341, %get3A_342] {strides = array<i32>} : memref<2x16x1024xf32, #tpu.memory_space<vmem>>, vector<1x1x16xf32>,
      %get3A_344 = vector.shape_cast %get3A_343 : vector<1x1x16xf32> to vector<16xf32>
      %get3A_345 = arith.constant 0 : i32
      %get3A_346 = arith.constant 4 : i32
      %get3A_347 = arith.index_cast %get3A_345 : i32 to index
      %get3A_348 = arith.index_cast %get3A_346 : i32 to index
      %get3A_349 = arith.index_cast %mul3A_255 : i32 to index
      %get3A_350 = tpu.vector_load %arg9[%get3A_347, %get3A_348, %get3A_349] {strides = array<i32>} : memref<2x16x1024xf32, #tpu.memory_space<vmem>>, vector<1x1x16xf32>,
      %get3A_351 = vector.shape_cast %get3A_350 : vector<1x1x16xf32> to vector<16xf32>
      %add3A_352 = arith.addf %get3A_344, %get3A_351 : vector<16xf32>
      %swap3A_353 = arith.constant 4 : i32
      %swap3A_354 = arith.index_cast %swap3A_353 : i32 to index
      %swap3A_355 = arith.index_cast %mul3A_255 : i32 to index
      %swap3A_356 = tpu.vector_load %arg10[%swap3A_354, %swap3A_355] {strides = array<i32>} : memref<16x1024xf32, #tpu.memory_space<vmem>>, vector<1x16xf32>,
      %swap3A_357 = vector.shape_cast %swap3A_356 : vector<1x16xf32> to vector<16xf32>
      %swap3A_358 = vector.shape_cast %add3A_352 : vector<16xf32> to vector<1x16xf32>
      tpu.vector_store %arg10[%swap3A_354, %swap3A_355], %swap3A_358 {strides = array<i32>} : memref<16x1024xf32, #tpu.memory_space<vmem>>, vector<1x16xf32>,
      %get3A_359 = arith.constant 0 : i32
      %get3A_360 = arith.constant 5 : i32
      %get3A_361 = arith.index_cast %get3A_359 : i32 to index
      %get3A_362 = arith.index_cast %get3A_360 : i32 to index
      %get3A_363 = arith.index_cast %mul3A_255 : i32 to index
      %get3A_364 = tpu.vector_load %arg8[%get3A_361, %get3A_362, %get3A_363] {strides = array<i32>} : memref<2x16x1024xf32, #tpu.memory_space<vmem>>, vector<1x1x16xf32>,
      %get3A_365 = vector.shape_cast %get3A_364 : vector<1x1x16xf32> to vector<16xf32>
      %get3A_366 = arith.constant 0 : i32
      %get3A_367 = arith.constant 5 : i32
      %get3A_368 = arith.index_cast %get3A_366 : i32 to index
      %get3A_369 = arith.index_cast %get3A_367 : i32 to index
      %get3A_370 = arith.index_cast %mul3A_255 : i32 to index
      %get3A_371 = tpu.vector_load %arg9[%get3A_368, %get3A_369, %get3A_370] {strides = array<i32>} : memref<2x16x1024xf32, #tpu.memory_space<vmem>>, vector<1x1x16xf32>,
      %get3A_372 = vector.shape_cast %get3A_371 : vector<1x1x16xf32> to vector<16xf32>
      %add3A_373 = arith.addf %get3A_365, %get3A_372 : vector<16xf32>
      %swap3A_374 = arith.constant 5 : i32
      %swap3A_375 = arith.index_cast %swap3A_374 : i32 to index
      %swap3A_376 = arith.index_cast %mul3A_255 : i32 to index
      %swap3A_377 = tpu.vector_load %arg10[%swap3A_375, %swap3A_376] {strides = array<i32>} : memref<16x1024xf32, #tpu.memory_space<vmem>>, vector<1x16xf32>,
      %swap3A_378 = vector.shape_cast %swap3A_377 : vector<1x16xf32> to vector<16xf32>
      %swap3A_379 = vector.shape_cast %add3A_373 : vector<16xf32> to vector<1x16xf32>
      tpu.vector_store %arg10[%swap3A_375, %swap3A_376], %swap3A_379 {strides = array<i32>} : memref<16x1024xf32, #tpu.memory_space<vmem>>, vector<1x16xf32>,
      %get3A_380 = arith.constant 0 : i32
      %get3A_381 = arith.constant 6 : i32
      %get3A_382 = arith.index_cast %get3A_380 : i32 to index
      %get3A_383 = arith.index_cast %get3A_381 : i32 to index
      %get3A_384 = arith.index_cast %mul3A_255 : i32 to index
      %get3A_385 = tpu.vector_load %arg8[%get3A_382, %get3A_383, %get3A_384] {strides = array<i32>} : memref<2x16x1024xf32, #tpu.memory_space<vmem>>, vector<1x1x16xf32>,
      %get3A_386 = vector.shape_cast %get3A_385 : vector<1x1x16xf32> to vector<16xf32>
      %get3A_387 = arith.constant 0 : i32
      %get3A_388 = arith.constant 6 : i32
      %get3A_389 = arith.index_cast %get3A_387 : i32 to index
      %get3A_390 = arith.index_cast %get3A_388 : i32 to index
      %get3A_391 = arith.index_cast %mul3A_255 : i32 to index
      %get3A_392 = tpu.vector_load %arg9[%get3A_389, %get3A_390, %get3A_391] {strides = array<i32>} : memref<2x16x1024xf32, #tpu.memory_space<vmem>>, vector<1x1x16xf32>,
      %get3A_393 = vector.shape_cast %get3A_392 : vector<1x1x16xf32> to vector<16xf32>
      %add3A_394 = arith.addf %get3A_386, %get3A_393 : vector<16xf32>
      %swap3A_395 = arith.constant 6 : i32
      %swap3A_396 = arith.index_cast %swap3A_395 : i32 to index
      %swap3A_397 = arith.index_cast %mul3A_255 : i32 to index
      %swap3A_398 = tpu.vector_load %arg10[%swap3A_396, %swap3A_397] {strides = array<i32>} : memref<16x1024xf32, #tpu.memory_space<vmem>>, vector<1x16xf32>,
      %swap3A_399 = vector.shape_cast %swap3A_398 : vector<1x16xf32> to vector<16xf32>
      %swap3A_400 = vector.shape_cast %add3A_394 : vector<16xf32> to vector<1x16xf32>
      tpu.vector_store %arg10[%swap3A_396, %swap3A_397], %swap3A_400 {strides = array<i32>} : memref<16x1024xf32, #tpu.memory_space<vmem>>, vector<1x16xf32>,
      %get3A_401 = arith.constant 0 : i32
      %get3A_402 = arith.constant 7 : i32
      %get3A_403 = arith.index_cast %get3A_401 : i32 to index
      %get3A_404 = arith.index_cast %get3A_402 : i32 to index
      %get3A_405 = arith.index_cast %mul3A_255 : i32 to index
      %get3A_406 = tpu.vector_load %arg8[%get3A_403, %get3A_404, %get3A_405] {strides = array<i32>} : memref<2x16x1024xf32, #tpu.memory_space<vmem>>, vector<1x1x16xf32>,
      %get3A_407 = vector.shape_cast %get3A_406 : vector<1x1x16xf32> to vector<16xf32>
      %get3A_408 = arith.constant 0 : i32
      %get3A_409 = arith.constant 7 : i32
      %get3A_410 = arith.index_cast %get3A_408 : i32 to index
      %get3A_411 = arith.index_cast %get3A_409 : i32 to index
      %get3A_412 = arith.index_cast %mul3A_255 : i32 to index
      %get3A_413 = tpu.vector_load %arg9[%get3A_410, %get3A_411, %get3A_412] {strides = array<i32>} : memref<2x16x1024xf32, #tpu.memory_space<vmem>>, vector<1x1x16xf32>,
      %get3A_414 = vector.shape_cast %get3A_413 : vector<1x1x16xf32> to vector<16xf32>
      %add3A_415 = arith.addf %get3A_407, %get3A_414 : vector<16xf32>
      %swap3A_416 = arith.constant 7 : i32
      %swap3A_417 = arith.index_cast %swap3A_416 : i32 to index
      %swap3A_418 = arith.index_cast %mul3A_255 : i32 to index
      %swap3A_419 = tpu.vector_load %arg10[%swap3A_417, %swap3A_418] {strides = array<i32>} : memref<16x1024xf32, #tpu.memory_space<vmem>>, vector<1x16xf32>,
      %swap3A_420 = vector.shape_cast %swap3A_419 : vector<1x16xf32> to vector<16xf32>
      %swap3A_421 = vector.shape_cast %add3A_415 : vector<16xf32> to vector<1x16xf32>
      tpu.vector_store %arg10[%swap3A_417, %swap3A_418], %swap3A_421 {strides = array<i32>} : memref<16x1024xf32, #tpu.memory_space<vmem>>, vector<1x16xf32>,
      %get3A_422 = arith.constant 0 : i32
      %get3A_423 = arith.constant 8 : i32
      %get3A_424 = arith.index_cast %get3A_422 : i32 to index
      %get3A_425 = arith.index_cast %get3A_423 : i32 to index
      %get3A_426 = arith.index_cast %mul3A_255 : i32 to index
      %get3A_427 = tpu.vector_load %arg8[%get3A_424, %get3A_425, %get3A_426] {strides = array<i32>} : memref<2x16x1024xf32, #tpu.memory_space<vmem>>, vector<1x1x16xf32>,
      %get3A_428 = vector.shape_cast %get3A_427 : vector<1x1x16xf32> to vector<16xf32>
      %get3A_429 = arith.constant 0 : i32
      %get3A_430 = arith.constant 8 : i32
      %get3A_431 = arith.index_cast %get3A_429 : i32 to index
      %get3A_432 = arith.index_cast %get3A_430 : i32 to index
      %get3A_433 = arith.index_cast %mul3A_255 : i32 to index
      %get3A_434 = tpu.vector_load %arg9[%get3A_431, %get3A_432, %get3A_433] {strides = array<i32>} : memref<2x16x1024xf32, #tpu.memory_space<vmem>>, vector<1x1x16xf32>,
      %get3A_435 = vector.shape_cast %get3A_434 : vector<1x1x16xf32> to vector<16xf32>
      %add3A_436 = arith.addf %get3A_428, %get3A_435 : vector<16xf32>
      %swap3A_437 = arith.constant 8 : i32
      %swap3A_438 = arith.index_cast %swap3A_437 : i32 to index
      %swap3A_439 = arith.index_cast %mul3A_255 : i32 to index
      %swap3A_440 = tpu.vector_load %arg10[%swap3A_438, %swap3A_439] {strides = array<i32>} : memref<16x1024xf32, #tpu.memory_space<vmem>>, vector<1x16xf32>,
      %swap3A_441 = vector.shape_cast %swap3A_440 : vector<1x16xf32> to vector<16xf32>
      %swap3A_442 = vector.shape_cast %add3A_436 : vector<16xf32> to vector<1x16xf32>
      tpu.vector_store %arg10[%swap3A_438, %swap3A_439], %swap3A_442 {strides = array<i32>} : memref<16x1024xf32, #tpu.memory_space<vmem>>, vector<1x16xf32>,
      %get3A_443 = arith.constant 0 : i32
      %get3A_444 = arith.constant 9 : i32
      %get3A_445 = arith.index_cast %get3A_443 : i32 to index
      %get3A_446 = arith.index_cast %get3A_444 : i32 to index
      %get3A_447 = arith.index_cast %mul3A_255 : i32 to index
      %get3A_448 = tpu.vector_load %arg8[%get3A_445, %get3A_446, %get3A_447] {strides = array<i32>} : memref<2x16x1024xf32, #tpu.memory_space<vmem>>, vector<1x1x16xf32>,
      %get3A_449 = vector.shape_cast %get3A_448 : vector<1x1x16xf32> to vector<16xf32>
      %get3A_450 = arith.constant 0 : i32
      %get3A_451 = arith.constant 9 : i32
      %get3A_452 = arith.index_cast %get3A_450 : i32 to index
      %get3A_453 = arith.index_cast %get3A_451 : i32 to index
      %get3A_454 = arith.index_cast %mul3A_255 : i32 to index
      %get3A_455 = tpu.vector_load %arg9[%get3A_452, %get3A_453, %get3A_454] {strides = array<i32>} : memref<2x16x1024xf32, #tpu.memory_space<vmem>>, vector<1x1x16xf32>,
      %get3A_456 = vector.shape_cast %get3A_455 : vector<1x1x16xf32> to vector<16xf32>
      %add3A_457 = arith.addf %get3A_449, %get3A_456 : vector<16xf32>
      %swap3A_458 = arith.constant 9 : i32
      %swap3A_459 = arith.index_cast %swap3A_458 : i32 to index
      %swap3A_460 = arith.index_cast %mul3A_255 : i32 to index
      %swap3A_461 = tpu.vector_load %arg10[%swap3A_459, %swap3A_460] {strides = array<i32>} : memref<16x1024xf32, #tpu.memory_space<vmem>>, vector<1x16xf32>,
      %swap3A_462 = vector.shape_cast %swap3A_461 : vector<1x16xf32> to vector<16xf32>
      %swap3A_463 = vector.shape_cast %add3A_457 : vector<16xf32> to vector<1x16xf32>
      tpu.vector_store %arg10[%swap3A_459, %swap3A_460], %swap3A_463 {strides = array<i32>} : memref<16x1024xf32, #tpu.memory_space<vmem>>, vector<1x16xf32>,
      %get3A_464 = arith.constant 0 : i32
      %get3A_465 = arith.constant 10 : i32
      %get3A_466 = arith.index_cast %get3A_464 : i32 to index
      %get3A_467 = arith.index_cast %get3A_465 : i32 to index
      %get3A_468 = arith.index_cast %mul3A_255 : i32 to index
      %get3A_469 = tpu.vector_load %arg8[%get3A_466, %get3A_467, %get3A_468] {strides = array<i32>} : memref<2x16x1024xf32, #tpu.memory_space<vmem>>, vector<1x1x16xf32>,
      %get3A_470 = vector.shape_cast %get3A_469 : vector<1x1x16xf32> to vector<16xf32>
      %get3A_471 = arith.constant 0 : i32
      %get3A_472 = arith.constant 10 : i32
      %get3A_473 = arith.index_cast %get3A_471 : i32 to index
      %get3A_474 = arith.index_cast %get3A_472 : i32 to index
      %get3A_475 = arith.index_cast %mul3A_255 : i32 to index
      %get3A_476 = tpu.vector_load %arg9[%get3A_473, %get3A_474, %get3A_475] {strides = array<i32>} : memref<2x16x1024xf32, #tpu.memory_space<vmem>>, vector<1x1x16xf32>,
      %get3A_477 = vector.shape_cast %get3A_476 : vector<1x1x16xf32> to vector<16xf32>
      %add3A_478 = arith.addf %get3A_470, %get3A_477 : vector<16xf32>
      %swap3A_479 = arith.constant 10 : i32
      %swap3A_480 = arith.index_cast %swap3A_479 : i32 to index
      %swap3A_481 = arith.index_cast %mul3A_255 : i32 to index
      %swap3A_482 = tpu.vector_load %arg10[%swap3A_480, %swap3A_481] {strides = array<i32>} : memref<16x1024xf32, #tpu.memory_space<vmem>>, vector<1x16xf32>,
      %swap3A_483 = vector.shape_cast %swap3A_482 : vector<1x16xf32> to vector<16xf32>
      %swap3A_484 = vector.shape_cast %add3A_478 : vector<16xf32> to vector<1x16xf32>
      tpu.vector_store %arg10[%swap3A_480, %swap3A_481], %swap3A_484 {strides = array<i32>} : memref<16x1024xf32, #tpu.memory_space<vmem>>, vector<1x16xf32>,
      %get3A_485 = arith.constant 0 : i32
      %get3A_486 = arith.constant 11 : i32
      %get3A_487 = arith.index_cast %get3A_485 : i32 to index
      %get3A_488 = arith.index_cast %get3A_486 : i32 to index
      %get3A_489 = arith.index_cast %mul3A_255 : i32 to index
      %get3A_490 = tpu.vector_load %arg8[%get3A_487, %get3A_488, %get3A_489] {strides = array<i32>} : memref<2x16x1024xf32, #tpu.memory_space<vmem>>, vector<1x1x16xf32>,
      %get3A_491 = vector.shape_cast %get3A_490 : vector<1x1x16xf32> to vector<16xf32>
      %get3A_492 = arith.constant 0 : i32
      %get3A_493 = arith.constant 11 : i32
      %get3A_494 = arith.index_cast %get3A_492 : i32 to index
      %get3A_495 = arith.index_cast %get3A_493 : i32 to index
      %get3A_496 = arith.index_cast %mul3A_255 : i32 to index
      %get3A_497 = tpu.vector_load %arg9[%get3A_494, %get3A_495, %get3A_496] {strides = array<i32>} : memref<2x16x1024xf32, #tpu.memory_space<vmem>>, vector<1x1x16xf32>,
      %get3A_498 = vector.shape_cast %get3A_497 : vector<1x1x16xf32> to vector<16xf32>
      %add3A_499 = arith.addf %get3A_491, %get3A_498 : vector<16xf32>
      %swap3A_500 = arith.constant 11 : i32
      %swap3A_501 = arith.index_cast %swap3A_500 : i32 to index
      %swap3A_502 = arith.index_cast %mul3A_255 : i32 to index
      %swap3A_503 = tpu.vector_load %arg10[%swap3A_501, %swap3A_502] {strides = array<i32>} : memref<16x1024xf32, #tpu.memory_space<vmem>>, vector<1x16xf32>,
      %swap3A_504 = vector.shape_cast %swap3A_503 : vector<1x16xf32> to vector<16xf32>
      %swap3A_505 = vector.shape_cast %add3A_499 : vector<16xf32> to vector<1x16xf32>
      tpu.vector_store %arg10[%swap3A_501, %swap3A_502], %swap3A_505 {strides = array<i32>} : memref<16x1024xf32, #tpu.memory_space<vmem>>, vector<1x16xf32>,
      %get3A_506 = arith.constant 0 : i32
      %get3A_507 = arith.constant 12 : i32
      %get3A_508 = arith.index_cast %get3A_506 : i32 to index
      %get3A_509 = arith.index_cast %get3A_507 : i32 to index
      %get3A_510 = arith.index_cast %mul3A_255 : i32 to index
      %get3A_511 = tpu.vector_load %arg8[%get3A_508, %get3A_509, %get3A_510] {strides = array<i32>} : memref<2x16x1024xf32, #tpu.memory_space<vmem>>, vector<1x1x16xf32>,
      %get3A_512 = vector.shape_cast %get3A_511 : vector<1x1x16xf32> to vector<16xf32>
      %get3A_513 = arith.constant 0 : i32
      %get3A_514 = arith.constant 12 : i32
      %get3A_515 = arith.index_cast %get3A_513 : i32 to index
      %get3A_516 = arith.index_cast %get3A_514 : i32 to index
      %get3A_517 = arith.index_cast %mul3A_255 : i32 to index
      %get3A_518 = tpu.vector_load %arg9[%get3A_515, %get3A_516, %get3A_517] {strides = array<i32>} : memref<2x16x1024xf32, #tpu.memory_space<vmem>>, vector<1x1x16xf32>,
      %get3A_519 = vector.shape_cast %get3A_518 : vector<1x1x16xf32> to vector<16xf32>
      %add3A_520 = arith.addf %get3A_512, %get3A_519 : vector<16xf32>
      %swap3A_521 = arith.constant 12 : i32
      %swap3A_522 = arith.index_cast %swap3A_521 : i32 to index
      %swap3A_523 = arith.index_cast %mul3A_255 : i32 to index
      %swap3A_524 = tpu.vector_load %arg10[%swap3A_522, %swap3A_523] {strides = array<i32>} : memref<16x1024xf32, #tpu.memory_space<vmem>>, vector<1x16xf32>,
      %swap3A_525 = vector.shape_cast %swap3A_524 : vector<1x16xf32> to vector<16xf32>
      %swap3A_526 = vector.shape_cast %add3A_520 : vector<16xf32> to vector<1x16xf32>
      tpu.vector_store %arg10[%swap3A_522, %swap3A_523], %swap3A_526 {strides = array<i32>} : memref<16x1024xf32, #tpu.memory_space<vmem>>, vector<1x16xf32>,
      %get3A_527 = arith.constant 0 : i32
      %get3A_528 = arith.constant 13 : i32
      %get3A_529 = arith.index_cast %get3A_527 : i32 to index
      %get3A_530 = arith.index_cast %get3A_528 : i32 to index
      %get3A_531 = arith.index_cast %mul3A_255 : i32 to index
      %get3A_532 = tpu.vector_load %arg8[%get3A_529, %get3A_530, %get3A_531] {strides = array<i32>} : memref<2x16x1024xf32, #tpu.memory_space<vmem>>, vector<1x1x16xf32>,
      %get3A_533 = vector.shape_cast %get3A_532 : vector<1x1x16xf32> to vector<16xf32>
      %get3A_534 = arith.constant 0 : i32
      %get3A_535 = arith.constant 13 : i32
      %get3A_536 = arith.index_cast %get3A_534 : i32 to index
      %get3A_537 = arith.index_cast %get3A_535 : i32 to index
      %get3A_538 = arith.index_cast %mul3A_255 : i32 to index
      %get3A_539 = tpu.vector_load %arg9[%get3A_536, %get3A_537, %get3A_538] {strides = array<i32>} : memref<2x16x1024xf32, #tpu.memory_space<vmem>>, vector<1x1x16xf32>,
      %get3A_540 = vector.shape_cast %get3A_539 : vector<1x1x16xf32> to vector<16xf32>
      %add3A_541 = arith.addf %get3A_533, %get3A_540 : vector<16xf32>
      %swap3A_542 = arith.constant 13 : i32
      %swap3A_543 = arith.index_cast %swap3A_542 : i32 to index
      %swap3A_544 = arith.index_cast %mul3A_255 : i32 to index
      %swap3A_545 = tpu.vector_load %arg10[%swap3A_543, %swap3A_544] {strides = array<i32>} : memref<16x1024xf32, #tpu.memory_space<vmem>>, vector<1x16xf32>,
      %swap3A_546 = vector.shape_cast %swap3A_545 : vector<1x16xf32> to vector<16xf32>
      %swap3A_547 = vector.shape_cast %add3A_541 : vector<16xf32> to vector<1x16xf32>
      tpu.vector_store %arg10[%swap3A_543, %swap3A_544], %swap3A_547 {strides = array<i32>} : memref<16x1024xf32, #tpu.memory_space<vmem>>, vector<1x16xf32>,
      %get3A_548 = arith.constant 0 : i32
      %get3A_549 = arith.constant 14 : i32
      %get3A_550 = arith.index_cast %get3A_548 : i32 to index
      %get3A_551 = arith.index_cast %get3A_549 : i32 to index
      %get3A_552 = arith.index_cast %mul3A_255 : i32 to index
      %get3A_553 = tpu.vector_load %arg8[%get3A_550, %get3A_551, %get3A_552] {strides = array<i32>} : memref<2x16x1024xf32, #tpu.memory_space<vmem>>, vector<1x1x16xf32>,
      %get3A_554 = vector.shape_cast %get3A_553 : vector<1x1x16xf32> to vector<16xf32>
      %get3A_555 = arith.constant 0 : i32
      %get3A_556 = arith.constant 14 : i32
      %get3A_557 = arith.index_cast %get3A_555 : i32 to index
      %get3A_558 = arith.index_cast %get3A_556 : i32 to index
      %get3A_559 = arith.index_cast %mul3A_255 : i32 to index
      %get3A_560 = tpu.vector_load %arg9[%get3A_557, %get3A_558, %get3A_559] {strides = array<i32>} : memref<2x16x1024xf32, #tpu.memory_space<vmem>>, vector<1x1x16xf32>,
      %get3A_561 = vector.shape_cast %get3A_560 : vector<1x1x16xf32> to vector<16xf32>
      %add3A_562 = arith.addf %get3A_554, %get3A_561 : vector<16xf32>
      %swap3A_563 = arith.constant 14 : i32
      %swap3A_564 = arith.index_cast %swap3A_563 : i32 to index
      %swap3A_565 = arith.index_cast %mul3A_255 : i32 to index
      %swap3A_566 = tpu.vector_load %arg10[%swap3A_564, %swap3A_565] {strides = array<i32>} : memref<16x1024xf32, #tpu.memory_space<vmem>>, vector<1x16xf32>,
      %swap3A_567 = vector.shape_cast %swap3A_566 : vector<1x16xf32> to vector<16xf32>
      %swap3A_568 = vector.shape_cast %add3A_562 : vector<16xf32> to vector<1x16xf32>
      tpu.vector_store %arg10[%swap3A_564, %swap3A_565], %swap3A_568 {strides = array<i32>} : memref<16x1024xf32, #tpu.memory_space<vmem>>, vector<1x16xf32>,
      %get3A_569 = arith.constant 0 : i32
      %get3A_570 = arith.constant 15 : i32
      %get3A_571 = arith.index_cast %get3A_569 : i32 to index
      %get3A_572 = arith.index_cast %get3A_570 : i32 to index
      %get3A_573 = arith.index_cast %mul3A_255 : i32 to index
      %get3A_574 = tpu.vector_load %arg8[%get3A_571, %get3A_572, %get3A_573] {strides = array<i32>} : memref<2x16x1024xf32, #tpu.memory_space<vmem>>, vector<1x1x16xf32>,
      %get3A_575 = vector.shape_cast %get3A_574 : vector<1x1x16xf32> to vector<16xf32>
      %get3A_576 = arith.constant 0 : i32
      %get3A_577 = arith.constant 15 : i32
      %get3A_578 = arith.index_cast %get3A_576 : i32 to index
      %get3A_579 = arith.index_cast %get3A_577 : i32 to index
      %get3A_580 = arith.index_cast %mul3A_255 : i32 to index
      %get3A_581 = tpu.vector_load %arg9[%get3A_578, %get3A_579, %get3A_580] {strides = array<i32>} : memref<2x16x1024xf32, #tpu.memory_space<vmem>>, vector<1x1x16xf32>,
      %get3A_582 = vector.shape_cast %get3A_581 : vector<1x1x16xf32> to vector<16xf32>
      %add3A_583 = arith.addf %get3A_575, %get3A_582 : vector<16xf32>
      %swap3A_584 = arith.constant 15 : i32
      %swap3A_585 = arith.index_cast %swap3A_584 : i32 to index
      %swap3A_586 = arith.index_cast %mul3A_255 : i32 to index
      %swap3A_587 = tpu.vector_load %arg10[%swap3A_585, %swap3A_586] {strides = array<i32>} : memref<16x1024xf32, #tpu.memory_space<vmem>>, vector<1x16xf32>,
      %swap3A_588 = vector.shape_cast %swap3A_587 : vector<1x16xf32> to vector<16xf32>
      %swap3A_589 = vector.shape_cast %add3A_583 : vector<16xf32> to vector<1x16xf32>
      tpu.vector_store %arg10[%swap3A_585, %swap3A_586], %swap3A_589 {strides = array<i32>} : memref<16x1024xf32, #tpu.memory_space<vmem>>, vector<1x16xf32>,
    }
    %scan3A_89 = arith.constant 64 : i32
    "tpu.region"() ({
      %run_scoped3A_249 = tpu.sem_alloc : memref<!tpu.dma_semaphore, #tpu.memory_space<semaphore_mem>>
      %dma_start3A_250 = arith.constant 0 : i32
      %dma_start3A_251 = tpu.memref_slice %arg5[%add3A_32, %dma_start3A_250] : memref<2048x1024xf32, #tpu.memory_space<hbm>> -> memref<16x1024xf32, #tpu.memory_space<hbm>>
      %dma_start3A_252 = arith.constant 0 : i32
      %dma_start3A_253 = tpu.memref_slice %arg5[%add3A_32, %dma_start3A_252] : memref<2048x1024xf32, #tpu.memory_space<hbm>> -> memref<16x1024xf32, #tpu.memory_space<hbm>>
      tpu.enqueue_dma source(%arg10 : memref<16x1024xf32, #tpu.memory_space<vmem>>) target(%dma_start3A_253 : memref<16x1024xf32, #tpu.memory_space<hbm>>) target_semaphore(%run_scoped3A_249 : memref<!tpu.dma_semaphore, #tpu.memory_space<semaphore_mem>>)
      %dma_wait3A_254 = arith.constant 0 : i32
      %dma_wait3A_255 = tpu.memref_slice %arg5[%add3A_32, %dma_wait3A_254] : memref<2048x1024xf32, #tpu.memory_space<hbm>> -> memref<16x1024xf32, #tpu.memory_space<hbm>>
      %dma_wait3A_256 = arith.constant 0 : i32
      %dma_wait3A_257 = tpu.memref_slice %arg5[%add3A_32, %dma_wait3A_256] : memref<2048x1024xf32, #tpu.memory_space<hbm>> -> memref<16x1024xf32, #tpu.memory_space<hbm>>
      tpu.wait_dma2 semaphore(%run_scoped3A_249 : memref<!tpu.dma_semaphore, #tpu.memory_space<semaphore_mem>>) src(%arg10 : memref<16x1024xf32, #tpu.memory_space<vmem>>) dst(%dma_wait3A_257 : memref<16x1024xf32, #tpu.memory_space<hbm>>)
      tpu.yield
    }) : () -> ()
    %mul3A_90 = arith.constant 64 : i32
    %mul3A_91 = arith.muli %add3A, %mul3A_90 : i32
    %add3A_92 = arith.constant 16 : i32
    %add3A_93 = arith.addi %mul3A_91, %add3A_92 : i32
    %dma_wait3A_94 = arith.constant 1 : i32
    %dma_wait3A_95 = arith.constant 1 : i32
    %dma_wait3A_96 = arith.constant 0 : i32
    %dma_wait3A_97 = arith.constant 0 : i32
    %dma_wait3A_98 = tpu.memref_slice %arg8[%dma_wait3A_95, %dma_wait3A_96, %dma_wait3A_97] : memref<2x16x1024xf32, #tpu.memory_space<vmem>> -> memref<1x16x1024xf32, #tpu.memory_space<vmem>>
    %dma_wait3A_99 = tpu.memref_squeeze %dma_wait3A_98 : memref<1x16x1024xf32, #tpu.memory_space<vmem>> -> memref<16x1024xf32, #tpu.memory_space<vmem>>
    %dma_wait3A_100 = arith.constant 0 : i32
    %dma_wait3A_101 = tpu.memref_slice %arg6[%dma_wait3A_94, %dma_wait3A_100] : memref<2x16xi32, #tpu.memory_space<vmem>> -> memref<1x16xi32, #tpu.memory_space<vmem>>
    %dma_wait3A_102 = tpu.memref_squeeze %dma_wait3A_101 : memref<1x16xi32, #tpu.memory_space<vmem>> -> memref<16xi32, #tpu.memory_space<vmem>>
    %dma_wait3A_103 = arith.constant 0 : i32
    %dma_wait3A_104 = arith.constant 0 : i32
    %dma_wait3A_105 = tpu.memref_slice %arg2[%dma_wait3A_103, %dma_wait3A_104] : memref<5120x1024xf32, #tpu.memory_space<hbm>> -> memref<5120x1024xf32, #tpu.memory_space<hbm>>
    tpu.wait_indirect_dma semaphore(%arg12 : memref<!tpu.dma_semaphore, #tpu.memory_space<semaphore_mem>>) src(%dma_wait3A_105 : memref<5120x1024xf32, #tpu.memory_space<hbm>>) dst(%dma_wait3A_99 : memref<16x1024xf32, #tpu.memory_space<vmem>>)
    %dma_wait3A_106 = arith.constant 1 : i32
    %dma_wait3A_107 = arith.constant 1 : i32
    %dma_wait3A_108 = arith.constant 0 : i32
    %dma_wait3A_109 = arith.constant 0 : i32
    %dma_wait3A_110 = tpu.memref_slice %arg9[%dma_wait3A_107, %dma_wait3A_108, %dma_wait3A_109] : memref<2x16x1024xf32, #tpu.memory_space<vmem>> -> memref<1x16x1024xf32, #tpu.memory_space<vmem>>
    %dma_wait3A_111 = tpu.memref_squeeze %dma_wait3A_110 : memref<1x16x1024xf32, #tpu.memory_space<vmem>> -> memref<16x1024xf32, #tpu.memory_space<vmem>>
    %dma_wait3A_112 = arith.constant 0 : i32
    %dma_wait3A_113 = tpu.memref_slice %arg7[%dma_wait3A_106, %dma_wait3A_112] : memref<2x16xi32, #tpu.memory_space<vmem>> -> memref<1x16xi32, #tpu.memory_space<vmem>>
    %dma_wait3A_114 = tpu.memref_squeeze %dma_wait3A_113 : memref<1x16xi32, #tpu.memory_space<vmem>> -> memref<16xi32, #tpu.memory_space<vmem>>
    %dma_wait3A_115 = arith.constant 0 : i32
    %dma_wait3A_116 = arith.constant 0 : i32
    %dma_wait3A_117 = tpu.memref_slice %arg2[%dma_wait3A_115, %dma_wait3A_116] : memref<5120x1024xf32, #tpu.memory_space<hbm>> -> memref<5120x1024xf32, #tpu.memory_space<hbm>>
    tpu.wait_indirect_dma semaphore(%arg12 : memref<!tpu.dma_semaphore, #tpu.memory_space<semaphore_mem>>) src(%dma_wait3A_117 : memref<5120x1024xf32, #tpu.memory_space<hbm>>) dst(%dma_wait3A_111 : memref<16x1024xf32, #tpu.memory_space<vmem>>)
    %mul3A_118 = arith.constant 64 : i32
    %mul3A_119 = arith.muli %add3A, %mul3A_118 : i32
    %add3A_120 = arith.constant 32 : i32
    %add3A_121 = arith.addi %mul3A_119, %add3A_120 : i32
    %run_scoped3A_122 = arith.constant 0 : i32
    "tpu.region"() ({
      %run_scoped3A_249 = tpu.sem_alloc : memref<!tpu.dma_semaphore, #tpu.memory_space<semaphore_mem>>
      %dma_start3A_250 = arith.constant 0 : i32
      %dma_start3A_251 = tpu.memref_slice %arg6[%run_scoped3A_122, %dma_start3A_250] : memref<2x16xi32, #tpu.memory_space<vmem>> -> memref<1x16xi32, #tpu.memory_space<vmem>>
      %dma_start3A_252 = tpu.memref_squeeze %dma_start3A_251 : memref<1x16xi32, #tpu.memory_space<vmem>> -> memref<16xi32, #tpu.memory_space<vmem>>
      %dma_start3A_253 = tpu.memref_slice %arg3[%add3A_121] : memref<2048xi32, #tpu.memory_space<hbm>> -> memref<16xi32, #tpu.memory_space<hbm>>
      %dma_start3A_254 = arith.constant 0 : i32
      %dma_start3A_255 = tpu.memref_slice %arg6[%run_scoped3A_122, %dma_start3A_254] : memref<2x16xi32, #tpu.memory_space<vmem>> -> memref<1x16xi32, #tpu.memory_space<vmem>>
      %dma_start3A_256 = tpu.memref_squeeze %dma_start3A_255 : memref<1x16xi32, #tpu.memory_space<vmem>> -> memref<16xi32, #tpu.memory_space<vmem>>
      %dma_start3A_257 = tpu.memref_slice %arg3[%add3A_121] : memref<2048xi32, #tpu.memory_space<hbm>> -> memref<16xi32, #tpu.memory_space<hbm>>
      tpu.enqueue_dma source(%dma_start3A_257 : memref<16xi32, #tpu.memory_space<hbm>>) target(%dma_start3A_256 : memref<16xi32, #tpu.memory_space<vmem>>) target_semaphore(%run_scoped3A_249 : memref<!tpu.dma_semaphore, #tpu.memory_space<semaphore_mem>>)
      %dma_wait3A_258 = arith.constant 0 : i32
      %dma_wait3A_259 = tpu.memref_slice %arg6[%run_scoped3A_122, %dma_wait3A_258] : memref<2x16xi32, #tpu.memory_space<vmem>> -> memref<1x16xi32, #tpu.memory_space<vmem>>
      %dma_wait3A_260 = tpu.memref_squeeze %dma_wait3A_259 : memref<1x16xi32, #tpu.memory_space<vmem>> -> memref<16xi32, #tpu.memory_space<vmem>>
      %dma_wait3A_261 = tpu.memref_slice %arg3[%add3A_121] : memref<2048xi32, #tpu.memory_space<hbm>> -> memref<16xi32, #tpu.memory_space<hbm>>
      %dma_wait3A_262 = arith.constant 0 : i32
      %dma_wait3A_263 = tpu.memref_slice %arg6[%run_scoped3A_122, %dma_wait3A_262] : memref<2x16xi32, #tpu.memory_space<vmem>> -> memref<1x16xi32, #tpu.memory_space<vmem>>
      %dma_wait3A_264 = tpu.memref_squeeze %dma_wait3A_263 : memref<1x16xi32, #tpu.memory_space<vmem>> -> memref<16xi32, #tpu.memory_space<vmem>>
      %dma_wait3A_265 = tpu.memref_slice %arg3[%add3A_121] : memref<2048xi32, #tpu.memory_space<hbm>> -> memref<16xi32, #tpu.memory_space<hbm>>
      tpu.wait_dma2 semaphore(%run_scoped3A_249 : memref<!tpu.dma_semaphore, #tpu.memory_space<semaphore_mem>>) src(%dma_wait3A_265 : memref<16xi32, #tpu.memory_space<hbm>>) dst(%dma_wait3A_264 : memref<16xi32, #tpu.memory_space<vmem>>)
      tpu.yield
    }) : () -> ()
    %run_scoped3A_123 = arith.constant 0 : i32
    "tpu.region"() ({
      %run_scoped3A_249 = tpu.sem_alloc : memref<!tpu.dma_semaphore, #tpu.memory_space<semaphore_mem>>
      %dma_start3A_250 = arith.constant 0 : i32
      %dma_start3A_251 = tpu.memref_slice %arg7[%run_scoped3A_123, %dma_start3A_250] : memref<2x16xi32, #tpu.memory_space<vmem>> -> memref<1x16xi32, #tpu.memory_space<vmem>>
      %dma_start3A_252 = tpu.memref_squeeze %dma_start3A_251 : memref<1x16xi32, #tpu.memory_space<vmem>> -> memref<16xi32, #tpu.memory_space<vmem>>
      %dma_start3A_253 = tpu.memref_slice %arg4[%add3A_121] : memref<2048xi32, #tpu.memory_space<hbm>> -> memref<16xi32, #tpu.memory_space<hbm>>
      %dma_start3A_254 = arith.constant 0 : i32
      %dma_start3A_255 = tpu.memref_slice %arg7[%run_scoped3A_123, %dma_start3A_254] : memref<2x16xi32, #tpu.memory_space<vmem>> -> memref<1x16xi32, #tpu.memory_space<vmem>>
      %dma_start3A_256 = tpu.memref_squeeze %dma_start3A_255 : memref<1x16xi32, #tpu.memory_space<vmem>> -> memref<16xi32, #tpu.memory_space<vmem>>
      %dma_start3A_257 = tpu.memref_slice %arg4[%add3A_121] : memref<2048xi32, #tpu.memory_space<hbm>> -> memref<16xi32, #tpu.memory_space<hbm>>
      tpu.enqueue_dma source(%dma_start3A_257 : memref<16xi32, #tpu.memory_space<hbm>>) target(%dma_start3A_256 : memref<16xi32, #tpu.memory_space<vmem>>) target_semaphore(%run_scoped3A_249 : memref<!tpu.dma_semaphore, #tpu.memory_space<semaphore_mem>>)
      %dma_wait3A_258 = arith.constant 0 : i32
      %dma_wait3A_259 = tpu.memref_slice %arg7[%run_scoped3A_123, %dma_wait3A_258] : memref<2x16xi32, #tpu.memory_space<vmem>> -> memref<1x16xi32, #tpu.memory_space<vmem>>
      %dma_wait3A_260 = tpu.memref_squeeze %dma_wait3A_259 : memref<1x16xi32, #tpu.memory_space<vmem>> -> memref<16xi32, #tpu.memory_space<vmem>>
      %dma_wait3A_261 = tpu.memref_slice %arg4[%add3A_121] : memref<2048xi32, #tpu.memory_space<hbm>> -> memref<16xi32, #tpu.memory_space<hbm>>
      %dma_wait3A_262 = arith.constant 0 : i32
      %dma_wait3A_263 = tpu.memref_slice %arg7[%run_scoped3A_123, %dma_wait3A_262] : memref<2x16xi32, #tpu.memory_space<vmem>> -> memref<1x16xi32, #tpu.memory_space<vmem>>
      %dma_wait3A_264 = tpu.memref_squeeze %dma_wait3A_263 : memref<1x16xi32, #tpu.memory_space<vmem>> -> memref<16xi32, #tpu.memory_space<vmem>>
      %dma_wait3A_265 = tpu.memref_slice %arg4[%add3A_121] : memref<2048xi32, #tpu.memory_space<hbm>> -> memref<16xi32, #tpu.memory_space<hbm>>
      tpu.wait_dma2 semaphore(%run_scoped3A_249 : memref<!tpu.dma_semaphore, #tpu.memory_space<semaphore_mem>>) src(%dma_wait3A_265 : memref<16xi32, #tpu.memory_space<hbm>>) dst(%dma_wait3A_264 : memref<16xi32, #tpu.memory_space<vmem>>)
      tpu.yield
    }) : () -> ()
    %dma_start3A_124 = arith.constant 0 : i32
    %dma_start3A_125 = arith.constant 0 : i32
    %dma_start3A_126 = arith.constant 0 : i32
    %dma_start3A_127 = arith.constant 0 : i32
    %dma_start3A_128 = tpu.memref_slice %arg8[%dma_start3A_125, %dma_start3A_126, %dma_start3A_127] : memref<2x16x1024xf32, #tpu.memory_space<vmem>> -> memref<1x16x1024xf32, #tpu.memory_space<vmem>>
    %dma_start3A_129 = tpu.memref_squeeze %dma_start3A_128 : memref<1x16x1024xf32, #tpu.memory_space<vmem>> -> memref<16x1024xf32, #tpu.memory_space<vmem>>
    %dma_start3A_130 = arith.constant 0 : i32
    %dma_start3A_131 = tpu.memref_slice %arg6[%dma_start3A_124, %dma_start3A_130] : memref<2x16xi32, #tpu.memory_space<vmem>> -> memref<1x16xi32, #tpu.memory_space<vmem>>
    %dma_start3A_132 = tpu.memref_squeeze %dma_start3A_131 : memref<1x16xi32, #tpu.memory_space<vmem>> -> memref<16xi32, #tpu.memory_space<vmem>>
    %dma_start3A_133 = arith.constant 0 : i32
    %dma_start3A_134 = arith.constant 0 : i32
    %dma_start3A_135 = tpu.memref_slice %arg2[%dma_start3A_133, %dma_start3A_134] : memref<5120x1024xf32, #tpu.memory_space<hbm>> -> memref<5120x1024xf32, #tpu.memory_space<hbm>>
    tpu.enqueue_indirect_dma source(%dma_start3A_135 : memref<5120x1024xf32, #tpu.memory_space<hbm>>) target(%dma_start3A_129 : memref<16x1024xf32, #tpu.memory_space<vmem>>) offsets(%dma_start3A_132 : memref<16xi32, #tpu.memory_space<vmem>>) semaphore(%arg11 : memref<!tpu.dma_semaphore, #tpu.memory_space<semaphore_mem>>)
    %dma_start3A_136 = arith.constant 0 : i32
    %dma_start3A_137 = arith.constant 0 : i32
    %dma_start3A_138 = arith.constant 0 : i32
    %dma_start3A_139 = arith.constant 0 : i32
    %dma_start3A_140 = tpu.memref_slice %arg9[%dma_start3A_137, %dma_start3A_138, %dma_start3A_139] : memref<2x16x1024xf32, #tpu.memory_space<vmem>> -> memref<1x16x1024xf32, #tpu.memory_space<vmem>>
    %dma_start3A_141 = tpu.memref_squeeze %dma_start3A_140 : memref<1x16x1024xf32, #tpu.memory_space<vmem>> -> memref<16x1024xf32, #tpu.memory_space<vmem>>
    %dma_start3A_142 = arith.constant 0 : i32
    %dma_start3A_143 = tpu.memref_slice %arg7[%dma_start3A_136, %dma_start3A_142] : memref<2x16xi32, #tpu.memory_space<vmem>> -> memref<1x16xi32, #tpu.memory_space<vmem>>
    %dma_start3A_144 = tpu.memref_squeeze %dma_start3A_143 : memref<1x16xi32, #tpu.memory_space<vmem>> -> memref<16xi32, #tpu.memory_space<vmem>>
    %dma_start3A_145 = arith.constant 0 : i32
    %dma_start3A_146 = arith.constant 0 : i32
    %dma_start3A_147 = tpu.memref_slice %arg2[%dma_start3A_145, %dma_start3A_146] : memref<5120x1024xf32, #tpu.memory_space<hbm>> -> memref<5120x1024xf32, #tpu.memory_space<hbm>>
    tpu.enqueue_indirect_dma source(%dma_start3A_147 : memref<5120x1024xf32, #tpu.memory_space<hbm>>) target(%dma_start3A_141 : memref<16x1024xf32, #tpu.memory_space<vmem>>) offsets(%dma_start3A_144 : memref<16xi32, #tpu.memory_space<vmem>>) semaphore(%arg11 : memref<!tpu.dma_semaphore, #tpu.memory_space<semaphore_mem>>)
    %scan3A_148 = arith.constant 0 : i32
    %scan3A_149 = arith.constant 64 : i32
    %scan3A_150 = arith.addi %scan3A_148, %scan3A_149 : i32
    %scan3A_151 = arith.constant 1 : i32
    scf.for %scan3A_249 = %scan3A_148 to %scan3A_150 step %scan3A_151  : i32 {
      %mul3A_250 = arith.constant 1 : i32
      %mul3A_251 = arith.muli %scan3A_249, %mul3A_250 : i32
      %add3A_252 = arith.constant 0 : i32
      %add3A_253 = arith.addi %add3A_252, %mul3A_251 : i32
      %mul3A_254 = arith.constant 16 : i32
      %mul3A_255 = arith.muli %add3A_253, %mul3A_254 : i32
      %get3A = arith.constant 1 : i32
      %get3A_256 = arith.constant 0 : i32
      %get3A_257 = arith.index_cast %get3A : i32 to index
      %get3A_258 = arith.index_cast %get3A_256 : i32 to index
      %get3A_259 = arith.index_cast %mul3A_255 : i32 to index
      %get3A_260 = tpu.vector_load %arg8[%get3A_257, %get3A_258, %get3A_259] {strides = array<i32>} : memref<2x16x1024xf32, #tpu.memory_space<vmem>>, vector<1x1x16xf32>,
      %get3A_261 = vector.shape_cast %get3A_260 : vector<1x1x16xf32> to vector<16xf32>
      %get3A_262 = arith.constant 1 : i32
      %get3A_263 = arith.constant 0 : i32
      %get3A_264 = arith.index_cast %get3A_262 : i32 to index
      %get3A_265 = arith.index_cast %get3A_263 : i32 to index
      %get3A_266 = arith.index_cast %mul3A_255 : i32 to index
      %get3A_267 = tpu.vector_load %arg9[%get3A_264, %get3A_265, %get3A_266] {strides = array<i32>} : memref<2x16x1024xf32, #tpu.memory_space<vmem>>, vector<1x1x16xf32>,
      %get3A_268 = vector.shape_cast %get3A_267 : vector<1x1x16xf32> to vector<16xf32>
      %add3A_269 = arith.addf %get3A_261, %get3A_268 : vector<16xf32>
      %swap3A = arith.constant 0 : i32
      %swap3A_270 = arith.index_cast %swap3A : i32 to index
      %swap3A_271 = arith.index_cast %mul3A_255 : i32 to index
      %swap3A_272 = tpu.vector_load %arg10[%swap3A_270, %swap3A_271] {strides = array<i32>} : memref<16x1024xf32, #tpu.memory_space<vmem>>, vector<1x16xf32>,
      %swap3A_273 = vector.shape_cast %swap3A_272 : vector<1x16xf32> to vector<16xf32>
      %swap3A_274 = vector.shape_cast %add3A_269 : vector<16xf32> to vector<1x16xf32>
      tpu.vector_store %arg10[%swap3A_270, %swap3A_271], %swap3A_274 {strides = array<i32>} : memref<16x1024xf32, #tpu.memory_space<vmem>>, vector<1x16xf32>,
      %get3A_275 = arith.constant 1 : i32
      %get3A_276 = arith.constant 1 : i32
      %get3A_277 = arith.index_cast %get3A_275 : i32 to index
      %get3A_278 = arith.index_cast %get3A_276 : i32 to index
      %get3A_279 = arith.index_cast %mul3A_255 : i32 to index
      %get3A_280 = tpu.vector_load %arg8[%get3A_277, %get3A_278, %get3A_279] {strides = array<i32>} : memref<2x16x1024xf32, #tpu.memory_space<vmem>>, vector<1x1x16xf32>,
      %get3A_281 = vector.shape_cast %get3A_280 : vector<1x1x16xf32> to vector<16xf32>
      %get3A_282 = arith.constant 1 : i32
      %get3A_283 = arith.constant 1 : i32
      %get3A_284 = arith.index_cast %get3A_282 : i32 to index
      %get3A_285 = arith.index_cast %get3A_283 : i32 to index
      %get3A_286 = arith.index_cast %mul3A_255 : i32 to index
      %get3A_287 = tpu.vector_load %arg9[%get3A_284, %get3A_285, %get3A_286] {strides = array<i32>} : memref<2x16x1024xf32, #tpu.memory_space<vmem>>, vector<1x1x16xf32>,
      %get3A_288 = vector.shape_cast %get3A_287 : vector<1x1x16xf32> to vector<16xf32>
      %add3A_289 = arith.addf %get3A_281, %get3A_288 : vector<16xf32>
      %swap3A_290 = arith.constant 1 : i32
      %swap3A_291 = arith.index_cast %swap3A_290 : i32 to index
      %swap3A_292 = arith.index_cast %mul3A_255 : i32 to index
      %swap3A_293 = tpu.vector_load %arg10[%swap3A_291, %swap3A_292] {strides = array<i32>} : memref<16x1024xf32, #tpu.memory_space<vmem>>, vector<1x16xf32>,
      %swap3A_294 = vector.shape_cast %swap3A_293 : vector<1x16xf32> to vector<16xf32>
      %swap3A_295 = vector.shape_cast %add3A_289 : vector<16xf32> to vector<1x16xf32>
      tpu.vector_store %arg10[%swap3A_291, %swap3A_292], %swap3A_295 {strides = array<i32>} : memref<16x1024xf32, #tpu.memory_space<vmem>>, vector<1x16xf32>,
      %get3A_296 = arith.constant 1 : i32
      %get3A_297 = arith.constant 2 : i32
      %get3A_298 = arith.index_cast %get3A_296 : i32 to index
      %get3A_299 = arith.index_cast %get3A_297 : i32 to index
      %get3A_300 = arith.index_cast %mul3A_255 : i32 to index
      %get3A_301 = tpu.vector_load %arg8[%get3A_298, %get3A_299, %get3A_300] {strides = array<i32>} : memref<2x16x1024xf32, #tpu.memory_space<vmem>>, vector<1x1x16xf32>,
      %get3A_302 = vector.shape_cast %get3A_301 : vector<1x1x16xf32> to vector<16xf32>
      %get3A_303 = arith.constant 1 : i32
      %get3A_304 = arith.constant 2 : i32
      %get3A_305 = arith.index_cast %get3A_303 : i32 to index
      %get3A_306 = arith.index_cast %get3A_304 : i32 to index
      %get3A_307 = arith.index_cast %mul3A_255 : i32 to index
      %get3A_308 = tpu.vector_load %arg9[%get3A_305, %get3A_306, %get3A_307] {strides = array<i32>} : memref<2x16x1024xf32, #tpu.memory_space<vmem>>, vector<1x1x16xf32>,
      %get3A_309 = vector.shape_cast %get3A_308 : vector<1x1x16xf32> to vector<16xf32>
      %add3A_310 = arith.addf %get3A_302, %get3A_309 : vector<16xf32>
      %swap3A_311 = arith.constant 2 : i32
      %swap3A_312 = arith.index_cast %swap3A_311 : i32 to index
      %swap3A_313 = arith.index_cast %mul3A_255 : i32 to index
      %swap3A_314 = tpu.vector_load %arg10[%swap3A_312, %swap3A_313] {strides = array<i32>} : memref<16x1024xf32, #tpu.memory_space<vmem>>, vector<1x16xf32>,
      %swap3A_315 = vector.shape_cast %swap3A_314 : vector<1x16xf32> to vector<16xf32>
      %swap3A_316 = vector.shape_cast %add3A_310 : vector<16xf32> to vector<1x16xf32>
      tpu.vector_store %arg10[%swap3A_312, %swap3A_313], %swap3A_316 {strides = array<i32>} : memref<16x1024xf32, #tpu.memory_space<vmem>>, vector<1x16xf32>,
      %get3A_317 = arith.constant 1 : i32
      %get3A_318 = arith.constant 3 : i32
      %get3A_319 = arith.index_cast %get3A_317 : i32 to index
      %get3A_320 = arith.index_cast %get3A_318 : i32 to index
      %get3A_321 = arith.index_cast %mul3A_255 : i32 to index
      %get3A_322 = tpu.vector_load %arg8[%get3A_319, %get3A_320, %get3A_321] {strides = array<i32>} : memref<2x16x1024xf32, #tpu.memory_space<vmem>>, vector<1x1x16xf32>,
      %get3A_323 = vector.shape_cast %get3A_322 : vector<1x1x16xf32> to vector<16xf32>
      %get3A_324 = arith.constant 1 : i32
      %get3A_325 = arith.constant 3 : i32
      %get3A_326 = arith.index_cast %get3A_324 : i32 to index
      %get3A_327 = arith.index_cast %get3A_325 : i32 to index
      %get3A_328 = arith.index_cast %mul3A_255 : i32 to index
      %get3A_329 = tpu.vector_load %arg9[%get3A_326, %get3A_327, %get3A_328] {strides = array<i32>} : memref<2x16x1024xf32, #tpu.memory_space<vmem>>, vector<1x1x16xf32>,
      %get3A_330 = vector.shape_cast %get3A_329 : vector<1x1x16xf32> to vector<16xf32>
      %add3A_331 = arith.addf %get3A_323, %get3A_330 : vector<16xf32>
      %swap3A_332 = arith.constant 3 : i32
      %swap3A_333 = arith.index_cast %swap3A_332 : i32 to index
      %swap3A_334 = arith.index_cast %mul3A_255 : i32 to index
      %swap3A_335 = tpu.vector_load %arg10[%swap3A_333, %swap3A_334] {strides = array<i32>} : memref<16x1024xf32, #tpu.memory_space<vmem>>, vector<1x16xf32>,
      %swap3A_336 = vector.shape_cast %swap3A_335 : vector<1x16xf32> to vector<16xf32>
      %swap3A_337 = vector.shape_cast %add3A_331 : vector<16xf32> to vector<1x16xf32>
      tpu.vector_store %arg10[%swap3A_333, %swap3A_334], %swap3A_337 {strides = array<i32>} : memref<16x1024xf32, #tpu.memory_space<vmem>>, vector<1x16xf32>,
      %get3A_338 = arith.constant 1 : i32
      %get3A_339 = arith.constant 4 : i32
      %get3A_340 = arith.index_cast %get3A_338 : i32 to index
      %get3A_341 = arith.index_cast %get3A_339 : i32 to index
      %get3A_342 = arith.index_cast %mul3A_255 : i32 to index
      %get3A_343 = tpu.vector_load %arg8[%get3A_340, %get3A_341, %get3A_342] {strides = array<i32>} : memref<2x16x1024xf32, #tpu.memory_space<vmem>>, vector<1x1x16xf32>,
      %get3A_344 = vector.shape_cast %get3A_343 : vector<1x1x16xf32> to vector<16xf32>
      %get3A_345 = arith.constant 1 : i32
      %get3A_346 = arith.constant 4 : i32
      %get3A_347 = arith.index_cast %get3A_345 : i32 to index
      %get3A_348 = arith.index_cast %get3A_346 : i32 to index
      %get3A_349 = arith.index_cast %mul3A_255 : i32 to index
      %get3A_350 = tpu.vector_load %arg9[%get3A_347, %get3A_348, %get3A_349] {strides = array<i32>} : memref<2x16x1024xf32, #tpu.memory_space<vmem>>, vector<1x1x16xf32>,
      %get3A_351 = vector.shape_cast %get3A_350 : vector<1x1x16xf32> to vector<16xf32>
      %add3A_352 = arith.addf %get3A_344, %get3A_351 : vector<16xf32>
      %swap3A_353 = arith.constant 4 : i32
      %swap3A_354 = arith.index_cast %swap3A_353 : i32 to index
      %swap3A_355 = arith.index_cast %mul3A_255 : i32 to index
      %swap3A_356 = tpu.vector_load %arg10[%swap3A_354, %swap3A_355] {strides = array<i32>} : memref<16x1024xf32, #tpu.memory_space<vmem>>, vector<1x16xf32>,
      %swap3A_357 = vector.shape_cast %swap3A_356 : vector<1x16xf32> to vector<16xf32>
      %swap3A_358 = vector.shape_cast %add3A_352 : vector<16xf32> to vector<1x16xf32>
      tpu.vector_store %arg10[%swap3A_354, %swap3A_355], %swap3A_358 {strides = array<i32>} : memref<16x1024xf32, #tpu.memory_space<vmem>>, vector<1x16xf32>,
      %get3A_359 = arith.constant 1 : i32
      %get3A_360 = arith.constant 5 : i32
      %get3A_361 = arith.index_cast %get3A_359 : i32 to index
      %get3A_362 = arith.index_cast %get3A_360 : i32 to index
      %get3A_363 = arith.index_cast %mul3A_255 : i32 to index
      %get3A_364 = tpu.vector_load %arg8[%get3A_361, %get3A_362, %get3A_363] {strides = array<i32>} : memref<2x16x1024xf32, #tpu.memory_space<vmem>>, vector<1x1x16xf32>,
      %get3A_365 = vector.shape_cast %get3A_364 : vector<1x1x16xf32> to vector<16xf32>
      %get3A_366 = arith.constant 1 : i32
      %get3A_367 = arith.constant 5 : i32
      %get3A_368 = arith.index_cast %get3A_366 : i32 to index
      %get3A_369 = arith.index_cast %get3A_367 : i32 to index
      %get3A_370 = arith.index_cast %mul3A_255 : i32 to index
      %get3A_371 = tpu.vector_load %arg9[%get3A_368, %get3A_369, %get3A_370] {strides = array<i32>} : memref<2x16x1024xf32, #tpu.memory_space<vmem>>, vector<1x1x16xf32>,
      %get3A_372 = vector.shape_cast %get3A_371 : vector<1x1x16xf32> to vector<16xf32>
      %add3A_373 = arith.addf %get3A_365, %get3A_372 : vector<16xf32>
      %swap3A_374 = arith.constant 5 : i32
      %swap3A_375 = arith.index_cast %swap3A_374 : i32 to index
      %swap3A_376 = arith.index_cast %mul3A_255 : i32 to index
      %swap3A_377 = tpu.vector_load %arg10[%swap3A_375, %swap3A_376] {strides = array<i32>} : memref<16x1024xf32, #tpu.memory_space<vmem>>, vector<1x16xf32>,
      %swap3A_378 = vector.shape_cast %swap3A_377 : vector<1x16xf32> to vector<16xf32>
      %swap3A_379 = vector.shape_cast %add3A_373 : vector<16xf32> to vector<1x16xf32>
      tpu.vector_store %arg10[%swap3A_375, %swap3A_376], %swap3A_379 {strides = array<i32>} : memref<16x1024xf32, #tpu.memory_space<vmem>>, vector<1x16xf32>,
      %get3A_380 = arith.constant 1 : i32
      %get3A_381 = arith.constant 6 : i32
      %get3A_382 = arith.index_cast %get3A_380 : i32 to index
      %get3A_383 = arith.index_cast %get3A_381 : i32 to index
      %get3A_384 = arith.index_cast %mul3A_255 : i32 to index
      %get3A_385 = tpu.vector_load %arg8[%get3A_382, %get3A_383, %get3A_384] {strides = array<i32>} : memref<2x16x1024xf32, #tpu.memory_space<vmem>>, vector<1x1x16xf32>,
      %get3A_386 = vector.shape_cast %get3A_385 : vector<1x1x16xf32> to vector<16xf32>
      %get3A_387 = arith.constant 1 : i32
      %get3A_388 = arith.constant 6 : i32
      %get3A_389 = arith.index_cast %get3A_387 : i32 to index
      %get3A_390 = arith.index_cast %get3A_388 : i32 to index
      %get3A_391 = arith.index_cast %mul3A_255 : i32 to index
      %get3A_392 = tpu.vector_load %arg9[%get3A_389, %get3A_390, %get3A_391] {strides = array<i32>} : memref<2x16x1024xf32, #tpu.memory_space<vmem>>, vector<1x1x16xf32>,
      %get3A_393 = vector.shape_cast %get3A_392 : vector<1x1x16xf32> to vector<16xf32>
      %add3A_394 = arith.addf %get3A_386, %get3A_393 : vector<16xf32>
      %swap3A_395 = arith.constant 6 : i32
      %swap3A_396 = arith.index_cast %swap3A_395 : i32 to index
      %swap3A_397 = arith.index_cast %mul3A_255 : i32 to index
      %swap3A_398 = tpu.vector_load %arg10[%swap3A_396, %swap3A_397] {strides = array<i32>} : memref<16x1024xf32, #tpu.memory_space<vmem>>, vector<1x16xf32>,
      %swap3A_399 = vector.shape_cast %swap3A_398 : vector<1x16xf32> to vector<16xf32>
      %swap3A_400 = vector.shape_cast %add3A_394 : vector<16xf32> to vector<1x16xf32>
      tpu.vector_store %arg10[%swap3A_396, %swap3A_397], %swap3A_400 {strides = array<i32>} : memref<16x1024xf32, #tpu.memory_space<vmem>>, vector<1x16xf32>,
      %get3A_401 = arith.constant 1 : i32
      %get3A_402 = arith.constant 7 : i32
      %get3A_403 = arith.index_cast %get3A_401 : i32 to index
      %get3A_404 = arith.index_cast %get3A_402 : i32 to index
      %get3A_405 = arith.index_cast %mul3A_255 : i32 to index
      %get3A_406 = tpu.vector_load %arg8[%get3A_403, %get3A_404, %get3A_405] {strides = array<i32>} : memref<2x16x1024xf32, #tpu.memory_space<vmem>>, vector<1x1x16xf32>,
      %get3A_407 = vector.shape_cast %get3A_406 : vector<1x1x16xf32> to vector<16xf32>
      %get3A_408 = arith.constant 1 : i32
      %get3A_409 = arith.constant 7 : i32
      %get3A_410 = arith.index_cast %get3A_408 : i32 to index
      %get3A_411 = arith.index_cast %get3A_409 : i32 to index
      %get3A_412 = arith.index_cast %mul3A_255 : i32 to index
      %get3A_413 = tpu.vector_load %arg9[%get3A_410, %get3A_411, %get3A_412] {strides = array<i32>} : memref<2x16x1024xf32, #tpu.memory_space<vmem>>, vector<1x1x16xf32>,
      %get3A_414 = vector.shape_cast %get3A_413 : vector<1x1x16xf32> to vector<16xf32>
      %add3A_415 = arith.addf %get3A_407, %get3A_414 : vector<16xf32>
      %swap3A_416 = arith.constant 7 : i32
      %swap3A_417 = arith.index_cast %swap3A_416 : i32 to index
      %swap3A_418 = arith.index_cast %mul3A_255 : i32 to index
      %swap3A_419 = tpu.vector_load %arg10[%swap3A_417, %swap3A_418] {strides = array<i32>} : memref<16x1024xf32, #tpu.memory_space<vmem>>, vector<1x16xf32>,
      %swap3A_420 = vector.shape_cast %swap3A_419 : vector<1x16xf32> to vector<16xf32>
      %swap3A_421 = vector.shape_cast %add3A_415 : vector<16xf32> to vector<1x16xf32>
      tpu.vector_store %arg10[%swap3A_417, %swap3A_418], %swap3A_421 {strides = array<i32>} : memref<16x1024xf32, #tpu.memory_space<vmem>>, vector<1x16xf32>,
      %get3A_422 = arith.constant 1 : i32
      %get3A_423 = arith.constant 8 : i32
      %get3A_424 = arith.index_cast %get3A_422 : i32 to index
      %get3A_425 = arith.index_cast %get3A_423 : i32 to index
      %get3A_426 = arith.index_cast %mul3A_255 : i32 to index
      %get3A_427 = tpu.vector_load %arg8[%get3A_424, %get3A_425, %get3A_426] {strides = array<i32>} : memref<2x16x1024xf32, #tpu.memory_space<vmem>>, vector<1x1x16xf32>,
      %get3A_428 = vector.shape_cast %get3A_427 : vector<1x1x16xf32> to vector<16xf32>
      %get3A_429 = arith.constant 1 : i32
      %get3A_430 = arith.constant 8 : i32
      %get3A_431 = arith.index_cast %get3A_429 : i32 to index
      %get3A_432 = arith.index_cast %get3A_430 : i32 to index
      %get3A_433 = arith.index_cast %mul3A_255 : i32 to index
      %get3A_434 = tpu.vector_load %arg9[%get3A_431, %get3A_432, %get3A_433] {strides = array<i32>} : memref<2x16x1024xf32, #tpu.memory_space<vmem>>, vector<1x1x16xf32>,
      %get3A_435 = vector.shape_cast %get3A_434 : vector<1x1x16xf32> to vector<16xf32>
      %add3A_436 = arith.addf %get3A_428, %get3A_435 : vector<16xf32>
      %swap3A_437 = arith.constant 8 : i32
      %swap3A_438 = arith.index_cast %swap3A_437 : i32 to index
      %swap3A_439 = arith.index_cast %mul3A_255 : i32 to index
      %swap3A_440 = tpu.vector_load %arg10[%swap3A_438, %swap3A_439] {strides = array<i32>} : memref<16x1024xf32, #tpu.memory_space<vmem>>, vector<1x16xf32>,
      %swap3A_441 = vector.shape_cast %swap3A_440 : vector<1x16xf32> to vector<16xf32>
      %swap3A_442 = vector.shape_cast %add3A_436 : vector<16xf32> to vector<1x16xf32>
      tpu.vector_store %arg10[%swap3A_438, %swap3A_439], %swap3A_442 {strides = array<i32>} : memref<16x1024xf32, #tpu.memory_space<vmem>>, vector<1x16xf32>,
      %get3A_443 = arith.constant 1 : i32
      %get3A_444 = arith.constant 9 : i32
      %get3A_445 = arith.index_cast %get3A_443 : i32 to index
      %get3A_446 = arith.index_cast %get3A_444 : i32 to index
      %get3A_447 = arith.index_cast %mul3A_255 : i32 to index
      %get3A_448 = tpu.vector_load %arg8[%get3A_445, %get3A_446, %get3A_447] {strides = array<i32>} : memref<2x16x1024xf32, #tpu.memory_space<vmem>>, vector<1x1x16xf32>,
      %get3A_449 = vector.shape_cast %get3A_448 : vector<1x1x16xf32> to vector<16xf32>
      %get3A_450 = arith.constant 1 : i32
      %get3A_451 = arith.constant 9 : i32
      %get3A_452 = arith.index_cast %get3A_450 : i32 to index
      %get3A_453 = arith.index_cast %get3A_451 : i32 to index
      %get3A_454 = arith.index_cast %mul3A_255 : i32 to index
      %get3A_455 = tpu.vector_load %arg9[%get3A_452, %get3A_453, %get3A_454] {strides = array<i32>} : memref<2x16x1024xf32, #tpu.memory_space<vmem>>, vector<1x1x16xf32>,
      %get3A_456 = vector.shape_cast %get3A_455 : vector<1x1x16xf32> to vector<16xf32>
      %add3A_457 = arith.addf %get3A_449, %get3A_456 : vector<16xf32>
      %swap3A_458 = arith.constant 9 : i32
      %swap3A_459 = arith.index_cast %swap3A_458 : i32 to index
      %swap3A_460 = arith.index_cast %mul3A_255 : i32 to index
      %swap3A_461 = tpu.vector_load %arg10[%swap3A_459, %swap3A_460] {strides = array<i32>} : memref<16x1024xf32, #tpu.memory_space<vmem>>, vector<1x16xf32>,
      %swap3A_462 = vector.shape_cast %swap3A_461 : vector<1x16xf32> to vector<16xf32>
      %swap3A_463 = vector.shape_cast %add3A_457 : vector<16xf32> to vector<1x16xf32>
      tpu.vector_store %arg10[%swap3A_459, %swap3A_460], %swap3A_463 {strides = array<i32>} : memref<16x1024xf32, #tpu.memory_space<vmem>>, vector<1x16xf32>,
      %get3A_464 = arith.constant 1 : i32
      %get3A_465 = arith.constant 10 : i32
      %get3A_466 = arith.index_cast %get3A_464 : i32 to index
      %get3A_467 = arith.index_cast %get3A_465 : i32 to index
      %get3A_468 = arith.index_cast %mul3A_255 : i32 to index
      %get3A_469 = tpu.vector_load %arg8[%get3A_466, %get3A_467, %get3A_468] {strides = array<i32>} : memref<2x16x1024xf32, #tpu.memory_space<vmem>>, vector<1x1x16xf32>,
      %get3A_470 = vector.shape_cast %get3A_469 : vector<1x1x16xf32> to vector<16xf32>
      %get3A_471 = arith.constant 1 : i32
      %get3A_472 = arith.constant 10 : i32
      %get3A_473 = arith.index_cast %get3A_471 : i32 to index
      %get3A_474 = arith.index_cast %get3A_472 : i32 to index
      %get3A_475 = arith.index_cast %mul3A_255 : i32 to index
      %get3A_476 = tpu.vector_load %arg9[%get3A_473, %get3A_474, %get3A_475] {strides = array<i32>} : memref<2x16x1024xf32, #tpu.memory_space<vmem>>, vector<1x1x16xf32>,
      %get3A_477 = vector.shape_cast %get3A_476 : vector<1x1x16xf32> to vector<16xf32>
      %add3A_478 = arith.addf %get3A_470, %get3A_477 : vector<16xf32>
      %swap3A_479 = arith.constant 10 : i32
      %swap3A_480 = arith.index_cast %swap3A_479 : i32 to index
      %swap3A_481 = arith.index_cast %mul3A_255 : i32 to index
      %swap3A_482 = tpu.vector_load %arg10[%swap3A_480, %swap3A_481] {strides = array<i32>} : memref<16x1024xf32, #tpu.memory_space<vmem>>, vector<1x16xf32>,
      %swap3A_483 = vector.shape_cast %swap3A_482 : vector<1x16xf32> to vector<16xf32>
      %swap3A_484 = vector.shape_cast %add3A_478 : vector<16xf32> to vector<1x16xf32>
      tpu.vector_store %arg10[%swap3A_480, %swap3A_481], %swap3A_484 {strides = array<i32>} : memref<16x1024xf32, #tpu.memory_space<vmem>>, vector<1x16xf32>,
      %get3A_485 = arith.constant 1 : i32
      %get3A_486 = arith.constant 11 : i32
      %get3A_487 = arith.index_cast %get3A_485 : i32 to index
      %get3A_488 = arith.index_cast %get3A_486 : i32 to index
      %get3A_489 = arith.index_cast %mul3A_255 : i32 to index
      %get3A_490 = tpu.vector_load %arg8[%get3A_487, %get3A_488, %get3A_489] {strides = array<i32>} : memref<2x16x1024xf32, #tpu.memory_space<vmem>>, vector<1x1x16xf32>,
      %get3A_491 = vector.shape_cast %get3A_490 : vector<1x1x16xf32> to vector<16xf32>
      %get3A_492 = arith.constant 1 : i32
      %get3A_493 = arith.constant 11 : i32
      %get3A_494 = arith.index_cast %get3A_492 : i32 to index
      %get3A_495 = arith.index_cast %get3A_493 : i32 to index
      %get3A_496 = arith.index_cast %mul3A_255 : i32 to index
      %get3A_497 = tpu.vector_load %arg9[%get3A_494, %get3A_495, %get3A_496] {strides = array<i32>} : memref<2x16x1024xf32, #tpu.memory_space<vmem>>, vector<1x1x16xf32>,
      %get3A_498 = vector.shape_cast %get3A_497 : vector<1x1x16xf32> to vector<16xf32>
      %add3A_499 = arith.addf %get3A_491, %get3A_498 : vector<16xf32>
      %swap3A_500 = arith.constant 11 : i32
      %swap3A_501 = arith.index_cast %swap3A_500 : i32 to index
      %swap3A_502 = arith.index_cast %mul3A_255 : i32 to index
      %swap3A_503 = tpu.vector_load %arg10[%swap3A_501, %swap3A_502] {strides = array<i32>} : memref<16x1024xf32, #tpu.memory_space<vmem>>, vector<1x16xf32>,
      %swap3A_504 = vector.shape_cast %swap3A_503 : vector<1x16xf32> to vector<16xf32>
      %swap3A_505 = vector.shape_cast %add3A_499 : vector<16xf32> to vector<1x16xf32>
      tpu.vector_store %arg10[%swap3A_501, %swap3A_502], %swap3A_505 {strides = array<i32>} : memref<16x1024xf32, #tpu.memory_space<vmem>>, vector<1x16xf32>,
      %get3A_506 = arith.constant 1 : i32
      %get3A_507 = arith.constant 12 : i32
      %get3A_508 = arith.index_cast %get3A_506 : i32 to index
      %get3A_509 = arith.index_cast %get3A_507 : i32 to index
      %get3A_510 = arith.index_cast %mul3A_255 : i32 to index
      %get3A_511 = tpu.vector_load %arg8[%get3A_508, %get3A_509, %get3A_510] {strides = array<i32>} : memref<2x16x1024xf32, #tpu.memory_space<vmem>>, vector<1x1x16xf32>,
      %get3A_512 = vector.shape_cast %get3A_511 : vector<1x1x16xf32> to vector<16xf32>
      %get3A_513 = arith.constant 1 : i32
      %get3A_514 = arith.constant 12 : i32
      %get3A_515 = arith.index_cast %get3A_513 : i32 to index
      %get3A_516 = arith.index_cast %get3A_514 : i32 to index
      %get3A_517 = arith.index_cast %mul3A_255 : i32 to index
      %get3A_518 = tpu.vector_load %arg9[%get3A_515, %get3A_516, %get3A_517] {strides = array<i32>} : memref<2x16x1024xf32, #tpu.memory_space<vmem>>, vector<1x1x16xf32>,
      %get3A_519 = vector.shape_cast %get3A_518 : vector<1x1x16xf32> to vector<16xf32>
      %add3A_520 = arith.addf %get3A_512, %get3A_519 : vector<16xf32>
      %swap3A_521 = arith.constant 12 : i32
      %swap3A_522 = arith.index_cast %swap3A_521 : i32 to index
      %swap3A_523 = arith.index_cast %mul3A_255 : i32 to index
      %swap3A_524 = tpu.vector_load %arg10[%swap3A_522, %swap3A_523] {strides = array<i32>} : memref<16x1024xf32, #tpu.memory_space<vmem>>, vector<1x16xf32>,
      %swap3A_525 = vector.shape_cast %swap3A_524 : vector<1x16xf32> to vector<16xf32>
      %swap3A_526 = vector.shape_cast %add3A_520 : vector<16xf32> to vector<1x16xf32>
      tpu.vector_store %arg10[%swap3A_522, %swap3A_523], %swap3A_526 {strides = array<i32>} : memref<16x1024xf32, #tpu.memory_space<vmem>>, vector<1x16xf32>,
      %get3A_527 = arith.constant 1 : i32
      %get3A_528 = arith.constant 13 : i32
      %get3A_529 = arith.index_cast %get3A_527 : i32 to index
      %get3A_530 = arith.index_cast %get3A_528 : i32 to index
      %get3A_531 = arith.index_cast %mul3A_255 : i32 to index
      %get3A_532 = tpu.vector_load %arg8[%get3A_529, %get3A_530, %get3A_531] {strides = array<i32>} : memref<2x16x1024xf32, #tpu.memory_space<vmem>>, vector<1x1x16xf32>,
      %get3A_533 = vector.shape_cast %get3A_532 : vector<1x1x16xf32> to vector<16xf32>
      %get3A_534 = arith.constant 1 : i32
      %get3A_535 = arith.constant 13 : i32
      %get3A_536 = arith.index_cast %get3A_534 : i32 to index
      %get3A_537 = arith.index_cast %get3A_535 : i32 to index
      %get3A_538 = arith.index_cast %mul3A_255 : i32 to index
      %get3A_539 = tpu.vector_load %arg9[%get3A_536, %get3A_537, %get3A_538] {strides = array<i32>} : memref<2x16x1024xf32, #tpu.memory_space<vmem>>, vector<1x1x16xf32>,
      %get3A_540 = vector.shape_cast %get3A_539 : vector<1x1x16xf32> to vector<16xf32>
      %add3A_541 = arith.addf %get3A_533, %get3A_540 : vector<16xf32>
      %swap3A_542 = arith.constant 13 : i32
      %swap3A_543 = arith.index_cast %swap3A_542 : i32 to index
      %swap3A_544 = arith.index_cast %mul3A_255 : i32 to index
      %swap3A_545 = tpu.vector_load %arg10[%swap3A_543, %swap3A_544] {strides = array<i32>} : memref<16x1024xf32, #tpu.memory_space<vmem>>, vector<1x16xf32>,
      %swap3A_546 = vector.shape_cast %swap3A_545 : vector<1x16xf32> to vector<16xf32>
      %swap3A_547 = vector.shape_cast %add3A_541 : vector<16xf32> to vector<1x16xf32>
      tpu.vector_store %arg10[%swap3A_543, %swap3A_544], %swap3A_547 {strides = array<i32>} : memref<16x1024xf32, #tpu.memory_space<vmem>>, vector<1x16xf32>,
      %get3A_548 = arith.constant 1 : i32
      %get3A_549 = arith.constant 14 : i32
      %get3A_550 = arith.index_cast %get3A_548 : i32 to index
      %get3A_551 = arith.index_cast %get3A_549 : i32 to index
      %get3A_552 = arith.index_cast %mul3A_255 : i32 to index
      %get3A_553 = tpu.vector_load %arg8[%get3A_550, %get3A_551, %get3A_552] {strides = array<i32>} : memref<2x16x1024xf32, #tpu.memory_space<vmem>>, vector<1x1x16xf32>,
      %get3A_554 = vector.shape_cast %get3A_553 : vector<1x1x16xf32> to vector<16xf32>
      %get3A_555 = arith.constant 1 : i32
      %get3A_556 = arith.constant 14 : i32
      %get3A_557 = arith.index_cast %get3A_555 : i32 to index
      %get3A_558 = arith.index_cast %get3A_556 : i32 to index
      %get3A_559 = arith.index_cast %mul3A_255 : i32 to index
      %get3A_560 = tpu.vector_load %arg9[%get3A_557, %get3A_558, %get3A_559] {strides = array<i32>} : memref<2x16x1024xf32, #tpu.memory_space<vmem>>, vector<1x1x16xf32>,
      %get3A_561 = vector.shape_cast %get3A_560 : vector<1x1x16xf32> to vector<16xf32>
      %add3A_562 = arith.addf %get3A_554, %get3A_561 : vector<16xf32>
      %swap3A_563 = arith.constant 14 : i32
      %swap3A_564 = arith.index_cast %swap3A_563 : i32 to index
      %swap3A_565 = arith.index_cast %mul3A_255 : i32 to index
      %swap3A_566 = tpu.vector_load %arg10[%swap3A_564, %swap3A_565] {strides = array<i32>} : memref<16x1024xf32, #tpu.memory_space<vmem>>, vector<1x16xf32>,
      %swap3A_567 = vector.shape_cast %swap3A_566 : vector<1x16xf32> to vector<16xf32>
      %swap3A_568 = vector.shape_cast %add3A_562 : vector<16xf32> to vector<1x16xf32>
      tpu.vector_store %arg10[%swap3A_564, %swap3A_565], %swap3A_568 {strides = array<i32>} : memref<16x1024xf32, #tpu.memory_space<vmem>>, vector<1x16xf32>,
      %get3A_569 = arith.constant 1 : i32
      %get3A_570 = arith.constant 15 : i32
      %get3A_571 = arith.index_cast %get3A_569 : i32 to index
      %get3A_572 = arith.index_cast %get3A_570 : i32 to index
      %get3A_573 = arith.index_cast %mul3A_255 : i32 to index
      %get3A_574 = tpu.vector_load %arg8[%get3A_571, %get3A_572, %get3A_573] {strides = array<i32>} : memref<2x16x1024xf32, #tpu.memory_space<vmem>>, vector<1x1x16xf32>,
      %get3A_575 = vector.shape_cast %get3A_574 : vector<1x1x16xf32> to vector<16xf32>
      %get3A_576 = arith.constant 1 : i32
      %get3A_577 = arith.constant 15 : i32
      %get3A_578 = arith.index_cast %get3A_576 : i32 to index
      %get3A_579 = arith.index_cast %get3A_577 : i32 to index
      %get3A_580 = arith.index_cast %mul3A_255 : i32 to index
      %get3A_581 = tpu.vector_load %arg9[%get3A_578, %get3A_579, %get3A_580] {strides = array<i32>} : memref<2x16x1024xf32, #tpu.memory_space<vmem>>, vector<1x1x16xf32>,
      %get3A_582 = vector.shape_cast %get3A_581 : vector<1x1x16xf32> to vector<16xf32>
      %add3A_583 = arith.addf %get3A_575, %get3A_582 : vector<16xf32>
      %swap3A_584 = arith.constant 15 : i32
      %swap3A_585 = arith.index_cast %swap3A_584 : i32 to index
      %swap3A_586 = arith.index_cast %mul3A_255 : i32 to index
      %swap3A_587 = tpu.vector_load %arg10[%swap3A_585, %swap3A_586] {strides = array<i32>} : memref<16x1024xf32, #tpu.memory_space<vmem>>, vector<1x16xf32>,
      %swap3A_588 = vector.shape_cast %swap3A_587 : vector<1x16xf32> to vector<16xf32>
      %swap3A_589 = vector.shape_cast %add3A_583 : vector<16xf32> to vector<1x16xf32>
      tpu.vector_store %arg10[%swap3A_585, %swap3A_586], %swap3A_589 {strides = array<i32>} : memref<16x1024xf32, #tpu.memory_space<vmem>>, vector<1x16xf32>,
    }
    %scan3A_152 = arith.constant 64 : i32
    "tpu.region"() ({
      %run_scoped3A_249 = tpu.sem_alloc : memref<!tpu.dma_semaphore, #tpu.memory_space<semaphore_mem>>
      %dma_start3A_250 = arith.constant 0 : i32
      %dma_start3A_251 = tpu.memref_slice %arg5[%add3A_93, %dma_start3A_250] : memref<2048x1024xf32, #tpu.memory_space<hbm>> -> memref<16x1024xf32, #tpu.memory_space<hbm>>
      %dma_start3A_252 = arith.constant 0 : i32
      %dma_start3A_253 = tpu.memref_slice %arg5[%add3A_93, %dma_start3A_252] : memref<2048x1024xf32, #tpu.memory_space<hbm>> -> memref<16x1024xf32, #tpu.memory_space<hbm>>
      tpu.enqueue_dma source(%arg10 : memref<16x1024xf32, #tpu.memory_space<vmem>>) target(%dma_start3A_253 : memref<16x1024xf32, #tpu.memory_space<hbm>>) target_semaphore(%run_scoped3A_249 : memref<!tpu.dma_semaphore, #tpu.memory_space<semaphore_mem>>)
      %dma_wait3A_254 = arith.constant 0 : i32
      %dma_wait3A_255 = tpu.memref_slice %arg5[%add3A_93, %dma_wait3A_254] : memref<2048x1024xf32, #tpu.memory_space<hbm>> -> memref<16x1024xf32, #tpu.memory_space<hbm>>
      %dma_wait3A_256 = arith.constant 0 : i32
      %dma_wait3A_257 = tpu.memref_slice %arg5[%add3A_93, %dma_wait3A_256] : memref<2048x1024xf32, #tpu.memory_space<hbm>> -> memref<16x1024xf32, #tpu.memory_space<hbm>>
      tpu.wait_dma2 semaphore(%run_scoped3A_249 : memref<!tpu.dma_semaphore, #tpu.memory_space<semaphore_mem>>) src(%arg10 : memref<16x1024xf32, #tpu.memory_space<vmem>>) dst(%dma_wait3A_257 : memref<16x1024xf32, #tpu.memory_space<hbm>>)
      tpu.yield
    }) : () -> ()
    %mul3A_153 = arith.constant 64 : i32
    %mul3A_154 = arith.muli %add3A, %mul3A_153 : i32
    %add3A_155 = arith.constant 32 : i32
    %add3A_156 = arith.addi %mul3A_154, %add3A_155 : i32
    %dma_wait3A_157 = arith.constant 0 : i32
    %dma_wait3A_158 = arith.constant 0 : i32
    %dma_wait3A_159 = arith.constant 0 : i32
    %dma_wait3A_160 = arith.constant 0 : i32
    %dma_wait3A_161 = tpu.memref_slice %arg8[%dma_wait3A_158, %dma_wait3A_159, %dma_wait3A_160] : memref<2x16x1024xf32, #tpu.memory_space<vmem>> -> memref<1x16x1024xf32, #tpu.memory_space<vmem>>
    %dma_wait3A_162 = tpu.memref_squeeze %dma_wait3A_161 : memref<1x16x1024xf32, #tpu.memory_space<vmem>> -> memref<16x1024xf32, #tpu.memory_space<vmem>>
    %dma_wait3A_163 = arith.constant 0 : i32
    %dma_wait3A_164 = tpu.memref_slice %arg6[%dma_wait3A_157, %dma_wait3A_163] : memref<2x16xi32, #tpu.memory_space<vmem>> -> memref<1x16xi32, #tpu.memory_space<vmem>>
    %dma_wait3A_165 = tpu.memref_squeeze %dma_wait3A_164 : memref<1x16xi32, #tpu.memory_space<vmem>> -> memref<16xi32, #tpu.memory_space<vmem>>
    %dma_wait3A_166 = arith.constant 0 : i32
    %dma_wait3A_167 = arith.constant 0 : i32
    %dma_wait3A_168 = tpu.memref_slice %arg2[%dma_wait3A_166, %dma_wait3A_167] : memref<5120x1024xf32, #tpu.memory_space<hbm>> -> memref<5120x1024xf32, #tpu.memory_space<hbm>>
    tpu.wait_indirect_dma semaphore(%arg11 : memref<!tpu.dma_semaphore, #tpu.memory_space<semaphore_mem>>) src(%dma_wait3A_168 : memref<5120x1024xf32, #tpu.memory_space<hbm>>) dst(%dma_wait3A_162 : memref<16x1024xf32, #tpu.memory_space<vmem>>)
    %dma_wait3A_169 = arith.constant 0 : i32
    %dma_wait3A_170 = arith.constant 0 : i32
    %dma_wait3A_171 = arith.constant 0 : i32
    %dma_wait3A_172 = arith.constant 0 : i32
    %dma_wait3A_173 = tpu.memref_slice %arg9[%dma_wait3A_170, %dma_wait3A_171, %dma_wait3A_172] : memref<2x16x1024xf32, #tpu.memory_space<vmem>> -> memref<1x16x1024xf32, #tpu.memory_space<vmem>>
    %dma_wait3A_174 = tpu.memref_squeeze %dma_wait3A_173 : memref<1x16x1024xf32, #tpu.memory_space<vmem>> -> memref<16x1024xf32, #tpu.memory_space<vmem>>
    %dma_wait3A_175 = arith.constant 0 : i32
    %dma_wait3A_176 = tpu.memref_slice %arg7[%dma_wait3A_169, %dma_wait3A_175] : memref<2x16xi32, #tpu.memory_space<vmem>> -> memref<1x16xi32, #tpu.memory_space<vmem>>
    %dma_wait3A_177 = tpu.memref_squeeze %dma_wait3A_176 : memref<1x16xi32, #tpu.memory_space<vmem>> -> memref<16xi32, #tpu.memory_space<vmem>>
    %dma_wait3A_178 = arith.constant 0 : i32
    %dma_wait3A_179 = arith.constant 0 : i32
    %dma_wait3A_180 = tpu.memref_slice %arg2[%dma_wait3A_178, %dma_wait3A_179] : memref<5120x1024xf32, #tpu.memory_space<hbm>> -> memref<5120x1024xf32, #tpu.memory_space<hbm>>
    tpu.wait_indirect_dma semaphore(%arg11 : memref<!tpu.dma_semaphore, #tpu.memory_space<semaphore_mem>>) src(%dma_wait3A_180 : memref<5120x1024xf32, #tpu.memory_space<hbm>>) dst(%dma_wait3A_174 : memref<16x1024xf32, #tpu.memory_space<vmem>>)
    %mul3A_181 = arith.constant 64 : i32
    %mul3A_182 = arith.muli %add3A, %mul3A_181 : i32
    %add3A_183 = arith.constant 48 : i32
    %add3A_184 = arith.addi %mul3A_182, %add3A_183 : i32
    %run_scoped3A_185 = arith.constant 1 : i32
    "tpu.region"() ({
      %run_scoped3A_249 = tpu.sem_alloc : memref<!tpu.dma_semaphore, #tpu.memory_space<semaphore_mem>>
      %dma_start3A_250 = arith.constant 0 : i32
      %dma_start3A_251 = tpu.memref_slice %arg6[%run_scoped3A_185, %dma_start3A_250] : memref<2x16xi32, #tpu.memory_space<vmem>> -> memref<1x16xi32, #tpu.memory_space<vmem>>
      %dma_start3A_252 = tpu.memref_squeeze %dma_start3A_251 : memref<1x16xi32, #tpu.memory_space<vmem>> -> memref<16xi32, #tpu.memory_space<vmem>>
      %dma_start3A_253 = tpu.memref_slice %arg3[%add3A_184] : memref<2048xi32, #tpu.memory_space<hbm>> -> memref<16xi32, #tpu.memory_space<hbm>>
      %dma_start3A_254 = arith.constant 0 : i32
      %dma_start3A_255 = tpu.memref_slice %arg6[%run_scoped3A_185, %dma_start3A_254] : memref<2x16xi32, #tpu.memory_space<vmem>> -> memref<1x16xi32, #tpu.memory_space<vmem>>
      %dma_start3A_256 = tpu.memref_squeeze %dma_start3A_255 : memref<1x16xi32, #tpu.memory_space<vmem>> -> memref<16xi32, #tpu.memory_space<vmem>>
      %dma_start3A_257 = tpu.memref_slice %arg3[%add3A_184] : memref<2048xi32, #tpu.memory_space<hbm>> -> memref<16xi32, #tpu.memory_space<hbm>>
      tpu.enqueue_dma source(%dma_start3A_257 : memref<16xi32, #tpu.memory_space<hbm>>) target(%dma_start3A_256 : memref<16xi32, #tpu.memory_space<vmem>>) target_semaphore(%run_scoped3A_249 : memref<!tpu.dma_semaphore, #tpu.memory_space<semaphore_mem>>)
      %dma_wait3A_258 = arith.constant 0 : i32
      %dma_wait3A_259 = tpu.memref_slice %arg6[%run_scoped3A_185, %dma_wait3A_258] : memref<2x16xi32, #tpu.memory_space<vmem>> -> memref<1x16xi32, #tpu.memory_space<vmem>>
      %dma_wait3A_260 = tpu.memref_squeeze %dma_wait3A_259 : memref<1x16xi32, #tpu.memory_space<vmem>> -> memref<16xi32, #tpu.memory_space<vmem>>
      %dma_wait3A_261 = tpu.memref_slice %arg3[%add3A_184] : memref<2048xi32, #tpu.memory_space<hbm>> -> memref<16xi32, #tpu.memory_space<hbm>>
      %dma_wait3A_262 = arith.constant 0 : i32
      %dma_wait3A_263 = tpu.memref_slice %arg6[%run_scoped3A_185, %dma_wait3A_262] : memref<2x16xi32, #tpu.memory_space<vmem>> -> memref<1x16xi32, #tpu.memory_space<vmem>>
      %dma_wait3A_264 = tpu.memref_squeeze %dma_wait3A_263 : memref<1x16xi32, #tpu.memory_space<vmem>> -> memref<16xi32, #tpu.memory_space<vmem>>
      %dma_wait3A_265 = tpu.memref_slice %arg3[%add3A_184] : memref<2048xi32, #tpu.memory_space<hbm>> -> memref<16xi32, #tpu.memory_space<hbm>>
      tpu.wait_dma2 semaphore(%run_scoped3A_249 : memref<!tpu.dma_semaphore, #tpu.memory_space<semaphore_mem>>) src(%dma_wait3A_265 : memref<16xi32, #tpu.memory_space<hbm>>) dst(%dma_wait3A_264 : memref<16xi32, #tpu.memory_space<vmem>>)
      tpu.yield
    }) : () -> ()
    %run_scoped3A_186 = arith.constant 1 : i32
    "tpu.region"() ({
      %run_scoped3A_249 = tpu.sem_alloc : memref<!tpu.dma_semaphore, #tpu.memory_space<semaphore_mem>>
      %dma_start3A_250 = arith.constant 0 : i32
      %dma_start3A_251 = tpu.memref_slice %arg7[%run_scoped3A_186, %dma_start3A_250] : memref<2x16xi32, #tpu.memory_space<vmem>> -> memref<1x16xi32, #tpu.memory_space<vmem>>
      %dma_start3A_252 = tpu.memref_squeeze %dma_start3A_251 : memref<1x16xi32, #tpu.memory_space<vmem>> -> memref<16xi32, #tpu.memory_space<vmem>>
      %dma_start3A_253 = tpu.memref_slice %arg4[%add3A_184] : memref<2048xi32, #tpu.memory_space<hbm>> -> memref<16xi32, #tpu.memory_space<hbm>>
      %dma_start3A_254 = arith.constant 0 : i32
      %dma_start3A_255 = tpu.memref_slice %arg7[%run_scoped3A_186, %dma_start3A_254] : memref<2x16xi32, #tpu.memory_space<vmem>> -> memref<1x16xi32, #tpu.memory_space<vmem>>
      %dma_start3A_256 = tpu.memref_squeeze %dma_start3A_255 : memref<1x16xi32, #tpu.memory_space<vmem>> -> memref<16xi32, #tpu.memory_space<vmem>>
      %dma_start3A_257 = tpu.memref_slice %arg4[%add3A_184] : memref<2048xi32, #tpu.memory_space<hbm>> -> memref<16xi32, #tpu.memory_space<hbm>>
      tpu.enqueue_dma source(%dma_start3A_257 : memref<16xi32, #tpu.memory_space<hbm>>) target(%dma_start3A_256 : memref<16xi32, #tpu.memory_space<vmem>>) target_semaphore(%run_scoped3A_249 : memref<!tpu.dma_semaphore, #tpu.memory_space<semaphore_mem>>)
      %dma_wait3A_258 = arith.constant 0 : i32
      %dma_wait3A_259 = tpu.memref_slice %arg7[%run_scoped3A_186, %dma_wait3A_258] : memref<2x16xi32, #tpu.memory_space<vmem>> -> memref<1x16xi32, #tpu.memory_space<vmem>>
      %dma_wait3A_260 = tpu.memref_squeeze %dma_wait3A_259 : memref<1x16xi32, #tpu.memory_space<vmem>> -> memref<16xi32, #tpu.memory_space<vmem>>
      %dma_wait3A_261 = tpu.memref_slice %arg4[%add3A_184] : memref<2048xi32, #tpu.memory_space<hbm>> -> memref<16xi32, #tpu.memory_space<hbm>>
      %dma_wait3A_262 = arith.constant 0 : i32
      %dma_wait3A_263 = tpu.memref_slice %arg7[%run_scoped3A_186, %dma_wait3A_262] : memref<2x16xi32, #tpu.memory_space<vmem>> -> memref<1x16xi32, #tpu.memory_space<vmem>>
      %dma_wait3A_264 = tpu.memref_squeeze %dma_wait3A_263 : memref<1x16xi32, #tpu.memory_space<vmem>> -> memref<16xi32, #tpu.memory_space<vmem>>
      %dma_wait3A_265 = tpu.memref_slice %arg4[%add3A_184] : memref<2048xi32, #tpu.memory_space<hbm>> -> memref<16xi32, #tpu.memory_space<hbm>>
      tpu.wait_dma2 semaphore(%run_scoped3A_249 : memref<!tpu.dma_semaphore, #tpu.memory_space<semaphore_mem>>) src(%dma_wait3A_265 : memref<16xi32, #tpu.memory_space<hbm>>) dst(%dma_wait3A_264 : memref<16xi32, #tpu.memory_space<vmem>>)
      tpu.yield
    }) : () -> ()
    %dma_start3A_187 = arith.constant 1 : i32
    %dma_start3A_188 = arith.constant 1 : i32
    %dma_start3A_189 = arith.constant 0 : i32
    %dma_start3A_190 = arith.constant 0 : i32
    %dma_start3A_191 = tpu.memref_slice %arg8[%dma_start3A_188, %dma_start3A_189, %dma_start3A_190] : memref<2x16x1024xf32, #tpu.memory_space<vmem>> -> memref<1x16x1024xf32, #tpu.memory_space<vmem>>
    %dma_start3A_192 = tpu.memref_squeeze %dma_start3A_191 : memref<1x16x1024xf32, #tpu.memory_space<vmem>> -> memref<16x1024xf32, #tpu.memory_space<vmem>>
    %dma_start3A_193 = arith.constant 0 : i32
    %dma_start3A_194 = tpu.memref_slice %arg6[%dma_start3A_187, %dma_start3A_193] : memref<2x16xi32, #tpu.memory_space<vmem>> -> memref<1x16xi32, #tpu.memory_space<vmem>>
    %dma_start3A_195 = tpu.memref_squeeze %dma_start3A_194 : memref<1x16xi32, #tpu.memory_space<vmem>> -> memref<16xi32, #tpu.memory_space<vmem>>
    %dma_start3A_196 = arith.constant 0 : i32
    %dma_start3A_197 = arith.constant 0 : i32
    %dma_start3A_198 = tpu.memref_slice %arg2[%dma_start3A_196, %dma_start3A_197] : memref<5120x1024xf32, #tpu.memory_space<hbm>> -> memref<5120x1024xf32, #tpu.memory_space<hbm>>
    tpu.enqueue_indirect_dma source(%dma_start3A_198 : memref<5120x1024xf32, #tpu.memory_space<hbm>>) target(%dma_start3A_192 : memref<16x1024xf32, #tpu.memory_space<vmem>>) offsets(%dma_start3A_195 : memref<16xi32, #tpu.memory_space<vmem>>) semaphore(%arg12 : memref<!tpu.dma_semaphore, #tpu.memory_space<semaphore_mem>>)
    %dma_start3A_199 = arith.constant 1 : i32
    %dma_start3A_200 = arith.constant 1 : i32
    %dma_start3A_201 = arith.constant 0 : i32
    %dma_start3A_202 = arith.constant 0 : i32
    %dma_start3A_203 = tpu.memref_slice %arg9[%dma_start3A_200, %dma_start3A_201, %dma_start3A_202] : memref<2x16x1024xf32, #tpu.memory_space<vmem>> -> memref<1x16x1024xf32, #tpu.memory_space<vmem>>
    %dma_start3A_204 = tpu.memref_squeeze %dma_start3A_203 : memref<1x16x1024xf32, #tpu.memory_space<vmem>> -> memref<16x1024xf32, #tpu.memory_space<vmem>>
    %dma_start3A_205 = arith.constant 0 : i32
    %dma_start3A_206 = tpu.memref_slice %arg7[%dma_start3A_199, %dma_start3A_205] : memref<2x16xi32, #tpu.memory_space<vmem>> -> memref<1x16xi32, #tpu.memory_space<vmem>>
    %dma_start3A_207 = tpu.memref_squeeze %dma_start3A_206 : memref<1x16xi32, #tpu.memory_space<vmem>> -> memref<16xi32, #tpu.memory_space<vmem>>
    %dma_start3A_208 = arith.constant 0 : i32
    %dma_start3A_209 = arith.constant 0 : i32
    %dma_start3A_210 = tpu.memref_slice %arg2[%dma_start3A_208, %dma_start3A_209] : memref<5120x1024xf32, #tpu.memory_space<hbm>> -> memref<5120x1024xf32, #tpu.memory_space<hbm>>
    tpu.enqueue_indirect_dma source(%dma_start3A_210 : memref<5120x1024xf32, #tpu.memory_space<hbm>>) target(%dma_start3A_204 : memref<16x1024xf32, #tpu.memory_space<vmem>>) offsets(%dma_start3A_207 : memref<16xi32, #tpu.memory_space<vmem>>) semaphore(%arg12 : memref<!tpu.dma_semaphore, #tpu.memory_space<semaphore_mem>>)
    %scan3A_211 = arith.constant 0 : i32
    %scan3A_212 = arith.constant 64 : i32
    %scan3A_213 = arith.addi %scan3A_211, %scan3A_212 : i32
    %scan3A_214 = arith.constant 1 : i32
    scf.for %scan3A_249 = %scan3A_211 to %scan3A_213 step %scan3A_214  : i32 {
      %mul3A_250 = arith.constant 1 : i32
      %mul3A_251 = arith.muli %scan3A_249, %mul3A_250 : i32
      %add3A_252 = arith.constant 0 : i32
      %add3A_253 = arith.addi %add3A_252, %mul3A_251 : i32
      %mul3A_254 = arith.constant 16 : i32
      %mul3A_255 = arith.muli %add3A_253, %mul3A_254 : i32
      %get3A = arith.constant 0 : i32
      %get3A_256 = arith.constant 0 : i32
      %get3A_257 = arith.index_cast %get3A : i32 to index
      %get3A_258 = arith.index_cast %get3A_256 : i32 to index
      %get3A_259 = arith.index_cast %mul3A_255 : i32 to index
      %get3A_260 = tpu.vector_load %arg8[%get3A_257, %get3A_258, %get3A_259] {strides = array<i32>} : memref<2x16x1024xf32, #tpu.memory_space<vmem>>, vector<1x1x16xf32>,
      %get3A_261 = vector.shape_cast %get3A_260 : vector<1x1x16xf32> to vector<16xf32>
      %get3A_262 = arith.constant 0 : i32
      %get3A_263 = arith.constant 0 : i32
      %get3A_264 = arith.index_cast %get3A_262 : i32 to index
      %get3A_265 = arith.index_cast %get3A_263 : i32 to index
      %get3A_266 = arith.index_cast %mul3A_255 : i32 to index
      %get3A_267 = tpu.vector_load %arg9[%get3A_264, %get3A_265, %get3A_266] {strides = array<i32>} : memref<2x16x1024xf32, #tpu.memory_space<vmem>>, vector<1x1x16xf32>,
      %get3A_268 = vector.shape_cast %get3A_267 : vector<1x1x16xf32> to vector<16xf32>
      %add3A_269 = arith.addf %get3A_261, %get3A_268 : vector<16xf32>
      %swap3A = arith.constant 0 : i32
      %swap3A_270 = arith.index_cast %swap3A : i32 to index
      %swap3A_271 = arith.index_cast %mul3A_255 : i32 to index
      %swap3A_272 = tpu.vector_load %arg10[%swap3A_270, %swap3A_271] {strides = array<i32>} : memref<16x1024xf32, #tpu.memory_space<vmem>>, vector<1x16xf32>,
      %swap3A_273 = vector.shape_cast %swap3A_272 : vector<1x16xf32> to vector<16xf32>
      %swap3A_274 = vector.shape_cast %add3A_269 : vector<16xf32> to vector<1x16xf32>
      tpu.vector_store %arg10[%swap3A_270, %swap3A_271], %swap3A_274 {strides = array<i32>} : memref<16x1024xf32, #tpu.memory_space<vmem>>, vector<1x16xf32>,
      %get3A_275 = arith.constant 0 : i32
      %get3A_276 = arith.constant 1 : i32
      %get3A_277 = arith.index_cast %get3A_275 : i32 to index
      %get3A_278 = arith.index_cast %get3A_276 : i32 to index
      %get3A_279 = arith.index_cast %mul3A_255 : i32 to index
      %get3A_280 = tpu.vector_load %arg8[%get3A_277, %get3A_278, %get3A_279] {strides = array<i32>} : memref<2x16x1024xf32, #tpu.memory_space<vmem>>, vector<1x1x16xf32>,
      %get3A_281 = vector.shape_cast %get3A_280 : vector<1x1x16xf32> to vector<16xf32>
      %get3A_282 = arith.constant 0 : i32
      %get3A_283 = arith.constant 1 : i32
      %get3A_284 = arith.index_cast %get3A_282 : i32 to index
      %get3A_285 = arith.index_cast %get3A_283 : i32 to index
      %get3A_286 = arith.index_cast %mul3A_255 : i32 to index
      %get3A_287 = tpu.vector_load %arg9[%get3A_284, %get3A_285, %get3A_286] {strides = array<i32>} : memref<2x16x1024xf32, #tpu.memory_space<vmem>>, vector<1x1x16xf32>,
      %get3A_288 = vector.shape_cast %get3A_287 : vector<1x1x16xf32> to vector<16xf32>
      %add3A_289 = arith.addf %get3A_281, %get3A_288 : vector<16xf32>
      %swap3A_290 = arith.constant 1 : i32
      %swap3A_291 = arith.index_cast %swap3A_290 : i32 to index
      %swap3A_292 = arith.index_cast %mul3A_255 : i32 to index
      %swap3A_293 = tpu.vector_load %arg10[%swap3A_291, %swap3A_292] {strides = array<i32>} : memref<16x1024xf32, #tpu.memory_space<vmem>>, vector<1x16xf32>,
      %swap3A_294 = vector.shape_cast %swap3A_293 : vector<1x16xf32> to vector<16xf32>
      %swap3A_295 = vector.shape_cast %add3A_289 : vector<16xf32> to vector<1x16xf32>
      tpu.vector_store %arg10[%swap3A_291, %swap3A_292], %swap3A_295 {strides = array<i32>} : memref<16x1024xf32, #tpu.memory_space<vmem>>, vector<1x16xf32>,
      %get3A_296 = arith.constant 0 : i32
      %get3A_297 = arith.constant 2 : i32
      %get3A_298 = arith.index_cast %get3A_296 : i32 to index
      %get3A_299 = arith.index_cast %get3A_297 : i32 to index
      %get3A_300 = arith.index_cast %mul3A_255 : i32 to index
      %get3A_301 = tpu.vector_load %arg8[%get3A_298, %get3A_299, %get3A_300] {strides = array<i32>} : memref<2x16x1024xf32, #tpu.memory_space<vmem>>, vector<1x1x16xf32>,
      %get3A_302 = vector.shape_cast %get3A_301 : vector<1x1x16xf32> to vector<16xf32>
      %get3A_303 = arith.constant 0 : i32
      %get3A_304 = arith.constant 2 : i32
      %get3A_305 = arith.index_cast %get3A_303 : i32 to index
      %get3A_306 = arith.index_cast %get3A_304 : i32 to index
      %get3A_307 = arith.index_cast %mul3A_255 : i32 to index
      %get3A_308 = tpu.vector_load %arg9[%get3A_305, %get3A_306, %get3A_307] {strides = array<i32>} : memref<2x16x1024xf32, #tpu.memory_space<vmem>>, vector<1x1x16xf32>,
      %get3A_309 = vector.shape_cast %get3A_308 : vector<1x1x16xf32> to vector<16xf32>
      %add3A_310 = arith.addf %get3A_302, %get3A_309 : vector<16xf32>
      %swap3A_311 = arith.constant 2 : i32
      %swap3A_312 = arith.index_cast %swap3A_311 : i32 to index
      %swap3A_313 = arith.index_cast %mul3A_255 : i32 to index
      %swap3A_314 = tpu.vector_load %arg10[%swap3A_312, %swap3A_313] {strides = array<i32>} : memref<16x1024xf32, #tpu.memory_space<vmem>>, vector<1x16xf32>,
      %swap3A_315 = vector.shape_cast %swap3A_314 : vector<1x16xf32> to vector<16xf32>
      %swap3A_316 = vector.shape_cast %add3A_310 : vector<16xf32> to vector<1x16xf32>
      tpu.vector_store %arg10[%swap3A_312, %swap3A_313], %swap3A_316 {strides = array<i32>} : memref<16x1024xf32, #tpu.memory_space<vmem>>, vector<1x16xf32>,
      %get3A_317 = arith.constant 0 : i32
      %get3A_318 = arith.constant 3 : i32
      %get3A_319 = arith.index_cast %get3A_317 : i32 to index
      %get3A_320 = arith.index_cast %get3A_318 : i32 to index
      %get3A_321 = arith.index_cast %mul3A_255 : i32 to index
      %get3A_322 = tpu.vector_load %arg8[%get3A_319, %get3A_320, %get3A_321] {strides = array<i32>} : memref<2x16x1024xf32, #tpu.memory_space<vmem>>, vector<1x1x16xf32>,
      %get3A_323 = vector.shape_cast %get3A_322 : vector<1x1x16xf32> to vector<16xf32>
      %get3A_324 = arith.constant 0 : i32
      %get3A_325 = arith.constant 3 : i32
      %get3A_326 = arith.index_cast %get3A_324 : i32 to index
      %get3A_327 = arith.index_cast %get3A_325 : i32 to index
      %get3A_328 = arith.index_cast %mul3A_255 : i32 to index
      %get3A_329 = tpu.vector_load %arg9[%get3A_326, %get3A_327, %get3A_328] {strides = array<i32>} : memref<2x16x1024xf32, #tpu.memory_space<vmem>>, vector<1x1x16xf32>,
      %get3A_330 = vector.shape_cast %get3A_329 : vector<1x1x16xf32> to vector<16xf32>
      %add3A_331 = arith.addf %get3A_323, %get3A_330 : vector<16xf32>
      %swap3A_332 = arith.constant 3 : i32
      %swap3A_333 = arith.index_cast %swap3A_332 : i32 to index
      %swap3A_334 = arith.index_cast %mul3A_255 : i32 to index
      %swap3A_335 = tpu.vector_load %arg10[%swap3A_333, %swap3A_334] {strides = array<i32>} : memref<16x1024xf32, #tpu.memory_space<vmem>>, vector<1x16xf32>,
      %swap3A_336 = vector.shape_cast %swap3A_335 : vector<1x16xf32> to vector<16xf32>
      %swap3A_337 = vector.shape_cast %add3A_331 : vector<16xf32> to vector<1x16xf32>
      tpu.vector_store %arg10[%swap3A_333, %swap3A_334], %swap3A_337 {strides = array<i32>} : memref<16x1024xf32, #tpu.memory_space<vmem>>, vector<1x16xf32>,
      %get3A_338 = arith.constant 0 : i32
      %get3A_339 = arith.constant 4 : i32
      %get3A_340 = arith.index_cast %get3A_338 : i32 to index
      %get3A_341 = arith.index_cast %get3A_339 : i32 to index
      %get3A_342 = arith.index_cast %mul3A_255 : i32 to index
      %get3A_343 = tpu.vector_load %arg8[%get3A_340, %get3A_341, %get3A_342] {strides = array<i32>} : memref<2x16x1024xf32, #tpu.memory_space<vmem>>, vector<1x1x16xf32>,
      %get3A_344 = vector.shape_cast %get3A_343 : vector<1x1x16xf32> to vector<16xf32>
      %get3A_345 = arith.constant 0 : i32
      %get3A_346 = arith.constant 4 : i32
      %get3A_347 = arith.index_cast %get3A_345 : i32 to index
      %get3A_348 = arith.index_cast %get3A_346 : i32 to index
      %get3A_349 = arith.index_cast %mul3A_255 : i32 to index
      %get3A_350 = tpu.vector_load %arg9[%get3A_347, %get3A_348, %get3A_349] {strides = array<i32>} : memref<2x16x1024xf32, #tpu.memory_space<vmem>>, vector<1x1x16xf32>,
      %get3A_351 = vector.shape_cast %get3A_350 : vector<1x1x16xf32> to vector<16xf32>
      %add3A_352 = arith.addf %get3A_344, %get3A_351 : vector<16xf32>
      %swap3A_353 = arith.constant 4 : i32
      %swap3A_354 = arith.index_cast %swap3A_353 : i32 to index
      %swap3A_355 = arith.index_cast %mul3A_255 : i32 to index
      %swap3A_356 = tpu.vector_load %arg10[%swap3A_354, %swap3A_355] {strides = array<i32>} : memref<16x1024xf32, #tpu.memory_space<vmem>>, vector<1x16xf32>,
      %swap3A_357 = vector.shape_cast %swap3A_356 : vector<1x16xf32> to vector<16xf32>
      %swap3A_358 = vector.shape_cast %add3A_352 : vector<16xf32> to vector<1x16xf32>
      tpu.vector_store %arg10[%swap3A_354, %swap3A_355], %swap3A_358 {strides = array<i32>} : memref<16x1024xf32, #tpu.memory_space<vmem>>, vector<1x16xf32>,
      %get3A_359 = arith.constant 0 : i32
      %get3A_360 = arith.constant 5 : i32
      %get3A_361 = arith.index_cast %get3A_359 : i32 to index
      %get3A_362 = arith.index_cast %get3A_360 : i32 to index
      %get3A_363 = arith.index_cast %mul3A_255 : i32 to index
      %get3A_364 = tpu.vector_load %arg8[%get3A_361, %get3A_362, %get3A_363] {strides = array<i32>} : memref<2x16x1024xf32, #tpu.memory_space<vmem>>, vector<1x1x16xf32>,
      %get3A_365 = vector.shape_cast %get3A_364 : vector<1x1x16xf32> to vector<16xf32>
      %get3A_366 = arith.constant 0 : i32
      %get3A_367 = arith.constant 5 : i32
      %get3A_368 = arith.index_cast %get3A_366 : i32 to index
      %get3A_369 = arith.index_cast %get3A_367 : i32 to index
      %get3A_370 = arith.index_cast %mul3A_255 : i32 to index
      %get3A_371 = tpu.vector_load %arg9[%get3A_368, %get3A_369, %get3A_370] {strides = array<i32>} : memref<2x16x1024xf32, #tpu.memory_space<vmem>>, vector<1x1x16xf32>,
      %get3A_372 = vector.shape_cast %get3A_371 : vector<1x1x16xf32> to vector<16xf32>
      %add3A_373 = arith.addf %get3A_365, %get3A_372 : vector<16xf32>
      %swap3A_374 = arith.constant 5 : i32
      %swap3A_375 = arith.index_cast %swap3A_374 : i32 to index
      %swap3A_376 = arith.index_cast %mul3A_255 : i32 to index
      %swap3A_377 = tpu.vector_load %arg10[%swap3A_375, %swap3A_376] {strides = array<i32>} : memref<16x1024xf32, #tpu.memory_space<vmem>>, vector<1x16xf32>,
      %swap3A_378 = vector.shape_cast %swap3A_377 : vector<1x16xf32> to vector<16xf32>
      %swap3A_379 = vector.shape_cast %add3A_373 : vector<16xf32> to vector<1x16xf32>
      tpu.vector_store %arg10[%swap3A_375, %swap3A_376], %swap3A_379 {strides = array<i32>} : memref<16x1024xf32, #tpu.memory_space<vmem>>, vector<1x16xf32>,
      %get3A_380 = arith.constant 0 : i32
      %get3A_381 = arith.constant 6 : i32
      %get3A_382 = arith.index_cast %get3A_380 : i32 to index
      %get3A_383 = arith.index_cast %get3A_381 : i32 to index
      %get3A_384 = arith.index_cast %mul3A_255 : i32 to index
      %get3A_385 = tpu.vector_load %arg8[%get3A_382, %get3A_383, %get3A_384] {strides = array<i32>} : memref<2x16x1024xf32, #tpu.memory_space<vmem>>, vector<1x1x16xf32>,
      %get3A_386 = vector.shape_cast %get3A_385 : vector<1x1x16xf32> to vector<16xf32>
      %get3A_387 = arith.constant 0 : i32
      %get3A_388 = arith.constant 6 : i32
      %get3A_389 = arith.index_cast %get3A_387 : i32 to index
      %get3A_390 = arith.index_cast %get3A_388 : i32 to index
      %get3A_391 = arith.index_cast %mul3A_255 : i32 to index
      %get3A_392 = tpu.vector_load %arg9[%get3A_389, %get3A_390, %get3A_391] {strides = array<i32>} : memref<2x16x1024xf32, #tpu.memory_space<vmem>>, vector<1x1x16xf32>,
      %get3A_393 = vector.shape_cast %get3A_392 : vector<1x1x16xf32> to vector<16xf32>
      %add3A_394 = arith.addf %get3A_386, %get3A_393 : vector<16xf32>
      %swap3A_395 = arith.constant 6 : i32
      %swap3A_396 = arith.index_cast %swap3A_395 : i32 to index
      %swap3A_397 = arith.index_cast %mul3A_255 : i32 to index
      %swap3A_398 = tpu.vector_load %arg10[%swap3A_396, %swap3A_397] {strides = array<i32>} : memref<16x1024xf32, #tpu.memory_space<vmem>>, vector<1x16xf32>,
      %swap3A_399 = vector.shape_cast %swap3A_398 : vector<1x16xf32> to vector<16xf32>
      %swap3A_400 = vector.shape_cast %add3A_394 : vector<16xf32> to vector<1x16xf32>
      tpu.vector_store %arg10[%swap3A_396, %swap3A_397], %swap3A_400 {strides = array<i32>} : memref<16x1024xf32, #tpu.memory_space<vmem>>, vector<1x16xf32>,
      %get3A_401 = arith.constant 0 : i32
      %get3A_402 = arith.constant 7 : i32
      %get3A_403 = arith.index_cast %get3A_401 : i32 to index
      %get3A_404 = arith.index_cast %get3A_402 : i32 to index
      %get3A_405 = arith.index_cast %mul3A_255 : i32 to index
      %get3A_406 = tpu.vector_load %arg8[%get3A_403, %get3A_404, %get3A_405] {strides = array<i32>} : memref<2x16x1024xf32, #tpu.memory_space<vmem>>, vector<1x1x16xf32>,
      %get3A_407 = vector.shape_cast %get3A_406 : vector<1x1x16xf32> to vector<16xf32>
      %get3A_408 = arith.constant 0 : i32
      %get3A_409 = arith.constant 7 : i32
      %get3A_410 = arith.index_cast %get3A_408 : i32 to index
      %get3A_411 = arith.index_cast %get3A_409 : i32 to index
      %get3A_412 = arith.index_cast %mul3A_255 : i32 to index
      %get3A_413 = tpu.vector_load %arg9[%get3A_410, %get3A_411, %get3A_412] {strides = array<i32>} : memref<2x16x1024xf32, #tpu.memory_space<vmem>>, vector<1x1x16xf32>,
      %get3A_414 = vector.shape_cast %get3A_413 : vector<1x1x16xf32> to vector<16xf32>
      %add3A_415 = arith.addf %get3A_407, %get3A_414 : vector<16xf32>
      %swap3A_416 = arith.constant 7 : i32
      %swap3A_417 = arith.index_cast %swap3A_416 : i32 to index
      %swap3A_418 = arith.index_cast %mul3A_255 : i32 to index
      %swap3A_419 = tpu.vector_load %arg10[%swap3A_417, %swap3A_418] {strides = array<i32>} : memref<16x1024xf32, #tpu.memory_space<vmem>>, vector<1x16xf32>,
      %swap3A_420 = vector.shape_cast %swap3A_419 : vector<1x16xf32> to vector<16xf32>
      %swap3A_421 = vector.shape_cast %add3A_415 : vector<16xf32> to vector<1x16xf32>
      tpu.vector_store %arg10[%swap3A_417, %swap3A_418], %swap3A_421 {strides = array<i32>} : memref<16x1024xf32, #tpu.memory_space<vmem>>, vector<1x16xf32>,
      %get3A_422 = arith.constant 0 : i32
      %get3A_423 = arith.constant 8 : i32
      %get3A_424 = arith.index_cast %get3A_422 : i32 to index
      %get3A_425 = arith.index_cast %get3A_423 : i32 to index
      %get3A_426 = arith.index_cast %mul3A_255 : i32 to index
      %get3A_427 = tpu.vector_load %arg8[%get3A_424, %get3A_425, %get3A_426] {strides = array<i32>} : memref<2x16x1024xf32, #tpu.memory_space<vmem>>, vector<1x1x16xf32>,
      %get3A_428 = vector.shape_cast %get3A_427 : vector<1x1x16xf32> to vector<16xf32>
      %get3A_429 = arith.constant 0 : i32
      %get3A_430 = arith.constant 8 : i32
      %get3A_431 = arith.index_cast %get3A_429 : i32 to index
      %get3A_432 = arith.index_cast %get3A_430 : i32 to index
      %get3A_433 = arith.index_cast %mul3A_255 : i32 to index
      %get3A_434 = tpu.vector_load %arg9[%get3A_431, %get3A_432, %get3A_433] {strides = array<i32>} : memref<2x16x1024xf32, #tpu.memory_space<vmem>>, vector<1x1x16xf32>,
      %get3A_435 = vector.shape_cast %get3A_434 : vector<1x1x16xf32> to vector<16xf32>
      %add3A_436 = arith.addf %get3A_428, %get3A_435 : vector<16xf32>
      %swap3A_437 = arith.constant 8 : i32
      %swap3A_438 = arith.index_cast %swap3A_437 : i32 to index
      %swap3A_439 = arith.index_cast %mul3A_255 : i32 to index
      %swap3A_440 = tpu.vector_load %arg10[%swap3A_438, %swap3A_439] {strides = array<i32>} : memref<16x1024xf32, #tpu.memory_space<vmem>>, vector<1x16xf32>,
      %swap3A_441 = vector.shape_cast %swap3A_440 : vector<1x16xf32> to vector<16xf32>
      %swap3A_442 = vector.shape_cast %add3A_436 : vector<16xf32> to vector<1x16xf32>
      tpu.vector_store %arg10[%swap3A_438, %swap3A_439], %swap3A_442 {strides = array<i32>} : memref<16x1024xf32, #tpu.memory_space<vmem>>, vector<1x16xf32>,
      %get3A_443 = arith.constant 0 : i32
      %get3A_444 = arith.constant 9 : i32
      %get3A_445 = arith.index_cast %get3A_443 : i32 to index
      %get3A_446 = arith.index_cast %get3A_444 : i32 to index
      %get3A_447 = arith.index_cast %mul3A_255 : i32 to index
      %get3A_448 = tpu.vector_load %arg8[%get3A_445, %get3A_446, %get3A_447] {strides = array<i32>} : memref<2x16x1024xf32, #tpu.memory_space<vmem>>, vector<1x1x16xf32>,
      %get3A_449 = vector.shape_cast %get3A_448 : vector<1x1x16xf32> to vector<16xf32>
      %get3A_450 = arith.constant 0 : i32
      %get3A_451 = arith.constant 9 : i32
      %get3A_452 = arith.index_cast %get3A_450 : i32 to index
      %get3A_453 = arith.index_cast %get3A_451 : i32 to index
      %get3A_454 = arith.index_cast %mul3A_255 : i32 to index
      %get3A_455 = tpu.vector_load %arg9[%get3A_452, %get3A_453, %get3A_454] {strides = array<i32>} : memref<2x16x1024xf32, #tpu.memory_space<vmem>>, vector<1x1x16xf32>,
      %get3A_456 = vector.shape_cast %get3A_455 : vector<1x1x16xf32> to vector<16xf32>
      %add3A_457 = arith.addf %get3A_449, %get3A_456 : vector<16xf32>
      %swap3A_458 = arith.constant 9 : i32
      %swap3A_459 = arith.index_cast %swap3A_458 : i32 to index
      %swap3A_460 = arith.index_cast %mul3A_255 : i32 to index
      %swap3A_461 = tpu.vector_load %arg10[%swap3A_459, %swap3A_460] {strides = array<i32>} : memref<16x1024xf32, #tpu.memory_space<vmem>>, vector<1x16xf32>,
      %swap3A_462 = vector.shape_cast %swap3A_461 : vector<1x16xf32> to vector<16xf32>
      %swap3A_463 = vector.shape_cast %add3A_457 : vector<16xf32> to vector<1x16xf32>
      tpu.vector_store %arg10[%swap3A_459, %swap3A_460], %swap3A_463 {strides = array<i32>} : memref<16x1024xf32, #tpu.memory_space<vmem>>, vector<1x16xf32>,
      %get3A_464 = arith.constant 0 : i32
      %get3A_465 = arith.constant 10 : i32
      %get3A_466 = arith.index_cast %get3A_464 : i32 to index
      %get3A_467 = arith.index_cast %get3A_465 : i32 to index
      %get3A_468 = arith.index_cast %mul3A_255 : i32 to index
      %get3A_469 = tpu.vector_load %arg8[%get3A_466, %get3A_467, %get3A_468] {strides = array<i32>} : memref<2x16x1024xf32, #tpu.memory_space<vmem>>, vector<1x1x16xf32>,
      %get3A_470 = vector.shape_cast %get3A_469 : vector<1x1x16xf32> to vector<16xf32>
      %get3A_471 = arith.constant 0 : i32
      %get3A_472 = arith.constant 10 : i32
      %get3A_473 = arith.index_cast %get3A_471 : i32 to index
      %get3A_474 = arith.index_cast %get3A_472 : i32 to index
      %get3A_475 = arith.index_cast %mul3A_255 : i32 to index
      %get3A_476 = tpu.vector_load %arg9[%get3A_473, %get3A_474, %get3A_475] {strides = array<i32>} : memref<2x16x1024xf32, #tpu.memory_space<vmem>>, vector<1x1x16xf32>,
      %get3A_477 = vector.shape_cast %get3A_476 : vector<1x1x16xf32> to vector<16xf32>
      %add3A_478 = arith.addf %get3A_470, %get3A_477 : vector<16xf32>
      %swap3A_479 = arith.constant 10 : i32
      %swap3A_480 = arith.index_cast %swap3A_479 : i32 to index
      %swap3A_481 = arith.index_cast %mul3A_255 : i32 to index
      %swap3A_482 = tpu.vector_load %arg10[%swap3A_480, %swap3A_481] {strides = array<i32>} : memref<16x1024xf32, #tpu.memory_space<vmem>>, vector<1x16xf32>,
      %swap3A_483 = vector.shape_cast %swap3A_482 : vector<1x16xf32> to vector<16xf32>
      %swap3A_484 = vector.shape_cast %add3A_478 : vector<16xf32> to vector<1x16xf32>
      tpu.vector_store %arg10[%swap3A_480, %swap3A_481], %swap3A_484 {strides = array<i32>} : memref<16x1024xf32, #tpu.memory_space<vmem>>, vector<1x16xf32>,
      %get3A_485 = arith.constant 0 : i32
      %get3A_486 = arith.constant 11 : i32
      %get3A_487 = arith.index_cast %get3A_485 : i32 to index
      %get3A_488 = arith.index_cast %get3A_486 : i32 to index
      %get3A_489 = arith.index_cast %mul3A_255 : i32 to index
      %get3A_490 = tpu.vector_load %arg8[%get3A_487, %get3A_488, %get3A_489] {strides = array<i32>} : memref<2x16x1024xf32, #tpu.memory_space<vmem>>, vector<1x1x16xf32>,
      %get3A_491 = vector.shape_cast %get3A_490 : vector<1x1x16xf32> to vector<16xf32>
      %get3A_492 = arith.constant 0 : i32
      %get3A_493 = arith.constant 11 : i32
      %get3A_494 = arith.index_cast %get3A_492 : i32 to index
      %get3A_495 = arith.index_cast %get3A_493 : i32 to index
      %get3A_496 = arith.index_cast %mul3A_255 : i32 to index
      %get3A_497 = tpu.vector_load %arg9[%get3A_494, %get3A_495, %get3A_496] {strides = array<i32>} : memref<2x16x1024xf32, #tpu.memory_space<vmem>>, vector<1x1x16xf32>,
      %get3A_498 = vector.shape_cast %get3A_497 : vector<1x1x16xf32> to vector<16xf32>
      %add3A_499 = arith.addf %get3A_491, %get3A_498 : vector<16xf32>
      %swap3A_500 = arith.constant 11 : i32
      %swap3A_501 = arith.index_cast %swap3A_500 : i32 to index
      %swap3A_502 = arith.index_cast %mul3A_255 : i32 to index
      %swap3A_503 = tpu.vector_load %arg10[%swap3A_501, %swap3A_502] {strides = array<i32>} : memref<16x1024xf32, #tpu.memory_space<vmem>>, vector<1x16xf32>,
      %swap3A_504 = vector.shape_cast %swap3A_503 : vector<1x16xf32> to vector<16xf32>
      %swap3A_505 = vector.shape_cast %add3A_499 : vector<16xf32> to vector<1x16xf32>
      tpu.vector_store %arg10[%swap3A_501, %swap3A_502], %swap3A_505 {strides = array<i32>} : memref<16x1024xf32, #tpu.memory_space<vmem>>, vector<1x16xf32>,
      %get3A_506 = arith.constant 0 : i32
      %get3A_507 = arith.constant 12 : i32
      %get3A_508 = arith.index_cast %get3A_506 : i32 to index
      %get3A_509 = arith.index_cast %get3A_507 : i32 to index
      %get3A_510 = arith.index_cast %mul3A_255 : i32 to index
      %get3A_511 = tpu.vector_load %arg8[%get3A_508, %get3A_509, %get3A_510] {strides = array<i32>} : memref<2x16x1024xf32, #tpu.memory_space<vmem>>, vector<1x1x16xf32>,
      %get3A_512 = vector.shape_cast %get3A_511 : vector<1x1x16xf32> to vector<16xf32>
      %get3A_513 = arith.constant 0 : i32
      %get3A_514 = arith.constant 12 : i32
      %get3A_515 = arith.index_cast %get3A_513 : i32 to index
      %get3A_516 = arith.index_cast %get3A_514 : i32 to index
      %get3A_517 = arith.index_cast %mul3A_255 : i32 to index
      %get3A_518 = tpu.vector_load %arg9[%get3A_515, %get3A_516, %get3A_517] {strides = array<i32>} : memref<2x16x1024xf32, #tpu.memory_space<vmem>>, vector<1x1x16xf32>,
      %get3A_519 = vector.shape_cast %get3A_518 : vector<1x1x16xf32> to vector<16xf32>
      %add3A_520 = arith.addf %get3A_512, %get3A_519 : vector<16xf32>
      %swap3A_521 = arith.constant 12 : i32
      %swap3A_522 = arith.index_cast %swap3A_521 : i32 to index
      %swap3A_523 = arith.index_cast %mul3A_255 : i32 to index
      %swap3A_524 = tpu.vector_load %arg10[%swap3A_522, %swap3A_523] {strides = array<i32>} : memref<16x1024xf32, #tpu.memory_space<vmem>>, vector<1x16xf32>,
      %swap3A_525 = vector.shape_cast %swap3A_524 : vector<1x16xf32> to vector<16xf32>
      %swap3A_526 = vector.shape_cast %add3A_520 : vector<16xf32> to vector<1x16xf32>
      tpu.vector_store %arg10[%swap3A_522, %swap3A_523], %swap3A_526 {strides = array<i32>} : memref<16x1024xf32, #tpu.memory_space<vmem>>, vector<1x16xf32>,
      %get3A_527 = arith.constant 0 : i32
      %get3A_528 = arith.constant 13 : i32
      %get3A_529 = arith.index_cast %get3A_527 : i32 to index
      %get3A_530 = arith.index_cast %get3A_528 : i32 to index
      %get3A_531 = arith.index_cast %mul3A_255 : i32 to index
      %get3A_532 = tpu.vector_load %arg8[%get3A_529, %get3A_530, %get3A_531] {strides = array<i32>} : memref<2x16x1024xf32, #tpu.memory_space<vmem>>, vector<1x1x16xf32>,
      %get3A_533 = vector.shape_cast %get3A_532 : vector<1x1x16xf32> to vector<16xf32>
      %get3A_534 = arith.constant 0 : i32
      %get3A_535 = arith.constant 13 : i32
      %get3A_536 = arith.index_cast %get3A_534 : i32 to index
      %get3A_537 = arith.index_cast %get3A_535 : i32 to index
      %get3A_538 = arith.index_cast %mul3A_255 : i32 to index
      %get3A_539 = tpu.vector_load %arg9[%get3A_536, %get3A_537, %get3A_538] {strides = array<i32>} : memref<2x16x1024xf32, #tpu.memory_space<vmem>>, vector<1x1x16xf32>,
      %get3A_540 = vector.shape_cast %get3A_539 : vector<1x1x16xf32> to vector<16xf32>
      %add3A_541 = arith.addf %get3A_533, %get3A_540 : vector<16xf32>
      %swap3A_542 = arith.constant 13 : i32
      %swap3A_543 = arith.index_cast %swap3A_542 : i32 to index
      %swap3A_544 = arith.index_cast %mul3A_255 : i32 to index
      %swap3A_545 = tpu.vector_load %arg10[%swap3A_543, %swap3A_544] {strides = array<i32>} : memref<16x1024xf32, #tpu.memory_space<vmem>>, vector<1x16xf32>,
      %swap3A_546 = vector.shape_cast %swap3A_545 : vector<1x16xf32> to vector<16xf32>
      %swap3A_547 = vector.shape_cast %add3A_541 : vector<16xf32> to vector<1x16xf32>
      tpu.vector_store %arg10[%swap3A_543, %swap3A_544], %swap3A_547 {strides = array<i32>} : memref<16x1024xf32, #tpu.memory_space<vmem>>, vector<1x16xf32>,
      %get3A_548 = arith.constant 0 : i32
      %get3A_549 = arith.constant 14 : i32
      %get3A_550 = arith.index_cast %get3A_548 : i32 to index
      %get3A_551 = arith.index_cast %get3A_549 : i32 to index
      %get3A_552 = arith.index_cast %mul3A_255 : i32 to index
      %get3A_553 = tpu.vector_load %arg8[%get3A_550, %get3A_551, %get3A_552] {strides = array<i32>} : memref<2x16x1024xf32, #tpu.memory_space<vmem>>, vector<1x1x16xf32>,
      %get3A_554 = vector.shape_cast %get3A_553 : vector<1x1x16xf32> to vector<16xf32>
      %get3A_555 = arith.constant 0 : i32
      %get3A_556 = arith.constant 14 : i32
      %get3A_557 = arith.index_cast %get3A_555 : i32 to index
      %get3A_558 = arith.index_cast %get3A_556 : i32 to index
      %get3A_559 = arith.index_cast %mul3A_255 : i32 to index
      %get3A_560 = tpu.vector_load %arg9[%get3A_557, %get3A_558, %get3A_559] {strides = array<i32>} : memref<2x16x1024xf32, #tpu.memory_space<vmem>>, vector<1x1x16xf32>,
      %get3A_561 = vector.shape_cast %get3A_560 : vector<1x1x16xf32> to vector<16xf32>
      %add3A_562 = arith.addf %get3A_554, %get3A_561 : vector<16xf32>
      %swap3A_563 = arith.constant 14 : i32
      %swap3A_564 = arith.index_cast %swap3A_563 : i32 to index
      %swap3A_565 = arith.index_cast %mul3A_255 : i32 to index
      %swap3A_566 = tpu.vector_load %arg10[%swap3A_564, %swap3A_565] {strides = array<i32>} : memref<16x1024xf32, #tpu.memory_space<vmem>>, vector<1x16xf32>,
      %swap3A_567 = vector.shape_cast %swap3A_566 : vector<1x16xf32> to vector<16xf32>
      %swap3A_568 = vector.shape_cast %add3A_562 : vector<16xf32> to vector<1x16xf32>
      tpu.vector_store %arg10[%swap3A_564, %swap3A_565], %swap3A_568 {strides = array<i32>} : memref<16x1024xf32, #tpu.memory_space<vmem>>, vector<1x16xf32>,
      %get3A_569 = arith.constant 0 : i32
      %get3A_570 = arith.constant 15 : i32
      %get3A_571 = arith.index_cast %get3A_569 : i32 to index
      %get3A_572 = arith.index_cast %get3A_570 : i32 to index
      %get3A_573 = arith.index_cast %mul3A_255 : i32 to index
      %get3A_574 = tpu.vector_load %arg8[%get3A_571, %get3A_572, %get3A_573] {strides = array<i32>} : memref<2x16x1024xf32, #tpu.memory_space<vmem>>, vector<1x1x16xf32>,
      %get3A_575 = vector.shape_cast %get3A_574 : vector<1x1x16xf32> to vector<16xf32>
      %get3A_576 = arith.constant 0 : i32
      %get3A_577 = arith.constant 15 : i32
      %get3A_578 = arith.index_cast %get3A_576 : i32 to index
      %get3A_579 = arith.index_cast %get3A_577 : i32 to index
      %get3A_580 = arith.index_cast %mul3A_255 : i32 to index
      %get3A_581 = tpu.vector_load %arg9[%get3A_578, %get3A_579, %get3A_580] {strides = array<i32>} : memref<2x16x1024xf32, #tpu.memory_space<vmem>>, vector<1x1x16xf32>,
      %get3A_582 = vector.shape_cast %get3A_581 : vector<1x1x16xf32> to vector<16xf32>
      %add3A_583 = arith.addf %get3A_575, %get3A_582 : vector<16xf32>
      %swap3A_584 = arith.constant 15 : i32
      %swap3A_585 = arith.index_cast %swap3A_584 : i32 to index
      %swap3A_586 = arith.index_cast %mul3A_255 : i32 to index
      %swap3A_587 = tpu.vector_load %arg10[%swap3A_585, %swap3A_586] {strides = array<i32>} : memref<16x1024xf32, #tpu.memory_space<vmem>>, vector<1x16xf32>,
      %swap3A_588 = vector.shape_cast %swap3A_587 : vector<1x16xf32> to vector<16xf32>
      %swap3A_589 = vector.shape_cast %add3A_583 : vector<16xf32> to vector<1x16xf32>
      tpu.vector_store %arg10[%swap3A_585, %swap3A_586], %swap3A_589 {strides = array<i32>} : memref<16x1024xf32, #tpu.memory_space<vmem>>, vector<1x16xf32>,
    }
    %scan3A_215 = arith.constant 64 : i32
    "tpu.region"() ({
      %run_scoped3A_249 = tpu.sem_alloc : memref<!tpu.dma_semaphore, #tpu.memory_space<semaphore_mem>>
      %dma_start3A_250 = arith.constant 0 : i32
      %dma_start3A_251 = tpu.memref_slice %arg5[%add3A_156, %dma_start3A_250] : memref<2048x1024xf32, #tpu.memory_space<hbm>> -> memref<16x1024xf32, #tpu.memory_space<hbm>>
      %dma_start3A_252 = arith.constant 0 : i32
      %dma_start3A_253 = tpu.memref_slice %arg5[%add3A_156, %dma_start3A_252] : memref<2048x1024xf32, #tpu.memory_space<hbm>> -> memref<16x1024xf32, #tpu.memory_space<hbm>>
      tpu.enqueue_dma source(%arg10 : memref<16x1024xf32, #tpu.memory_space<vmem>>) target(%dma_start3A_253 : memref<16x1024xf32, #tpu.memory_space<hbm>>) target_semaphore(%run_scoped3A_249 : memref<!tpu.dma_semaphore, #tpu.memory_space<semaphore_mem>>)
      %dma_wait3A_254 = arith.constant 0 : i32
      %dma_wait3A_255 = tpu.memref_slice %arg5[%add3A_156, %dma_wait3A_254] : memref<2048x1024xf32, #tpu.memory_space<hbm>> -> memref<16x1024xf32, #tpu.memory_space<hbm>>
      %dma_wait3A_256 = arith.constant 0 : i32
      %dma_wait3A_257 = tpu.memref_slice %arg5[%add3A_156, %dma_wait3A_256] : memref<2048x1024xf32, #tpu.memory_space<hbm>> -> memref<16x1024xf32, #tpu.memory_space<hbm>>
      tpu.wait_dma2 semaphore(%run_scoped3A_249 : memref<!tpu.dma_semaphore, #tpu.memory_space<semaphore_mem>>) src(%arg10 : memref<16x1024xf32, #tpu.memory_space<vmem>>) dst(%dma_wait3A_257 : memref<16x1024xf32, #tpu.memory_space<hbm>>)
      tpu.yield
    }) : () -> ()
    %mul3A_216 = arith.constant 64 : i32
    %mul3A_217 = arith.muli %add3A, %mul3A_216 : i32
    %add3A_218 = arith.constant 48 : i32
    %add3A_219 = arith.addi %mul3A_217, %add3A_218 : i32
    %dma_wait3A_220 = arith.constant 1 : i32
    %dma_wait3A_221 = arith.constant 1 : i32
    %dma_wait3A_222 = arith.constant 0 : i32
    %dma_wait3A_223 = arith.constant 0 : i32
    %dma_wait3A_224 = tpu.memref_slice %arg8[%dma_wait3A_221, %dma_wait3A_222, %dma_wait3A_223] : memref<2x16x1024xf32, #tpu.memory_space<vmem>> -> memref<1x16x1024xf32, #tpu.memory_space<vmem>>
    %dma_wait3A_225 = tpu.memref_squeeze %dma_wait3A_224 : memref<1x16x1024xf32, #tpu.memory_space<vmem>> -> memref<16x1024xf32, #tpu.memory_space<vmem>>
    %dma_wait3A_226 = arith.constant 0 : i32
    %dma_wait3A_227 = tpu.memref_slice %arg6[%dma_wait3A_220, %dma_wait3A_226] : memref<2x16xi32, #tpu.memory_space<vmem>> -> memref<1x16xi32, #tpu.memory_space<vmem>>
    %dma_wait3A_228 = tpu.memref_squeeze %dma_wait3A_227 : memref<1x16xi32, #tpu.memory_space<vmem>> -> memref<16xi32, #tpu.memory_space<vmem>>
    %dma_wait3A_229 = arith.constant 0 : i32
    %dma_wait3A_230 = arith.constant 0 : i32
    %dma_wait3A_231 = tpu.memref_slice %arg2[%dma_wait3A_229, %dma_wait3A_230] : memref<5120x1024xf32, #tpu.memory_space<hbm>> -> memref<5120x1024xf32, #tpu.memory_space<hbm>>
    tpu.wait_indirect_dma semaphore(%arg12 : memref<!tpu.dma_semaphore, #tpu.memory_space<semaphore_mem>>) src(%dma_wait3A_231 : memref<5120x1024xf32, #tpu.memory_space<hbm>>) dst(%dma_wait3A_225 : memref<16x1024xf32, #tpu.memory_space<vmem>>)
    %dma_wait3A_232 = arith.constant 1 : i32
    %dma_wait3A_233 = arith.constant 1 : i32
    %dma_wait3A_234 = arith.constant 0 : i32
    %dma_wait3A_235 = arith.constant 0 : i32
    %dma_wait3A_236 = tpu.memref_slice %arg9[%dma_wait3A_233, %dma_wait3A_234, %dma_wait3A_235] : memref<2x16x1024xf32, #tpu.memory_space<vmem>> -> memref<1x16x1024xf32, #tpu.memory_space<vmem>>
    %dma_wait3A_237 = tpu.memref_squeeze %dma_wait3A_236 : memref<1x16x1024xf32, #tpu.memory_space<vmem>> -> memref<16x1024xf32, #tpu.memory_space<vmem>>
    %dma_wait3A_238 = arith.constant 0 : i32
    %dma_wait3A_239 = tpu.memref_slice %arg7[%dma_wait3A_232, %dma_wait3A_238] : memref<2x16xi32, #tpu.memory_space<vmem>> -> memref<1x16xi32, #tpu.memory_space<vmem>>
    %dma_wait3A_240 = tpu.memref_squeeze %dma_wait3A_239 : memref<1x16xi32, #tpu.memory_space<vmem>> -> memref<16xi32, #tpu.memory_space<vmem>>
    %dma_wait3A_241 = arith.constant 0 : i32
    %dma_wait3A_242 = arith.constant 0 : i32
    %dma_wait3A_243 = tpu.memref_slice %arg2[%dma_wait3A_241, %dma_wait3A_242] : memref<5120x1024xf32, #tpu.memory_space<hbm>> -> memref<5120x1024xf32, #tpu.memory_space<hbm>>
    tpu.wait_indirect_dma semaphore(%arg12 : memref<!tpu.dma_semaphore, #tpu.memory_space<semaphore_mem>>) src(%dma_wait3A_243 : memref<5120x1024xf32, #tpu.memory_space<hbm>>) dst(%dma_wait3A_237 : memref<16x1024xf32, #tpu.memory_space<vmem>>)
    %scan3A_244 = arith.constant 0 : i32
    %scan3A_245 = arith.constant 64 : i32
    %scan3A_246 = arith.addi %scan3A_244, %scan3A_245 : i32
    %scan3A_247 = arith.constant 1 : i32
    scf.for %scan3A_249 = %scan3A_244 to %scan3A_246 step %scan3A_247  : i32 {
      %mul3A_250 = arith.constant 1 : i32
      %mul3A_251 = arith.muli %scan3A_249, %mul3A_250 : i32
      %add3A_252 = arith.constant 0 : i32
      %add3A_253 = arith.addi %add3A_252, %mul3A_251 : i32
      %mul3A_254 = arith.constant 16 : i32
      %mul3A_255 = arith.muli %add3A_253, %mul3A_254 : i32
      %get3A = arith.constant 1 : i32
      %get3A_256 = arith.constant 0 : i32
      %get3A_257 = arith.index_cast %get3A : i32 to index
      %get3A_258 = arith.index_cast %get3A_256 : i32 to index
      %get3A_259 = arith.index_cast %mul3A_255 : i32 to index
      %get3A_260 = tpu.vector_load %arg8[%get3A_257, %get3A_258, %get3A_259] {strides = array<i32>} : memref<2x16x1024xf32, #tpu.memory_space<vmem>>, vector<1x1x16xf32>,
      %get3A_261 = vector.shape_cast %get3A_260 : vector<1x1x16xf32> to vector<16xf32>
      %get3A_262 = arith.constant 1 : i32
      %get3A_263 = arith.constant 0 : i32
      %get3A_264 = arith.index_cast %get3A_262 : i32 to index
      %get3A_265 = arith.index_cast %get3A_263 : i32 to index
      %get3A_266 = arith.index_cast %mul3A_255 : i32 to index
      %get3A_267 = tpu.vector_load %arg9[%get3A_264, %get3A_265, %get3A_266] {strides = array<i32>} : memref<2x16x1024xf32, #tpu.memory_space<vmem>>, vector<1x1x16xf32>,
      %get3A_268 = vector.shape_cast %get3A_267 : vector<1x1x16xf32> to vector<16xf32>
      %add3A_269 = arith.addf %get3A_261, %get3A_268 : vector<16xf32>
      %swap3A = arith.constant 0 : i32
      %swap3A_270 = arith.index_cast %swap3A : i32 to index
      %swap3A_271 = arith.index_cast %mul3A_255 : i32 to index
      %swap3A_272 = tpu.vector_load %arg10[%swap3A_270, %swap3A_271] {strides = array<i32>} : memref<16x1024xf32, #tpu.memory_space<vmem>>, vector<1x16xf32>,
      %swap3A_273 = vector.shape_cast %swap3A_272 : vector<1x16xf32> to vector<16xf32>
      %swap3A_274 = vector.shape_cast %add3A_269 : vector<16xf32> to vector<1x16xf32>
      tpu.vector_store %arg10[%swap3A_270, %swap3A_271], %swap3A_274 {strides = array<i32>} : memref<16x1024xf32, #tpu.memory_space<vmem>>, vector<1x16xf32>,
      %get3A_275 = arith.constant 1 : i32
      %get3A_276 = arith.constant 1 : i32
      %get3A_277 = arith.index_cast %get3A_275 : i32 to index
      %get3A_278 = arith.index_cast %get3A_276 : i32 to index
      %get3A_279 = arith.index_cast %mul3A_255 : i32 to index
      %get3A_280 = tpu.vector_load %arg8[%get3A_277, %get3A_278, %get3A_279] {strides = array<i32>} : memref<2x16x1024xf32, #tpu.memory_space<vmem>>, vector<1x1x16xf32>,
      %get3A_281 = vector.shape_cast %get3A_280 : vector<1x1x16xf32> to vector<16xf32>
      %get3A_282 = arith.constant 1 : i32
      %get3A_283 = arith.constant 1 : i32
      %get3A_284 = arith.index_cast %get3A_282 : i32 to index
      %get3A_285 = arith.index_cast %get3A_283 : i32 to index
      %get3A_286 = arith.index_cast %mul3A_255 : i32 to index
      %get3A_287 = tpu.vector_load %arg9[%get3A_284, %get3A_285, %get3A_286] {strides = array<i32>} : memref<2x16x1024xf32, #tpu.memory_space<vmem>>, vector<1x1x16xf32>,
      %get3A_288 = vector.shape_cast %get3A_287 : vector<1x1x16xf32> to vector<16xf32>
      %add3A_289 = arith.addf %get3A_281, %get3A_288 : vector<16xf32>
      %swap3A_290 = arith.constant 1 : i32
      %swap3A_291 = arith.index_cast %swap3A_290 : i32 to index
      %swap3A_292 = arith.index_cast %mul3A_255 : i32 to index
      %swap3A_293 = tpu.vector_load %arg10[%swap3A_291, %swap3A_292] {strides = array<i32>} : memref<16x1024xf32, #tpu.memory_space<vmem>>, vector<1x16xf32>,
      %swap3A_294 = vector.shape_cast %swap3A_293 : vector<1x16xf32> to vector<16xf32>
      %swap3A_295 = vector.shape_cast %add3A_289 : vector<16xf32> to vector<1x16xf32>
      tpu.vector_store %arg10[%swap3A_291, %swap3A_292], %swap3A_295 {strides = array<i32>} : memref<16x1024xf32, #tpu.memory_space<vmem>>, vector<1x16xf32>,
      %get3A_296 = arith.constant 1 : i32
      %get3A_297 = arith.constant 2 : i32
      %get3A_298 = arith.index_cast %get3A_296 : i32 to index
      %get3A_299 = arith.index_cast %get3A_297 : i32 to index
      %get3A_300 = arith.index_cast %mul3A_255 : i32 to index
      %get3A_301 = tpu.vector_load %arg8[%get3A_298, %get3A_299, %get3A_300] {strides = array<i32>} : memref<2x16x1024xf32, #tpu.memory_space<vmem>>, vector<1x1x16xf32>,
      %get3A_302 = vector.shape_cast %get3A_301 : vector<1x1x16xf32> to vector<16xf32>
      %get3A_303 = arith.constant 1 : i32
      %get3A_304 = arith.constant 2 : i32
      %get3A_305 = arith.index_cast %get3A_303 : i32 to index
      %get3A_306 = arith.index_cast %get3A_304 : i32 to index
      %get3A_307 = arith.index_cast %mul3A_255 : i32 to index
      %get3A_308 = tpu.vector_load %arg9[%get3A_305, %get3A_306, %get3A_307] {strides = array<i32>} : memref<2x16x1024xf32, #tpu.memory_space<vmem>>, vector<1x1x16xf32>,
      %get3A_309 = vector.shape_cast %get3A_308 : vector<1x1x16xf32> to vector<16xf32>
      %add3A_310 = arith.addf %get3A_302, %get3A_309 : vector<16xf32>
      %swap3A_311 = arith.constant 2 : i32
      %swap3A_312 = arith.index_cast %swap3A_311 : i32 to index
      %swap3A_313 = arith.index_cast %mul3A_255 : i32 to index
      %swap3A_314 = tpu.vector_load %arg10[%swap3A_312, %swap3A_313] {strides = array<i32>} : memref<16x1024xf32, #tpu.memory_space<vmem>>, vector<1x16xf32>,
      %swap3A_315 = vector.shape_cast %swap3A_314 : vector<1x16xf32> to vector<16xf32>
      %swap3A_316 = vector.shape_cast %add3A_310 : vector<16xf32> to vector<1x16xf32>
      tpu.vector_store %arg10[%swap3A_312, %swap3A_313], %swap3A_316 {strides = array<i32>} : memref<16x1024xf32, #tpu.memory_space<vmem>>, vector<1x16xf32>,
      %get3A_317 = arith.constant 1 : i32
      %get3A_318 = arith.constant 3 : i32
      %get3A_319 = arith.index_cast %get3A_317 : i32 to index
      %get3A_320 = arith.index_cast %get3A_318 : i32 to index
      %get3A_321 = arith.index_cast %mul3A_255 : i32 to index
      %get3A_322 = tpu.vector_load %arg8[%get3A_319, %get3A_320, %get3A_321] {strides = array<i32>} : memref<2x16x1024xf32, #tpu.memory_space<vmem>>, vector<1x1x16xf32>,
      %get3A_323 = vector.shape_cast %get3A_322 : vector<1x1x16xf32> to vector<16xf32>
      %get3A_324 = arith.constant 1 : i32
      %get3A_325 = arith.constant 3 : i32
      %get3A_326 = arith.index_cast %get3A_324 : i32 to index
      %get3A_327 = arith.index_cast %get3A_325 : i32 to index
      %get3A_328 = arith.index_cast %mul3A_255 : i32 to index
      %get3A_329 = tpu.vector_load %arg9[%get3A_326, %get3A_327, %get3A_328] {strides = array<i32>} : memref<2x16x1024xf32, #tpu.memory_space<vmem>>, vector<1x1x16xf32>,
      %get3A_330 = vector.shape_cast %get3A_329 : vector<1x1x16xf32> to vector<16xf32>
      %add3A_331 = arith.addf %get3A_323, %get3A_330 : vector<16xf32>
      %swap3A_332 = arith.constant 3 : i32
      %swap3A_333 = arith.index_cast %swap3A_332 : i32 to index
      %swap3A_334 = arith.index_cast %mul3A_255 : i32 to index
      %swap3A_335 = tpu.vector_load %arg10[%swap3A_333, %swap3A_334] {strides = array<i32>} : memref<16x1024xf32, #tpu.memory_space<vmem>>, vector<1x16xf32>,
      %swap3A_336 = vector.shape_cast %swap3A_335 : vector<1x16xf32> to vector<16xf32>
      %swap3A_337 = vector.shape_cast %add3A_331 : vector<16xf32> to vector<1x16xf32>
      tpu.vector_store %arg10[%swap3A_333, %swap3A_334], %swap3A_337 {strides = array<i32>} : memref<16x1024xf32, #tpu.memory_space<vmem>>, vector<1x16xf32>,
      %get3A_338 = arith.constant 1 : i32
      %get3A_339 = arith.constant 4 : i32
      %get3A_340 = arith.index_cast %get3A_338 : i32 to index
      %get3A_341 = arith.index_cast %get3A_339 : i32 to index
      %get3A_342 = arith.index_cast %mul3A_255 : i32 to index
      %get3A_343 = tpu.vector_load %arg8[%get3A_340, %get3A_341, %get3A_342] {strides = array<i32>} : memref<2x16x1024xf32, #tpu.memory_space<vmem>>, vector<1x1x16xf32>,
      %get3A_344 = vector.shape_cast %get3A_343 : vector<1x1x16xf32> to vector<16xf32>
      %get3A_345 = arith.constant 1 : i32
      %get3A_346 = arith.constant 4 : i32
      %get3A_347 = arith.index_cast %get3A_345 : i32 to index
      %get3A_348 = arith.index_cast %get3A_346 : i32 to index
      %get3A_349 = arith.index_cast %mul3A_255 : i32 to index
      %get3A_350 = tpu.vector_load %arg9[%get3A_347, %get3A_348, %get3A_349] {strides = array<i32>} : memref<2x16x1024xf32, #tpu.memory_space<vmem>>, vector<1x1x16xf32>,
      %get3A_351 = vector.shape_cast %get3A_350 : vector<1x1x16xf32> to vector<16xf32>
      %add3A_352 = arith.addf %get3A_344, %get3A_351 : vector<16xf32>
      %swap3A_353 = arith.constant 4 : i32
      %swap3A_354 = arith.index_cast %swap3A_353 : i32 to index
      %swap3A_355 = arith.index_cast %mul3A_255 : i32 to index
      %swap3A_356 = tpu.vector_load %arg10[%swap3A_354, %swap3A_355] {strides = array<i32>} : memref<16x1024xf32, #tpu.memory_space<vmem>>, vector<1x16xf32>,
      %swap3A_357 = vector.shape_cast %swap3A_356 : vector<1x16xf32> to vector<16xf32>
      %swap3A_358 = vector.shape_cast %add3A_352 : vector<16xf32> to vector<1x16xf32>
      tpu.vector_store %arg10[%swap3A_354, %swap3A_355], %swap3A_358 {strides = array<i32>} : memref<16x1024xf32, #tpu.memory_space<vmem>>, vector<1x16xf32>,
      %get3A_359 = arith.constant 1 : i32
      %get3A_360 = arith.constant 5 : i32
      %get3A_361 = arith.index_cast %get3A_359 : i32 to index
      %get3A_362 = arith.index_cast %get3A_360 : i32 to index
      %get3A_363 = arith.index_cast %mul3A_255 : i32 to index
      %get3A_364 = tpu.vector_load %arg8[%get3A_361, %get3A_362, %get3A_363] {strides = array<i32>} : memref<2x16x1024xf32, #tpu.memory_space<vmem>>, vector<1x1x16xf32>,
      %get3A_365 = vector.shape_cast %get3A_364 : vector<1x1x16xf32> to vector<16xf32>
      %get3A_366 = arith.constant 1 : i32
      %get3A_367 = arith.constant 5 : i32
      %get3A_368 = arith.index_cast %get3A_366 : i32 to index
      %get3A_369 = arith.index_cast %get3A_367 : i32 to index
      %get3A_370 = arith.index_cast %mul3A_255 : i32 to index
      %get3A_371 = tpu.vector_load %arg9[%get3A_368, %get3A_369, %get3A_370] {strides = array<i32>} : memref<2x16x1024xf32, #tpu.memory_space<vmem>>, vector<1x1x16xf32>,
      %get3A_372 = vector.shape_cast %get3A_371 : vector<1x1x16xf32> to vector<16xf32>
      %add3A_373 = arith.addf %get3A_365, %get3A_372 : vector<16xf32>
      %swap3A_374 = arith.constant 5 : i32
      %swap3A_375 = arith.index_cast %swap3A_374 : i32 to index
      %swap3A_376 = arith.index_cast %mul3A_255 : i32 to index
      %swap3A_377 = tpu.vector_load %arg10[%swap3A_375, %swap3A_376] {strides = array<i32>} : memref<16x1024xf32, #tpu.memory_space<vmem>>, vector<1x16xf32>,
      %swap3A_378 = vector.shape_cast %swap3A_377 : vector<1x16xf32> to vector<16xf32>
      %swap3A_379 = vector.shape_cast %add3A_373 : vector<16xf32> to vector<1x16xf32>
      tpu.vector_store %arg10[%swap3A_375, %swap3A_376], %swap3A_379 {strides = array<i32>} : memref<16x1024xf32, #tpu.memory_space<vmem>>, vector<1x16xf32>,
      %get3A_380 = arith.constant 1 : i32
      %get3A_381 = arith.constant 6 : i32
      %get3A_382 = arith.index_cast %get3A_380 : i32 to index
      %get3A_383 = arith.index_cast %get3A_381 : i32 to index
      %get3A_384 = arith.index_cast %mul3A_255 : i32 to index
      %get3A_385 = tpu.vector_load %arg8[%get3A_382, %get3A_383, %get3A_384] {strides = array<i32>} : memref<2x16x1024xf32, #tpu.memory_space<vmem>>, vector<1x1x16xf32>,
      %get3A_386 = vector.shape_cast %get3A_385 : vector<1x1x16xf32> to vector<16xf32>
      %get3A_387 = arith.constant 1 : i32
      %get3A_388 = arith.constant 6 : i32
      %get3A_389 = arith.index_cast %get3A_387 : i32 to index
      %get3A_390 = arith.index_cast %get3A_388 : i32 to index
      %get3A_391 = arith.index_cast %mul3A_255 : i32 to index
      %get3A_392 = tpu.vector_load %arg9[%get3A_389, %get3A_390, %get3A_391] {strides = array<i32>} : memref<2x16x1024xf32, #tpu.memory_space<vmem>>, vector<1x1x16xf32>,
      %get3A_393 = vector.shape_cast %get3A_392 : vector<1x1x16xf32> to vector<16xf32>
      %add3A_394 = arith.addf %get3A_386, %get3A_393 : vector<16xf32>
      %swap3A_395 = arith.constant 6 : i32
      %swap3A_396 = arith.index_cast %swap3A_395 : i32 to index
      %swap3A_397 = arith.index_cast %mul3A_255 : i32 to index
      %swap3A_398 = tpu.vector_load %arg10[%swap3A_396, %swap3A_397] {strides = array<i32>} : memref<16x1024xf32, #tpu.memory_space<vmem>>, vector<1x16xf32>,
      %swap3A_399 = vector.shape_cast %swap3A_398 : vector<1x16xf32> to vector<16xf32>
      %swap3A_400 = vector.shape_cast %add3A_394 : vector<16xf32> to vector<1x16xf32>
      tpu.vector_store %arg10[%swap3A_396, %swap3A_397], %swap3A_400 {strides = array<i32>} : memref<16x1024xf32, #tpu.memory_space<vmem>>, vector<1x16xf32>,
      %get3A_401 = arith.constant 1 : i32
      %get3A_402 = arith.constant 7 : i32
      %get3A_403 = arith.index_cast %get3A_401 : i32 to index
      %get3A_404 = arith.index_cast %get3A_402 : i32 to index
      %get3A_405 = arith.index_cast %mul3A_255 : i32 to index
      %get3A_406 = tpu.vector_load %arg8[%get3A_403, %get3A_404, %get3A_405] {strides = array<i32>} : memref<2x16x1024xf32, #tpu.memory_space<vmem>>, vector<1x1x16xf32>,
      %get3A_407 = vector.shape_cast %get3A_406 : vector<1x1x16xf32> to vector<16xf32>
      %get3A_408 = arith.constant 1 : i32
      %get3A_409 = arith.constant 7 : i32
      %get3A_410 = arith.index_cast %get3A_408 : i32 to index
      %get3A_411 = arith.index_cast %get3A_409 : i32 to index
      %get3A_412 = arith.index_cast %mul3A_255 : i32 to index
      %get3A_413 = tpu.vector_load %arg9[%get3A_410, %get3A_411, %get3A_412] {strides = array<i32>} : memref<2x16x1024xf32, #tpu.memory_space<vmem>>, vector<1x1x16xf32>,
      %get3A_414 = vector.shape_cast %get3A_413 : vector<1x1x16xf32> to vector<16xf32>
      %add3A_415 = arith.addf %get3A_407, %get3A_414 : vector<16xf32>
      %swap3A_416 = arith.constant 7 : i32
      %swap3A_417 = arith.index_cast %swap3A_416 : i32 to index
      %swap3A_418 = arith.index_cast %mul3A_255 : i32 to index
      %swap3A_419 = tpu.vector_load %arg10[%swap3A_417, %swap3A_418] {strides = array<i32>} : memref<16x1024xf32, #tpu.memory_space<vmem>>, vector<1x16xf32>,
      %swap3A_420 = vector.shape_cast %swap3A_419 : vector<1x16xf32> to vector<16xf32>
      %swap3A_421 = vector.shape_cast %add3A_415 : vector<16xf32> to vector<1x16xf32>
      tpu.vector_store %arg10[%swap3A_417, %swap3A_418], %swap3A_421 {strides = array<i32>} : memref<16x1024xf32, #tpu.memory_space<vmem>>, vector<1x16xf32>,
      %get3A_422 = arith.constant 1 : i32
      %get3A_423 = arith.constant 8 : i32
      %get3A_424 = arith.index_cast %get3A_422 : i32 to index
      %get3A_425 = arith.index_cast %get3A_423 : i32 to index
      %get3A_426 = arith.index_cast %mul3A_255 : i32 to index
      %get3A_427 = tpu.vector_load %arg8[%get3A_424, %get3A_425, %get3A_426] {strides = array<i32>} : memref<2x16x1024xf32, #tpu.memory_space<vmem>>, vector<1x1x16xf32>,
      %get3A_428 = vector.shape_cast %get3A_427 : vector<1x1x16xf32> to vector<16xf32>
      %get3A_429 = arith.constant 1 : i32
      %get3A_430 = arith.constant 8 : i32
      %get3A_431 = arith.index_cast %get3A_429 : i32 to index
      %get3A_432 = arith.index_cast %get3A_430 : i32 to index
      %get3A_433 = arith.index_cast %mul3A_255 : i32 to index
      %get3A_434 = tpu.vector_load %arg9[%get3A_431, %get3A_432, %get3A_433] {strides = array<i32>} : memref<2x16x1024xf32, #tpu.memory_space<vmem>>, vector<1x1x16xf32>,
      %get3A_435 = vector.shape_cast %get3A_434 : vector<1x1x16xf32> to vector<16xf32>
      %add3A_436 = arith.addf %get3A_428, %get3A_435 : vector<16xf32>
      %swap3A_437 = arith.constant 8 : i32
      %swap3A_438 = arith.index_cast %swap3A_437 : i32 to index
      %swap3A_439 = arith.index_cast %mul3A_255 : i32 to index
      %swap3A_440 = tpu.vector_load %arg10[%swap3A_438, %swap3A_439] {strides = array<i32>} : memref<16x1024xf32, #tpu.memory_space<vmem>>, vector<1x16xf32>,
      %swap3A_441 = vector.shape_cast %swap3A_440 : vector<1x16xf32> to vector<16xf32>
      %swap3A_442 = vector.shape_cast %add3A_436 : vector<16xf32> to vector<1x16xf32>
      tpu.vector_store %arg10[%swap3A_438, %swap3A_439], %swap3A_442 {strides = array<i32>} : memref<16x1024xf32, #tpu.memory_space<vmem>>, vector<1x16xf32>,
      %get3A_443 = arith.constant 1 : i32
      %get3A_444 = arith.constant 9 : i32
      %get3A_445 = arith.index_cast %get3A_443 : i32 to index
      %get3A_446 = arith.index_cast %get3A_444 : i32 to index
      %get3A_447 = arith.index_cast %mul3A_255 : i32 to index
      %get3A_448 = tpu.vector_load %arg8[%get3A_445, %get3A_446, %get3A_447] {strides = array<i32>} : memref<2x16x1024xf32, #tpu.memory_space<vmem>>, vector<1x1x16xf32>,
      %get3A_449 = vector.shape_cast %get3A_448 : vector<1x1x16xf32> to vector<16xf32>
      %get3A_450 = arith.constant 1 : i32
      %get3A_451 = arith.constant 9 : i32
      %get3A_452 = arith.index_cast %get3A_450 : i32 to index
      %get3A_453 = arith.index_cast %get3A_451 : i32 to index
      %get3A_454 = arith.index_cast %mul3A_255 : i32 to index
      %get3A_455 = tpu.vector_load %arg9[%get3A_452, %get3A_453, %get3A_454] {strides = array<i32>} : memref<2x16x1024xf32, #tpu.memory_space<vmem>>, vector<1x1x16xf32>,
      %get3A_456 = vector.shape_cast %get3A_455 : vector<1x1x16xf32> to vector<16xf32>
      %add3A_457 = arith.addf %get3A_449, %get3A_456 : vector<16xf32>
      %swap3A_458 = arith.constant 9 : i32
      %swap3A_459 = arith.index_cast %swap3A_458 : i32 to index
      %swap3A_460 = arith.index_cast %mul3A_255 : i32 to index
      %swap3A_461 = tpu.vector_load %arg10[%swap3A_459, %swap3A_460] {strides = array<i32>} : memref<16x1024xf32, #tpu.memory_space<vmem>>, vector<1x16xf32>,
      %swap3A_462 = vector.shape_cast %swap3A_461 : vector<1x16xf32> to vector<16xf32>
      %swap3A_463 = vector.shape_cast %add3A_457 : vector<16xf32> to vector<1x16xf32>
      tpu.vector_store %arg10[%swap3A_459, %swap3A_460], %swap3A_463 {strides = array<i32>} : memref<16x1024xf32, #tpu.memory_space<vmem>>, vector<1x16xf32>,
      %get3A_464 = arith.constant 1 : i32
      %get3A_465 = arith.constant 10 : i32
      %get3A_466 = arith.index_cast %get3A_464 : i32 to index
      %get3A_467 = arith.index_cast %get3A_465 : i32 to index
      %get3A_468 = arith.index_cast %mul3A_255 : i32 to index
      %get3A_469 = tpu.vector_load %arg8[%get3A_466, %get3A_467, %get3A_468] {strides = array<i32>} : memref<2x16x1024xf32, #tpu.memory_space<vmem>>, vector<1x1x16xf32>,
      %get3A_470 = vector.shape_cast %get3A_469 : vector<1x1x16xf32> to vector<16xf32>
      %get3A_471 = arith.constant 1 : i32
      %get3A_472 = arith.constant 10 : i32
      %get3A_473 = arith.index_cast %get3A_471 : i32 to index
      %get3A_474 = arith.index_cast %get3A_472 : i32 to index
      %get3A_475 = arith.index_cast %mul3A_255 : i32 to index
      %get3A_476 = tpu.vector_load %arg9[%get3A_473, %get3A_474, %get3A_475] {strides = array<i32>} : memref<2x16x1024xf32, #tpu.memory_space<vmem>>, vector<1x1x16xf32>,
      %get3A_477 = vector.shape_cast %get3A_476 : vector<1x1x16xf32> to vector<16xf32>
      %add3A_478 = arith.addf %get3A_470, %get3A_477 : vector<16xf32>
      %swap3A_479 = arith.constant 10 : i32
      %swap3A_480 = arith.index_cast %swap3A_479 : i32 to index
      %swap3A_481 = arith.index_cast %mul3A_255 : i32 to index
      %swap3A_482 = tpu.vector_load %arg10[%swap3A_480, %swap3A_481] {strides = array<i32>} : memref<16x1024xf32, #tpu.memory_space<vmem>>, vector<1x16xf32>,
      %swap3A_483 = vector.shape_cast %swap3A_482 : vector<1x16xf32> to vector<16xf32>
      %swap3A_484 = vector.shape_cast %add3A_478 : vector<16xf32> to vector<1x16xf32>
      tpu.vector_store %arg10[%swap3A_480, %swap3A_481], %swap3A_484 {strides = array<i32>} : memref<16x1024xf32, #tpu.memory_space<vmem>>, vector<1x16xf32>,
      %get3A_485 = arith.constant 1 : i32
      %get3A_486 = arith.constant 11 : i32
      %get3A_487 = arith.index_cast %get3A_485 : i32 to index
      %get3A_488 = arith.index_cast %get3A_486 : i32 to index
      %get3A_489 = arith.index_cast %mul3A_255 : i32 to index
      %get3A_490 = tpu.vector_load %arg8[%get3A_487, %get3A_488, %get3A_489] {strides = array<i32>} : memref<2x16x1024xf32, #tpu.memory_space<vmem>>, vector<1x1x16xf32>,
      %get3A_491 = vector.shape_cast %get3A_490 : vector<1x1x16xf32> to vector<16xf32>
      %get3A_492 = arith.constant 1 : i32
      %get3A_493 = arith.constant 11 : i32
      %get3A_494 = arith.index_cast %get3A_492 : i32 to index
      %get3A_495 = arith.index_cast %get3A_493 : i32 to index
      %get3A_496 = arith.index_cast %mul3A_255 : i32 to index
      %get3A_497 = tpu.vector_load %arg9[%get3A_494, %get3A_495, %get3A_496] {strides = array<i32>} : memref<2x16x1024xf32, #tpu.memory_space<vmem>>, vector<1x1x16xf32>,
      %get3A_498 = vector.shape_cast %get3A_497 : vector<1x1x16xf32> to vector<16xf32>
      %add3A_499 = arith.addf %get3A_491, %get3A_498 : vector<16xf32>
      %swap3A_500 = arith.constant 11 : i32
      %swap3A_501 = arith.index_cast %swap3A_500 : i32 to index
      %swap3A_502 = arith.index_cast %mul3A_255 : i32 to index
      %swap3A_503 = tpu.vector_load %arg10[%swap3A_501, %swap3A_502] {strides = array<i32>} : memref<16x1024xf32, #tpu.memory_space<vmem>>, vector<1x16xf32>,
      %swap3A_504 = vector.shape_cast %swap3A_503 : vector<1x16xf32> to vector<16xf32>
      %swap3A_505 = vector.shape_cast %add3A_499 : vector<16xf32> to vector<1x16xf32>
      tpu.vector_store %arg10[%swap3A_501, %swap3A_502], %swap3A_505 {strides = array<i32>} : memref<16x1024xf32, #tpu.memory_space<vmem>>, vector<1x16xf32>,
      %get3A_506 = arith.constant 1 : i32
      %get3A_507 = arith.constant 12 : i32
      %get3A_508 = arith.index_cast %get3A_506 : i32 to index
      %get3A_509 = arith.index_cast %get3A_507 : i32 to index
      %get3A_510 = arith.index_cast %mul3A_255 : i32 to index
      %get3A_511 = tpu.vector_load %arg8[%get3A_508, %get3A_509, %get3A_510] {strides = array<i32>} : memref<2x16x1024xf32, #tpu.memory_space<vmem>>, vector<1x1x16xf32>,
      %get3A_512 = vector.shape_cast %get3A_511 : vector<1x1x16xf32> to vector<16xf32>
      %get3A_513 = arith.constant 1 : i32
      %get3A_514 = arith.constant 12 : i32
      %get3A_515 = arith.index_cast %get3A_513 : i32 to index
      %get3A_516 = arith.index_cast %get3A_514 : i32 to index
      %get3A_517 = arith.index_cast %mul3A_255 : i32 to index
      %get3A_518 = tpu.vector_load %arg9[%get3A_515, %get3A_516, %get3A_517] {strides = array<i32>} : memref<2x16x1024xf32, #tpu.memory_space<vmem>>, vector<1x1x16xf32>,
      %get3A_519 = vector.shape_cast %get3A_518 : vector<1x1x16xf32> to vector<16xf32>
      %add3A_520 = arith.addf %get3A_512, %get3A_519 : vector<16xf32>
      %swap3A_521 = arith.constant 12 : i32
      %swap3A_522 = arith.index_cast %swap3A_521 : i32 to index
      %swap3A_523 = arith.index_cast %mul3A_255 : i32 to index
      %swap3A_524 = tpu.vector_load %arg10[%swap3A_522, %swap3A_523] {strides = array<i32>} : memref<16x1024xf32, #tpu.memory_space<vmem>>, vector<1x16xf32>,
      %swap3A_525 = vector.shape_cast %swap3A_524 : vector<1x16xf32> to vector<16xf32>
      %swap3A_526 = vector.shape_cast %add3A_520 : vector<16xf32> to vector<1x16xf32>
      tpu.vector_store %arg10[%swap3A_522, %swap3A_523], %swap3A_526 {strides = array<i32>} : memref<16x1024xf32, #tpu.memory_space<vmem>>, vector<1x16xf32>,
      %get3A_527 = arith.constant 1 : i32
      %get3A_528 = arith.constant 13 : i32
      %get3A_529 = arith.index_cast %get3A_527 : i32 to index
      %get3A_530 = arith.index_cast %get3A_528 : i32 to index
      %get3A_531 = arith.index_cast %mul3A_255 : i32 to index
      %get3A_532 = tpu.vector_load %arg8[%get3A_529, %get3A_530, %get3A_531] {strides = array<i32>} : memref<2x16x1024xf32, #tpu.memory_space<vmem>>, vector<1x1x16xf32>,
      %get3A_533 = vector.shape_cast %get3A_532 : vector<1x1x16xf32> to vector<16xf32>
      %get3A_534 = arith.constant 1 : i32
      %get3A_535 = arith.constant 13 : i32
      %get3A_536 = arith.index_cast %get3A_534 : i32 to index
      %get3A_537 = arith.index_cast %get3A_535 : i32 to index
      %get3A_538 = arith.index_cast %mul3A_255 : i32 to index
      %get3A_539 = tpu.vector_load %arg9[%get3A_536, %get3A_537, %get3A_538] {strides = array<i32>} : memref<2x16x1024xf32, #tpu.memory_space<vmem>>, vector<1x1x16xf32>,
      %get3A_540 = vector.shape_cast %get3A_539 : vector<1x1x16xf32> to vector<16xf32>
      %add3A_541 = arith.addf %get3A_533, %get3A_540 : vector<16xf32>
      %swap3A_542 = arith.constant 13 : i32
      %swap3A_543 = arith.index_cast %swap3A_542 : i32 to index
      %swap3A_544 = arith.index_cast %mul3A_255 : i32 to index
      %swap3A_545 = tpu.vector_load %arg10[%swap3A_543, %swap3A_544] {strides = array<i32>} : memref<16x1024xf32, #tpu.memory_space<vmem>>, vector<1x16xf32>,
      %swap3A_546 = vector.shape_cast %swap3A_545 : vector<1x16xf32> to vector<16xf32>
      %swap3A_547 = vector.shape_cast %add3A_541 : vector<16xf32> to vector<1x16xf32>
      tpu.vector_store %arg10[%swap3A_543, %swap3A_544], %swap3A_547 {strides = array<i32>} : memref<16x1024xf32, #tpu.memory_space<vmem>>, vector<1x16xf32>,
      %get3A_548 = arith.constant 1 : i32
      %get3A_549 = arith.constant 14 : i32
      %get3A_550 = arith.index_cast %get3A_548 : i32 to index
      %get3A_551 = arith.index_cast %get3A_549 : i32 to index
      %get3A_552 = arith.index_cast %mul3A_255 : i32 to index
      %get3A_553 = tpu.vector_load %arg8[%get3A_550, %get3A_551, %get3A_552] {strides = array<i32>} : memref<2x16x1024xf32, #tpu.memory_space<vmem>>, vector<1x1x16xf32>,
      %get3A_554 = vector.shape_cast %get3A_553 : vector<1x1x16xf32> to vector<16xf32>
      %get3A_555 = arith.constant 1 : i32
      %get3A_556 = arith.constant 14 : i32
      %get3A_557 = arith.index_cast %get3A_555 : i32 to index
      %get3A_558 = arith.index_cast %get3A_556 : i32 to index
      %get3A_559 = arith.index_cast %mul3A_255 : i32 to index
      %get3A_560 = tpu.vector_load %arg9[%get3A_557, %get3A_558, %get3A_559] {strides = array<i32>} : memref<2x16x1024xf32, #tpu.memory_space<vmem>>, vector<1x1x16xf32>,
      %get3A_561 = vector.shape_cast %get3A_560 : vector<1x1x16xf32> to vector<16xf32>
      %add3A_562 = arith.addf %get3A_554, %get3A_561 : vector<16xf32>
      %swap3A_563 = arith.constant 14 : i32
      %swap3A_564 = arith.index_cast %swap3A_563 : i32 to index
      %swap3A_565 = arith.index_cast %mul3A_255 : i32 to index
      %swap3A_566 = tpu.vector_load %arg10[%swap3A_564, %swap3A_565] {strides = array<i32>} : memref<16x1024xf32, #tpu.memory_space<vmem>>, vector<1x16xf32>,
      %swap3A_567 = vector.shape_cast %swap3A_566 : vector<1x16xf32> to vector<16xf32>
      %swap3A_568 = vector.shape_cast %add3A_562 : vector<16xf32> to vector<1x16xf32>
      tpu.vector_store %arg10[%swap3A_564, %swap3A_565], %swap3A_568 {strides = array<i32>} : memref<16x1024xf32, #tpu.memory_space<vmem>>, vector<1x16xf32>,
      %get3A_569 = arith.constant 1 : i32
      %get3A_570 = arith.constant 15 : i32
      %get3A_571 = arith.index_cast %get3A_569 : i32 to index
      %get3A_572 = arith.index_cast %get3A_570 : i32 to index
      %get3A_573 = arith.index_cast %mul3A_255 : i32 to index
      %get3A_574 = tpu.vector_load %arg8[%get3A_571, %get3A_572, %get3A_573] {strides = array<i32>} : memref<2x16x1024xf32, #tpu.memory_space<vmem>>, vector<1x1x16xf32>,
      %get3A_575 = vector.shape_cast %get3A_574 : vector<1x1x16xf32> to vector<16xf32>
      %get3A_576 = arith.constant 1 : i32
      %get3A_577 = arith.constant 15 : i32
      %get3A_578 = arith.index_cast %get3A_576 : i32 to index
      %get3A_579 = arith.index_cast %get3A_577 : i32 to index
      %get3A_580 = arith.index_cast %mul3A_255 : i32 to index
      %get3A_581 = tpu.vector_load %arg9[%get3A_578, %get3A_579, %get3A_580] {strides = array<i32>} : memref<2x16x1024xf32, #tpu.memory_space<vmem>>, vector<1x1x16xf32>,
      %get3A_582 = vector.shape_cast %get3A_581 : vector<1x1x16xf32> to vector<16xf32>
      %add3A_583 = arith.addf %get3A_575, %get3A_582 : vector<16xf32>
      %swap3A_584 = arith.constant 15 : i32
      %swap3A_585 = arith.index_cast %swap3A_584 : i32 to index
      %swap3A_586 = arith.index_cast %mul3A_255 : i32 to index
      %swap3A_587 = tpu.vector_load %arg10[%swap3A_585, %swap3A_586] {strides = array<i32>} : memref<16x1024xf32, #tpu.memory_space<vmem>>, vector<1x16xf32>,
      %swap3A_588 = vector.shape_cast %swap3A_587 : vector<1x16xf32> to vector<16xf32>
      %swap3A_589 = vector.shape_cast %add3A_583 : vector<16xf32> to vector<1x16xf32>
      tpu.vector_store %arg10[%swap3A_585, %swap3A_586], %swap3A_589 {strides = array<i32>} : memref<16x1024xf32, #tpu.memory_space<vmem>>, vector<1x16xf32>,
    }
    %scan3A_248 = arith.constant 64 : i32
    "tpu.region"() ({
      %run_scoped3A_249 = tpu.sem_alloc : memref<!tpu.dma_semaphore, #tpu.memory_space<semaphore_mem>>
      %dma_start3A_250 = arith.constant 0 : i32
      %dma_start3A_251 = tpu.memref_slice %arg5[%add3A_219, %dma_start3A_250] : memref<2048x1024xf32, #tpu.memory_space<hbm>> -> memref<16x1024xf32, #tpu.memory_space<hbm>>
      %dma_start3A_252 = arith.constant 0 : i32
      %dma_start3A_253 = tpu.memref_slice %arg5[%add3A_219, %dma_start3A_252] : memref<2048x1024xf32, #tpu.memory_space<hbm>> -> memref<16x1024xf32, #tpu.memory_space<hbm>>
      tpu.enqueue_dma source(%arg10 : memref<16x1024xf32, #tpu.memory_space<vmem>>) target(%dma_start3A_253 : memref<16x1024xf32, #tpu.memory_space<hbm>>) target_semaphore(%run_scoped3A_249 : memref<!tpu.dma_semaphore, #tpu.memory_space<semaphore_mem>>)
      %dma_wait3A_254 = arith.constant 0 : i32
      %dma_wait3A_255 = tpu.memref_slice %arg5[%add3A_219, %dma_wait3A_254] : memref<2048x1024xf32, #tpu.memory_space<hbm>> -> memref<16x1024xf32, #tpu.memory_space<hbm>>
      %dma_wait3A_256 = arith.constant 0 : i32
      %dma_wait3A_257 = tpu.memref_slice %arg5[%add3A_219, %dma_wait3A_256] : memref<2048x1024xf32, #tpu.memory_space<hbm>> -> memref<16x1024xf32, #tpu.memory_space<hbm>>
      tpu.wait_dma2 semaphore(%run_scoped3A_249 : memref<!tpu.dma_semaphore, #tpu.memory_space<semaphore_mem>>) src(%arg10 : memref<16x1024xf32, #tpu.memory_space<vmem>>) dst(%dma_wait3A_257 : memref<16x1024xf32, #tpu.memory_space<hbm>>)
      tpu.yield
    }) : () -> ()
    return
  }
}

#map = affine_map<(d0, d1) -> (0, 0)>
#map1 = affine_map<(d0, d1) -> (0)>
module attributes {stable_mosaic.version = 14 : i64} {
  func.func @dispatch_k(%arg0: i32, %arg1: i32, %arg2: memref<2048x1024xf32, #tpu.memory_space<hbm>>, %arg3: memref<2048xi32, #tpu.memory_space<hbm>>, %arg4: memref<2048xi32, #tpu.memory_space<hbm>>, %arg5: memref<2048x128xf32, #tpu.memory_space<hbm>>, %arg6: memref<2048x128xf32, #tpu.memory_space<hbm>>, %arg7: memref<5120x1024xf32, #tpu.memory_space<hbm>>, %arg8: memref<5120x128xf32, #tpu.memory_space<hbm>>, %arg9: memref<64xi32, #tpu.memory_space<vmem>>, %arg10: memref<64xi32, #tpu.memory_space<vmem>>, %arg11: memref<64x1024xf32, #tpu.memory_space<vmem>>, %arg12: memref<64x128xf32, #tpu.memory_space<vmem>>, %arg13: memref<64x128xf32, #tpu.memory_space<vmem>>, %arg14: memref<!tpu.dma_semaphore, #tpu.memory_space<semaphore_mem>>, %arg15: memref<!tpu.dma_semaphore, #tpu.memory_space<semaphore_mem>>) attributes {dimension_semantics = [#tpu.dimension_semantics<core_parallel>, #tpu.dimension_semantics<subcore_parallel>], iteration_bounds = array<i64: 2, 16>, scalar_prefetch = 0 : i64, scratch_operands = 7 : i64, tpu.core_type = #tpu.core_type<sc_vector_subcore>, window_params = [{transform_indices = #map}, {transform_indices = #map1}, {transform_indices = #map1}, {transform_indices = #map}, {transform_indices = #map}, {transform_indices = #map}, {transform_indices = #map}]} {
    %mul3A = arith.constant 2 : i32
    %mul3A_0 = arith.muli %arg1, %mul3A : i32
    %add3A = arith.addi %mul3A_0, %arg0 : i32
    %mul3A_1 = arith.constant 64 : i32
    %mul3A_2 = arith.muli %add3A, %mul3A_1 : i32
    "tpu.region"() ({
      %run_scoped3A = tpu.sem_alloc : memref<!tpu.dma_semaphore, #tpu.memory_space<semaphore_mem>>
      %dma_start3A_25 = tpu.memref_slice %arg3[%mul3A_2] : memref<2048xi32, #tpu.memory_space<hbm>> -> memref<64xi32, #tpu.memory_space<hbm>>
      %dma_start3A_26 = tpu.memref_slice %arg3[%mul3A_2] : memref<2048xi32, #tpu.memory_space<hbm>> -> memref<64xi32, #tpu.memory_space<hbm>>
      tpu.enqueue_dma source(%dma_start3A_26 : memref<64xi32, #tpu.memory_space<hbm>>) target(%arg9 : memref<64xi32, #tpu.memory_space<vmem>>) target_semaphore(%run_scoped3A : memref<!tpu.dma_semaphore, #tpu.memory_space<semaphore_mem>>)
      %dma_wait3A_27 = tpu.memref_slice %arg3[%mul3A_2] : memref<2048xi32, #tpu.memory_space<hbm>> -> memref<64xi32, #tpu.memory_space<hbm>>
      %dma_wait3A_28 = tpu.memref_slice %arg3[%mul3A_2] : memref<2048xi32, #tpu.memory_space<hbm>> -> memref<64xi32, #tpu.memory_space<hbm>>
      tpu.wait_dma2 semaphore(%run_scoped3A : memref<!tpu.dma_semaphore, #tpu.memory_space<semaphore_mem>>) src(%dma_wait3A_28 : memref<64xi32, #tpu.memory_space<hbm>>) dst(%arg9 : memref<64xi32, #tpu.memory_space<vmem>>)
      tpu.yield
    }) : () -> ()
    "tpu.region"() ({
      %run_scoped3A = tpu.sem_alloc : memref<!tpu.dma_semaphore, #tpu.memory_space<semaphore_mem>>
      %dma_start3A_25 = tpu.memref_slice %arg4[%mul3A_2] : memref<2048xi32, #tpu.memory_space<hbm>> -> memref<64xi32, #tpu.memory_space<hbm>>
      %dma_start3A_26 = tpu.memref_slice %arg4[%mul3A_2] : memref<2048xi32, #tpu.memory_space<hbm>> -> memref<64xi32, #tpu.memory_space<hbm>>
      tpu.enqueue_dma source(%dma_start3A_26 : memref<64xi32, #tpu.memory_space<hbm>>) target(%arg10 : memref<64xi32, #tpu.memory_space<vmem>>) target_semaphore(%run_scoped3A : memref<!tpu.dma_semaphore, #tpu.memory_space<semaphore_mem>>)
      %dma_wait3A_27 = tpu.memref_slice %arg4[%mul3A_2] : memref<2048xi32, #tpu.memory_space<hbm>> -> memref<64xi32, #tpu.memory_space<hbm>>
      %dma_wait3A_28 = tpu.memref_slice %arg4[%mul3A_2] : memref<2048xi32, #tpu.memory_space<hbm>> -> memref<64xi32, #tpu.memory_space<hbm>>
      tpu.wait_dma2 semaphore(%run_scoped3A : memref<!tpu.dma_semaphore, #tpu.memory_space<semaphore_mem>>) src(%dma_wait3A_28 : memref<64xi32, #tpu.memory_space<hbm>>) dst(%arg10 : memref<64xi32, #tpu.memory_space<vmem>>)
      tpu.yield
    }) : () -> ()
    "tpu.region"() ({
      %run_scoped3A = tpu.sem_alloc : memref<!tpu.dma_semaphore, #tpu.memory_space<semaphore_mem>>
      %dma_start3A_25 = arith.constant 0 : i32
      %dma_start3A_26 = tpu.memref_slice %arg2[%mul3A_2, %dma_start3A_25] : memref<2048x1024xf32, #tpu.memory_space<hbm>> -> memref<64x1024xf32, #tpu.memory_space<hbm>>
      %dma_start3A_27 = arith.constant 0 : i32
      %dma_start3A_28 = tpu.memref_slice %arg2[%mul3A_2, %dma_start3A_27] : memref<2048x1024xf32, #tpu.memory_space<hbm>> -> memref<64x1024xf32, #tpu.memory_space<hbm>>
      tpu.enqueue_dma source(%dma_start3A_28 : memref<64x1024xf32, #tpu.memory_space<hbm>>) target(%arg11 : memref<64x1024xf32, #tpu.memory_space<vmem>>) target_semaphore(%run_scoped3A : memref<!tpu.dma_semaphore, #tpu.memory_space<semaphore_mem>>)
      %dma_wait3A_29 = arith.constant 0 : i32
      %dma_wait3A_30 = tpu.memref_slice %arg2[%mul3A_2, %dma_wait3A_29] : memref<2048x1024xf32, #tpu.memory_space<hbm>> -> memref<64x1024xf32, #tpu.memory_space<hbm>>
      %dma_wait3A_31 = arith.constant 0 : i32
      %dma_wait3A_32 = tpu.memref_slice %arg2[%mul3A_2, %dma_wait3A_31] : memref<2048x1024xf32, #tpu.memory_space<hbm>> -> memref<64x1024xf32, #tpu.memory_space<hbm>>
      tpu.wait_dma2 semaphore(%run_scoped3A : memref<!tpu.dma_semaphore, #tpu.memory_space<semaphore_mem>>) src(%dma_wait3A_32 : memref<64x1024xf32, #tpu.memory_space<hbm>>) dst(%arg11 : memref<64x1024xf32, #tpu.memory_space<vmem>>)
      tpu.yield
    }) : () -> ()
    "tpu.region"() ({
      %run_scoped3A = tpu.sem_alloc : memref<!tpu.dma_semaphore, #tpu.memory_space<semaphore_mem>>
      %dma_start3A_25 = arith.constant 0 : i32
      %dma_start3A_26 = tpu.memref_slice %arg5[%mul3A_2, %dma_start3A_25] : memref<2048x128xf32, #tpu.memory_space<hbm>> -> memref<64x128xf32, #tpu.memory_space<hbm>>
      %dma_start3A_27 = arith.constant 0 : i32
      %dma_start3A_28 = tpu.memref_slice %arg5[%mul3A_2, %dma_start3A_27] : memref<2048x128xf32, #tpu.memory_space<hbm>> -> memref<64x128xf32, #tpu.memory_space<hbm>>
      tpu.enqueue_dma source(%dma_start3A_28 : memref<64x128xf32, #tpu.memory_space<hbm>>) target(%arg12 : memref<64x128xf32, #tpu.memory_space<vmem>>) target_semaphore(%run_scoped3A : memref<!tpu.dma_semaphore, #tpu.memory_space<semaphore_mem>>)
      %dma_wait3A_29 = arith.constant 0 : i32
      %dma_wait3A_30 = tpu.memref_slice %arg5[%mul3A_2, %dma_wait3A_29] : memref<2048x128xf32, #tpu.memory_space<hbm>> -> memref<64x128xf32, #tpu.memory_space<hbm>>
      %dma_wait3A_31 = arith.constant 0 : i32
      %dma_wait3A_32 = tpu.memref_slice %arg5[%mul3A_2, %dma_wait3A_31] : memref<2048x128xf32, #tpu.memory_space<hbm>> -> memref<64x128xf32, #tpu.memory_space<hbm>>
      tpu.wait_dma2 semaphore(%run_scoped3A : memref<!tpu.dma_semaphore, #tpu.memory_space<semaphore_mem>>) src(%dma_wait3A_32 : memref<64x128xf32, #tpu.memory_space<hbm>>) dst(%arg12 : memref<64x128xf32, #tpu.memory_space<vmem>>)
      tpu.yield
    }) : () -> ()
    "tpu.region"() ({
      %run_scoped3A = tpu.sem_alloc : memref<!tpu.dma_semaphore, #tpu.memory_space<semaphore_mem>>
      %dma_start3A_25 = arith.constant 0 : i32
      %dma_start3A_26 = tpu.memref_slice %arg6[%mul3A_2, %dma_start3A_25] : memref<2048x128xf32, #tpu.memory_space<hbm>> -> memref<64x128xf32, #tpu.memory_space<hbm>>
      %dma_start3A_27 = arith.constant 0 : i32
      %dma_start3A_28 = tpu.memref_slice %arg6[%mul3A_2, %dma_start3A_27] : memref<2048x128xf32, #tpu.memory_space<hbm>> -> memref<64x128xf32, #tpu.memory_space<hbm>>
      tpu.enqueue_dma source(%dma_start3A_28 : memref<64x128xf32, #tpu.memory_space<hbm>>) target(%arg13 : memref<64x128xf32, #tpu.memory_space<vmem>>) target_semaphore(%run_scoped3A : memref<!tpu.dma_semaphore, #tpu.memory_space<semaphore_mem>>)
      %dma_wait3A_29 = arith.constant 0 : i32
      %dma_wait3A_30 = tpu.memref_slice %arg6[%mul3A_2, %dma_wait3A_29] : memref<2048x128xf32, #tpu.memory_space<hbm>> -> memref<64x128xf32, #tpu.memory_space<hbm>>
      %dma_wait3A_31 = arith.constant 0 : i32
      %dma_wait3A_32 = tpu.memref_slice %arg6[%mul3A_2, %dma_wait3A_31] : memref<2048x128xf32, #tpu.memory_space<hbm>> -> memref<64x128xf32, #tpu.memory_space<hbm>>
      tpu.wait_dma2 semaphore(%run_scoped3A : memref<!tpu.dma_semaphore, #tpu.memory_space<semaphore_mem>>) src(%dma_wait3A_32 : memref<64x128xf32, #tpu.memory_space<hbm>>) dst(%arg13 : memref<64x128xf32, #tpu.memory_space<vmem>>)
      tpu.yield
    }) : () -> ()
    %dma_start3A = arith.constant 0 : i32
    %dma_start3A_3 = arith.constant 0 : i32
    %dma_start3A_4 = tpu.memref_slice %arg8[%dma_start3A, %dma_start3A_3] : memref<5120x128xf32, #tpu.memory_space<hbm>> -> memref<5120x128xf32, #tpu.memory_space<hbm>>
    tpu.enqueue_indirect_dma source(%arg12 : memref<64x128xf32, #tpu.memory_space<vmem>>) target(%dma_start3A_4 : memref<5120x128xf32, #tpu.memory_space<hbm>>) offsets(%arg9 : memref<64xi32, #tpu.memory_space<vmem>>) semaphore(%arg15 : memref<!tpu.dma_semaphore, #tpu.memory_space<semaphore_mem>>)
    %dma_start3A_5 = arith.constant 0 : i32
    %dma_start3A_6 = arith.constant 0 : i32
    %dma_start3A_7 = tpu.memref_slice %arg8[%dma_start3A_5, %dma_start3A_6] : memref<5120x128xf32, #tpu.memory_space<hbm>> -> memref<5120x128xf32, #tpu.memory_space<hbm>>
    tpu.enqueue_indirect_dma source(%arg13 : memref<64x128xf32, #tpu.memory_space<vmem>>) target(%dma_start3A_7 : memref<5120x128xf32, #tpu.memory_space<hbm>>) offsets(%arg10 : memref<64xi32, #tpu.memory_space<vmem>>) semaphore(%arg15 : memref<!tpu.dma_semaphore, #tpu.memory_space<semaphore_mem>>)
    %dma_start3A_8 = arith.constant 0 : i32
    %dma_start3A_9 = arith.constant 0 : i32
    %dma_start3A_10 = tpu.memref_slice %arg7[%dma_start3A_8, %dma_start3A_9] : memref<5120x1024xf32, #tpu.memory_space<hbm>> -> memref<5120x1024xf32, #tpu.memory_space<hbm>>
    tpu.enqueue_indirect_dma source(%arg11 : memref<64x1024xf32, #tpu.memory_space<vmem>>) target(%dma_start3A_10 : memref<5120x1024xf32, #tpu.memory_space<hbm>>) offsets(%arg9 : memref<64xi32, #tpu.memory_space<vmem>>) semaphore(%arg14 : memref<!tpu.dma_semaphore, #tpu.memory_space<semaphore_mem>>)
    %dma_start3A_11 = arith.constant 0 : i32
    %dma_start3A_12 = arith.constant 0 : i32
    %dma_start3A_13 = tpu.memref_slice %arg7[%dma_start3A_11, %dma_start3A_12] : memref<5120x1024xf32, #tpu.memory_space<hbm>> -> memref<5120x1024xf32, #tpu.memory_space<hbm>>
    tpu.enqueue_indirect_dma source(%arg11 : memref<64x1024xf32, #tpu.memory_space<vmem>>) target(%dma_start3A_13 : memref<5120x1024xf32, #tpu.memory_space<hbm>>) offsets(%arg10 : memref<64xi32, #tpu.memory_space<vmem>>) semaphore(%arg14 : memref<!tpu.dma_semaphore, #tpu.memory_space<semaphore_mem>>)
    %dma_wait3A = arith.constant 0 : i32
    %dma_wait3A_14 = arith.constant 0 : i32
    %dma_wait3A_15 = tpu.memref_slice %arg8[%dma_wait3A, %dma_wait3A_14] : memref<5120x128xf32, #tpu.memory_space<hbm>> -> memref<5120x128xf32, #tpu.memory_space<hbm>>
    tpu.wait_indirect_dma semaphore(%arg15 : memref<!tpu.dma_semaphore, #tpu.memory_space<semaphore_mem>>) src(%arg12 : memref<64x128xf32, #tpu.memory_space<vmem>>) dst(%dma_wait3A_15 : memref<5120x128xf32, #tpu.memory_space<hbm>>)
    %dma_wait3A_16 = arith.constant 0 : i32
    %dma_wait3A_17 = arith.constant 0 : i32
    %dma_wait3A_18 = tpu.memref_slice %arg8[%dma_wait3A_16, %dma_wait3A_17] : memref<5120x128xf32, #tpu.memory_space<hbm>> -> memref<5120x128xf32, #tpu.memory_space<hbm>>
    tpu.wait_indirect_dma semaphore(%arg15 : memref<!tpu.dma_semaphore, #tpu.memory_space<semaphore_mem>>) src(%arg13 : memref<64x128xf32, #tpu.memory_space<vmem>>) dst(%dma_wait3A_18 : memref<5120x128xf32, #tpu.memory_space<hbm>>)
    %dma_wait3A_19 = arith.constant 0 : i32
    %dma_wait3A_20 = arith.constant 0 : i32
    %dma_wait3A_21 = tpu.memref_slice %arg7[%dma_wait3A_19, %dma_wait3A_20] : memref<5120x1024xf32, #tpu.memory_space<hbm>> -> memref<5120x1024xf32, #tpu.memory_space<hbm>>
    tpu.wait_indirect_dma semaphore(%arg14 : memref<!tpu.dma_semaphore, #tpu.memory_space<semaphore_mem>>) src(%arg11 : memref<64x1024xf32, #tpu.memory_space<vmem>>) dst(%dma_wait3A_21 : memref<5120x1024xf32, #tpu.memory_space<hbm>>)
    %dma_wait3A_22 = arith.constant 0 : i32
    %dma_wait3A_23 = arith.constant 0 : i32
    %dma_wait3A_24 = tpu.memref_slice %arg7[%dma_wait3A_22, %dma_wait3A_23] : memref<5120x1024xf32, #tpu.memory_space<hbm>> -> memref<5120x1024xf32, #tpu.memory_space<hbm>>
    tpu.wait_indirect_dma semaphore(%arg14 : memref<!tpu.dma_semaphore, #tpu.memory_space<semaphore_mem>>) src(%arg11 : memref<64x1024xf32, #tpu.memory_space<vmem>>) dst(%dma_wait3A_24 : memref<5120x1024xf32, #tpu.memory_space<hbm>>)
    return
  }
}

module attributes {stable_mosaic.version = 14 : i64} {
  func.func @_ffn_kernel(%arg0: i32, %arg1: memref<40xi32, #tpu.memory_space<smem>>, %arg2: memref<128x1024xf32, #tpu.memory_space<vmem>>, %arg3: memref<128x128xf32, #tpu.memory_space<vmem>>, %arg4: memref<1x512x1024xf32, #tpu.memory_space<vmem>>, %arg5: memref<1x1024x512xf32, #tpu.memory_space<vmem>>, %arg6: memref<1x1x512xf32, #tpu.memory_space<vmem>>, %arg7: memref<1x1x512xf32, #tpu.memory_space<vmem>>, %arg8: memref<128x1024xf32, #tpu.memory_space<vmem>>) attributes {dimension_semantics = [#tpu.dimension_semantics<arbitrary>], iteration_bounds = array<i64: 40>, scalar_prefetch = 1 : i64, scratch_operands = 0 : i64, tpu.core_type = #tpu.core_type<tc>, window_params = [{transform_indices = @transform_0, window_bounds = array<i64: 128, 1024>}, {transform_indices = @transform_1, window_bounds = array<i64: 128, 128>}, {transform_indices = @transform_2, window_bounds = array<i64: 1, 512, 1024>}, {transform_indices = @transform_3, window_bounds = array<i64: 1, 1024, 512>}, {transform_indices = @transform_4, window_bounds = array<i64: 1, 1, 512>}, {transform_indices = @transform_5, window_bounds = array<i64: 1, 1, 512>}, {transform_indices = @transform_6, window_bounds = array<i64: 128, 1024>}]} {
    %get3A = arith.constant 0 : index
    %get3A_0 = arith.constant 0 : index
    %get3A_1 = vector.load %arg2[%get3A, %get3A_0] : memref<128x1024xf32, #tpu.memory_space<vmem>>, vector<128x1024xf32>
    %get3A_2 = arith.constant 0 : index
    %get3A_3 = arith.constant 0 : index
    %get3A_4 = arith.constant 0 : index
    %get3A_5 = vector.load %arg4[%get3A_2, %get3A_3, %get3A_4] : memref<1x512x1024xf32, #tpu.memory_space<vmem>>, vector<1x512x1024xf32>
    %get3A_6 = vector.shape_cast %get3A_5 : vector<1x512x1024xf32> to vector<512x1024xf32>
    %get3A_7 = arith.constant 0 : index
    %get3A_8 = arith.constant 0 : index
    %get3A_9 = arith.constant 0 : index
    %get3A_10 = vector.load %arg5[%get3A_7, %get3A_8, %get3A_9] : memref<1x1024x512xf32, #tpu.memory_space<vmem>>, vector<1x1024x512xf32>
    %get3A_11 = vector.shape_cast %get3A_10 : vector<1x1024x512xf32> to vector<1024x512xf32>
    %dot_general3A = arith.constant dense<0.000000e+00> : vector<128x512xf32>
    %dot_general3A_12 = tpu.matmul %get3A_1, %get3A_6, %dot_general3A {dimension_numbers = #tpu.dot_dimension_numbers<[1], [1], [0], [0], [0, 0, 1, 0], [], []>, transpose_lhs_hint = false} : vector<128x1024xf32>, vector<512x1024xf32>, vector<128x512xf32> -> vector<128x512xf32>
    %reduce_sum3A = arith.constant dense<0.000000e+00> : vector<128xf32>
    %reduce_sum3A_13 = vector.multi_reduction <add>, %dot_general3A_12, %reduce_sum3A [1] : vector<128x512xf32> to vector<128xf32>
    %broadcast_in_dim3A = vector.shape_cast %reduce_sum3A_13 : vector<128xf32> to vector<128x1xf32>
    %div3A = arith.constant 5.120000e+02 : f32
    %div3A_14 = vector.broadcast %div3A : f32 to vector<128x1xf32>
    %div3A_15 = arith.divf %broadcast_in_dim3A, %div3A_14 : vector<128x1xf32>
    %sub3A = vector.broadcast %div3A_15 : vector<128x1xf32> to vector<128x512xf32>
    %sub3A_16 = arith.subf %dot_general3A_12, %sub3A : vector<128x512xf32>
    %integer_pow3A = arith.mulf %sub3A_16, %sub3A_16 : vector<128x512xf32>
    %reduce_sum3A_17 = arith.constant dense<0.000000e+00> : vector<128xf32>
    %reduce_sum3A_18 = vector.multi_reduction <add>, %integer_pow3A, %reduce_sum3A_17 [1] : vector<128x512xf32> to vector<128xf32>
    %broadcast_in_dim3A_19 = vector.shape_cast %reduce_sum3A_18 : vector<128xf32> to vector<128x1xf32>
    %div3A_20 = arith.constant 5.120000e+02 : f32
    %div3A_21 = vector.broadcast %div3A_20 : f32 to vector<128x1xf32>
    %div3A_22 = arith.divf %broadcast_in_dim3A_19, %div3A_21 : vector<128x1xf32>
    %sub3A_23 = vector.broadcast %div3A_15 : vector<128x1xf32> to vector<128x512xf32>
    %sub3A_24 = arith.subf %dot_general3A_12, %sub3A_23 : vector<128x512xf32>
    %add3A = arith.constant 9.99999974E-6 : f32
    %add3A_25 = vector.broadcast %add3A : f32 to vector<128x1xf32>
    %add3A_26 = arith.addf %div3A_22, %add3A_25 : vector<128x1xf32>
    %rsqrt3A = math.rsqrt %add3A_26 : vector<128x1xf32>
    %mul3A = vector.broadcast %rsqrt3A : vector<128x1xf32> to vector<128x512xf32>
    %mul3A_27 = arith.mulf %sub3A_24, %mul3A : vector<128x512xf32>
    %get3A_28 = arith.constant 0 : index
    %get3A_29 = arith.constant 0 : index
    %get3A_30 = arith.constant 0 : index
    %get3A_31 = vector.load %arg6[%get3A_28, %get3A_29, %get3A_30] : memref<1x1x512xf32, #tpu.memory_space<vmem>>, vector<1x1x512xf32>
    %get3A_32 = vector.shape_cast %get3A_31 : vector<1x1x512xf32> to vector<1x512xf32>
    %mul3A_33 = vector.broadcast %get3A_32 : vector<1x512xf32> to vector<128x512xf32>
    %mul3A_34 = arith.mulf %mul3A_27, %mul3A_33 : vector<128x512xf32>
    %get3A_35 = arith.constant 0 : index
    %get3A_36 = arith.constant 0 : index
    %get3A_37 = arith.constant 0 : index
    %get3A_38 = vector.load %arg7[%get3A_35, %get3A_36, %get3A_37] : memref<1x1x512xf32, #tpu.memory_space<vmem>>, vector<1x1x512xf32>
    %get3A_39 = vector.shape_cast %get3A_38 : vector<1x1x512xf32> to vector<1x512xf32>
    %add3A_40 = vector.broadcast %get3A_39 : vector<1x512xf32> to vector<128x512xf32>
    %add3A_41 = arith.addf %mul3A_34, %add3A_40 : vector<128x512xf32>
    %mul3A_42 = arith.constant 5.000000e-01 : f32
    %mul3A_43 = vector.broadcast %mul3A_42 : f32 to vector<128x512xf32>
    %mul3A_44 = arith.mulf %add3A_41, %mul3A_43 : vector<128x512xf32>
    %mul3A_45 = arith.constant 0.707106769 : f32
    %mul3A_46 = vector.broadcast %mul3A_45 : f32 to vector<128x512xf32>
    %mul3A_47 = arith.mulf %add3A_41, %mul3A_46 : vector<128x512xf32>
    %erf3A = math.erf %mul3A_47 : vector<128x512xf32>
    %add3A_48 = arith.constant 1.000000e+00 : f32
    %add3A_49 = vector.broadcast %add3A_48 : f32 to vector<128x512xf32>
    %add3A_50 = arith.addf %add3A_49, %erf3A : vector<128x512xf32>
    %mul3A_51 = arith.mulf %mul3A_44, %add3A_50 : vector<128x512xf32>
    %dot_general3A_52 = arith.constant dense<0.000000e+00> : vector<128x1024xf32>
    %dot_general3A_53 = tpu.matmul %mul3A_51, %get3A_11, %dot_general3A_52 {dimension_numbers = #tpu.dot_dimension_numbers<[1], [1], [0], [0], [0, 0, 1, 0], [], []>, transpose_lhs_hint = false} : vector<128x512xf32>, vector<1024x512xf32>, vector<128x1024xf32> -> vector<128x1024xf32>
    %get3A_54 = arith.constant 0 : index
    %get3A_55 = arith.constant 0 : index
    %get3A_56 = vector.load %arg3[%get3A_54, %get3A_55] : memref<128x128xf32, #tpu.memory_space<vmem>>, vector<128x1xf32>
    %mul3A_57 = vector.broadcast %get3A_56 : vector<128x1xf32> to vector<128x1024xf32>
    %mul3A_58 = arith.mulf %dot_general3A_53, %mul3A_57 : vector<128x1024xf32>
    %swap3A = arith.constant 0 : index
    %swap3A_59 = arith.constant 0 : index
    %swap3A_60 = vector.load %arg8[%swap3A, %swap3A_59] : memref<128x1024xf32, #tpu.memory_space<vmem>>, vector<128x1024xf32>
    tpu.vector_store %arg8[%swap3A, %swap3A_59], %mul3A_58 {strides = array<i32>} : memref<128x1024xf32, #tpu.memory_space<vmem>>, vector<128x1024xf32>,
    return
  }
  func.func @transform_0(%arg0: i32, %arg1: memref<40xi32, #tpu.memory_space<smem>>) -> (i32, i32) {
    %c0_i32 = arith.constant 0 : i32
    %c0_i32_0 = arith.constant 0 : i32
    return %arg0, %c0_i32 : i32, i32
  }
  func.func @transform_1(%arg0: i32, %arg1: memref<40xi32, #tpu.memory_space<smem>>) -> (i32, i32) {
    %c0_i32 = arith.constant 0 : i32
    %c0_i32_0 = arith.constant 0 : i32
    return %arg0, %c0_i32 : i32, i32
  }
  func.func @transform_2(%arg0: i32, %arg1: memref<40xi32, #tpu.memory_space<smem>>) -> (i32, i32, i32) {
    %get3A = arith.index_cast %arg0 : i32 to index
    %get3A_0 = memref.load %arg1[%get3A] : memref<40xi32, #tpu.memory_space<smem>>
    %c0_i32 = arith.constant 0 : i32
    %c0_i32_1 = arith.constant 0 : i32
    %c0_i32_2 = arith.constant 0 : i32
    return %get3A_0, %c0_i32, %c0_i32_1 : i32, i32, i32
  }
  func.func @transform_3(%arg0: i32, %arg1: memref<40xi32, #tpu.memory_space<smem>>) -> (i32, i32, i32) {
    %get3A = arith.index_cast %arg0 : i32 to index
    %get3A_0 = memref.load %arg1[%get3A] : memref<40xi32, #tpu.memory_space<smem>>
    %c0_i32 = arith.constant 0 : i32
    %c0_i32_1 = arith.constant 0 : i32
    %c0_i32_2 = arith.constant 0 : i32
    return %get3A_0, %c0_i32, %c0_i32_1 : i32, i32, i32
  }
  func.func @transform_4(%arg0: i32, %arg1: memref<40xi32, #tpu.memory_space<smem>>) -> (i32, i32, i32) {
    %get3A = arith.index_cast %arg0 : i32 to index
    %get3A_0 = memref.load %arg1[%get3A] : memref<40xi32, #tpu.memory_space<smem>>
    %c0_i32 = arith.constant 0 : i32
    %c0_i32_1 = arith.constant 0 : i32
    %c0_i32_2 = arith.constant 0 : i32
    return %get3A_0, %c0_i32, %c0_i32_1 : i32, i32, i32
  }
  func.func @transform_5(%arg0: i32, %arg1: memref<40xi32, #tpu.memory_space<smem>>) -> (i32, i32, i32) {
    %get3A = arith.index_cast %arg0 : i32 to index
    %get3A_0 = memref.load %arg1[%get3A] : memref<40xi32, #tpu.memory_space<smem>>
    %c0_i32 = arith.constant 0 : i32
    %c0_i32_1 = arith.constant 0 : i32
    %c0_i32_2 = arith.constant 0 : i32
    return %get3A_0, %c0_i32, %c0_i32_1 : i32, i32, i32
  }
  func.func @transform_6(%arg0: i32, %arg1: memref<40xi32, #tpu.memory_space<smem>>) -> (i32, i32) {
    %c0_i32 = arith.constant 0 : i32
    %c0_i32_0 = arith.constant 0 : i32
    return %arg0, %c0_i32 : i32, i32
  }
}

module attributes {stable_mosaic.version = 14 : i64} {
  func.func @_route_kernel(%arg0: memref<2048x1024xf32, #tpu.memory_space<vmem>>, %arg1: memref<8x1024xf32, #tpu.memory_space<vmem>>, %arg2: memref<2048x1xi32, #tpu.memory_space<vmem>>, %arg3: memref<2048x1xi32, #tpu.memory_space<vmem>>, %arg4: memref<2048x128xf32, #tpu.memory_space<vmem>>, %arg5: memref<2048x128xf32, #tpu.memory_space<vmem>>, %arg6: memref<1x128xi32, #tpu.memory_space<vmem>>) attributes {dimension_semantics = [], scalar_prefetch = 0 : i64, scratch_operands = 0 : i64, tpu.core_type = #tpu.core_type<tc>} {
    %get3A = arith.constant 0 : index
    %get3A_0 = arith.constant 0 : index
    %get3A_1 = vector.load %arg0[%get3A, %get3A_0] : memref<2048x1024xf32, #tpu.memory_space<vmem>>, vector<2048x1024xf32>
    %get3A_2 = arith.constant 0 : index
    %get3A_3 = arith.constant 0 : index
    %get3A_4 = vector.load %arg1[%get3A_2, %get3A_3] : memref<8x1024xf32, #tpu.memory_space<vmem>>, vector<8x1024xf32>
    %dot_general3A = arith.constant dense<0.000000e+00> : vector<2048x8xf32>
    %dot_general3A_5 = tpu.matmul %get3A_1, %get3A_4, %dot_general3A {dimension_numbers = #tpu.dot_dimension_numbers<[1], [1], [0], [0], [0, 0, 1, 0], [], []>, transpose_lhs_hint = false} : vector<2048x1024xf32>, vector<8x1024xf32>, vector<2048x8xf32> -> vector<2048x8xf32>
    %reduce_max3A = arith.constant dense<0xFF800000> : vector<2048xf32>
    %reduce_max3A_6 = vector.multi_reduction <maximumf>, %dot_general3A_5, %reduce_max3A [1] : vector<2048x8xf32> to vector<2048xf32>
    %broadcast_in_dim3A = vector.shape_cast %reduce_max3A_6 : vector<2048xf32> to vector<2048x1xf32>
    %sub3A = vector.broadcast %broadcast_in_dim3A : vector<2048x1xf32> to vector<2048x8xf32>
    %sub3A_7 = arith.subf %dot_general3A_5, %sub3A : vector<2048x8xf32>
    %exp3A = math.exp %sub3A_7 : vector<2048x8xf32>
    %iota3A = tpu.iota {dimensions = array<i32: 1>} : vector<2048x8xi32>
    %reduce_max3A_8 = arith.constant dense<0xFF800000> : vector<2048xf32>
    %reduce_max3A_9 = vector.multi_reduction <maximumf>, %exp3A, %reduce_max3A_8 [1] : vector<2048x8xf32> to vector<2048xf32>
    %broadcast_in_dim3A_10 = vector.shape_cast %reduce_max3A_9 : vector<2048xf32> to vector<2048x1xf32>
    %eq3A = vector.broadcast %broadcast_in_dim3A_10 : vector<2048x1xf32> to vector<2048x8xf32>
    %eq3A_11 = arith.cmpf oeq, %exp3A, %eq3A : vector<2048x8xf32>
    %jit3A = arith.constant 8 : i32
    %broadcast_in_dim3A_12 = vector.broadcast %jit3A : i32 to vector<2048x8xi32>
    %select_n3A = arith.select %eq3A_11, %iota3A, %broadcast_in_dim3A_12 : vector<2048x8xi1>, vector<2048x8xi32>
    %reduce_min3A = arith.constant dense<2147483647> : vector<2048xi32>
    %reduce_min3A_13 = vector.multi_reduction <minsi>, %select_n3A, %reduce_min3A [1] : vector<2048x8xi32> to vector<2048xi32>
    %broadcast_in_dim3A_14 = vector.shape_cast %reduce_min3A_13 : vector<2048xi32> to vector<2048x1xi32>
    %eq3A_15 = vector.broadcast %broadcast_in_dim3A_14 : vector<2048x1xi32> to vector<2048x8xi32>
    %eq3A_16 = arith.cmpi eq, %iota3A, %eq3A_15 : vector<2048x8xi32>
    %jit3A_17 = arith.constant 0xFF800000 : f32
    %broadcast_in_dim3A_18 = vector.broadcast %jit3A_17 : f32 to vector<2048x8xf32>
    %select_n3A_19 = arith.select %eq3A_16, %broadcast_in_dim3A_18, %exp3A : vector<2048x8xi1>, vector<2048x8xf32>
    %reduce_max3A_20 = arith.constant dense<0xFF800000> : vector<2048xf32>
    %reduce_max3A_21 = vector.multi_reduction <maximumf>, %select_n3A_19, %reduce_max3A_20 [1] : vector<2048x8xf32> to vector<2048xf32>
    %broadcast_in_dim3A_22 = vector.shape_cast %reduce_max3A_21 : vector<2048xf32> to vector<2048x1xf32>
    %eq3A_23 = vector.broadcast %broadcast_in_dim3A_22 : vector<2048x1xf32> to vector<2048x8xf32>
    %eq3A_24 = arith.cmpf oeq, %select_n3A_19, %eq3A_23 : vector<2048x8xf32>
    %jit3A_25 = arith.constant 8 : i32
    %broadcast_in_dim3A_26 = vector.broadcast %jit3A_25 : i32 to vector<2048x8xi32>
    %select_n3A_27 = arith.select %eq3A_24, %iota3A, %broadcast_in_dim3A_26 : vector<2048x8xi1>, vector<2048x8xi32>
    %reduce_min3A_28 = arith.constant dense<2147483647> : vector<2048xi32>
    %reduce_min3A_29 = vector.multi_reduction <minsi>, %select_n3A_27, %reduce_min3A_28 [1] : vector<2048x8xi32> to vector<2048xi32>
    %broadcast_in_dim3A_30 = vector.shape_cast %reduce_min3A_29 : vector<2048xi32> to vector<2048x1xi32>
    %add3A = arith.addf %broadcast_in_dim3A_10, %broadcast_in_dim3A_22 : vector<2048x1xf32>
    %div3A = arith.divf %broadcast_in_dim3A_10, %add3A : vector<2048x1xf32>
    %broadcast_in_dim3A_31 = vector.shape_cast %div3A : vector<2048x1xf32> to vector<2048x1xf32>
    %broadcast_in_dim3A_32 = vector.broadcast %broadcast_in_dim3A_31 : vector<2048x1xf32> to vector<2048x128xf32>
    %swap3A = arith.constant 0 : index
    %swap3A_33 = arith.constant 0 : index
    %swap3A_34 = vector.load %arg4[%swap3A, %swap3A_33] : memref<2048x128xf32, #tpu.memory_space<vmem>>, vector<2048x128xf32>
    tpu.vector_store %arg4[%swap3A, %swap3A_33], %broadcast_in_dim3A_32 {strides = array<i32>} : memref<2048x128xf32, #tpu.memory_space<vmem>>, vector<2048x128xf32>,
    %div3A_35 = arith.divf %broadcast_in_dim3A_22, %add3A : vector<2048x1xf32>
    %broadcast_in_dim3A_36 = vector.shape_cast %div3A_35 : vector<2048x1xf32> to vector<2048x1xf32>
    %broadcast_in_dim3A_37 = vector.broadcast %broadcast_in_dim3A_36 : vector<2048x1xf32> to vector<2048x128xf32>
    %swap3A_38 = arith.constant 0 : index
    %swap3A_39 = arith.constant 0 : index
    %swap3A_40 = vector.load %arg5[%swap3A_38, %swap3A_39] : memref<2048x128xf32, #tpu.memory_space<vmem>>, vector<2048x128xf32>
    tpu.vector_store %arg5[%swap3A_38, %swap3A_39], %broadcast_in_dim3A_37 {strides = array<i32>} : memref<2048x128xf32, #tpu.memory_space<vmem>>, vector<2048x128xf32>,
    %eq3A_41 = vector.broadcast %broadcast_in_dim3A_14 : vector<2048x1xi32> to vector<2048x8xi32>
    %eq3A_42 = arith.cmpi eq, %iota3A, %eq3A_41 : vector<2048x8xi32>
    %convert_element_type3A = arith.extui %eq3A_42 : vector<2048x8xi1> to vector<2048x8xi32>
    %convert_element_type3A_43 = arith.sitofp %convert_element_type3A : vector<2048x8xi32> to vector<2048x8xf32>
    %eq3A_44 = vector.broadcast %broadcast_in_dim3A_30 : vector<2048x1xi32> to vector<2048x8xi32>
    %eq3A_45 = arith.cmpi eq, %iota3A, %eq3A_44 : vector<2048x8xi32>
    %convert_element_type3A_46 = arith.extui %eq3A_45 : vector<2048x8xi1> to vector<2048x8xi32>
    %convert_element_type3A_47 = arith.sitofp %convert_element_type3A_46 : vector<2048x8xi32> to vector<2048x8xf32>
    %add3A_48 = arith.addf %convert_element_type3A_43, %convert_element_type3A_47 : vector<2048x8xf32>
    %slice3A = vector.extract_strided_slice %add3A_48 {offsets = [0, 0], sizes = [128, 8], strides = [1, 1]} : vector<2048x8xf32> to vector<128x8xf32>
    %slice3A_49 = vector.extract_strided_slice %add3A_48 {offsets = [128, 0], sizes = [128, 8], strides = [1, 1]} : vector<2048x8xf32> to vector<128x8xf32>
    %slice3A_50 = vector.extract_strided_slice %add3A_48 {offsets = [256, 0], sizes = [128, 8], strides = [1, 1]} : vector<2048x8xf32> to vector<128x8xf32>
    %slice3A_51 = vector.extract_strided_slice %add3A_48 {offsets = [384, 0], sizes = [128, 8], strides = [1, 1]} : vector<2048x8xf32> to vector<128x8xf32>
    %slice3A_52 = vector.extract_strided_slice %add3A_48 {offsets = [512, 0], sizes = [128, 8], strides = [1, 1]} : vector<2048x8xf32> to vector<128x8xf32>
    %slice3A_53 = vector.extract_strided_slice %add3A_48 {offsets = [640, 0], sizes = [128, 8], strides = [1, 1]} : vector<2048x8xf32> to vector<128x8xf32>
    %slice3A_54 = vector.extract_strided_slice %add3A_48 {offsets = [768, 0], sizes = [128, 8], strides = [1, 1]} : vector<2048x8xf32> to vector<128x8xf32>
    %slice3A_55 = vector.extract_strided_slice %add3A_48 {offsets = [896, 0], sizes = [128, 8], strides = [1, 1]} : vector<2048x8xf32> to vector<128x8xf32>
    %slice3A_56 = vector.extract_strided_slice %add3A_48 {offsets = [1024, 0], sizes = [128, 8], strides = [1, 1]} : vector<2048x8xf32> to vector<128x8xf32>
    %slice3A_57 = vector.extract_strided_slice %add3A_48 {offsets = [1152, 0], sizes = [128, 8], strides = [1, 1]} : vector<2048x8xf32> to vector<128x8xf32>
    %slice3A_58 = vector.extract_strided_slice %add3A_48 {offsets = [1280, 0], sizes = [128, 8], strides = [1, 1]} : vector<2048x8xf32> to vector<128x8xf32>
    %slice3A_59 = vector.extract_strided_slice %add3A_48 {offsets = [1408, 0], sizes = [128, 8], strides = [1, 1]} : vector<2048x8xf32> to vector<128x8xf32>
    %slice3A_60 = vector.extract_strided_slice %add3A_48 {offsets = [1536, 0], sizes = [128, 8], strides = [1, 1]} : vector<2048x8xf32> to vector<128x8xf32>
    %slice3A_61 = vector.extract_strided_slice %add3A_48 {offsets = [1664, 0], sizes = [128, 8], strides = [1, 1]} : vector<2048x8xf32> to vector<128x8xf32>
    %slice3A_62 = vector.extract_strided_slice %add3A_48 {offsets = [1792, 0], sizes = [128, 8], strides = [1, 1]} : vector<2048x8xf32> to vector<128x8xf32>
    %slice3A_63 = vector.extract_strided_slice %add3A_48 {offsets = [1920, 0], sizes = [128, 8], strides = [1, 1]} : vector<2048x8xf32> to vector<128x8xf32>
    %concatenate3A = tpu.concatenate %slice3A, %slice3A_49, %slice3A_50, %slice3A_51, %slice3A_52, %slice3A_53, %slice3A_54, %slice3A_55, %slice3A_56, %slice3A_57, %slice3A_58, %slice3A_59, %slice3A_60, %slice3A_61, %slice3A_62, %slice3A_63 in 1 : vector<128x8xf32>, vector<128x8xf32>, vector<128x8xf32>, vector<128x8xf32>, vector<128x8xf32>, vector<128x8xf32>, vector<128x8xf32>, vector<128x8xf32>, vector<128x8xf32>, vector<128x8xf32>, vector<128x8xf32>, vector<128x8xf32>, vector<128x8xf32>, vector<128x8xf32>, vector<128x8xf32>, vector<128x8xf32> -> vector<128x128xf32>
    %iota3A_64 = tpu.iota {dimensions = array<i32: 0>} : vector<128x128xi32>
    %iota3A_65 = tpu.iota {dimensions = array<i32: 1>} : vector<128x128xi32>
    %ge3A = arith.cmpi sge, %iota3A_64, %iota3A_65 : vector<128x128xi32>
    %convert_element_type3A_66 = arith.extui %ge3A : vector<128x128xi1> to vector<128x128xi32>
    %convert_element_type3A_67 = arith.sitofp %convert_element_type3A_66 : vector<128x128xi32> to vector<128x128xf32>
    %dot_general3A_68 = arith.constant dense<0.000000e+00> : vector<128x128xf32>
    %dot_general3A_69 = tpu.matmul %convert_element_type3A_67, %concatenate3A, %dot_general3A_68 {dimension_numbers = #tpu.dot_dimension_numbers<[1], [0], [0], [1], [0, 0, 1, 1], [], []>, transpose_lhs_hint = false} : vector<128x128xf32>, vector<128x128xf32>, vector<128x128xf32> -> vector<128x128xf32>
    %slice3A_70 = vector.extract_strided_slice %dot_general3A_69 {offsets = [127, 0], sizes = [1, 128], strides = [1, 1]} : vector<128x128xf32> to vector<1x128xf32>
    %jit3A_71 = arith.constant 8 : i32
    %eq3A_72 = arith.constant 0 : i32
    %eq3A_73 = arith.cmpi eq, %jit3A_71, %eq3A_72 : i32
    %jit3A_74 = arith.constant 1 : i32
    %select_n3A_75 = arith.select %eq3A_73, %jit3A_74, %jit3A_71 : i32
    %rem3A = vector.broadcast %select_n3A_75 : i32 to vector<128x128xi32>
    %rem3A_76 = arith.remsi %iota3A_64, %rem3A : vector<128x128xi32>
    %ne3A = arith.constant 0 : i32
    %ne3A_77 = vector.broadcast %ne3A : i32 to vector<128x128xi32>
    %ne3A_78 = arith.cmpi ne, %rem3A_76, %ne3A_77 : vector<128x128xi32>
    %lt3A = arith.constant 0 : i32
    %lt3A_79 = vector.broadcast %lt3A : i32 to vector<128x128xi32>
    %lt3A_80 = arith.cmpi slt, %rem3A_76, %lt3A_79 : vector<128x128xi32>
    %lt3A_81 = arith.constant 0 : i32
    %lt3A_82 = arith.cmpi slt, %select_n3A_75, %lt3A_81 : i32
    %ne3A_83 = vector.broadcast %lt3A_82 : i1 to vector<128x128xi1>
    %ne3A_84 = vector.broadcast %ne3A_83 : vector<128x128xi1> to vector<128x128xi1>
    %ne3A_85 = arith.xori %lt3A_80, %ne3A_84 : vector<128x128xi1>
    %and3A = arith.andi %ne3A_85, %ne3A_78 : vector<128x128xi1>
    %add3A_86 = vector.broadcast %select_n3A_75 : i32 to vector<128x128xi32>
    %add3A_87 = arith.addi %rem3A_76, %add3A_86 : vector<128x128xi32>
    %select_n3A_88 = arith.select %and3A, %add3A_87, %rem3A_76 : vector<128x128xi1>, vector<128x128xi32>
    %jit3A_89 = arith.constant 8 : i32
    %eq3A_90 = arith.constant 0 : i32
    %eq3A_91 = arith.cmpi eq, %jit3A_89, %eq3A_90 : i32
    %jit3A_92 = arith.constant 1 : i32
    %select_n3A_93 = arith.select %eq3A_91, %jit3A_92, %jit3A_89 : i32
    %rem3A_94 = vector.broadcast %select_n3A_93 : i32 to vector<128x128xi32>
    %rem3A_95 = arith.remsi %iota3A_65, %rem3A_94 : vector<128x128xi32>
    %ne3A_96 = arith.constant 0 : i32
    %ne3A_97 = vector.broadcast %ne3A_96 : i32 to vector<128x128xi32>
    %ne3A_98 = arith.cmpi ne, %rem3A_95, %ne3A_97 : vector<128x128xi32>
    %lt3A_99 = arith.constant 0 : i32
    %lt3A_100 = vector.broadcast %lt3A_99 : i32 to vector<128x128xi32>
    %lt3A_101 = arith.cmpi slt, %rem3A_95, %lt3A_100 : vector<128x128xi32>
    %lt3A_102 = arith.constant 0 : i32
    %lt3A_103 = arith.cmpi slt, %select_n3A_93, %lt3A_102 : i32
    %ne3A_104 = vector.broadcast %lt3A_103 : i1 to vector<128x128xi1>
    %ne3A_105 = vector.broadcast %ne3A_104 : vector<128x128xi1> to vector<128x128xi1>
    %ne3A_106 = arith.xori %lt3A_101, %ne3A_105 : vector<128x128xi1>
    %and3A_107 = arith.andi %ne3A_106, %ne3A_98 : vector<128x128xi1>
    %add3A_108 = vector.broadcast %select_n3A_93 : i32 to vector<128x128xi32>
    %add3A_109 = arith.addi %rem3A_95, %add3A_108 : vector<128x128xi32>
    %select_n3A_110 = arith.select %and3A_107, %add3A_109, %rem3A_95 : vector<128x128xi1>, vector<128x128xi32>
    %eq3A_111 = arith.cmpi eq, %select_n3A_88, %select_n3A_110 : vector<128x128xi32>
    %jit3A_112 = arith.constant 8 : i32
    %div3A_113 = vector.broadcast %jit3A_112 : i32 to vector<128x128xi32>
    %div3A_114 = arith.divsi %iota3A_64, %div3A_113 : vector<128x128xi32>
    %sign3A = arith.constant 0 : i32
    %sign3A_115 = vector.broadcast %sign3A : i32 to vector<128x128xi32>
    %sign3A_116 = arith.cmpi sgt, %iota3A_64, %sign3A_115 : vector<128x128xi32>
    %sign3A_117 = arith.extui %sign3A_116 : vector<128x128xi1> to vector<128x128xi32>
    %sign3A_118 = arith.constant 0 : i32
    %sign3A_119 = vector.broadcast %sign3A_118 : i32 to vector<128x128xi32>
    %sign3A_120 = arith.cmpi slt, %iota3A_64, %sign3A_119 : vector<128x128xi32>
    %sign3A_121 = arith.extui %sign3A_120 : vector<128x128xi1> to vector<128x128xi32>
    %sign3A_122 = arith.subi %sign3A_117, %sign3A_121 : vector<128x128xi32>
    %sign3A_123 = arith.constant 0 : i32
    %sign3A_124 = arith.cmpi sgt, %jit3A_112, %sign3A_123 : i32
    %sign3A_125 = arith.extui %sign3A_124 : i1 to i32
    %sign3A_126 = arith.constant 0 : i32
    %sign3A_127 = arith.cmpi slt, %jit3A_112, %sign3A_126 : i32
    %sign3A_128 = arith.extui %sign3A_127 : i1 to i32
    %sign3A_129 = arith.subi %sign3A_125, %sign3A_128 : i32
    %ne3A_130 = vector.broadcast %sign3A_129 : i32 to vector<128x128xi32>
    %ne3A_131 = arith.cmpi ne, %sign3A_122, %ne3A_130 : vector<128x128xi32>
    %rem3A_132 = vector.broadcast %jit3A_112 : i32 to vector<128x128xi32>
    %rem3A_133 = arith.remsi %iota3A_64, %rem3A_132 : vector<128x128xi32>
    %ne3A_134 = arith.constant 0 : i32
    %ne3A_135 = vector.broadcast %ne3A_134 : i32 to vector<128x128xi32>
    %ne3A_136 = arith.cmpi ne, %rem3A_133, %ne3A_135 : vector<128x128xi32>
    %and3A_137 = arith.andi %ne3A_131, %ne3A_136 : vector<128x128xi1>
    %sub3A_138 = arith.constant 1 : i32
    %sub3A_139 = vector.broadcast %sub3A_138 : i32 to vector<128x128xi32>
    %sub3A_140 = arith.subi %div3A_114, %sub3A_139 : vector<128x128xi32>
    %select_n3A_141 = arith.select %and3A_137, %sub3A_140, %div3A_114 : vector<128x128xi1>, vector<128x128xi32>
    %jit3A_142 = arith.constant 8 : i32
    %div3A_143 = vector.broadcast %jit3A_142 : i32 to vector<128x128xi32>
    %div3A_144 = arith.divsi %iota3A_65, %div3A_143 : vector<128x128xi32>
    %sign3A_145 = arith.constant 0 : i32
    %sign3A_146 = vector.broadcast %sign3A_145 : i32 to vector<128x128xi32>
    %sign3A_147 = arith.cmpi sgt, %iota3A_65, %sign3A_146 : vector<128x128xi32>
    %sign3A_148 = arith.extui %sign3A_147 : vector<128x128xi1> to vector<128x128xi32>
    %sign3A_149 = arith.constant 0 : i32
    %sign3A_150 = vector.broadcast %sign3A_149 : i32 to vector<128x128xi32>
    %sign3A_151 = arith.cmpi slt, %iota3A_65, %sign3A_150 : vector<128x128xi32>
    %sign3A_152 = arith.extui %sign3A_151 : vector<128x128xi1> to vector<128x128xi32>
    %sign3A_153 = arith.subi %sign3A_148, %sign3A_152 : vector<128x128xi32>
    %sign3A_154 = arith.constant 0 : i32
    %sign3A_155 = arith.cmpi sgt, %jit3A_142, %sign3A_154 : i32
    %sign3A_156 = arith.extui %sign3A_155 : i1 to i32
    %sign3A_157 = arith.constant 0 : i32
    %sign3A_158 = arith.cmpi slt, %jit3A_142, %sign3A_157 : i32
    %sign3A_159 = arith.extui %sign3A_158 : i1 to i32
    %sign3A_160 = arith.subi %sign3A_156, %sign3A_159 : i32
    %ne3A_161 = vector.broadcast %sign3A_160 : i32 to vector<128x128xi32>
    %ne3A_162 = arith.cmpi ne, %sign3A_153, %ne3A_161 : vector<128x128xi32>
    %rem3A_163 = vector.broadcast %jit3A_142 : i32 to vector<128x128xi32>
    %rem3A_164 = arith.remsi %iota3A_65, %rem3A_163 : vector<128x128xi32>
    %ne3A_165 = arith.constant 0 : i32
    %ne3A_166 = vector.broadcast %ne3A_165 : i32 to vector<128x128xi32>
    %ne3A_167 = arith.cmpi ne, %rem3A_164, %ne3A_166 : vector<128x128xi32>
    %and3A_168 = arith.andi %ne3A_162, %ne3A_167 : vector<128x128xi1>
    %sub3A_169 = arith.constant 1 : i32
    %sub3A_170 = vector.broadcast %sub3A_169 : i32 to vector<128x128xi32>
    %sub3A_171 = arith.subi %div3A_144, %sub3A_170 : vector<128x128xi32>
    %select_n3A_172 = arith.select %and3A_168, %sub3A_171, %div3A_144 : vector<128x128xi1>, vector<128x128xi32>
    %lt3A_173 = arith.cmpi slt, %select_n3A_141, %select_n3A_172 : vector<128x128xi32>
    %and3A_174 = arith.andi %eq3A_111, %lt3A_173 : vector<128x128xi1>
    %jit3A_175 = arith.constant 1.000000e+00 : f32
    %jit3A_176 = arith.constant 0.000000e+00 : f32
    %broadcast_in_dim3A_177 = vector.broadcast %jit3A_175 : f32 to vector<128x128xf32>
    %broadcast_in_dim3A_178 = vector.broadcast %jit3A_176 : f32 to vector<128x128xf32>
    %select_n3A_179 = arith.select %and3A_174, %broadcast_in_dim3A_177, %broadcast_in_dim3A_178 : vector<128x128xi1>, vector<128x128xf32>
    %dot_general3A_180 = arith.constant dense<0.000000e+00> : vector<1x128xf32>
    %dot_general3A_181 = tpu.matmul %slice3A_70, %select_n3A_179, %dot_general3A_180 {dimension_numbers = #tpu.dot_dimension_numbers<[1], [0], [0], [1], [0, 0, 1, 1], [], []>, transpose_lhs_hint = false} : vector<1x128xf32>, vector<128x128xf32>, vector<1x128xf32> -> vector<1x128xf32>
    %add3A_182 = vector.broadcast %dot_general3A_181 : vector<1x128xf32> to vector<128x128xf32>
    %add3A_183 = arith.addf %dot_general3A_69, %add3A_182 : vector<128x128xf32>
    %slice3A_184 = vector.extract_strided_slice %add3A_183 {offsets = [0, 0], sizes = [128, 8], strides = [1, 1]} : vector<128x128xf32> to vector<128x8xf32>
    %slice3A_185 = vector.extract_strided_slice %add3A_183 {offsets = [0, 8], sizes = [128, 8], strides = [1, 1]} : vector<128x128xf32> to vector<128x8xf32>
    %slice3A_186 = vector.extract_strided_slice %add3A_183 {offsets = [0, 16], sizes = [128, 8], strides = [1, 1]} : vector<128x128xf32> to vector<128x8xf32>
    %slice3A_187 = vector.extract_strided_slice %add3A_183 {offsets = [0, 24], sizes = [128, 8], strides = [1, 1]} : vector<128x128xf32> to vector<128x8xf32>
    %slice3A_188 = vector.extract_strided_slice %add3A_183 {offsets = [0, 32], sizes = [128, 8], strides = [1, 1]} : vector<128x128xf32> to vector<128x8xf32>
    %slice3A_189 = vector.extract_strided_slice %add3A_183 {offsets = [0, 40], sizes = [128, 8], strides = [1, 1]} : vector<128x128xf32> to vector<128x8xf32>
    %slice3A_190 = vector.extract_strided_slice %add3A_183 {offsets = [0, 48], sizes = [128, 8], strides = [1, 1]} : vector<128x128xf32> to vector<128x8xf32>
    %slice3A_191 = vector.extract_strided_slice %add3A_183 {offsets = [0, 56], sizes = [128, 8], strides = [1, 1]} : vector<128x128xf32> to vector<128x8xf32>
    %slice3A_192 = vector.extract_strided_slice %add3A_183 {offsets = [0, 64], sizes = [128, 8], strides = [1, 1]} : vector<128x128xf32> to vector<128x8xf32>
    %slice3A_193 = vector.extract_strided_slice %add3A_183 {offsets = [0, 72], sizes = [128, 8], strides = [1, 1]} : vector<128x128xf32> to vector<128x8xf32>
    %slice3A_194 = vector.extract_strided_slice %add3A_183 {offsets = [0, 80], sizes = [128, 8], strides = [1, 1]} : vector<128x128xf32> to vector<128x8xf32>
    %slice3A_195 = vector.extract_strided_slice %add3A_183 {offsets = [0, 88], sizes = [128, 8], strides = [1, 1]} : vector<128x128xf32> to vector<128x8xf32>
    %slice3A_196 = vector.extract_strided_slice %add3A_183 {offsets = [0, 96], sizes = [128, 8], strides = [1, 1]} : vector<128x128xf32> to vector<128x8xf32>
    %slice3A_197 = vector.extract_strided_slice %add3A_183 {offsets = [0, 104], sizes = [128, 8], strides = [1, 1]} : vector<128x128xf32> to vector<128x8xf32>
    %slice3A_198 = vector.extract_strided_slice %add3A_183 {offsets = [0, 112], sizes = [128, 8], strides = [1, 1]} : vector<128x128xf32> to vector<128x8xf32>
    %slice3A_199 = vector.extract_strided_slice %add3A_183 {offsets = [0, 120], sizes = [128, 8], strides = [1, 1]} : vector<128x128xf32> to vector<128x8xf32>
    %concatenate3A_200 = tpu.concatenate %slice3A_184, %slice3A_185, %slice3A_186, %slice3A_187, %slice3A_188, %slice3A_189, %slice3A_190, %slice3A_191, %slice3A_192, %slice3A_193, %slice3A_194, %slice3A_195, %slice3A_196, %slice3A_197, %slice3A_198, %slice3A_199 in 0 : vector<128x8xf32>, vector<128x8xf32>, vector<128x8xf32>, vector<128x8xf32>, vector<128x8xf32>, vector<128x8xf32>, vector<128x8xf32>, vector<128x8xf32>, vector<128x8xf32>, vector<128x8xf32>, vector<128x8xf32>, vector<128x8xf32>, vector<128x8xf32>, vector<128x8xf32>, vector<128x8xf32>, vector<128x8xf32> -> vector<2048x8xf32>
    %slice3A_201 = vector.extract_strided_slice %concatenate3A_200 {offsets = [2047, 0], sizes = [1, 8], strides = [1, 1]} : vector<2048x8xf32> to vector<1x8xf32>
    %add3A_202 = arith.constant 1.270000e+02 : f32
    %add3A_203 = vector.broadcast %add3A_202 : f32 to vector<1x8xf32>
    %add3A_204 = arith.addf %slice3A_201, %add3A_203 : vector<1x8xf32>
    %mul3A = arith.constant 7.812500e-03 : f32
    %mul3A_205 = vector.broadcast %mul3A : f32 to vector<1x8xf32>
    %mul3A_206 = arith.mulf %add3A_204, %mul3A_205 : vector<1x8xf32>
    %floor3A = math.floor %mul3A_206 : vector<1x8xf32>
    %mul3A_207 = arith.constant 1.280000e+02 : f32
    %mul3A_208 = vector.broadcast %mul3A_207 : f32 to vector<1x8xf32>
    %mul3A_209 = arith.mulf %floor3A, %mul3A_208 : vector<1x8xf32>
    %iota3A_210 = tpu.iota {dimensions = array<i32: 0>} : vector<8x8xi32>
    %iota3A_211 = tpu.iota {dimensions = array<i32: 1>} : vector<8x8xi32>
    %lt3A_212 = arith.cmpi slt, %iota3A_210, %iota3A_211 : vector<8x8xi32>
    %jit3A_213 = arith.constant 1.000000e+00 : f32
    %jit3A_214 = arith.constant 0.000000e+00 : f32
    %broadcast_in_dim3A_215 = vector.broadcast %jit3A_213 : f32 to vector<8x8xf32>
    %broadcast_in_dim3A_216 = vector.broadcast %jit3A_214 : f32 to vector<8x8xf32>
    %select_n3A_217 = arith.select %lt3A_212, %broadcast_in_dim3A_215, %broadcast_in_dim3A_216 : vector<8x8xi1>, vector<8x8xf32>
    %dot_general3A_218 = arith.constant dense<0.000000e+00> : vector<1x8xf32>
    %dot_general3A_219 = tpu.matmul %mul3A_209, %select_n3A_217, %dot_general3A_218 {dimension_numbers = #tpu.dot_dimension_numbers<[1], [0], [0], [1], [0, 0, 1, 1], [], []>, transpose_lhs_hint = false} : vector<1x8xf32>, vector<8x8xf32>, vector<1x8xf32> -> vector<1x8xf32>
    %broadcast_in_dim3A_220 = vector.shape_cast %dot_general3A_219 : vector<1x8xf32> to vector<1x8xf32>
    %broadcast_in_dim3A_221 = vector.broadcast %broadcast_in_dim3A_220 : vector<1x8xf32> to vector<2048x8xf32>
    %eq3A_222 = vector.broadcast %broadcast_in_dim3A_14 : vector<2048x1xi32> to vector<2048x8xi32>
    %eq3A_223 = arith.cmpi eq, %iota3A, %eq3A_222 : vector<2048x8xi32>
    %jit3A_224 = arith.constant 0.000000e+00 : f32
    %broadcast_in_dim3A_225 = vector.broadcast %jit3A_224 : f32 to vector<2048x8xf32>
    %select_n3A_226 = arith.select %eq3A_223, %concatenate3A_200, %broadcast_in_dim3A_225 : vector<2048x8xi1>, vector<2048x8xf32>
    %reduce_sum3A = arith.constant dense<0.000000e+00> : vector<2048xf32>
    %reduce_sum3A_227 = vector.multi_reduction <add>, %select_n3A_226, %reduce_sum3A [1] : vector<2048x8xf32> to vector<2048xf32>
    %broadcast_in_dim3A_228 = vector.shape_cast %reduce_sum3A_227 : vector<2048xf32> to vector<2048x1xf32>
    %sub3A_229 = arith.constant 1.000000e+00 : f32
    %sub3A_230 = vector.broadcast %sub3A_229 : f32 to vector<2048x1xf32>
    %sub3A_231 = arith.subf %broadcast_in_dim3A_228, %sub3A_230 : vector<2048x1xf32>
    %eq3A_232 = vector.broadcast %broadcast_in_dim3A_30 : vector<2048x1xi32> to vector<2048x8xi32>
    %eq3A_233 = arith.cmpi eq, %iota3A, %eq3A_232 : vector<2048x8xi32>
    %jit3A_234 = arith.constant 0.000000e+00 : f32
    %broadcast_in_dim3A_235 = vector.broadcast %jit3A_234 : f32 to vector<2048x8xf32>
    %select_n3A_236 = arith.select %eq3A_233, %concatenate3A_200, %broadcast_in_dim3A_235 : vector<2048x8xi1>, vector<2048x8xf32>
    %reduce_sum3A_237 = arith.constant dense<0.000000e+00> : vector<2048xf32>
    %reduce_sum3A_238 = vector.multi_reduction <add>, %select_n3A_236, %reduce_sum3A_237 [1] : vector<2048x8xf32> to vector<2048xf32>
    %broadcast_in_dim3A_239 = vector.shape_cast %reduce_sum3A_238 : vector<2048xf32> to vector<2048x1xf32>
    %sub3A_240 = arith.constant 1.000000e+00 : f32
    %sub3A_241 = vector.broadcast %sub3A_240 : f32 to vector<2048x1xf32>
    %sub3A_242 = arith.subf %broadcast_in_dim3A_239, %sub3A_241 : vector<2048x1xf32>
    %eq3A_243 = vector.broadcast %broadcast_in_dim3A_14 : vector<2048x1xi32> to vector<2048x8xi32>
    %eq3A_244 = arith.cmpi eq, %iota3A, %eq3A_243 : vector<2048x8xi32>
    %jit3A_245 = arith.constant 0.000000e+00 : f32
    %broadcast_in_dim3A_246 = vector.broadcast %jit3A_245 : f32 to vector<2048x8xf32>
    %select_n3A_247 = arith.select %eq3A_244, %broadcast_in_dim3A_221, %broadcast_in_dim3A_246 : vector<2048x8xi1>, vector<2048x8xf32>
    %reduce_sum3A_248 = arith.constant dense<0.000000e+00> : vector<2048xf32>
    %reduce_sum3A_249 = vector.multi_reduction <add>, %select_n3A_247, %reduce_sum3A_248 [1] : vector<2048x8xf32> to vector<2048xf32>
    %broadcast_in_dim3A_250 = vector.shape_cast %reduce_sum3A_249 : vector<2048xf32> to vector<2048x1xf32>
    %eq3A_251 = vector.broadcast %broadcast_in_dim3A_30 : vector<2048x1xi32> to vector<2048x8xi32>
    %eq3A_252 = arith.cmpi eq, %iota3A, %eq3A_251 : vector<2048x8xi32>
    %jit3A_253 = arith.constant 0.000000e+00 : f32
    %broadcast_in_dim3A_254 = vector.broadcast %jit3A_253 : f32 to vector<2048x8xf32>
    %select_n3A_255 = arith.select %eq3A_252, %broadcast_in_dim3A_221, %broadcast_in_dim3A_254 : vector<2048x8xi1>, vector<2048x8xf32>
    %reduce_sum3A_256 = arith.constant dense<0.000000e+00> : vector<2048xf32>
    %reduce_sum3A_257 = vector.multi_reduction <add>, %select_n3A_255, %reduce_sum3A_256 [1] : vector<2048x8xf32> to vector<2048xf32>
    %broadcast_in_dim3A_258 = vector.shape_cast %reduce_sum3A_257 : vector<2048xf32> to vector<2048x1xf32>
    %add3A_259 = arith.addf %broadcast_in_dim3A_250, %sub3A_231 : vector<2048x1xf32>
    %convert_element_type3A_260 = arith.fptosi %add3A_259 : vector<2048x1xf32> to vector<2048x1xi32>
    %swap3A_261 = arith.constant 0 : index
    %swap3A_262 = arith.constant 0 : index
    %swap3A_263 = vector.load %arg2[%swap3A_261, %swap3A_262] : memref<2048x1xi32, #tpu.memory_space<vmem>>, vector<2048x1xi32>
    tpu.vector_store %arg2[%swap3A_261, %swap3A_262], %convert_element_type3A_260 {strides = array<i32>} : memref<2048x1xi32, #tpu.memory_space<vmem>>, vector<2048x1xi32>,
    %add3A_264 = arith.addf %broadcast_in_dim3A_258, %sub3A_242 : vector<2048x1xf32>
    %convert_element_type3A_265 = arith.fptosi %add3A_264 : vector<2048x1xf32> to vector<2048x1xi32>
    %swap3A_266 = arith.constant 0 : index
    %swap3A_267 = arith.constant 0 : index
    %swap3A_268 = vector.load %arg3[%swap3A_266, %swap3A_267] : memref<2048x1xi32, #tpu.memory_space<vmem>>, vector<2048x1xi32>
    tpu.vector_store %arg3[%swap3A_266, %swap3A_267], %convert_element_type3A_265 {strides = array<i32>} : memref<2048x1xi32, #tpu.memory_space<vmem>>, vector<2048x1xi32>,
    %iota3A_269 = tpu.iota {dimensions = array<i32: 1>} : vector<1x128xi32>
    %convert_element_type3A_270 = arith.sitofp %iota3A_269 : vector<1x128xi32> to vector<1x128xf32>
    %mul3A_271 = arith.constant 1.280000e+02 : f32
    %mul3A_272 = vector.broadcast %mul3A_271 : f32 to vector<1x128xf32>
    %mul3A_273 = arith.mulf %convert_element_type3A_270, %mul3A_272 : vector<1x128xf32>
    %broadcast_in_dim3A_274 = arith.constant 0.000000e+00 : f32
    %broadcast_in_dim3A_275 = vector.broadcast %broadcast_in_dim3A_274 : f32 to vector<1x128xf32>
    %slice3A_276 = vector.extract_strided_slice %dot_general3A_219 {offsets = [0, 0], sizes = [1, 1], strides = [1, 1]} : vector<1x8xf32> to vector<1x1xf32>
    %slice3A_277 = vector.extract_strided_slice %mul3A_209 {offsets = [0, 0], sizes = [1, 1], strides = [1, 1]} : vector<1x8xf32> to vector<1x1xf32>
    %add3A_278 = arith.addf %slice3A_276, %slice3A_277 : vector<1x1xf32>
    %ge3A_279 = vector.broadcast %slice3A_276 : vector<1x1xf32> to vector<1x128xf32>
    %ge3A_280 = arith.cmpf oge, %mul3A_273, %ge3A_279 : vector<1x128xf32>
    %lt3A_281 = vector.broadcast %add3A_278 : vector<1x1xf32> to vector<1x128xf32>
    %lt3A_282 = arith.cmpf olt, %mul3A_273, %lt3A_281 : vector<1x128xf32>
    %and3A_283 = arith.andi %ge3A_280, %lt3A_282 : vector<1x128xi1>
    %jit3A_284 = arith.constant 1.000000e+00 : f32
    %jit3A_285 = arith.constant 0.000000e+00 : f32
    %broadcast_in_dim3A_286 = vector.broadcast %jit3A_284 : f32 to vector<1x128xf32>
    %broadcast_in_dim3A_287 = vector.broadcast %jit3A_285 : f32 to vector<1x128xf32>
    %select_n3A_288 = arith.select %and3A_283, %broadcast_in_dim3A_286, %broadcast_in_dim3A_287 : vector<1x128xi1>, vector<1x128xf32>
    %mul3A_289 = arith.constant 0.000000e+00 : f32
    %mul3A_290 = vector.broadcast %mul3A_289 : f32 to vector<1x128xf32>
    %mul3A_291 = arith.mulf %mul3A_290, %select_n3A_288 : vector<1x128xf32>
    %add3A_292 = arith.addf %broadcast_in_dim3A_275, %mul3A_291 : vector<1x128xf32>
    %slice3A_293 = vector.extract_strided_slice %dot_general3A_219 {offsets = [0, 1], sizes = [1, 1], strides = [1, 1]} : vector<1x8xf32> to vector<1x1xf32>
    %slice3A_294 = vector.extract_strided_slice %mul3A_209 {offsets = [0, 1], sizes = [1, 1], strides = [1, 1]} : vector<1x8xf32> to vector<1x1xf32>
    %add3A_295 = arith.addf %slice3A_293, %slice3A_294 : vector<1x1xf32>
    %ge3A_296 = vector.broadcast %slice3A_293 : vector<1x1xf32> to vector<1x128xf32>
    %ge3A_297 = arith.cmpf oge, %mul3A_273, %ge3A_296 : vector<1x128xf32>
    %lt3A_298 = vector.broadcast %add3A_295 : vector<1x1xf32> to vector<1x128xf32>
    %lt3A_299 = arith.cmpf olt, %mul3A_273, %lt3A_298 : vector<1x128xf32>
    %and3A_300 = arith.andi %ge3A_297, %lt3A_299 : vector<1x128xi1>
    %jit3A_301 = arith.constant 1.000000e+00 : f32
    %jit3A_302 = arith.constant 0.000000e+00 : f32
    %broadcast_in_dim3A_303 = vector.broadcast %jit3A_301 : f32 to vector<1x128xf32>
    %broadcast_in_dim3A_304 = vector.broadcast %jit3A_302 : f32 to vector<1x128xf32>
    %select_n3A_305 = arith.select %and3A_300, %broadcast_in_dim3A_303, %broadcast_in_dim3A_304 : vector<1x128xi1>, vector<1x128xf32>
    %mul3A_306 = arith.constant 1.000000e+00 : f32
    %mul3A_307 = vector.broadcast %mul3A_306 : f32 to vector<1x128xf32>
    %mul3A_308 = arith.mulf %mul3A_307, %select_n3A_305 : vector<1x128xf32>
    %add3A_309 = arith.addf %add3A_292, %mul3A_308 : vector<1x128xf32>
    %slice3A_310 = vector.extract_strided_slice %dot_general3A_219 {offsets = [0, 2], sizes = [1, 1], strides = [1, 1]} : vector<1x8xf32> to vector<1x1xf32>
    %slice3A_311 = vector.extract_strided_slice %mul3A_209 {offsets = [0, 2], sizes = [1, 1], strides = [1, 1]} : vector<1x8xf32> to vector<1x1xf32>
    %add3A_312 = arith.addf %slice3A_310, %slice3A_311 : vector<1x1xf32>
    %ge3A_313 = vector.broadcast %slice3A_310 : vector<1x1xf32> to vector<1x128xf32>
    %ge3A_314 = arith.cmpf oge, %mul3A_273, %ge3A_313 : vector<1x128xf32>
    %lt3A_315 = vector.broadcast %add3A_312 : vector<1x1xf32> to vector<1x128xf32>
    %lt3A_316 = arith.cmpf olt, %mul3A_273, %lt3A_315 : vector<1x128xf32>
    %and3A_317 = arith.andi %ge3A_314, %lt3A_316 : vector<1x128xi1>
    %jit3A_318 = arith.constant 1.000000e+00 : f32
    %jit3A_319 = arith.constant 0.000000e+00 : f32
    %broadcast_in_dim3A_320 = vector.broadcast %jit3A_318 : f32 to vector<1x128xf32>
    %broadcast_in_dim3A_321 = vector.broadcast %jit3A_319 : f32 to vector<1x128xf32>
    %select_n3A_322 = arith.select %and3A_317, %broadcast_in_dim3A_320, %broadcast_in_dim3A_321 : vector<1x128xi1>, vector<1x128xf32>
    %mul3A_323 = arith.constant 2.000000e+00 : f32
    %mul3A_324 = vector.broadcast %mul3A_323 : f32 to vector<1x128xf32>
    %mul3A_325 = arith.mulf %mul3A_324, %select_n3A_322 : vector<1x128xf32>
    %add3A_326 = arith.addf %add3A_309, %mul3A_325 : vector<1x128xf32>
    %slice3A_327 = vector.extract_strided_slice %dot_general3A_219 {offsets = [0, 3], sizes = [1, 1], strides = [1, 1]} : vector<1x8xf32> to vector<1x1xf32>
    %slice3A_328 = vector.extract_strided_slice %mul3A_209 {offsets = [0, 3], sizes = [1, 1], strides = [1, 1]} : vector<1x8xf32> to vector<1x1xf32>
    %add3A_329 = arith.addf %slice3A_327, %slice3A_328 : vector<1x1xf32>
    %ge3A_330 = vector.broadcast %slice3A_327 : vector<1x1xf32> to vector<1x128xf32>
    %ge3A_331 = arith.cmpf oge, %mul3A_273, %ge3A_330 : vector<1x128xf32>
    %lt3A_332 = vector.broadcast %add3A_329 : vector<1x1xf32> to vector<1x128xf32>
    %lt3A_333 = arith.cmpf olt, %mul3A_273, %lt3A_332 : vector<1x128xf32>
    %and3A_334 = arith.andi %ge3A_331, %lt3A_333 : vector<1x128xi1>
    %jit3A_335 = arith.constant 1.000000e+00 : f32
    %jit3A_336 = arith.constant 0.000000e+00 : f32
    %broadcast_in_dim3A_337 = vector.broadcast %jit3A_335 : f32 to vector<1x128xf32>
    %broadcast_in_dim3A_338 = vector.broadcast %jit3A_336 : f32 to vector<1x128xf32>
    %select_n3A_339 = arith.select %and3A_334, %broadcast_in_dim3A_337, %broadcast_in_dim3A_338 : vector<1x128xi1>, vector<1x128xf32>
    %mul3A_340 = arith.constant 3.000000e+00 : f32
    %mul3A_341 = vector.broadcast %mul3A_340 : f32 to vector<1x128xf32>
    %mul3A_342 = arith.mulf %mul3A_341, %select_n3A_339 : vector<1x128xf32>
    %add3A_343 = arith.addf %add3A_326, %mul3A_342 : vector<1x128xf32>
    %slice3A_344 = vector.extract_strided_slice %dot_general3A_219 {offsets = [0, 4], sizes = [1, 1], strides = [1, 1]} : vector<1x8xf32> to vector<1x1xf32>
    %slice3A_345 = vector.extract_strided_slice %mul3A_209 {offsets = [0, 4], sizes = [1, 1], strides = [1, 1]} : vector<1x8xf32> to vector<1x1xf32>
    %add3A_346 = arith.addf %slice3A_344, %slice3A_345 : vector<1x1xf32>
    %ge3A_347 = vector.broadcast %slice3A_344 : vector<1x1xf32> to vector<1x128xf32>
    %ge3A_348 = arith.cmpf oge, %mul3A_273, %ge3A_347 : vector<1x128xf32>
    %lt3A_349 = vector.broadcast %add3A_346 : vector<1x1xf32> to vector<1x128xf32>
    %lt3A_350 = arith.cmpf olt, %mul3A_273, %lt3A_349 : vector<1x128xf32>
    %and3A_351 = arith.andi %ge3A_348, %lt3A_350 : vector<1x128xi1>
    %jit3A_352 = arith.constant 1.000000e+00 : f32
    %jit3A_353 = arith.constant 0.000000e+00 : f32
    %broadcast_in_dim3A_354 = vector.broadcast %jit3A_352 : f32 to vector<1x128xf32>
    %broadcast_in_dim3A_355 = vector.broadcast %jit3A_353 : f32 to vector<1x128xf32>
    %select_n3A_356 = arith.select %and3A_351, %broadcast_in_dim3A_354, %broadcast_in_dim3A_355 : vector<1x128xi1>, vector<1x128xf32>
    %mul3A_357 = arith.constant 4.000000e+00 : f32
    %mul3A_358 = vector.broadcast %mul3A_357 : f32 to vector<1x128xf32>
    %mul3A_359 = arith.mulf %mul3A_358, %select_n3A_356 : vector<1x128xf32>
    %add3A_360 = arith.addf %add3A_343, %mul3A_359 : vector<1x128xf32>
    %slice3A_361 = vector.extract_strided_slice %dot_general3A_219 {offsets = [0, 5], sizes = [1, 1], strides = [1, 1]} : vector<1x8xf32> to vector<1x1xf32>
    %slice3A_362 = vector.extract_strided_slice %mul3A_209 {offsets = [0, 5], sizes = [1, 1], strides = [1, 1]} : vector<1x8xf32> to vector<1x1xf32>
    %add3A_363 = arith.addf %slice3A_361, %slice3A_362 : vector<1x1xf32>
    %ge3A_364 = vector.broadcast %slice3A_361 : vector<1x1xf32> to vector<1x128xf32>
    %ge3A_365 = arith.cmpf oge, %mul3A_273, %ge3A_364 : vector<1x128xf32>
    %lt3A_366 = vector.broadcast %add3A_363 : vector<1x1xf32> to vector<1x128xf32>
    %lt3A_367 = arith.cmpf olt, %mul3A_273, %lt3A_366 : vector<1x128xf32>
    %and3A_368 = arith.andi %ge3A_365, %lt3A_367 : vector<1x128xi1>
    %jit3A_369 = arith.constant 1.000000e+00 : f32
    %jit3A_370 = arith.constant 0.000000e+00 : f32
    %broadcast_in_dim3A_371 = vector.broadcast %jit3A_369 : f32 to vector<1x128xf32>
    %broadcast_in_dim3A_372 = vector.broadcast %jit3A_370 : f32 to vector<1x128xf32>
    %select_n3A_373 = arith.select %and3A_368, %broadcast_in_dim3A_371, %broadcast_in_dim3A_372 : vector<1x128xi1>, vector<1x128xf32>
    %mul3A_374 = arith.constant 5.000000e+00 : f32
    %mul3A_375 = vector.broadcast %mul3A_374 : f32 to vector<1x128xf32>
    %mul3A_376 = arith.mulf %mul3A_375, %select_n3A_373 : vector<1x128xf32>
    %add3A_377 = arith.addf %add3A_360, %mul3A_376 : vector<1x128xf32>
    %slice3A_378 = vector.extract_strided_slice %dot_general3A_219 {offsets = [0, 6], sizes = [1, 1], strides = [1, 1]} : vector<1x8xf32> to vector<1x1xf32>
    %slice3A_379 = vector.extract_strided_slice %mul3A_209 {offsets = [0, 6], sizes = [1, 1], strides = [1, 1]} : vector<1x8xf32> to vector<1x1xf32>
    %add3A_380 = arith.addf %slice3A_378, %slice3A_379 : vector<1x1xf32>
    %ge3A_381 = vector.broadcast %slice3A_378 : vector<1x1xf32> to vector<1x128xf32>
    %ge3A_382 = arith.cmpf oge, %mul3A_273, %ge3A_381 : vector<1x128xf32>
    %lt3A_383 = vector.broadcast %add3A_380 : vector<1x1xf32> to vector<1x128xf32>
    %lt3A_384 = arith.cmpf olt, %mul3A_273, %lt3A_383 : vector<1x128xf32>
    %and3A_385 = arith.andi %ge3A_382, %lt3A_384 : vector<1x128xi1>
    %jit3A_386 = arith.constant 1.000000e+00 : f32
    %jit3A_387 = arith.constant 0.000000e+00 : f32
    %broadcast_in_dim3A_388 = vector.broadcast %jit3A_386 : f32 to vector<1x128xf32>
    %broadcast_in_dim3A_389 = vector.broadcast %jit3A_387 : f32 to vector<1x128xf32>
    %select_n3A_390 = arith.select %and3A_385, %broadcast_in_dim3A_388, %broadcast_in_dim3A_389 : vector<1x128xi1>, vector<1x128xf32>
    %mul3A_391 = arith.constant 6.000000e+00 : f32
    %mul3A_392 = vector.broadcast %mul3A_391 : f32 to vector<1x128xf32>
    %mul3A_393 = arith.mulf %mul3A_392, %select_n3A_390 : vector<1x128xf32>
    %add3A_394 = arith.addf %add3A_377, %mul3A_393 : vector<1x128xf32>
    %slice3A_395 = vector.extract_strided_slice %dot_general3A_219 {offsets = [0, 7], sizes = [1, 1], strides = [1, 1]} : vector<1x8xf32> to vector<1x1xf32>
    %slice3A_396 = vector.extract_strided_slice %mul3A_209 {offsets = [0, 7], sizes = [1, 1], strides = [1, 1]} : vector<1x8xf32> to vector<1x1xf32>
    %add3A_397 = arith.addf %slice3A_395, %slice3A_396 : vector<1x1xf32>
    %ge3A_398 = vector.broadcast %slice3A_395 : vector<1x1xf32> to vector<1x128xf32>
    %ge3A_399 = arith.cmpf oge, %mul3A_273, %ge3A_398 : vector<1x128xf32>
    %lt3A_400 = vector.broadcast %add3A_397 : vector<1x1xf32> to vector<1x128xf32>
    %lt3A_401 = arith.cmpf olt, %mul3A_273, %lt3A_400 : vector<1x128xf32>
    %and3A_402 = arith.andi %ge3A_399, %lt3A_401 : vector<1x128xi1>
    %jit3A_403 = arith.constant 1.000000e+00 : f32
    %jit3A_404 = arith.constant 0.000000e+00 : f32
    %broadcast_in_dim3A_405 = vector.broadcast %jit3A_403 : f32 to vector<1x128xf32>
    %broadcast_in_dim3A_406 = vector.broadcast %jit3A_404 : f32 to vector<1x128xf32>
    %select_n3A_407 = arith.select %and3A_402, %broadcast_in_dim3A_405, %broadcast_in_dim3A_406 : vector<1x128xi1>, vector<1x128xf32>
    %mul3A_408 = arith.constant 7.000000e+00 : f32
    %mul3A_409 = vector.broadcast %mul3A_408 : f32 to vector<1x128xf32>
    %mul3A_410 = arith.mulf %mul3A_409, %select_n3A_407 : vector<1x128xf32>
    %add3A_411 = arith.addf %add3A_394, %mul3A_410 : vector<1x128xf32>
    %convert_element_type3A_412 = arith.fptosi %add3A_411 : vector<1x128xf32> to vector<1x128xi32>
    %swap3A_413 = arith.constant 0 : index
    %swap3A_414 = arith.constant 0 : index
    %swap3A_415 = vector.load %arg6[%swap3A_413, %swap3A_414] : memref<1x128xi32, #tpu.memory_space<vmem>>, vector<1x128xi32>
    tpu.vector_store %arg6[%swap3A_413, %swap3A_414], %convert_element_type3A_412 {strides = array<i32>} : memref<1x128xi32, #tpu.memory_space<vmem>>, vector<1x128xi32>,
    return
  }
}

</mosaic_0001>

<sc_bundles>
// kernel: kernel.6.cloned.1.call-start
scs
__scs_entry_jumppad:
0x0: {  	(pc) =	sbr.rel $0x88, $3  }
0x1: {  	(tag) =	ssettag $0x0;
	lr =	simm.s32 $0x1  }
0x2: {  	[smem:$0x3F9B] =	sst lr;
	_ =	strace $0xD0000000  }
0x3: {  	_ = 	snop  }
0x4: {  	_ = 	snop  }
0x5: {  	_ = 	snop  }
0x6: {  	_ = 	snop  }
0x7: {  	_ = 	snop  }
__scs_overlays_trampoline_lowered:
0x8: {  	[smem:$0x3FAA] =	sst s0  }
0x9: {  	[smem:$0x3FAB] =	sst s1  }
0xa: {  	[smem:$0x3FAC] =	sst s2  }
0xb: {  	[smem:$0x3FAD] =	sst s3  }
0xc: {  	[smem:$0x3FAE] =	sst s4  }
0xd: {  	[smem:$0x3FAF] =	sst s5  }
0xe: {  	[smem:$0x3FB0] =	sst s6  }
0xf: {  	[smem:$0x3FB1] =	sst s7  }
0x10: {  	[smem:$0x3FB2] =	sst s8  }
0x11: {  	[smem:$0x3FB3] =	sst s9;
	s0 =	simm.s32 @!p0 $0x0  }
0x12: {  	s1 =	sld [smem:$0x3F99];
	s0 =	simm.s32 @p0 $0x1  }
0x13: {  	[smem:$0x3FB4] =	sst s0;
	s0 =	simm.s32 @!p1 $0x0  }
0x14: {  	s2 =	sld [smem:$0x3F98];
	s0 =	simm.s32 @p1 $0x1  }
0x15: {  	[smem:$0x3FB5] =	sst s0;
	s0 =	simm.s32 @!p2 $0x0  }
0x16: {  	s3 =	sld [smem:$0x3FDB];
	s0 =	simm.s32 @p2 $0x1  }
0x17: {  	s4 =	simm.s32 $0x1BF5;
	[smem:$0x3FB7] =	sst s0  }
0x18: {  	s0 =	sld [smem:$0x3F9A];
	_ =	swait.ge [sflag:s4], $0x0  }
0x19: {  	s7 =	sld [smem:$0x3F9B]  }
0x1a: {  	s8 =	sadd.s32 $0xFFFFE003, lr  }
0x1b: {  	s9 =	sadd.s32 $0xFFFFFEF7, lr;
	s5 =	simm.s32 $0xFFFFFFFF;
	p2 =	slt.u32 s8, $0xFFFFF086  }
0x1c: {  	p1 =	slt.u32 s9, $0xF7A;
	s5 =	simm.s32 @!p2 $0x0  }
0x1d: {  	s5 =	simm.s32 @p1 $0x1;
	p0 =	seq.s32 s7, s2  }
0x1e: {  	s7 =	smul.u32 @!p0 $0xF7A, s2;
	p2 =	seq.s32 @!p0 s5, $0x0  }
0x1f: {  	s9 =	smul.u32 $0xF7A, s1;
	s8 =	simm.s32 @!p0 $0x1BF5;
	p2 =	por !p2, p0  }
0x20: {  	[sflag:s8] =	ssyncset.s32 @!p0 $0xFFFFF086;
	s6 =	sadd.s32 @!p0 s3, s7;
	s7 =	simm.s32 @!p0 $0x108  }
0x21: {  	s3 =	sadd.s32 s3, s9;
	s6 =	sadd.s32 @!p0 $0x88, s6;
	s7 =	simm.s32 @p2 $0x1082  }
0x22: {  	[simem:s7], [sflag:s8] =	dma.local @!p0 [hbm:s6], $0xF7A  }
0x23: {  	s9 =	sor.u32 $0xD0000000, s2;
	s6 =	simm.s32 $0x108;
	_ =	swait.ge @!p0 [sflag:s8], $0x0  }
0x24: {  	s3 =	sadd.s32 $0x88, s3;
	s6 =	simm.s32 @!p1 $0x1082;
	[sflag:s4] =	ssyncset.s32 $0xFFFFF086  }
0x25: {  	[simem:s6], [sflag:s4] =	dma.local [hbm:s3], $0xF7A  }
0x26: {  	[smem:$0x3F9B] =	sst s1;
	(tag) =	ssettag s2;
	_ =	strace s9  }
0x27: {  	s1 =	sld [smem:$0x3FAB]  }
0x28: {  	s2 =	sld [smem:$0x3FAC]  }
0x29: {  	s4 =	sld [smem:$0x3FAE]  }
0x2a: {  	p0 =	seq.s32 s5, $0x0;
	s5 =	sld [smem:$0x3FAF]  }
0x2b: {  	s6 =	sld [smem:$0x3FB0]  }
0x2c: {  	s7 =	sld [smem:$0x3FB1]  }
0x2d: {  	s3 =	simm.s32 $0x108;
	s8 =	sld [smem:$0x3FB2]  }
0x2e: {  	s3 =	simm.s32 @!p0 $0x1082;
	s9 =	sld [smem:$0x3FB3]  }
0x2f: {  	lr =	sadd.s32 s0, s3;
	s0 =	sld [smem:$0x3FAA]  }
0x30: {  	s3 =	sld [smem:$0x3FAD]  }
0x31: {  	[smem:$0x3FB6] =	sst s10  }
0x32: {  	s10 =	sld [smem:$0x3FB4];
	_ =	sdelay $0x3  }
0x33: {  	p0 =	seq.s32 s10, $0x1;
	s10 =	sld [smem:$0x3FB6];
	_ =	sdelay $0x3  }
0x34: {  	[smem:$0x3FB6] =	sst s10  }
0x35: {  	s10 =	sld [smem:$0x3FB5];
	_ =	sdelay $0x3  }
0x36: {  	p1 =	seq.s32 s10, $0x1;
	s10 =	sld [smem:$0x3FB6];
	_ =	sdelay $0x3  }
0x37: {  	[smem:$0x3FB6] =	sst s10  }
0x38: {  	s10 =	sld [smem:$0x3FB7]  }
0x39: {  	_ = 	snop;
	(pc) =	sbr.ind lr, $3  }
0x3a: {  	_ = 	snop  }
0x3b: {  	_ = 	snop  }
0x3c: {  	p2 =	seq.s32 s10, $0x1;
	s10 =	sld [smem:$0x3FB6]  }
0x3d: {  	_ =	shalt  }
0x3e: {  	_ =	shalt  }
0x3f: {  	_ =	shalt  }
0x40: {  	_ =	shalt  }
0x41: {  	_ =	shalt  }
0x42: {  	_ =	shalt  }
0x43: {  	_ =	shalt  }
0x44: {  	_ =	shalt  }
0x45: {  	_ =	shalt  }
0x46: {  	_ =	shalt  }
0x47: {  	_ =	shalt  }
0x48: {  	_ =	shalt  }
0x49: {  	_ =	shalt  }
0x4a: {  	_ =	shalt  }
0x4b: {  	_ =	shalt  }
0x4c: {  	_ =	shalt  }
0x4d: {  	_ =	shalt  }
0x4e: {  	_ =	shalt  }
0x4f: {  	_ =	shalt  }
0x50: {  	_ =	shalt  }
0x51: {  	_ =	shalt  }
0x52: {  	_ =	shalt  }
0x53: {  	_ =	shalt  }
0x54: {  	_ =	shalt  }
0x55: {  	_ =	shalt  }
0x56: {  	_ =	shalt  }
0x57: {  	_ =	shalt  }
0x58: {  	_ =	shalt  }
0x59: {  	_ =	shalt  }
0x5a: {  	_ =	shalt  }
0x5b: {  	_ =	shalt  }
0x5c: {  	_ =	shalt  }
0x5d: {  	_ =	shalt  }
0x5e: {  	_ =	shalt  }
0x5f: {  	_ =	shalt  }
0x60: {  	_ =	shalt  }
0x61: {  	_ =	shalt  }
0x62: {  	_ =	shalt  }
0x63: {  	_ =	shalt  }
0x64: {  	_ =	shalt  }
0x65: {  	_ =	shalt  }
0x66: {  	_ =	shalt  }
0x67: {  	_ =	shalt  }
0x68: {  	_ =	shalt  }
0x69: {  	_ =	shalt  }
0x6a: {  	_ =	shalt  }
0x6b: {  	_ =	shalt  }
0x6c: {  	_ =	shalt  }
0x6d: {  	_ =	shalt  }
0x6e: {  	_ =	shalt  }
0x6f: {  	_ =	shalt  }
0x70: {  	_ =	shalt  }
0x71: {  	_ =	shalt  }
0x72: {  	_ =	shalt  }
0x73: {  	_ =	shalt  }
0x74: {  	_ =	shalt  }
0x75: {  	_ =	shalt  }
0x76: {  	_ =	shalt  }
0x77: {  	_ =	shalt  }
0x78: {  	_ =	shalt  }
0x79: {  	_ =	shalt  }
0x7a: {  	_ =	shalt  }
0x7b: {  	_ =	shalt  }
0x7c: {  	_ =	shalt  }
0x7d: {  	_ =	shalt  }
0x7e: {  	_ =	shalt  }
0x7f: {  	_ =	shalt  }
0x80: {  	_ =	shalt  }
0x81: {  	_ =	shalt  }
0x82: {  	_ =	shalt  }
0x83: {  	_ =	shalt  }
0x84: {  	_ =	shalt  }
0x85: {  	_ =	shalt  }
0x86: {  	_ =	shalt  }
0x87: {  	_ =	shalt  }
.Lfunc_end0:
.L_simem_size_0:
called_computation_lowered:
.L_overlay_start_0:
0x88: {  	s2 =	sld [smem:$0x3FD9]  }
0x89: {  	s3 =	sld [smem:$0x3FFE];
	_ =	sdelay $0x1  }
0x8a: {  	s1 =	srdreg.scid  }
0x8b: {  	s0 =	sand.u32 $0x1, s1  }
0x8c: {  	s17 =	sshll.u32 s0, $0xA;
	s2 =	sadd.s32 s3, s2  }
0x8d: {  	s2 =	sadd.s32 s2, s17  }
0x8e: {  	[smem:$0x3FC2] =	sst s2  }
0x8f: {  	_ = 	snop  }
0x90: {  	s2 =	sld [smem:$0x3FC9]  }
0x91: {  	s18 =	sld [smem:$0x3FD0];
	(tm) =	ssettm $0x1  }
0x92: {  	s4 =	sld [smem:$0x3FFB];
	_ =	sdelay $0x3  }
0x93: {  	_ =	strace s4  }
0x94: {  	s4 =	sld [smem:$0x3FFC];
	_ =	sdelay $0x3  }
0x95: {  	_ =	strace s4  }
0x96: {  	s4 =	sld [smem:$0x3FFD];
	_ =	sdelay $0x3  }
0x97: {  	_ =	strace s4  }
0x98: {  	_ =	strace $0x8FFFFFFF  }
0x99: {  	s19 =	sld [smem:$0x3FDB];
	_ =	sdelay $0x1  }
0x9a: {  	s5 =	simm.s32 $_scs_section_size  }
0x9b: {  	s6 =	simm.s32 $_size__tile_overlayer_lowered;
	s7 =	simm.s32 $_tile_overlayer_lowered  }
0x9c: {  	s22 =	simm.s32 $0x1BFF;
	s21 =	sshll.u32 s7, $0x1;
	s4 =	sadd.s32 s5, s19  }
0x9d: {  	s8 =	simm.s32 $0x0;
	s20 =	sshll.u32 s6, $0x1;
	s6 =	sadd.s32 s21, s4  }
0x9e: {  	[timem:s8], [sflag:s22] =	dma.local [hbm:s6], s20  }
0x9f: {  	_ =	swait.ge [sflag:s22], s20  }
0xa0: {  	s5 =	ssub.s32 $0x0, s20;
	[sflag:s22] =	ssyncset.done $0x0  }
0xa1: {  	[sflag:s22] =	ssyncadd.s32 s5;
	_ =	sdelay $0x1  }
0xa2: {  	s23 =	simm.s32 $0x1B8B  }
0xa3: {  	_ =	swait.ge [sflag:s23], $0x1  }
0xa4: {  	[sflag:s23] =	ssyncset.done $0x0  }
0xa5: {  	s25 =	simm.s32 $0x1B8E;
	s24 =	sld [smem:$0x3FFE];
	[sflag:s23] =	ssyncadd.s32 $0xFFFFFFFF  }
0xa6: {  	s26 =	simm.s32 $execute0_lowered;
	[smem:$0x3FD2] =	sst s25  }
0xa7: {  	s6 =	sshll.u32 s26, $0x1;
	_ =	strace $0x80000046;
	[dreg:$0x1] =	wrdreg $0xFFFFFFFF  }
0xa8: {  	s28 =	simm.s32 $_size_execute0_lowered;
	s4 =	sadd.s32 s4, s6;
	[dreg:$0x0] =	wrdreg $0x0  }
0xa9: {  	s6 =	sshll.u32 s28, $0x1;
	[dreg:$0x2] =	wrdreg s4  }
0xaa: {  	[dreg:$0x3] =	wrdreg s6  }
0xab: {  	[dreg:$0x4] =	wrdreg $0xC0  }
0xac: {  	_ =	task [dreg:s8], $0x5FFFF  }
0xad: {  	[dreg:$0x1] =	wrdreg $0xFFFFFFFF  }
0xae: {  	[dreg:$0x0] =	wrdreg $0x60  }
0xaf: {  	[dreg:$0x2] =	wrdreg s2  }
0xb0: {  	[dreg:$0x3] =	wrdreg s24  }
0xb1: {  	[dreg:$0x4] =	wrdreg s18  }
0xb2: {  	[dreg:$0x5] =	wrdreg $0x9  }
0xb3: {  	_ =	task.clear_ibuf [dreg:s8], $0x6FFFF;
	_ =	strace $0x90000046  }
0xb4: {  	s29 =	simm.s32 $0x9;
	_ =	strace $0x80000048  }
0xb5: {  	_ =	swait.ge [sflag:s29], $0x1  }
0xb6: {  	[sflag:s29] =	ssyncadd.s32 $0xFFFFFFFF  }
0xb7: {  	_ =	strace $0x90000048  }
0xb8: {  	_ =	sfence  }
0xb9: {  	s30 =	sld [smem:$0x0];
	_ =	sdelay $0x2  }
0xba: {  	s31 =	sshll.u32 s1, $0xD;
	s1 =	sshrl.u32 s1, $0x2  }
0xbb: {  	s3 =	sand.u32 $0x4000, s31;
	s1 =	sadd.s32 s1, s30  }
0xbc: {  	s0 =	sor.u32 s3, s0;
	s1 =	sshll.u32 s1, $0x11  }
0xbd: {  	s0 =	sor.u32 s1, s0  }
0xbe: {  	s0 =	sadd.s32 $0x8F2B, s0  }
0xbf: {  	[sflag:s0] =	ssyncadd.remote.s32 $0x1  }
0xc0: {  	_ =	sfence.sel $0xFFFF  }
0xc1: {  	[dreg:$0x0] =	wrdreg $0xFFFFFFFF;
	(pc) =	sbr.abs _section_cstart, $3  }
0xc2: {  	[dreg:$0x1] =	wrdreg $0xFFFFFFFF  }
0xc3: {  	_ =	task.clear_ibuf [dreg:s8], $0x2FFFF;
	_ =	strace $0x9FFFFFFF  }
0xc4: {  	(tm) =	ssettm $0x7FFFFFFF  }
0xc5: {  	_ =	shalt  }
tec
execute0_lowered:
.L_overlay_start_1:
0x0: {  	(tag) =	ssettag $0x1  }
0x1: {  	s0 =	srdreg.scid;
	s1 =	rddreg [dreg:$0x0]  }
0x2: {  	s3 =	stileid.u32;
	s2 =	rddreg [dreg:$0x1]  }
0x3: {  	s9 =	simm.s32 $0x3;
	s23 =	simm.s32 $0x100;
	s31 =	simm.s32 $0x3100  }
0x4: {  	s10 =	simm.s32 $0x5100;
	s12 =	simm.s32 $0x5900;
	s13 =	simm.s32 $0x6100  }
0x5: {  	s14 =	simm.s32 $0x6900;
	s15 =	simm.s32 $0x7100;
	s16 =	simm.s32 $0x7900  }
0x6: {  	s17 =	simm.s32 $0x8100;
	s18 =	simm.s32 $0x8900;
	s19 =	simm.s32 $0x9100  }
0x7: {  	s20 =	simm.s32 $0x9900;
	s21 =	simm.s32 $0xA100;
	s22 =	simm.s32 $0xA900  }
0x8: {  	s11 =	simm.s32 $0xB100;
	s24 =	simm.s32 $0xB900;
	s0 =	sand.u32 $0x1, s0  }
0x9: {  	s3 =	sshll.u32 s3, $0x7;
	s4 =	sshll.u32 s0, $0x6;
	s0 =	ssub.s32 $0x2, s0  }
0xa: {  	s4 =	sor.u32 s4, s3;
	s3 =	simm.s32 $0x0;
	s29 =	sshrl.u32 s0, $0x1  }
0xb: {  	s5 =	sshrl.u32 s4, $0x3;
	[smem:$0x7FF] =	sst s3;
	s26 =	sshll.u32 s4, $0x7  }
0xc: {  	s6 =	sshll.u32 s4, $0x4;
	s5 =	sadd.s32 s5, s2;
	s1 =	sadd.s32 s1, s26  }
0xd: {  	_ =	strace $0x80000047;
	s7 =	sadd.s32 $0x12200, s5;
	[dreg:$0x6] =	wrdreg s1  }
0xe: {  	s6 =	sadd.s32 s6, s2;
	s5 =	sadd.s32 $0x12400, s5;
	[dreg:$0x4] =	wrdreg s7  }
0xf: {  	s4 =	sadd.s32 $0x12600, s2;
	s28 =	sadd.s32 $0x2200, s6;
	[dreg:$0x5] =	wrdreg s5  }
0x10: {  	v2 =	vlaneseq.u32;
	s0 =	ssub.s32 s0, s29;
	s30 =	sadd.s32 $0xA200, s6;
	[dreg:$0x7] =	wrdreg s28  }
0x11: {  	vm0 =	vmmov $0xffff;
	v1 =	vshrl.u32 v2, $0x3;
	s8 =	smax.u32 s0, $0x1;
	s6 =	sadd.s32 $0x12800, s2;
	[dreg:$0x8] =	wrdreg s30  }
0x12: {  	v0 =	vand.u32 $0x7, v2;
	v2 =	vor.u32 $0x8, v2;
	v1 =	vmul.u32 $0x8, v1;
	s5 =	sadd.s32 $0x12700, s2;
	s7 =	sadd.s32 $0x12900, s2;
	s2 =	simm.s32 $0x4900  }
.LBB2_1:
0x13: {  	s25 =	rddreg [dreg:$0x4]  }
0x14: {  	[tilespmem:s3], [sflag:$0x3] =	stream.linear.gather [hbm4b:s25+s3], $0x40, $0x38;
	[tilespmem:$0x14100] =	vst v63  }
0x15: {  	_ =	swait.ge [sflag:s9], $0x40  }
0x16: {  	[sflag:s9] =	ssyncset.done $0x0  }
0x17: {  	s26 =	simm.s32 $0x80;
	s28 =	rddreg [dreg:$0x5];
	[sflag:s9] =	ssyncadd.s32 $0xFFFFFFC0  }
0x18: {  	[tilespmem:s26], [sflag:$0x3] =	stream.linear.gather [hbm4b:s28+s3], $0x40, $0x38;
	[tilespmem:$0x14100] =	vst v63  }
0x19: {  	_ =	swait.ge [sflag:s9], $0x40  }
0x1a: {  	[sflag:s9] =	ssyncset.done $0x0  }
0x1b: {  	s29 =	rddreg [dreg:$0x6];
	[sflag:s9] =	ssyncadd.s32 $0xFFFFFFC0  }
0x1c: {  	[tilespmem:s23], [sflag:$0x3] =	stream.linear.gather [hbm4b:s29+s3], $0x10000, $0x38;
	[tilespmem:$0x14100] =	vst v63  }
0x1d: {  	_ =	swait.ge [sflag:s9], $0x10000  }
0x1e: {  	[sflag:s9] =	ssyncset.done $0x0  }
0x1f: {  	s28 =	simm.s32 $0x10100;
	s30 =	rddreg [dreg:$0x7];
	[sflag:s9] =	ssyncadd.s32 $0xFFFF0000  }
0x20: {  	[tilespmem:s28], [sflag:$0x3] =	stream.linear.gather [hbm4b:s30+s3], $0x2000, $0x38;
	[tilespmem:$0x14100] =	vst v63  }
0x21: {  	_ =	swait.ge [sflag:s9], $0x2000  }
0x22: {  	[sflag:s9] =	ssyncset.done $0x0  }
0x23: {  	s29 =	simm.s32 $0x12100;
	s0 =	rddreg [dreg:$0x8];
	[sflag:s9] =	ssyncadd.s32 $0xFFFFE000  }
0x24: {  	[tilespmem:s29], [sflag:$0x3] =	stream.linear.gather [hbm4b:s0+s3], $0x2000, $0x38;
	[tilespmem:$0x14100] =	vst v63  }
0x25: {  	_ =	swait.ge [sflag:s9], $0x2000  }
0x26: {  	[sflag:s9] =	ssyncset.done $0x0  }
0x27: {  	[sflag:s9] =	ssyncadd.s32 $0xFFFFE000  }
0x28: {  	s30 =	simm.s32 $0x40;
	s1 =	rddreg [dreg:$0x2]  }
0x29: {  	[hbm4b:s1+s30] =	stream.indirect.scatter [tilespmem:s28], [sflag:$0x2], $0x80, s3, s30, $0xb8;
	[tilespmem:$0x14100] =	vst v63  }
0x2a: {  	_ = 	snop  }
0x2b: {  	[hbm4b:s1+s30] =	stream.indirect.scatter [tilespmem:s29], [sflag:$0x2], $0x80, s26, s30, $0xb8;
	[tilespmem:$0x14100] =	vst v63  }
0x2c: {  	v3 =	vld [tilespmem:$0x0];
	_ =	sdelay $0x4  }
0x2d: {  	v4 =	vshll.u32 v3, $0x3  }
0x2e: {  	v3 =	vand.u32 $0x7, v3;
	v4 =	vand.u32 $0xFFFFFFC0, v4  }
0x2f: {  	v3 =	vor.u32 v3, v4  }
0x30: {  	v4 =	vperm.xlane v3, v0;
	_ =	sdelay $0x1  }
0x31: {  	v4 =	vadd.s32 v1, v4;
	_ =	sdelay $0x4  }
0x32: {  	[hbm4b:s4+s3] =	stream.indirect_vreg.scatter [tilespmem:s23], [sflag:$0x1], $0x80, v4, vm0, $0xb8;
	[tilespmem:$0x14100] =	vst v63  }
0x33: {  	s25 =	simm.s32 $0x900;
	v3 =	vperm.xlane v3, v2  }
0x34: {  	[hbm4b:s5+s3] =	stream.indirect_vreg.scatter [tilespmem:s25], [sflag:$0x1], $0x80, v4, vm0, $0xb8;
	[tilespmem:$0x14100] =	vst v63  }
0x35: {  	s26 =	simm.s32 $0x1100;
	v3 =	vadd.s32 v1, v3  }
0x36: {  	[hbm4b:s6+s3] =	stream.indirect_vreg.scatter [tilespmem:s26], [sflag:$0x1], $0x80, v4, vm0, $0xb8;
	[tilespmem:$0x14100] =	vst v63  }
0x37: {  	s28 =	simm.s32 $0x1900  }
0x38: {  	[hbm4b:s7+s3] =	stream.indirect_vreg.scatter [tilespmem:s28], [sflag:$0x1], $0x80, v4, vm0, $0xb8;
	[tilespmem:$0x14100] =	vst v63  }
0x39: {  	s29 =	simm.s32 $0x2100  }
0x3a: {  	[hbm4b:s4+s3] =	stream.indirect_vreg.scatter [tilespmem:s29], [sflag:$0x1], $0x80, v3, vm0, $0xb8;
	[tilespmem:$0x14100] =	vst v63  }
0x3b: {  	s30 =	simm.s32 $0x2900  }
0x3c: {  	[hbm4b:s5+s3] =	stream.indirect_vreg.scatter [tilespmem:s30], [sflag:$0x1], $0x80, v3, vm0, $0xb8;
	[tilespmem:$0x14100] =	vst v63  }
0x3d: {  	_ = 	snop  }
0x3e: {  	[hbm4b:s6+s3] =	stream.indirect_vreg.scatter [tilespmem:s31], [sflag:$0x1], $0x80, v3, vm0, $0xb8;
	[tilespmem:$0x14100] =	vst v63  }
0x3f: {  	s1 =	simm.s32 $0x3900  }
0x40: {  	[hbm4b:s7+s3] =	stream.indirect_vreg.scatter [tilespmem:s1], [sflag:$0x1], $0x80, v3, vm0, $0xb8;
	[tilespmem:$0x14100] =	vst v63  }
0x41: {  	v3 =	vld [tilespmem:$0x10];
	_ =	sdelay $0x4  }
0x42: {  	v57 =	vshll.u32 v3, $0x3  }
0x43: {  	v3 =	vand.u32 $0x7, v3;
	v4 =	vand.u32 $0xFFFFFFC0, v57  }
0x44: {  	v3 =	vor.u32 v3, v4  }
0x45: {  	v4 =	vperm.xlane v3, v0;
	_ =	sdelay $0x1  }
0x46: {  	v4 =	vadd.s32 v1, v4;
	_ =	sdelay $0x3  }
0x47: {  	s0 =	simm.s32 $0x4100  }
0x48: {  	[hbm4b:s4+s3] =	stream.indirect_vreg.scatter [tilespmem:s0], [sflag:$0x1], $0x80, v4, vm0, $0xb8;
	[tilespmem:$0x14100] =	vst v63  }
0x49: {  	v3 =	vperm.xlane v3, v2  }
0x4a: {  	[hbm4b:s5+s3] =	stream.indirect_vreg.scatter [tilespmem:s2], [sflag:$0x1], $0x80, v4, vm0, $0xb8;
	[tilespmem:$0x14100] =	vst v63  }
0x4b: {  	v3 =	vadd.s32 v1, v3  }
0x4c: {  	[hbm4b:s6+s3] =	stream.indirect_vreg.scatter [tilespmem:s10], [sflag:$0x1], $0x80, v4, vm0, $0xb8;
	[tilespmem:$0x14100] =	vst v63  }
0x4d: {  	_ = 	snop  }
0x4e: {  	[hbm4b:s7+s3] =	stream.indirect_vreg.scatter [tilespmem:s12], [sflag:$0x1], $0x80, v4, vm0, $0xb8;
	[tilespmem:$0x14100] =	vst v63  }
0x4f: {  	_ = 	snop  }
0x50: {  	[hbm4b:s4+s3] =	stream.indirect_vreg.scatter [tilespmem:s13], [sflag:$0x1], $0x80, v3, vm0, $0xb8;
	[tilespmem:$0x14100] =	vst v63  }
0x51: {  	_ = 	snop  }
0x52: {  	[hbm4b:s5+s3] =	stream.indirect_vreg.scatter [tilespmem:s14], [sflag:$0x1], $0x80, v3, vm0, $0xb8;
	[tilespmem:$0x14100] =	vst v63  }
0x53: {  	_ = 	snop  }
0x54: {  	[hbm4b:s6+s3] =	stream.indirect_vreg.scatter [tilespmem:s15], [sflag:$0x1], $0x80, v3, vm0, $0xb8;
	[tilespmem:$0x14100] =	vst v63  }
0x55: {  	_ = 	snop  }
0x56: {  	[hbm4b:s7+s3] =	stream.indirect_vreg.scatter [tilespmem:s16], [sflag:$0x1], $0x80, v3, vm0, $0xb8;
	[tilespmem:$0x14100] =	vst v63  }
0x57: {  	v3 =	vld [tilespmem:$0x20];
	_ =	sdelay $0x4  }
0x58: {  	v58 =	vshll.u32 v3, $0x3  }
0x59: {  	v3 =	vand.u32 $0x7, v3;
	v4 =	vand.u32 $0xFFFFFFC0, v58  }
0x5a: {  	v3 =	vor.u32 v3, v4  }
0x5b: {  	v4 =	vperm.xlane v3, v0;
	_ =	sdelay $0x1  }
0x5c: {  	v4 =	vadd.s32 v1, v4;
	_ =	sdelay $0x4  }
0x5d: {  	[hbm4b:s4+s3] =	stream.indirect_vreg.scatter [tilespmem:s17], [sflag:$0x1], $0x80, v4, vm0, $0xb8;
	[tilespmem:$0x14100] =	vst v63  }
0x5e: {  	v3 =	vperm.xlane v3, v2  }
0x5f: {  	[hbm4b:s5+s3] =	stream.indirect_vreg.scatter [tilespmem:s18], [sflag:$0x1], $0x80, v4, vm0, $0xb8;
	[tilespmem:$0x14100] =	vst v63  }
0x60: {  	v3 =	vadd.s32 v1, v3  }
0x61: {  	[hbm4b:s6+s3] =	stream.indirect_vreg.scatter [tilespmem:s19], [sflag:$0x1], $0x80, v4, vm0, $0xb8;
	[tilespmem:$0x14100] =	vst v63  }
0x62: {  	_ = 	snop  }
0x63: {  	[hbm4b:s7+s3] =	stream.indirect_vreg.scatter [tilespmem:s20], [sflag:$0x1], $0x80, v4, vm0, $0xb8;
	[tilespmem:$0x14100] =	vst v63  }
0x64: {  	_ = 	snop  }
0x65: {  	[hbm4b:s4+s3] =	stream.indirect_vreg.scatter [tilespmem:s21], [sflag:$0x1], $0x80, v3, vm0, $0xb8;
	[tilespmem:$0x14100] =	vst v63  }
0x66: {  	_ = 	snop  }
0x67: {  	[hbm4b:s5+s3] =	stream.indirect_vreg.scatter [tilespmem:s22], [sflag:$0x1], $0x80, v3, vm0, $0xb8;
	[tilespmem:$0x14100] =	vst v63  }
0x68: {  	_ = 	snop  }
0x69: {  	[hbm4b:s6+s3] =	stream.indirect_vreg.scatter [tilespmem:s11], [sflag:$0x1], $0x80, v3, vm0, $0xb8;
	[tilespmem:$0x14100] =	vst v63  }
0x6a: {  	_ = 	snop  }
0x6b: {  	[hbm4b:s7+s3] =	stream.indirect_vreg.scatter [tilespmem:s24], [sflag:$0x1], $0x80, v3, vm0, $0xb8;
	[tilespmem:$0x14100] =	vst v63  }
0x6c: {  	v3 =	vld [tilespmem:$0x30];
	_ =	sdelay $0x4  }
0x6d: {  	v59 =	vshll.u32 v3, $0x3  }
0x6e: {  	v3 =	vand.u32 $0x7, v3;
	v4 =	vand.u32 $0xFFFFFFC0, v59  }
0x6f: {  	v3 =	vor.u32 v3, v4  }
0x70: {  	v4 =	vperm.xlane v3, v0;
	_ =	sdelay $0x1  }
0x71: {  	v4 =	vadd.s32 v1, v4;
	_ =	sdelay $0x3  }
0x72: {  	s0 =	simm.s32 $0xC100  }
0x73: {  	[hbm4b:s4+s3] =	stream.indirect_vreg.scatter [tilespmem:s0], [sflag:$0x1], $0x80, v4, vm0, $0xb8;
	[tilespmem:$0x14100] =	vst v63  }
0x74: {  	v3 =	vperm.xlane v3, v2;
	s0 =	simm.s32 $0xC900  }
0x75: {  	[hbm4b:s5+s3] =	stream.indirect_vreg.scatter [tilespmem:s0], [sflag:$0x1], $0x80, v4, vm0, $0xb8;
	[tilespmem:$0x14100] =	vst v63  }
0x76: {  	v3 =	vadd.s32 v1, v3;
	s0 =	simm.s32 $0xD100  }
0x77: {  	[hbm4b:s6+s3] =	stream.indirect_vreg.scatter [tilespmem:s0], [sflag:$0x1], $0x80, v4, vm0, $0xb8;
	[tilespmem:$0x14100] =	vst v63  }
0x78: {  	s0 =	simm.s32 $0xD900  }
0x79: {  	[hbm4b:s7+s3] =	stream.indirect_vreg.scatter [tilespmem:s0], [sflag:$0x1], $0x80, v4, vm0, $0xb8;
	[tilespmem:$0x14100] =	vst v63  }
0x7a: {  	s0 =	simm.s32 $0xE100  }
0x7b: {  	[hbm4b:s4+s3] =	stream.indirect_vreg.scatter [tilespmem:s0], [sflag:$0x1], $0x80, v3, vm0, $0xb8;
	[tilespmem:$0x14100] =	vst v63  }
0x7c: {  	s0 =	simm.s32 $0xE900  }
0x7d: {  	[hbm4b:s5+s3] =	stream.indirect_vreg.scatter [tilespmem:s0], [sflag:$0x1], $0x80, v3, vm0, $0xb8;
	[tilespmem:$0x14100] =	vst v63  }
0x7e: {  	s0 =	simm.s32 $0xF100  }
0x7f: {  	[hbm4b:s6+s3] =	stream.indirect_vreg.scatter [tilespmem:s0], [sflag:$0x1], $0x80, v3, vm0, $0xb8;
	[tilespmem:$0x14100] =	vst v63  }
0x80: {  	s0 =	simm.s32 $0xF900  }
0x81: {  	[hbm4b:s7+s3] =	stream.indirect_vreg.scatter [tilespmem:s0], [sflag:$0x1], $0x80, v3, vm0, $0xb8;
	[tilespmem:$0x14100] =	vst v63  }
0x82: {  	v3 =	vld [tilespmem:$0x80];
	_ =	sdelay $0x4  }
0x83: {  	v60 =	vshll.u32 v3, $0x3  }
0x84: {  	v3 =	vand.u32 $0x7, v3;
	v4 =	vand.u32 $0xFFFFFFC0, v60  }
0x85: {  	v3 =	vor.u32 v3, v4  }
0x86: {  	v4 =	vperm.xlane v3, v0;
	_ =	sdelay $0x1  }
0x87: {  	v4 =	vadd.s32 v1, v4;
	_ =	sdelay $0x4  }
0x88: {  	[hbm4b:s4+s3] =	stream.indirect_vreg.scatter [tilespmem:s23], [sflag:$0x1], $0x80, v4, vm0, $0xb8;
	[tilespmem:$0x14100] =	vst v63  }
0x89: {  	v3 =	vperm.xlane v3, v2  }
0x8a: {  	[hbm4b:s5+s3] =	stream.indirect_vreg.scatter [tilespmem:s25], [sflag:$0x1], $0x80, v4, vm0, $0xb8;
	[tilespmem:$0x14100] =	vst v63  }
0x8b: {  	v3 =	vadd.s32 v1, v3  }
0x8c: {  	[hbm4b:s6+s3] =	stream.indirect_vreg.scatter [tilespmem:s26], [sflag:$0x1], $0x80, v4, vm0, $0xb8;
	[tilespmem:$0x14100] =	vst v63  }
0x8d: {  	_ = 	snop  }
0x8e: {  	[hbm4b:s7+s3] =	stream.indirect_vreg.scatter [tilespmem:s28], [sflag:$0x1], $0x80, v4, vm0, $0xb8;
	[tilespmem:$0x14100] =	vst v63  }
0x8f: {  	_ = 	snop  }
0x90: {  	[hbm4b:s4+s3] =	stream.indirect_vreg.scatter [tilespmem:s29], [sflag:$0x1], $0x80, v3, vm0, $0xb8;
	[tilespmem:$0x14100] =	vst v63  }
0x91: {  	_ = 	snop  }
0x92: {  	[hbm4b:s5+s3] =	stream.indirect_vreg.scatter [tilespmem:s30], [sflag:$0x1], $0x80, v3, vm0, $0xb8;
	[tilespmem:$0x14100] =	vst v63  }
0x93: {  	_ = 	snop  }
0x94: {  	[hbm4b:s6+s3] =	stream.indirect_vreg.scatter [tilespmem:s31], [sflag:$0x1], $0x80, v3, vm0, $0xb8;
	[tilespmem:$0x14100] =	vst v63  }
0x95: {  	_ = 	snop  }
0x96: {  	[hbm4b:s7+s3] =	stream.indirect_vreg.scatter [tilespmem:s1], [sflag:$0x1], $0x80, v3, vm0, $0xb8;
	[tilespmem:$0x14100] =	vst v63  }
0x97: {  	v3 =	vld [tilespmem:$0x90];
	_ =	sdelay $0x4  }
0x98: {  	v61 =	vshll.u32 v3, $0x3  }
0x99: {  	v3 =	vand.u32 $0x7, v3;
	v4 =	vand.u32 $0xFFFFFFC0, v61  }
0x9a: {  	v3 =	vor.u32 v3, v4  }
0x9b: {  	v4 =	vperm.xlane v3, v0;
	_ =	sdelay $0x1  }
0x9c: {  	v4 =	vadd.s32 v1, v4;
	_ =	sdelay $0x3  }
0x9d: {  	s25 =	simm.s32 $0x4100  }
0x9e: {  	[hbm4b:s4+s3] =	stream.indirect_vreg.scatter [tilespmem:s25], [sflag:$0x1], $0x80, v4, vm0, $0xb8;
	[tilespmem:$0x14100] =	vst v63  }
0x9f: {  	v3 =	vperm.xlane v3, v2  }
0xa0: {  	[hbm4b:s5+s3] =	stream.indirect_vreg.scatter [tilespmem:s2], [sflag:$0x1], $0x80, v4, vm0, $0xb8;
	[tilespmem:$0x14100] =	vst v63  }
0xa1: {  	v3 =	vadd.s32 v1, v3  }
0xa2: {  	[hbm4b:s6+s3] =	stream.indirect_vreg.scatter [tilespmem:s10], [sflag:$0x1], $0x80, v4, vm0, $0xb8;
	[tilespmem:$0x14100] =	vst v63  }
0xa3: {  	_ = 	snop  }
0xa4: {  	[hbm4b:s7+s3] =	stream.indirect_vreg.scatter [tilespmem:s12], [sflag:$0x1], $0x80, v4, vm0, $0xb8;
	[tilespmem:$0x14100] =	vst v63  }
0xa5: {  	_ = 	snop  }
0xa6: {  	[hbm4b:s4+s3] =	stream.indirect_vreg.scatter [tilespmem:s13], [sflag:$0x1], $0x80, v3, vm0, $0xb8;
	[tilespmem:$0x14100] =	vst v63  }
0xa7: {  	_ = 	snop  }
0xa8: {  	[hbm4b:s5+s3] =	stream.indirect_vreg.scatter [tilespmem:s14], [sflag:$0x1], $0x80, v3, vm0, $0xb8;
	[tilespmem:$0x14100] =	vst v63  }
0xa9: {  	_ = 	snop  }
0xaa: {  	[hbm4b:s6+s3] =	stream.indirect_vreg.scatter [tilespmem:s15], [sflag:$0x1], $0x80, v3, vm0, $0xb8;
	[tilespmem:$0x14100] =	vst v63  }
0xab: {  	_ = 	snop  }
0xac: {  	[hbm4b:s7+s3] =	stream.indirect_vreg.scatter [tilespmem:s16], [sflag:$0x1], $0x80, v3, vm0, $0xb8;
	[tilespmem:$0x14100] =	vst v63  }
0xad: {  	v3 =	vld [tilespmem:$0xA0];
	_ =	sdelay $0x4  }
0xae: {  	v62 =	vshll.u32 v3, $0x3  }
0xaf: {  	v3 =	vand.u32 $0x7, v3;
	v4 =	vand.u32 $0xFFFFFFC0, v62  }
0xb0: {  	v3 =	vor.u32 v3, v4  }
0xb1: {  	v4 =	vperm.xlane v3, v0;
	_ =	sdelay $0x1  }
0xb2: {  	v4 =	vadd.s32 v1, v4;
	_ =	sdelay $0x4  }
0xb3: {  	[hbm4b:s4+s3] =	stream.indirect_vreg.scatter [tilespmem:s17], [sflag:$0x1], $0x80, v4, vm0, $0xb8;
	[tilespmem:$0x14100] =	vst v63  }
0xb4: {  	v3 =	vperm.xlane v3, v2  }
0xb5: {  	[hbm4b:s5+s3] =	stream.indirect_vreg.scatter [tilespmem:s18], [sflag:$0x1], $0x80, v4, vm0, $0xb8;
	[tilespmem:$0x14100] =	vst v63  }
0xb6: {  	v3 =	vadd.s32 v1, v3  }
0xb7: {  	[hbm4b:s6+s3] =	stream.indirect_vreg.scatter [tilespmem:s19], [sflag:$0x1], $0x80, v4, vm0, $0xb8;
	[tilespmem:$0x14100] =	vst v63  }
0xb8: {  	_ = 	snop  }
0xb9: {  	[hbm4b:s7+s3] =	stream.indirect_vreg.scatter [tilespmem:s20], [sflag:$0x1], $0x80, v4, vm0, $0xb8;
	[tilespmem:$0x14100] =	vst v63  }
0xba: {  	_ = 	snop  }
0xbb: {  	[hbm4b:s4+s3] =	stream.indirect_vreg.scatter [tilespmem:s21], [sflag:$0x1], $0x80, v3, vm0, $0xb8;
	[tilespmem:$0x14100] =	vst v63  }
0xbc: {  	_ = 	snop  }
0xbd: {  	[hbm4b:s5+s3] =	stream.indirect_vreg.scatter [tilespmem:s22], [sflag:$0x1], $0x80, v3, vm0, $0xb8;
	[tilespmem:$0x14100] =	vst v63  }
0xbe: {  	_ = 	snop  }
0xbf: {  	[hbm4b:s6+s3] =	stream.indirect_vreg.scatter [tilespmem:s11], [sflag:$0x1], $0x80, v3, vm0, $0xb8;
	[tilespmem:$0x14100] =	vst v63  }
0xc0: {  	_ = 	snop  }
0xc1: {  	[hbm4b:s7+s3] =	stream.indirect_vreg.scatter [tilespmem:s24], [sflag:$0x1], $0x80, v3, vm0, $0xb8;
	[tilespmem:$0x14100] =	vst v63  }
0xc2: {  	v3 =	vld [tilespmem:$0xB0];
	_ =	sdelay $0x4  }
0xc3: {  	v63 =	vshll.u32 v3, $0x3  }
0xc4: {  	v3 =	vand.u32 $0x7, v3;
	v4 =	vand.u32 $0xFFFFFFC0, v63  }
0xc5: {  	v3 =	vor.u32 v3, v4  }
0xc6: {  	v4 =	vperm.xlane v3, v0;
	_ =	sdelay $0x1  }
0xc7: {  	v4 =	vadd.s32 v1, v4;
	_ =	sdelay $0x3  }
0xc8: {  	s26 =	simm.s32 $0xC100  }
0xc9: {  	[hbm4b:s4+s3] =	stream.indirect_vreg.scatter [tilespmem:s26], [sflag:$0x1], $0x80, v4, vm0, $0xb8;
	[tilespmem:$0x14100] =	vst v63  }
0xca: {  	s28 =	simm.s32 $0xC900;
	v3 =	vperm.xlane v3, v2  }
0xcb: {  	[hbm4b:s5+s3] =	stream.indirect_vreg.scatter [tilespmem:s28], [sflag:$0x1], $0x80, v4, vm0, $0xb8;
	[tilespmem:$0x14100] =	vst v63  }
0xcc: {  	s29 =	simm.s32 $0xD100;
	v3 =	vadd.s32 v1, v3  }
0xcd: {  	[hbm4b:s6+s3] =	stream.indirect_vreg.scatter [tilespmem:s29], [sflag:$0x1], $0x80, v4, vm0, $0xb8;
	[tilespmem:$0x14100] =	vst v63  }
0xce: {  	s30 =	simm.s32 $0xD900  }
0xcf: {  	[hbm4b:s7+s3] =	stream.indirect_vreg.scatter [tilespmem:s30], [sflag:$0x1], $0x80, v4, vm0, $0xb8;
	[tilespmem:$0x14100] =	vst v63  }
0xd0: {  	s25 =	simm.s32 $0xE100  }
0xd1: {  	[hbm4b:s4+s3] =	stream.indirect_vreg.scatter [tilespmem:s25], [sflag:$0x1], $0x80, v3, vm0, $0xb8;
	[tilespmem:$0x14100] =	vst v63  }
0xd2: {  	s26 =	simm.s32 $0xE900  }
0xd3: {  	[hbm4b:s5+s3] =	stream.indirect_vreg.scatter [tilespmem:s26], [sflag:$0x1], $0x80, v3, vm0, $0xb8;
	[tilespmem:$0x14100] =	vst v63  }
0xd4: {  	s28 =	simm.s32 $0xF100  }
0xd5: {  	[hbm4b:s6+s3] =	stream.indirect_vreg.scatter [tilespmem:s28], [sflag:$0x1], $0x80, v3, vm0, $0xb8;
	[tilespmem:$0x14100] =	vst v63  }
0xd6: {  	s29 =	simm.s32 $0x2  }
0xd7: {  	[hbm4b:s7+s3] =	stream.indirect_vreg.scatter [tilespmem:s0], [sflag:$0x1], $0x80, v3, vm0, $0xb8;
	[tilespmem:$0x14100] =	vst v63  }
0xd8: {  	_ =	swait.ge [sflag:s29], $0x2000  }
0xd9: {  	[sflag:s29] =	ssyncset.done $0x0  }
0xda: {  	[sflag:s29] =	ssyncadd.s32 $0xFFFFE000  }
0xdb: {  	_ =	swait.ge [sflag:s29], $0x2000  }
0xdc: {  	[sflag:s29] =	ssyncset.done $0x0  }
0xdd: {  	s30 =	simm.s32 $0x1;
	[sflag:s29] =	ssyncadd.s32 $0xFFFFE000  }
0xde: {  	p0 =	sne.s32 s8, $0x1;
	_ =	swait.ge [sflag:s30], $0x10000  }
.Ltmp0:
0xdf: {  	[sflag:s30] =	ssyncset.done $0x0;
	(pc) =	sbr.rel @p0 .LBB2_1-.Ltmp0, $4  }
0xe0: {  	[sflag:s30] =	ssyncadd.s32 $0xFFFF0000  }
0xe1: {  	_ =	swait.ge [sflag:s30], $0x10000  }
0xe2: {  	[sflag:s30] =	ssyncset.done $0x0  }
0xe3: {  	s8 =	sadd.s32 $0xFFFFFFFF, s8;
	[sflag:s30] =	ssyncadd.s32 $0xFFFF0000  }
0xe4: {  	_ =	sfence.sel $0x180000  }
0xe5: {  	[bflag:$0x0] =	sbarrier.arrive $0xFFFF  }
0xe6: {  	_ =	strace $0x90000047  }
0xe7: {  	s0 =	stileid.u32;
	[bflag:$0x2] =	sbarrier.arrive $0xFFFF  }
0xe8: {  	p0 =	sne.s32 s0, $0x0;
	s0 =	rddreg [dreg:$0x3]  }
0xe9: {  	s0 =	sadd.s32 @!p0 $0x100000, s0  }
0xea: {  	[sflag:s0] =	ssyncadd.tile.s32 @!p0 $0x1;
	_ =	shalt  }
.Lfunc_end2:
_tile_overlayer_lowered:
.L_overlay_start_2:
0xeb: {  	(tag) =	ssettag $0x2  }
0xec: {  	s0 =	rddreg [dreg:$0x0];
	s2 =	stileid.u32  }
0xed: {  	s1 =	rddreg [dreg:$0x1];
	p0 =	sne.s32 s2, $0x0  }
0xee: {  	s3 =	rddreg [dreg:$0x2];
	[bflag:$0x3] =	sbarrier.arrive $0xFFFF;
	s2 =	simm.s32 @!p0 $0x1C03  }
0xef: {  	[timem:s3], [sflag:s2] =	dma.local @!p0 [hbm:s0], s1  }
0xf0: {  	s0 =	simm.s32 @!p0 $0x3  }
0xf1: {  	_ =	swait.ge @!p0 [sflag:s0], s1  }
0xf2: {  	s1 =	ssub.s32 @!p0 $0x0, s1;
	[sflag:s0] =	ssyncset.done @!p0 $0x0  }
0xf3: {  	[sflag:s0] =	ssyncadd.s32 @!p0 s1  }
0xf4: {  	[bflag:$0x3] =	sbarrier.arrive $0xFFFF  }
0xf5: {  	_ =	shalt  }

// kernel: kernel.9.cloned.1.call-start
scs
__scs_entry_jumppad:
0x0: {  	(pc) =	sbr.rel $0x88, $3  }
0x1: {  	(tag) =	ssettag $0x0;
	lr =	simm.s32 $0x1  }
0x2: {  	[smem:$0x3F9B] =	sst lr;
	_ =	strace $0xD0000000  }
0x3: {  	_ = 	snop  }
0x4: {  	_ = 	snop  }
0x5: {  	_ = 	snop  }
0x6: {  	_ = 	snop  }
0x7: {  	_ = 	snop  }
__scs_overlays_trampoline_lowered:
0x8: {  	[smem:$0x3FAA] =	sst s0  }
0x9: {  	[smem:$0x3FAB] =	sst s1  }
0xa: {  	[smem:$0x3FAC] =	sst s2  }
0xb: {  	[smem:$0x3FAD] =	sst s3  }
0xc: {  	[smem:$0x3FAE] =	sst s4  }
0xd: {  	[smem:$0x3FAF] =	sst s5  }
0xe: {  	[smem:$0x3FB0] =	sst s6  }
0xf: {  	[smem:$0x3FB1] =	sst s7  }
0x10: {  	[smem:$0x3FB2] =	sst s8  }
0x11: {  	[smem:$0x3FB3] =	sst s9;
	s0 =	simm.s32 @!p0 $0x0  }
0x12: {  	s1 =	sld [smem:$0x3F99];
	s0 =	simm.s32 @p0 $0x1  }
0x13: {  	[smem:$0x3FB4] =	sst s0;
	s0 =	simm.s32 @!p1 $0x0  }
0x14: {  	s2 =	sld [smem:$0x3F98];
	s0 =	simm.s32 @p1 $0x1  }
0x15: {  	[smem:$0x3FB5] =	sst s0;
	s0 =	simm.s32 @!p2 $0x0  }
0x16: {  	s3 =	sld [smem:$0x3FDB];
	s0 =	simm.s32 @p2 $0x1  }
0x17: {  	s4 =	simm.s32 $0x1BF5;
	[smem:$0x3FB7] =	sst s0  }
0x18: {  	s0 =	sld [smem:$0x3F9A];
	_ =	swait.ge [sflag:s4], $0x0  }
0x19: {  	s7 =	sld [smem:$0x3F9B]  }
0x1a: {  	s8 =	sadd.s32 $0xFFFFE003, lr  }
0x1b: {  	s9 =	sadd.s32 $0xFFFFFEF7, lr;
	s5 =	simm.s32 $0xFFFFFFFF;
	p2 =	slt.u32 s8, $0xFFFFF086  }
0x1c: {  	p1 =	slt.u32 s9, $0xF7A;
	s5 =	simm.s32 @!p2 $0x0  }
0x1d: {  	s5 =	simm.s32 @p1 $0x1;
	p0 =	seq.s32 s7, s2  }
0x1e: {  	s7 =	smul.u32 @!p0 $0xF7A, s2;
	p2 =	seq.s32 @!p0 s5, $0x0  }
0x1f: {  	s9 =	smul.u32 $0xF7A, s1;
	s8 =	simm.s32 @!p0 $0x1BF5;
	p2 =	por !p2, p0  }
0x20: {  	[sflag:s8] =	ssyncset.s32 @!p0 $0xFFFFF086;
	s6 =	sadd.s32 @!p0 s3, s7;
	s7 =	simm.s32 @!p0 $0x108  }
0x21: {  	s3 =	sadd.s32 s3, s9;
	s6 =	sadd.s32 @!p0 $0x88, s6;
	s7 =	simm.s32 @p2 $0x1082  }
0x22: {  	[simem:s7], [sflag:s8] =	dma.local @!p0 [hbm:s6], $0xF7A  }
0x23: {  	s9 =	sor.u32 $0xD0000000, s2;
	s6 =	simm.s32 $0x108;
	_ =	swait.ge @!p0 [sflag:s8], $0x0  }
0x24: {  	s3 =	sadd.s32 $0x88, s3;
	s6 =	simm.s32 @!p1 $0x1082;
	[sflag:s4] =	ssyncset.s32 $0xFFFFF086  }
0x25: {  	[simem:s6], [sflag:s4] =	dma.local [hbm:s3], $0xF7A  }
0x26: {  	[smem:$0x3F9B] =	sst s1;
	(tag) =	ssettag s2;
	_ =	strace s9  }
0x27: {  	s1 =	sld [smem:$0x3FAB]  }
0x28: {  	s2 =	sld [smem:$0x3FAC]  }
0x29: {  	s4 =	sld [smem:$0x3FAE]  }
0x2a: {  	p0 =	seq.s32 s5, $0x0;
	s5 =	sld [smem:$0x3FAF]  }
0x2b: {  	s6 =	sld [smem:$0x3FB0]  }
0x2c: {  	s7 =	sld [smem:$0x3FB1]  }
0x2d: {  	s3 =	simm.s32 $0x108;
	s8 =	sld [smem:$0x3FB2]  }
0x2e: {  	s3 =	simm.s32 @!p0 $0x1082;
	s9 =	sld [smem:$0x3FB3]  }
0x2f: {  	lr =	sadd.s32 s0, s3;
	s0 =	sld [smem:$0x3FAA]  }
0x30: {  	s3 =	sld [smem:$0x3FAD]  }
0x31: {  	[smem:$0x3FB6] =	sst s10  }
0x32: {  	s10 =	sld [smem:$0x3FB4];
	_ =	sdelay $0x3  }
0x33: {  	p0 =	seq.s32 s10, $0x1;
	s10 =	sld [smem:$0x3FB6];
	_ =	sdelay $0x3  }
0x34: {  	[smem:$0x3FB6] =	sst s10  }
0x35: {  	s10 =	sld [smem:$0x3FB5];
	_ =	sdelay $0x3  }
0x36: {  	p1 =	seq.s32 s10, $0x1;
	s10 =	sld [smem:$0x3FB6];
	_ =	sdelay $0x3  }
0x37: {  	[smem:$0x3FB6] =	sst s10  }
0x38: {  	s10 =	sld [smem:$0x3FB7]  }
0x39: {  	_ = 	snop;
	(pc) =	sbr.ind lr, $3  }
0x3a: {  	_ = 	snop  }
0x3b: {  	_ = 	snop  }
0x3c: {  	p2 =	seq.s32 s10, $0x1;
	s10 =	sld [smem:$0x3FB6]  }
0x3d: {  	_ =	shalt  }
0x3e: {  	_ =	shalt  }
0x3f: {  	_ =	shalt  }
0x40: {  	_ =	shalt  }
0x41: {  	_ =	shalt  }
0x42: {  	_ =	shalt  }
0x43: {  	_ =	shalt  }
0x44: {  	_ =	shalt  }
0x45: {  	_ =	shalt  }
0x46: {  	_ =	shalt  }
0x47: {  	_ =	shalt  }
0x48: {  	_ =	shalt  }
0x49: {  	_ =	shalt  }
0x4a: {  	_ =	shalt  }
0x4b: {  	_ =	shalt  }
0x4c: {  	_ =	shalt  }
0x4d: {  	_ =	shalt  }
0x4e: {  	_ =	shalt  }
0x4f: {  	_ =	shalt  }
0x50: {  	_ =	shalt  }
0x51: {  	_ =	shalt  }
0x52: {  	_ =	shalt  }
0x53: {  	_ =	shalt  }
0x54: {  	_ =	shalt  }
0x55: {  	_ =	shalt  }
0x56: {  	_ =	shalt  }
0x57: {  	_ =	shalt  }
0x58: {  	_ =	shalt  }
0x59: {  	_ =	shalt  }
0x5a: {  	_ =	shalt  }
0x5b: {  	_ =	shalt  }
0x5c: {  	_ =	shalt  }
0x5d: {  	_ =	shalt  }
0x5e: {  	_ =	shalt  }
0x5f: {  	_ =	shalt  }
0x60: {  	_ =	shalt  }
0x61: {  	_ =	shalt  }
0x62: {  	_ =	shalt  }
0x63: {  	_ =	shalt  }
0x64: {  	_ =	shalt  }
0x65: {  	_ =	shalt  }
0x66: {  	_ =	shalt  }
0x67: {  	_ =	shalt  }
0x68: {  	_ =	shalt  }
0x69: {  	_ =	shalt  }
0x6a: {  	_ =	shalt  }
0x6b: {  	_ =	shalt  }
0x6c: {  	_ =	shalt  }
0x6d: {  	_ =	shalt  }
0x6e: {  	_ =	shalt  }
0x6f: {  	_ =	shalt  }
0x70: {  	_ =	shalt  }
0x71: {  	_ =	shalt  }
0x72: {  	_ =	shalt  }
0x73: {  	_ =	shalt  }
0x74: {  	_ =	shalt  }
0x75: {  	_ =	shalt  }
0x76: {  	_ =	shalt  }
0x77: {  	_ =	shalt  }
0x78: {  	_ =	shalt  }
0x79: {  	_ =	shalt  }
0x7a: {  	_ =	shalt  }
0x7b: {  	_ =	shalt  }
0x7c: {  	_ =	shalt  }
0x7d: {  	_ =	shalt  }
0x7e: {  	_ =	shalt  }
0x7f: {  	_ =	shalt  }
0x80: {  	_ =	shalt  }
0x81: {  	_ =	shalt  }
0x82: {  	_ =	shalt  }
0x83: {  	_ =	shalt  }
0x84: {  	_ =	shalt  }
0x85: {  	_ =	shalt  }
0x86: {  	_ =	shalt  }
0x87: {  	_ =	shalt  }
.Lfunc_end0:
.L_simem_size_0:
called_computation.1_lowered:
.L_overlay_start_0:
0x88: {  	s2 =	sld [smem:$0x3FD9]  }
0x89: {  	s3 =	sld [smem:$0x3FFE];
	_ =	sdelay $0x1  }
0x8a: {  	s1 =	srdreg.scid  }
0x8b: {  	s0 =	sand.u32 $0x1, s1  }
0x8c: {  	s17 =	sshll.u32 s0, $0xA;
	s2 =	sadd.s32 s3, s2  }
0x8d: {  	s2 =	sadd.s32 s2, s17  }
0x8e: {  	[smem:$0x3FC2] =	sst s2  }
0x8f: {  	_ = 	snop  }
0x90: {  	s2 =	sld [smem:$0x3FD0];
	(tm) =	ssettm $0x1  }
0x91: {  	s18 =	sld [smem:$0x3FFB];
	_ =	sdelay $0x3  }
0x92: {  	_ =	strace s18  }
0x93: {  	s3 =	sld [smem:$0x3FFC];
	_ =	sdelay $0x3  }
0x94: {  	_ =	strace s3  }
0x95: {  	s3 =	sld [smem:$0x3FFD];
	_ =	sdelay $0x3  }
0x96: {  	_ =	strace s3  }
0x97: {  	_ =	strace $0x8FFFFFFF  }
0x98: {  	s19 =	sld [smem:$0x3FDB];
	_ =	sdelay $0x1  }
0x99: {  	s4 =	simm.s32 $_scs_section_size  }
0x9a: {  	s5 =	simm.s32 $_size__tile_overlayer_lowered;
	s6 =	simm.s32 $_tile_overlayer_lowered  }
0x9b: {  	s22 =	simm.s32 $0x1BFF;
	s21 =	sshll.u32 s6, $0x1;
	s3 =	sadd.s32 s4, s19  }
0x9c: {  	s7 =	simm.s32 $0x0;
	s20 =	sshll.u32 s5, $0x1;
	s5 =	sadd.s32 s21, s3  }
0x9d: {  	[timem:s7], [sflag:s22] =	dma.local [hbm:s5], s20  }
0x9e: {  	_ =	swait.ge [sflag:s22], s20  }
0x9f: {  	s4 =	ssub.s32 $0x0, s20;
	[sflag:s22] =	ssyncset.done $0x0  }
0xa0: {  	[sflag:s22] =	ssyncadd.s32 s4;
	_ =	sdelay $0x1  }
0xa1: {  	s23 =	simm.s32 $0x1B8B  }
0xa2: {  	_ =	swait.ge [sflag:s23], $0x1  }
0xa3: {  	[sflag:s23] =	ssyncset.done $0x0  }
0xa4: {  	s25 =	simm.s32 $0x1B8E;
	s24 =	sld [smem:$0x3FFE];
	[sflag:s23] =	ssyncadd.s32 $0xFFFFFFFF  }
0xa5: {  	s26 =	simm.s32 $execute0_lowered;
	[smem:$0x3FD2] =	sst s25  }
0xa6: {  	s5 =	sshll.u32 s26, $0x1;
	_ =	strace $0x80000049;
	[dreg:$0x1] =	wrdreg $0xFFFFFFFF  }
0xa7: {  	s28 =	simm.s32 $_size_execute0_lowered;
	s3 =	sadd.s32 s3, s5;
	[dreg:$0x0] =	wrdreg $0x0  }
0xa8: {  	s5 =	sshll.u32 s28, $0x1;
	[dreg:$0x2] =	wrdreg s3  }
0xa9: {  	[dreg:$0x3] =	wrdreg s5  }
0xaa: {  	[dreg:$0x4] =	wrdreg $0xC0  }
0xab: {  	_ =	task [dreg:s7], $0x5FFFF  }
0xac: {  	[dreg:$0x1] =	wrdreg $0xFFFFFFFF  }
0xad: {  	[dreg:$0x0] =	wrdreg $0x60  }
0xae: {  	[dreg:$0x2] =	wrdreg s24  }
0xaf: {  	[dreg:$0x3] =	wrdreg s2  }
0xb0: {  	[dreg:$0x4] =	wrdreg $0x9  }
0xb1: {  	_ =	task.clear_ibuf [dreg:s7], $0x5FFFF;
	_ =	strace $0x90000049  }
0xb2: {  	s29 =	simm.s32 $0x9;
	_ =	strace $0x8000004B  }
0xb3: {  	_ =	swait.ge [sflag:s29], $0x1  }
0xb4: {  	[sflag:s29] =	ssyncadd.s32 $0xFFFFFFFF  }
0xb5: {  	_ =	strace $0x9000004B  }
0xb6: {  	_ =	sfence  }
0xb7: {  	s30 =	sld [smem:$0x0];
	_ =	sdelay $0x2  }
0xb8: {  	s31 =	sshll.u32 s1, $0xD;
	s1 =	sshrl.u32 s1, $0x2  }
0xb9: {  	s3 =	sand.u32 $0x4000, s31;
	s1 =	sadd.s32 s1, s30  }
0xba: {  	s0 =	sor.u32 s3, s0;
	s1 =	sshll.u32 s1, $0x11  }
0xbb: {  	s0 =	sor.u32 s1, s0  }
0xbc: {  	s0 =	sadd.s32 $0x8F2B, s0  }
0xbd: {  	[sflag:s0] =	ssyncadd.remote.s32 $0x1  }
0xbe: {  	_ =	sfence.sel $0xFFFF  }
0xbf: {  	[dreg:$0x0] =	wrdreg $0xFFFFFFFF;
	(pc) =	sbr.abs _section_cstart, $3  }
0xc0: {  	[dreg:$0x1] =	wrdreg $0xFFFFFFFF  }
0xc1: {  	_ =	task.clear_ibuf [dreg:s7], $0x2FFFF;
	_ =	strace $0x9FFFFFFF  }
0xc2: {  	(tm) =	ssettm $0x7FFFFFFF  }
0xc3: {  	_ =	shalt  }
tec
execute0_lowered:
.L_overlay_start_1:
0x0: {  	(tag) =	ssettag $0x1  }
0x1: {  	s0 =	rddreg [dreg:$0x0]  }
0x2: {  	s2 =	rddreg [dreg:$0x1];
	s1 =	simm.s32 $0x0;
	s4 =	srdreg.scid  }
0x3: {  	s6 =	stileid.u32;
	s28 =	simm.s32 $0x6200;
	s29 =	simm.s32 $0x6A00  }
0x4: {  	s30 =	simm.s32 $0x7A00;
	s31 =	simm.s32 $0xC200;
	s14 =	simm.s32 $0xD200  }
0x5: {  	s15 =	simm.s32 $0xE200;
	s16 =	simm.s32 $0xFA00;
	[smem:$0x7FF] =	sst s1  }
0x6: {  	s3 =	sadd.s32 $0xB2600, s0;
	s4 =	sand.u32 $0x1, s4;
	s6 =	sshll.u32 s6, $0x7  }
0x7: {  	s9 =	sadd.s32 $0x12200, s0;
	s10 =	sadd.s32 $0x12400, s0;
	s5 =	ssub.s32 $0x2, s4  }
0x8: {  	s8 =	sadd.s32 $0xB2900, s0;
	s4 =	sshll.u32 s4, $0x6;
	s7 =	sshrl.u32 s5, $0x1  }
0x9: {  	_ =	strace $0x8000004A;
	s4 =	sor.u32 s4, s6;
	s5 =	ssub.s32 s5, s7  }
0xa: {  	s6 =	sshrl.u32 s4, $0x3;
	s11 =	sor.u32 $0x10, s4;
	s7 =	sadd.s32 $0xB2800, s0  }
0xb: {  	s19 =	sor.u32 $0x20, s4;
	s20 =	sshll.u32 s4, $0x7;
	s4 =	sor.u32 $0x30, s4  }
0xc: {  	s17 =	sadd.s32 s9, s6;
	s6 =	sadd.s32 s10, s6;
	s12 =	sshrl.u32 s11, $0x3  }
0xd: {  	s13 =	sshrl.u32 s19, $0x3;
	s11 =	sshll.u32 s11, $0x7;
	s23 =	sshrl.u32 s4, $0x3  }
0xe: {  	s25 =	sshll.u32 s4, $0x7;
	s26 =	smax.u32 s5, $0x1;
	[dreg:$0x3] =	wrdreg s17  }
0xf: {  	s4 =	simm.s32 $0xEA00;
	s5 =	simm.s32 $0xF200;
	[dreg:$0x4] =	wrdreg s6  }
0x10: {  	s6 =	sadd.s32 $0xB2700, s0;
	s18 =	sadd.s32 s9, s12;
	[dreg:$0xf] =	wrdreg s26  }
0x11: {  	s12 =	sadd.s32 s10, s12;
	s21 =	sadd.s32 s9, s13;
	[dreg:$0x5] =	wrdreg s18  }
0x12: {  	s22 =	sadd.s32 s10, s13;
	s11 =	sadd.s32 s2, s11;
	[dreg:$0x6] =	wrdreg s12  }
0x13: {  	s9 =	sadd.s32 s9, s23;
	s0 =	sshll.u32 s19, $0x7;
	[dreg:$0x8] =	wrdreg s21  }
0x14: {  	s24 =	sadd.s32 s10, s23;
	s26 =	simm.s32 $0x100;
	[dreg:$0x9] =	wrdreg s22  }
0x15: {  	s10 =	simm.s32 $0x1;
	s13 =	simm.s32 $0x7200;
	[dreg:$0xa] =	wrdreg s11  }
0x16: {  	s17 =	simm.s32 $0x2;
	s12 =	sadd.s32 s2, s20;
	[dreg:$0xb] =	wrdreg s9  }
0x17: {  	[dreg:$0xc] =	wrdreg s24;
	s0 =	sadd.s32 s2, s0;
	s20 =	simm.s32 $0x3  }
0x18: {  	v2 =	vlaneseq.u32;
	s9 =	simm.s32 $0x10200;
	s21 =	simm.s32 $0x0;
	[dreg:$0x7] =	wrdreg s12  }
0x19: {  	vm0 =	vmmov $0xffff;
	v1 =	vshrl.u32 v2, $0x3;
	[dreg:$0xd] =	wrdreg s0;
	s0 =	sadd.s32 s2, s25;
	s12 =	simm.s32 $0x5A00  }
0x1a: {  	v0 =	vand.u32 $0x7, v2;
	v2 =	vor.u32 $0x8, v2;
	v1 =	vmul.u32 $0x8, v1;
	s2 =	simm.s32 $0xDA00;
	[dreg:$0xe] =	wrdreg s0;
	s0 =	simm.s32 $0xCA00  }
.LBB2_1:
0x1b: {  	s11 =	rddreg [dreg:$0x3]  }
0x1c: {  	[tilespmem:s1], [sflag:$0x3] =	stream.linear.gather [hbm4b:s11+s1], $0x10, $0x38;
	[tilespmem:$0x14200] =	vst v63  }
0x1d: {  	_ =	swait.ge [sflag:s20], $0x10  }
0x1e: {  	[sflag:s20] =	ssyncset.done $0x0  }
0x1f: {  	s24 =	rddreg [dreg:$0x4];
	[sflag:s20] =	ssyncadd.s32 $0xFFFFFFF0  }
0x20: {  	[tilespmem:s26], [sflag:$0x3] =	stream.linear.gather [hbm4b:s24+s1], $0x10, $0x38;
	[tilespmem:$0x14200] =	vst v63  }
0x21: {  	_ =	swait.ge [sflag:s20], $0x10  }
0x22: {  	[sflag:s20] =	ssyncset.done $0x0  }
0x23: {  	[sflag:s20] =	ssyncadd.s32 $0xFFFFFFF0  }
0x24: {  	v3 =	vld [tilespmem:$0x0];
	_ =	sdelay $0x4  }
0x25: {  	v4 =	vshll.u32 v3, $0x3  }
0x26: {  	v3 =	vand.u32 $0x7, v3;
	v4 =	vand.u32 $0xFFFFFFC0, v4  }
0x27: {  	v3 =	vor.u32 v3, v4  }
0x28: {  	v4 =	vperm.xlane v3, v0;
	_ =	sdelay $0x1  }
0x29: {  	v4 =	vadd.s32 v1, v4;
	_ =	sdelay $0x3  }
0x2a: {  	s25 =	simm.s32 $0x200  }
0x2b: {  	[tilespmem:s25], [sflag:$0x1] =	stream.indirect_vreg.gather [hbm4b:s3+s1], $0x80, v4, vm0, $0xb8;
	[tilespmem:$0x14200] =	vst v63  }
0x2c: {  	s18 =	simm.s32 $0xA00;
	v3 =	vperm.xlane v3, v2  }
0x2d: {  	[tilespmem:s18], [sflag:$0x1] =	stream.indirect_vreg.gather [hbm4b:s6+s1], $0x80, v4, vm0, $0xb8;
	[tilespmem:$0x14200] =	vst v63  }
0x2e: {  	s19 =	simm.s32 $0x1200;
	v3 =	vadd.s32 v1, v3  }
0x2f: {  	[tilespmem:s19], [sflag:$0x1] =	stream.indirect_vreg.gather [hbm4b:s7+s1], $0x80, v4, vm0, $0xb8;
	[tilespmem:$0x14200] =	vst v63  }
0x30: {  	s22 =	simm.s32 $0x1A00  }
0x31: {  	[tilespmem:s22], [sflag:$0x1] =	stream.indirect_vreg.gather [hbm4b:s8+s1], $0x80, v4, vm0, $0xb8;
	[tilespmem:$0x14200] =	vst v63  }
0x32: {  	s23 =	simm.s32 $0x2200  }
0x33: {  	[tilespmem:s23], [sflag:$0x1] =	stream.indirect_vreg.gather [hbm4b:s3+s1], $0x80, v3, vm0, $0xb8;
	[tilespmem:$0x14200] =	vst v63  }
0x34: {  	s24 =	simm.s32 $0x2A00  }
0x35: {  	[tilespmem:s24], [sflag:$0x1] =	stream.indirect_vreg.gather [hbm4b:s6+s1], $0x80, v3, vm0, $0xb8;
	[tilespmem:$0x14200] =	vst v63  }
0x36: {  	s25 =	simm.s32 $0x3200  }
0x37: {  	[tilespmem:s25], [sflag:$0x1] =	stream.indirect_vreg.gather [hbm4b:s7+s1], $0x80, v3, vm0, $0xb8;
	[tilespmem:$0x14200] =	vst v63  }
0x38: {  	s18 =	simm.s32 $0x3A00  }
0x39: {  	[tilespmem:s18], [sflag:$0x1] =	stream.indirect_vreg.gather [hbm4b:s8+s1], $0x80, v3, vm0, $0xb8;
	[tilespmem:$0x14200] =	vst v63  }
0x3a: {  	v3 =	vld [tilespmem:$0x100];
	_ =	sdelay $0x4  }
0x3b: {  	v4 =	vshll.u32 v3, $0x3  }
0x3c: {  	v3 =	vand.u32 $0x7, v3;
	v4 =	vand.u32 $0xFFFFFFC0, v4  }
0x3d: {  	v3 =	vor.u32 v3, v4  }
0x3e: {  	v4 =	vperm.xlane v3, v0;
	_ =	sdelay $0x1  }
0x3f: {  	v4 =	vadd.s32 v1, v4;
	_ =	sdelay $0x3  }
0x40: {  	s19 =	simm.s32 $0x8200  }
0x41: {  	[tilespmem:s19], [sflag:$0x1] =	stream.indirect_vreg.gather [hbm4b:s3+s1], $0x80, v4, vm0, $0xb8;
	[tilespmem:$0x14200] =	vst v63  }
0x42: {  	s22 =	simm.s32 $0x8A00;
	v3 =	vperm.xlane v3, v2  }
0x43: {  	[tilespmem:s22], [sflag:$0x1] =	stream.indirect_vreg.gather [hbm4b:s6+s1], $0x80, v4, vm0, $0xb8;
	[tilespmem:$0x14200] =	vst v63  }
0x44: {  	s23 =	simm.s32 $0x9200;
	v3 =	vadd.s32 v1, v3  }
0x45: {  	[tilespmem:s23], [sflag:$0x1] =	stream.indirect_vreg.gather [hbm4b:s7+s1], $0x80, v4, vm0, $0xb8;
	[tilespmem:$0x14200] =	vst v63  }
0x46: {  	s24 =	simm.s32 $0x9A00  }
0x47: {  	[tilespmem:s24], [sflag:$0x1] =	stream.indirect_vreg.gather [hbm4b:s8+s1], $0x80, v4, vm0, $0xb8;
	[tilespmem:$0x14200] =	vst v63  }
0x48: {  	s25 =	simm.s32 $0xA200  }
0x49: {  	[tilespmem:s25], [sflag:$0x1] =	stream.indirect_vreg.gather [hbm4b:s3+s1], $0x80, v3, vm0, $0xb8;
	[tilespmem:$0x14200] =	vst v63  }
0x4a: {  	s18 =	simm.s32 $0xAA00  }
0x4b: {  	[tilespmem:s18], [sflag:$0x1] =	stream.indirect_vreg.gather [hbm4b:s6+s1], $0x80, v3, vm0, $0xb8;
	[tilespmem:$0x14200] =	vst v63  }
0x4c: {  	s19 =	simm.s32 $0xB200  }
0x4d: {  	[tilespmem:s19], [sflag:$0x1] =	stream.indirect_vreg.gather [hbm4b:s7+s1], $0x80, v3, vm0, $0xb8;
	[tilespmem:$0x14200] =	vst v63  }
0x4e: {  	s22 =	simm.s32 $0xBA00  }
0x4f: {  	[tilespmem:s22], [sflag:$0x1] =	stream.indirect_vreg.gather [hbm4b:s8+s1], $0x80, v3, vm0, $0xb8;
	[tilespmem:$0x14200] =	vst v63  }
0x50: {  	_ =	swait.ge [sflag:s10], $0x4000  }
0x51: {  	[sflag:s10] =	ssyncset.done $0x0  }
0x52: {  	[sflag:s10] =	ssyncadd.s32 $0xFFFFC000  }
0x53: {  	_ =	swait.ge [sflag:s10], $0x4000  }
0x54: {  	[sflag:s10] =	ssyncset.done $0x0  }
0x55: {  	s18 =	simm.s32 $0x80;
	s23 =	rddreg [dreg:$0x5];
	[sflag:s10] =	ssyncadd.s32 $0xFFFFC000  }
0x56: {  	[tilespmem:s18], [sflag:$0x3] =	stream.linear.gather [hbm4b:s23+s1], $0x10, $0x38;
	[tilespmem:$0x14200] =	vst v63  }
0x57: {  	_ =	swait.ge [sflag:s20], $0x10  }
0x58: {  	[sflag:s20] =	ssyncset.done $0x0  }
0x59: {  	s25 =	simm.s32 $0x180;
	s24 =	rddreg [dreg:$0x6];
	[sflag:s20] =	ssyncadd.s32 $0xFFFFFFF0  }
0x5a: {  	[tilespmem:s25], [sflag:$0x3] =	stream.linear.gather [hbm4b:s24+s1], $0x10, $0x38;
	[tilespmem:$0x14200] =	vst v63  }
0x5b: {  	_ =	swait.ge [sflag:s20], $0x10  }
0x5c: {  	[sflag:s20] =	ssyncset.done $0x0  }
0x5d: {  	[sflag:s20] =	ssyncadd.s32 $0xFFFFFFF0  }
0x5e: {  	v3 =	vld [tilespmem:$0x80];
	_ =	sdelay $0x4  }
0x5f: {  	v4 =	vshll.u32 v3, $0x3  }
0x60: {  	v3 =	vand.u32 $0x7, v3;
	v4 =	vand.u32 $0xFFFFFFC0, v4  }
0x61: {  	v3 =	vor.u32 v3, v4  }
0x62: {  	v4 =	vperm.xlane v3, v0;
	_ =	sdelay $0x1  }
0x63: {  	v4 =	vadd.s32 v1, v4;
	_ =	sdelay $0x3  }
0x64: {  	s19 =	simm.s32 $0x4200  }
0x65: {  	[tilespmem:s19], [sflag:$0x2] =	stream.indirect_vreg.gather [hbm4b:s3+s1], $0x80, v4, vm0, $0xb8;
	[tilespmem:$0x14200] =	vst v63  }
0x66: {  	s22 =	simm.s32 $0x4A00;
	v3 =	vperm.xlane v3, v2  }
0x67: {  	[tilespmem:s22], [sflag:$0x2] =	stream.indirect_vreg.gather [hbm4b:s6+s1], $0x80, v4, vm0, $0xb8;
	[tilespmem:$0x14200] =	vst v63  }
0x68: {  	s23 =	simm.s32 $0x5200;
	v3 =	vadd.s32 v1, v3  }
0x69: {  	[tilespmem:s23], [sflag:$0x2] =	stream.indirect_vreg.gather [hbm4b:s7+s1], $0x80, v4, vm0, $0xb8;
	[tilespmem:$0x14200] =	vst v63  }
0x6a: {  	_ = 	snop  }
0x6b: {  	[tilespmem:s12], [sflag:$0x2] =	stream.indirect_vreg.gather [hbm4b:s8+s1], $0x80, v4, vm0, $0xb8;
	[tilespmem:$0x14200] =	vst v63  }
0x6c: {  	_ = 	snop  }
0x6d: {  	[tilespmem:s28], [sflag:$0x2] =	stream.indirect_vreg.gather [hbm4b:s3+s1], $0x80, v3, vm0, $0xb8;
	[tilespmem:$0x14200] =	vst v63  }
0x6e: {  	_ = 	snop  }
0x6f: {  	[tilespmem:s29], [sflag:$0x2] =	stream.indirect_vreg.gather [hbm4b:s6+s1], $0x80, v3, vm0, $0xb8;
	[tilespmem:$0x14200] =	vst v63  }
0x70: {  	_ = 	snop  }
0x71: {  	[tilespmem:s13], [sflag:$0x2] =	stream.indirect_vreg.gather [hbm4b:s7+s1], $0x80, v3, vm0, $0xb8;
	[tilespmem:$0x14200] =	vst v63  }
0x72: {  	_ = 	snop  }
0x73: {  	[tilespmem:s30], [sflag:$0x2] =	stream.indirect_vreg.gather [hbm4b:s8+s1], $0x80, v3, vm0, $0xb8;
	[tilespmem:$0x14200] =	vst v63  }
0x74: {  	v3 =	vld [tilespmem:$0x180];
	_ =	sdelay $0x4  }
0x75: {  	v4 =	vshll.u32 v3, $0x3  }
0x76: {  	v3 =	vand.u32 $0x7, v3;
	v4 =	vand.u32 $0xFFFFFFC0, v4  }
0x77: {  	v3 =	vor.u32 v3, v4  }
0x78: {  	v4 =	vperm.xlane v3, v0;
	_ =	sdelay $0x1  }
0x79: {  	v4 =	vadd.s32 v1, v4;
	_ =	sdelay $0x4  }
0x7a: {  	[tilespmem:s31], [sflag:$0x2] =	stream.indirect_vreg.gather [hbm4b:s3+s1], $0x80, v4, vm0, $0xb8;
	[tilespmem:$0x14200] =	vst v63  }
0x7b: {  	v3 =	vperm.xlane v3, v2  }
0x7c: {  	[tilespmem:s0], [sflag:$0x2] =	stream.indirect_vreg.gather [hbm4b:s6+s1], $0x80, v4, vm0, $0xb8;
	[tilespmem:$0x14200] =	vst v63  }
0x7d: {  	v3 =	vadd.s32 v1, v3  }
0x7e: {  	[tilespmem:s14], [sflag:$0x2] =	stream.indirect_vreg.gather [hbm4b:s7+s1], $0x80, v4, vm0, $0xb8;
	[tilespmem:$0x14200] =	vst v63  }
0x7f: {  	_ = 	snop  }
0x80: {  	[tilespmem:s2], [sflag:$0x2] =	stream.indirect_vreg.gather [hbm4b:s8+s1], $0x80, v4, vm0, $0xb8;
	[tilespmem:$0x14200] =	vst v63  }
0x81: {  	_ = 	snop  }
0x82: {  	[tilespmem:s15], [sflag:$0x2] =	stream.indirect_vreg.gather [hbm4b:s3+s1], $0x80, v3, vm0, $0xb8;
	[tilespmem:$0x14200] =	vst v63  }
0x83: {  	_ = 	snop  }
0x84: {  	[tilespmem:s4], [sflag:$0x2] =	stream.indirect_vreg.gather [hbm4b:s6+s1], $0x80, v3, vm0, $0xb8;
	[tilespmem:$0x14200] =	vst v63  }
0x85: {  	s24 =	sand.u32 $0x70, s1;
	s19 =	sand.u32 $0x1C00, s1  }
0x86: {  	[tilespmem:s5], [sflag:$0x2] =	stream.indirect_vreg.gather [hbm4b:s7+s1], $0x80, v3, vm0, $0xb8;
	[tilespmem:$0x14200] =	vst v63  }
0x87: {  	s18 =	sor.u32 s24, s19  }
0x88: {  	[tilespmem:s16], [sflag:$0x2] =	stream.indirect_vreg.gather [hbm4b:s8+s1], $0x80, v3, vm0, $0xb8;
	[tilespmem:$0x14200] =	vst v63  }
0x89: {  	v3 =	vld [tilespmem:s18+$0x8500]  }
0x8a: {  	v4 =	vld [tilespmem:s18+$0x8380]  }
0x8b: {  	v5 =	vld [tilespmem:s18+$0x8400]  }
0x8c: {  	v6 =	vld [tilespmem:s18+$0x500]  }
0x8d: {  	v7 =	vld [tilespmem:s18+$0x8480]  }
0x8e: {  	v8 =	vld [tilespmem:s18+$0x380]  }
0x8f: {  	v9 =	vld [tilespmem:s18+$0x480]  }
0x90: {  	v10 =	vld [tilespmem:s18+$0x300]  }
0x91: {  	v11 =	vld [tilespmem:s18+$0x8300]  }
0x92: {  	v13 =	vld [tilespmem:s18+$0x8200]  }
0x93: {  	v62 =	vld [tilespmem:s18+$0x200]  }
0x94: {  	v12 =	vld [tilespmem:s18+$0x8280]  }
0x95: {  	v14 =	vld [tilespmem:s18+$0x280];
	v3 =	vadd.f32 v3, v6  }
0x96: {  	v63 =	vld [tilespmem:s18+$0x400];
	v4 =	vadd.f32 v4, v8  }
0x97: {  	v7 =	vadd.f32 v7, v9;
	[tilespmem:s18+$0x10500] =	vst v3  }
0x98: {  	v6 =	vadd.f32 v13, v62;
	[tilespmem:s18+$0x10380] =	vst v4  }
0x99: {  	v3 =	vadd.f32 v11, v10;
	[tilespmem:s18+$0x10480] =	vst v7  }
0x9a: {  	v4 =	vadd.f32 v12, v14;
	[tilespmem:s18+$0x10200] =	vst v6  }
0x9b: {  	[tilespmem:s18+$0x10300] =	vst v3;
	v3 =	vadd.f32 v5, v63  }
0x9c: {  	s24 =	sor.u32 s1, s1;
	[tilespmem:s18+$0x10280] =	vst v4  }
0x9d: {  	s25 =	sor.u32 $0x380, s24;
	[tilespmem:s18+$0x10400] =	vst v3  }
0x9e: {  	v3 =	vld [tilespmem:s25+$0x200]  }
0x9f: {  	v4 =	vld [tilespmem:s25+$0x8200];
	_ =	sdelay $0x4  }
0xa0: {  	v3 =	vadd.f32 v4, v3;
	_ =	sdelay $0x1  }
0xa1: {  	[tilespmem:s25+$0x10200] =	vst v3  }
0xa2: {  	s19 =	simm.s32 $0x10;
	s22 =	simm.s32 $0x0;
	v3 =	vld [tilespmem:s18+$0xA500]  }
.LBB2_2:
0xa3: {  	p0 =	sne.s32 s19, $0x3F0  }
0xa4: {  	v4 =	vld [tilespmem:s18+$0x2500];
	s22 =	sadd.s32 $0x80, s22;
	s23 =	smov.u32 s19;
	s19 =	sadd.s32 $0x10, s19  }
0xa5: {  	v5 =	vld [tilespmem:s18+$0x2480]  }
0xa6: {  	v6 =	vld [tilespmem:s18+$0xA480]  }
0xa7: {  	v7 =	vld [tilespmem:s18+$0x2400]  }
0xa8: {  	v8 =	vld [tilespmem:s18+$0x2380]  }
0xa9: {  	v9 =	vld [tilespmem:s18+$0xA400];
	v3 =	vadd.f32 v3, v4  }
0xaa: {  	v4 =	vld [tilespmem:s18+$0xA300]  }
0xab: {  	v10 =	vld [tilespmem:s18+$0xA380];
	[tilespmem:s18+$0x12500] =	vst v3  }
0xac: {  	v3 =	vld [tilespmem:s18+$0x2280]  }
0xad: {  	v11 =	vld [tilespmem:s18+$0xA200]  }
0xae: {  	v12 =	vld [tilespmem:s18+$0x2300];
	v7 =	vadd.f32 v9, v7  }
0xaf: {  	v9 =	vld [tilespmem:s18+$0xA280]  }
0xb0: {  	v5 =	vadd.f32 v6, v5;
	v13 =	vld [tilespmem:s18+$0x2200];
	v8 =	vadd.f32 v10, v8;
	[tilespmem:s18+$0x12400] =	vst v7;
	_ =	sdelay $0x1  }
0xb1: {  	[tilespmem:s18+$0x12480] =	vst v5  }
0xb2: {  	v4 =	vadd.f32 v4, v12;
	[tilespmem:s18+$0x12380] =	vst v8  }
0xb3: {  	v3 =	vadd.f32 v9, v3  }
0xb4: {  	v5 =	vadd.f32 v11, v13;
	[tilespmem:s18+$0x12300] =	vst v4  }
0xb5: {  	[tilespmem:s18+$0x12280] =	vst v3  }
0xb6: {  	s24 =	sor.u32 $0x2380, s24;
	[tilespmem:s18+$0x12200] =	vst v5  }
0xb7: {  	v3 =	vld [tilespmem:s24+$0x200]  }
0xb8: {  	v4 =	vld [tilespmem:s24+$0x8200];
	_ =	sdelay $0x4  }
0xb9: {  	v3 =	vadd.f32 v4, v3  }
0xba: {  	s25 =	sand.u32 $0x1C00, s22;
	s18 =	sand.u32 $0x70, s23  }
0xbb: {  	s18 =	sor.u32 s18, s25;
	[tilespmem:s24+$0x10200] =	vst v3  }
0xbc: {  	v3 =	vld [tilespmem:s18+$0x8500]  }
0xbd: {  	v4 =	vld [tilespmem:s18+$0x8380]  }
0xbe: {  	v5 =	vld [tilespmem:s18+$0x8400]  }
0xbf: {  	v6 =	vld [tilespmem:s18+$0x500]  }
0xc0: {  	v7 =	vld [tilespmem:s18+$0x8480]  }
0xc1: {  	v8 =	vld [tilespmem:s18+$0x380]  }
0xc2: {  	v9 =	vld [tilespmem:s18+$0x480]  }
0xc3: {  	v10 =	vld [tilespmem:s18+$0x300]  }
0xc4: {  	v11 =	vld [tilespmem:s18+$0x8300];
	v3 =	vadd.f32 v3, v6  }
0xc5: {  	v6 =	vld [tilespmem:s18+$0x8280]  }
0xc6: {  	v12 =	vld [tilespmem:s18+$0x8200];
	v4 =	vadd.f32 v4, v8  }
0xc7: {  	v8 =	vld [tilespmem:s18+$0x280];
	v7 =	vadd.f32 v7, v9  }
0xc8: {  	v9 =	vld [tilespmem:s18+$0x200]  }
0xc9: {  	v10 =	vadd.f32 v11, v10;
	v11 =	vld [tilespmem:s18+$0x400]  }
0xca: {  	[tilespmem:s18+$0x10500] =	vst v3  }
0xcb: {  	[tilespmem:s18+$0x10380] =	vst v4  }
0xcc: {  	v3 =	vadd.f32 v6, v8;
	[tilespmem:s18+$0x10480] =	vst v7  }
0xcd: {  	v4 =	vadd.f32 v12, v9;
	[tilespmem:s18+$0x10300] =	vst v10  }
0xce: {  	[tilespmem:s18+$0x10280] =	vst v3;
	v3 =	vadd.f32 v5, v11  }
0xcf: {  	s24 =	sor.u32 s23, s22;
	[tilespmem:s18+$0x10200] =	vst v4  }
0xd0: {  	s23 =	sor.u32 $0x380, s24;
	[tilespmem:s18+$0x10400] =	vst v3  }
0xd1: {  	v3 =	vld [tilespmem:s23+$0x200]  }
0xd2: {  	v4 =	vld [tilespmem:s23+$0x8200];
	_ =	sdelay $0x3  }
.Ltmp0:
0xd3: {  	(pc) =	sbr.rel @p0 .LBB2_2-.Ltmp0, $3  }
0xd4: {  	v3 =	vadd.f32 v4, v3;
	_ =	sdelay $0x1  }
0xd5: {  	[tilespmem:s23+$0x10200] =	vst v3  }
0xd6: {  	v3 =	vld [tilespmem:s18+$0xA500]  }
0xd7: {  	v4 =	vld [tilespmem:s18+$0x2500]  }
0xd8: {  	v5 =	vld [tilespmem:s18+$0x2480]  }
0xd9: {  	v6 =	vld [tilespmem:s18+$0xA480]  }
0xda: {  	v7 =	vld [tilespmem:s18+$0x2400]  }
0xdb: {  	v8 =	vld [tilespmem:s18+$0x2380]  }
0xdc: {  	v9 =	vld [tilespmem:s18+$0xA400]  }
0xdd: {  	v10 =	vld [tilespmem:s18+$0xA380]  }
0xde: {  	v11 =	vld [tilespmem:s18+$0xA200]  }
0xdf: {  	v12 =	vld [tilespmem:s18+$0x2300]  }
0xe0: {  	v13 =	vld [tilespmem:s18+$0xA280]  }
0xe1: {  	v3 =	vadd.f32 v3, v4;
	v4 =	vld [tilespmem:s18+$0xA300]  }
0xe2: {  	v7 =	vadd.f32 v9, v7;
	v9 =	vld [tilespmem:s18+$0x2200]  }
0xe3: {  	[tilespmem:s18+$0x12500] =	vst v3;
	v3 =	vld [tilespmem:s18+$0x2280]  }
0xe4: {  	v5 =	vadd.f32 v6, v5  }
0xe5: {  	v6 =	vadd.f32 v10, v8;
	[tilespmem:s18+$0x12400] =	vst v7  }
0xe6: {  	[tilespmem:s18+$0x12480] =	vst v5;
	v4 =	vadd.f32 v4, v12  }
0xe7: {  	[tilespmem:s18+$0x12380] =	vst v6;
	v5 =	vadd.f32 v11, v9  }
0xe8: {  	v3 =	vadd.f32 v13, v3;
	[tilespmem:s18+$0x12300] =	vst v4  }
0xe9: {  	[tilespmem:s18+$0x12200] =	vst v5  }
0xea: {  	s11 =	sor.u32 $0x2380, s24;
	[tilespmem:s18+$0x12280] =	vst v3  }
0xeb: {  	v3 =	vld [tilespmem:s11+$0x200]  }
0xec: {  	v4 =	vld [tilespmem:s11+$0x8200];
	_ =	sdelay $0x4  }
0xed: {  	v3 =	vadd.f32 v4, v3;
	_ =	sdelay $0x1  }
0xee: {  	s18 =	simm.s32 $0x0;
	[tilespmem:s11+$0x10200] =	vst v3;
	s11 =	rddreg [dreg:$0x7]  }
0xef: {  	[hbm4b:s11+s18] =	stream.linear.scatter [tilespmem:s9], [sflag:$0x3], $0x4000, $0x38;
	[tilespmem:$0x14200] =	vst v63  }
0xf0: {  	_ =	swait.ge [sflag:s20], $0x4000  }
0xf1: {  	[sflag:s20] =	ssyncset.done $0x0  }
0xf2: {  	[sflag:s20] =	ssyncadd.s32 $0xFFFFC000  }
0xf3: {  	_ =	swait.ge [sflag:s17], $0x4000  }
0xf4: {  	[sflag:s17] =	ssyncset.done $0x0  }
0xf5: {  	[sflag:s17] =	ssyncadd.s32 $0xFFFFC000  }
0xf6: {  	_ =	swait.ge [sflag:s17], $0x4000  }
0xf7: {  	[sflag:s17] =	ssyncset.done $0x0  }
0xf8: {  	s19 =	rddreg [dreg:$0x8];
	[sflag:s17] =	ssyncadd.s32 $0xFFFFC000  }
0xf9: {  	[tilespmem:s18], [sflag:$0x3] =	stream.linear.gather [hbm4b:s19+s18], $0x10, $0x38;
	[tilespmem:$0x14200] =	vst v63  }
0xfa: {  	_ =	swait.ge [sflag:s20], $0x10  }
0xfb: {  	[sflag:s20] =	ssyncset.done $0x0  }
0xfc: {  	s22 =	rddreg [dreg:$0x9];
	[sflag:s20] =	ssyncadd.s32 $0xFFFFFFF0  }
0xfd: {  	[tilespmem:s26], [sflag:$0x3] =	stream.linear.gather [hbm4b:s22+s18], $0x10, $0x38;
	[tilespmem:$0x14200] =	vst v63  }
0xfe: {  	_ =	swait.ge [sflag:s20], $0x10  }
0xff: {  	[sflag:s20] =	ssyncset.done $0x0  }
0x100: {  	[sflag:s20] =	ssyncadd.s32 $0xFFFFFFF0  }
0x101: {  	v3 =	vld [tilespmem:$0x0];
	_ =	sdelay $0x4  }
0x102: {  	v4 =	vshll.u32 v3, $0x3  }
0x103: {  	v3 =	vand.u32 $0x7, v3;
	v4 =	vand.u32 $0xFFFFFFC0, v4  }
0x104: {  	v3 =	vor.u32 v3, v4  }
0x105: {  	v4 =	vperm.xlane v3, v0;
	_ =	sdelay $0x1  }
0x106: {  	v4 =	vadd.s32 v1, v4;
	_ =	sdelay $0x3  }
0x107: {  	s23 =	simm.s32 $0x200  }
0x108: {  	[tilespmem:s23], [sflag:$0x1] =	stream.indirect_vreg.gather [hbm4b:s3+s18], $0x80, v4, vm0, $0xb8;
	[tilespmem:$0x14200] =	vst v63  }
0x109: {  	s24 =	simm.s32 $0xA00;
	v3 =	vperm.xlane v3, v2  }
0x10a: {  	[tilespmem:s24], [sflag:$0x1] =	stream.indirect_vreg.gather [hbm4b:s6+s18], $0x80, v4, vm0, $0xb8;
	[tilespmem:$0x14200] =	vst v63  }
0x10b: {  	s25 =	simm.s32 $0x1200;
	v3 =	vadd.s32 v1, v3  }
0x10c: {  	[tilespmem:s25], [sflag:$0x1] =	stream.indirect_vreg.gather [hbm4b:s7+s18], $0x80, v4, vm0, $0xb8;
	[tilespmem:$0x14200] =	vst v63  }
0x10d: {  	s26 =	simm.s32 $0x1A00  }
0x10e: {  	[tilespmem:s26], [sflag:$0x1] =	stream.indirect_vreg.gather [hbm4b:s8+s18], $0x80, v4, vm0, $0xb8;
	[tilespmem:$0x14200] =	vst v63  }
0x10f: {  	s19 =	simm.s32 $0x2200  }
0x110: {  	[tilespmem:s19], [sflag:$0x1] =	stream.indirect_vreg.gather [hbm4b:s3+s18], $0x80, v3, vm0, $0xb8;
	[tilespmem:$0x14200] =	vst v63  }
0x111: {  	s22 =	simm.s32 $0x2A00  }
0x112: {  	[tilespmem:s22], [sflag:$0x1] =	stream.indirect_vreg.gather [hbm4b:s6+s18], $0x80, v3, vm0, $0xb8;
	[tilespmem:$0x14200] =	vst v63  }
0x113: {  	s23 =	simm.s32 $0x3200  }
0x114: {  	[tilespmem:s23], [sflag:$0x1] =	stream.indirect_vreg.gather [hbm4b:s7+s18], $0x80, v3, vm0, $0xb8;
	[tilespmem:$0x14200] =	vst v63  }
0x115: {  	s24 =	simm.s32 $0x3A00  }
0x116: {  	[tilespmem:s24], [sflag:$0x1] =	stream.indirect_vreg.gather [hbm4b:s8+s18], $0x80, v3, vm0, $0xb8;
	[tilespmem:$0x14200] =	vst v63  }
0x117: {  	v3 =	vld [tilespmem:$0x100];
	_ =	sdelay $0x4  }
0x118: {  	v4 =	vshll.u32 v3, $0x3  }
0x119: {  	v3 =	vand.u32 $0x7, v3;
	v4 =	vand.u32 $0xFFFFFFC0, v4  }
0x11a: {  	v3 =	vor.u32 v3, v4  }
0x11b: {  	v4 =	vperm.xlane v3, v0;
	_ =	sdelay $0x1  }
0x11c: {  	v4 =	vadd.s32 v1, v4;
	_ =	sdelay $0x3  }
0x11d: {  	s25 =	simm.s32 $0x8200  }
0x11e: {  	[tilespmem:s25], [sflag:$0x1] =	stream.indirect_vreg.gather [hbm4b:s3+s18], $0x80, v4, vm0, $0xb8;
	[tilespmem:$0x14200] =	vst v63  }
0x11f: {  	s26 =	simm.s32 $0x8A00;
	v3 =	vperm.xlane v3, v2  }
0x120: {  	[tilespmem:s26], [sflag:$0x1] =	stream.indirect_vreg.gather [hbm4b:s6+s18], $0x80, v4, vm0, $0xb8;
	[tilespmem:$0x14200] =	vst v63  }
0x121: {  	s19 =	simm.s32 $0x9200;
	v3 =	vadd.s32 v1, v3  }
0x122: {  	[tilespmem:s19], [sflag:$0x1] =	stream.indirect_vreg.gather [hbm4b:s7+s18], $0x80, v4, vm0, $0xb8;
	[tilespmem:$0x14200] =	vst v63  }
0x123: {  	s22 =	simm.s32 $0x9A00  }
0x124: {  	[tilespmem:s22], [sflag:$0x1] =	stream.indirect_vreg.gather [hbm4b:s8+s18], $0x80, v4, vm0, $0xb8;
	[tilespmem:$0x14200] =	vst v63  }
0x125: {  	s23 =	simm.s32 $0xA200  }
0x126: {  	[tilespmem:s23], [sflag:$0x1] =	stream.indirect_vreg.gather [hbm4b:s3+s18], $0x80, v3, vm0, $0xb8;
	[tilespmem:$0x14200] =	vst v63  }
0x127: {  	s24 =	simm.s32 $0xAA00  }
0x128: {  	[tilespmem:s24], [sflag:$0x1] =	stream.indirect_vreg.gather [hbm4b:s6+s18], $0x80, v3, vm0, $0xb8;
	[tilespmem:$0x14200] =	vst v63  }
0x129: {  	s25 =	simm.s32 $0xB200;
	s19 =	sand.u32 $0x70, s18;
	s22 =	sand.u32 $0x1C00, s18  }
0x12a: {  	[tilespmem:s25], [sflag:$0x1] =	stream.indirect_vreg.gather [hbm4b:s7+s18], $0x80, v3, vm0, $0xb8;
	[tilespmem:$0x14200] =	vst v63  }
0x12b: {  	s26 =	simm.s32 $0xBA00;
	s22 =	sor.u32 s19, s22  }
0x12c: {  	[tilespmem:s26], [sflag:$0x1] =	stream.indirect_vreg.gather [hbm4b:s8+s18], $0x80, v3, vm0, $0xb8;
	[tilespmem:$0x14200] =	vst v63  }
0x12d: {  	v3 =	vld [tilespmem:s22+$0xC280]  }
0x12e: {  	v4 =	vld [tilespmem:s22+$0x4500]  }
0x12f: {  	v5 =	vld [tilespmem:s22+$0xC500]  }
0x130: {  	v6 =	vld [tilespmem:s22+$0xC380]  }
0x131: {  	v7 =	vld [tilespmem:s22+$0x4380]  }
0x132: {  	v8 =	vld [tilespmem:s22+$0xC200]  }
0x133: {  	v9 =	vld [tilespmem:s22+$0xC400]  }
0x134: {  	v10 =	vld [tilespmem:s22+$0x4400]  }
0x135: {  	v11 =	vld [tilespmem:s22+$0x4200]  }
0x136: {  	v12 =	vld [tilespmem:s22+$0x4300]  }
0x137: {  	v13 =	vld [tilespmem:s22+$0xC480]  }
0x138: {  	v14 =	vld [tilespmem:s22+$0x4480]  }
0x139: {  	v15 =	vld [tilespmem:s22+$0xC300];
	v9 =	vadd.f32 v9, v10  }
0x13a: {  	v10 =	vld [tilespmem:s22+$0x4280];
	v8 =	vadd.f32 v8, v11  }
0x13b: {  	v6 =	vadd.f32 v6, v7;
	[tilespmem:s22+$0x10400] =	vst v9  }
0x13c: {  	v4 =	vadd.f32 v5, v4;
	[tilespmem:s22+$0x10200] =	vst v8  }
0x13d: {  	v5 =	vadd.f32 v13, v14;
	[tilespmem:s22+$0x10380] =	vst v6  }
0x13e: {  	[tilespmem:s22+$0x10500] =	vst v4;
	v4 =	vadd.f32 v15, v12  }
0x13f: {  	[tilespmem:s22+$0x10480] =	vst v5;
	v3 =	vadd.f32 v3, v10  }
0x140: {  	s11 =	sor.u32 s18, s18;
	[tilespmem:s22+$0x10300] =	vst v4  }
0x141: {  	s18 =	sor.u32 $0x4380, s11;
	[tilespmem:s22+$0x10280] =	vst v3  }
0x142: {  	v3 =	vld [tilespmem:s18+$0x200]  }
0x143: {  	v4 =	vld [tilespmem:s18+$0x8200];
	_ =	sdelay $0x4  }
0x144: {  	v3 =	vadd.f32 v4, v3  }
0x145: {  	s23 =	sor.u32 $0x380, s11  }
0x146: {  	[tilespmem:s23+$0x10200] =	vst v3  }
0x147: {  	v3 =	vld [tilespmem:s22+$0xE480]  }
0x148: {  	v5 =	vld [tilespmem:s22+$0x6500]  }
0x149: {  	v4 =	vld [tilespmem:s22+$0x6480]  }
0x14a: {  	v6 =	vld [tilespmem:s22+$0xE500]  }
0x14b: {  	v7 =	vld [tilespmem:s22+$0xE400]  }
0x14c: {  	v8 =	vld [tilespmem:s22+$0xE380]  }
0x14d: {  	v9 =	vld [tilespmem:s22+$0x6400]  }
0x14e: {  	v10 =	vld [tilespmem:s22+$0x6380]  }
0x14f: {  	v11 =	vld [tilespmem:s22+$0xE300]  }
0x150: {  	s25 =	simm.s32 $0x10;
	s23 =	simm.s32 $0x80;
	v12 =	vld [tilespmem:s22+$0xE280]  }
0x151: {  	s24 =	sand.u32 $0x70, s25;
	s26 =	sand.u32 $0x1C00, s23;
	v13 =	vld [tilespmem:s22+$0x6280]  }
0x152: {  	v14 =	vld [tilespmem:s22+$0x6300];
	s18 =	sor.u32 s24, s26;
	v15 =	vadd.f32 v3, v4  }
0x153: {  	v3 =	vld [tilespmem:s18+$0xC280];
	v7 =	vadd.f32 v7, v9  }
0x154: {  	v4 =	vld [tilespmem:s18+$0x4500];
	v5 =	vadd.f32 v6, v5;
	[tilespmem:s22+$0x12480] =	vst v15  }
0x155: {  	[tilespmem:s22+$0x12400] =	vst v7  }
0x156: {  	v6 =	vld [tilespmem:s22+$0xE200];
	[tilespmem:s22+$0x12500] =	vst v5;
	v7 =	vadd.f32 v8, v10  }
0x157: {  	v8 =	vadd.f32 v11, v14;
	v5 =	vld [tilespmem:s18+$0xC500]  }
0x158: {  	v9 =	vadd.f32 v12, v13;
	v15 =	vld [tilespmem:s18+$0xC380];
	[tilespmem:s22+$0x12380] =	vst v7  }
0x159: {  	v7 =	vld [tilespmem:s22+$0x6200];
	[tilespmem:s22+$0x12300] =	vst v8  }
0x15a: {  	v11 =	vld [tilespmem:s18+$0x4380];
	[tilespmem:s22+$0x12280] =	vst v9  }
0x15b: {  	v12 =	vld [tilespmem:s18+$0x4300]  }
0x15c: {  	v13 =	vld [tilespmem:s18+$0xC300]  }
0x15d: {  	v16 =	vld [tilespmem:s18+$0xC200]  }
0x15e: {  	v14 =	vld [tilespmem:s18+$0xC400];
	v6 =	vadd.f32 v6, v7  }
0x15f: {  	v17 =	vld [tilespmem:s18+$0x4400]  }
0x160: {  	s19 =	sor.u32 $0x6380, s11;
	v18 =	vld [tilespmem:s18+$0x4200];
	[tilespmem:s22+$0x12200] =	vst v6  }
0x161: {  	v8 =	vld [tilespmem:s19+$0x200]  }
0x162: {  	v10 =	vld [tilespmem:s19+$0x8200]  }
0x163: {  	v9 =	vld [tilespmem:s18+$0xC480]  }
0x164: {  	v7 =	vadd.f32 v15, v11;
	v6 =	vadd.f32 v13, v12;
	v11 =	vld [tilespmem:s18+$0x4480]  }
0x165: {  	s24 =	simm.s32 $0x20;
	v14 =	vadd.f32 v14, v17;
	v13 =	vadd.f32 v16, v18;
	s19 =	sor.u32 s25, s23;
	v12 =	vld [tilespmem:s18+$0x4280]  }
.LBB2_4:
0x166: {  	p0 =	sne.s32 s24, $0x3F0  }
0x167: {  	[tilespmem:s18+$0x10400] =	vst v14;
	s23 =	sadd.s32 $0x80, s23;
	s11 =	smov.u32 s24;
	s24 =	sadd.s32 $0x10, s24  }
0x168: {  	v4 =	vadd.f32 v5, v4;
	s25 =	sor.u32 s11, s23;
	[tilespmem:s18+$0x10200] =	vst v13;
	v5 =	vadd.f32 v10, v8  }
0x169: {  	[tilespmem:s18+$0x10380] =	vst v7  }
0x16a: {  	v7 =	vadd.f32 v9, v11;
	[tilespmem:s18+$0x10500] =	vst v4  }
0x16b: {  	v3 =	vadd.f32 v3, v12;
	[tilespmem:s22+$0x12580] =	vst v5;
	s22 =	smov.u32 s18  }
0x16c: {  	[tilespmem:s22+$0x10480] =	vst v7  }
0x16d: {  	[tilespmem:s22+$0x10280] =	vst v3  }
0x16e: {  	s18 =	sor.u32 $0x4380, s19;
	[tilespmem:s22+$0x10300] =	vst v6  }
0x16f: {  	v3 =	vld [tilespmem:s18+$0x200]  }
0x170: {  	v4 =	vld [tilespmem:s18+$0x8200];
	_ =	sdelay $0x4  }
0x171: {  	v3 =	vadd.f32 v4, v3  }
0x172: {  	s26 =	sor.u32 $0x380, s19;
	s11 =	sand.u32 $0x70, s11;
	s18 =	sand.u32 $0x1C00, s23  }
0x173: {  	s18 =	sor.u32 s11, s18;
	[tilespmem:s26+$0x10200] =	vst v3  }
0x174: {  	v3 =	vld [tilespmem:s22+$0xE480]  }
0x175: {  	v5 =	vld [tilespmem:s22+$0x6500]  }
0x176: {  	v4 =	vld [tilespmem:s22+$0x6480]  }
0x177: {  	v6 =	vld [tilespmem:s22+$0xE500]  }
0x178: {  	v7 =	vld [tilespmem:s22+$0xE400]  }
0x179: {  	v8 =	vld [tilespmem:s22+$0xE380]  }
0x17a: {  	v9 =	vld [tilespmem:s22+$0x6400]  }
0x17b: {  	v10 =	vld [tilespmem:s22+$0x6380]  }
0x17c: {  	v11 =	vld [tilespmem:s22+$0xE300]  }
0x17d: {  	v12 =	vld [tilespmem:s22+$0xE280]  }
0x17e: {  	v13 =	vld [tilespmem:s22+$0x6280]  }
0x17f: {  	v14 =	vld [tilespmem:s22+$0x6300];
	v7 =	vadd.f32 v7, v9;
	v9 =	vadd.f32 v3, v4  }
0x180: {  	v3 =	vld [tilespmem:s18+$0xC280]  }
0x181: {  	v5 =	vadd.f32 v6, v5;
	v4 =	vld [tilespmem:s18+$0x4500];
	[tilespmem:s22+$0x12480] =	vst v9  }
0x182: {  	v6 =	vld [tilespmem:s22+$0xE200];
	[tilespmem:s22+$0x12400] =	vst v7  }
0x183: {  	v8 =	vadd.f32 v8, v10;
	v7 =	vadd.f32 v12, v13;
	[tilespmem:s22+$0x12500] =	vst v5  }
0x184: {  	v5 =	vld [tilespmem:s18+$0xC500];
	v9 =	vadd.f32 v11, v14  }
0x185: {  	v10 =	vld [tilespmem:s18+$0xC380];
	[tilespmem:s22+$0x12380] =	vst v8  }
0x186: {  	v8 =	vld [tilespmem:s22+$0x6200];
	[tilespmem:s22+$0x12300] =	vst v9  }
0x187: {  	v9 =	vld [tilespmem:s18+$0x4380];
	[tilespmem:s22+$0x12280] =	vst v7  }
0x188: {  	v11 =	vld [tilespmem:s18+$0x4300]  }
0x189: {  	v12 =	vld [tilespmem:s18+$0xC300]  }
0x18a: {  	v13 =	vld [tilespmem:s18+$0xC200]  }
0x18b: {  	v14 =	vld [tilespmem:s18+$0xC400];
	v6 =	vadd.f32 v6, v8  }
0x18c: {  	v7 =	vadd.f32 v10, v9;
	v15 =	vld [tilespmem:s18+$0x4400]  }
0x18d: {  	s11 =	sor.u32 $0x6380, s19;
	s19 =	smov.u32 s25;
	v16 =	vld [tilespmem:s18+$0x4200];
	[tilespmem:s22+$0x12200] =	vst v6  }
.Ltmp1:
0x18e: {  	v6 =	vadd.f32 v12, v11;
	v8 =	vld [tilespmem:s11+$0x200];
	(pc) =	sbr.rel @p0 .LBB2_4-.Ltmp1, $4  }
0x18f: {  	v10 =	vld [tilespmem:s11+$0x8200]  }
0x190: {  	v9 =	vld [tilespmem:s18+$0xC480]  }
0x191: {  	v14 =	vadd.f32 v14, v15;
	v11 =	vld [tilespmem:s18+$0x4480]  }
0x192: {  	v13 =	vadd.f32 v13, v16;
	v12 =	vld [tilespmem:s18+$0x4280]  }
0x193: {  	[tilespmem:s18+$0x10400] =	vst v14  }
0x194: {  	v4 =	vadd.f32 v5, v4;
	[tilespmem:s18+$0x10380] =	vst v7  }
0x195: {  	[tilespmem:s18+$0x10200] =	vst v13;
	v5 =	vadd.f32 v10, v8  }
0x196: {  	[tilespmem:s18+$0x10500] =	vst v4  }
0x197: {  	v42 =	vadd.f32 v9, v11;
	[tilespmem:s22+$0x12580] =	vst v5  }
0x198: {  	v3 =	vadd.f32 v3, v12;
	[tilespmem:s18+$0x10300] =	vst v6  }
0x199: {  	[tilespmem:s18+$0x10480] =	vst v42  }
0x19a: {  	s11 =	sor.u32 $0x4380, s19;
	[tilespmem:s18+$0x10280] =	vst v3  }
0x19b: {  	v3 =	vld [tilespmem:s11+$0x200]  }
0x19c: {  	v4 =	vld [tilespmem:s11+$0x8200];
	_ =	sdelay $0x4  }
0x19d: {  	v3 =	vadd.f32 v4, v3  }
0x19e: {  	s25 =	sor.u32 $0x380, s19  }
0x19f: {  	[tilespmem:s25+$0x10200] =	vst v3  }
0x1a0: {  	v3 =	vld [tilespmem:s18+$0xE480]  }
0x1a1: {  	v4 =	vld [tilespmem:s18+$0x6500]  }
0x1a2: {  	v5 =	vld [tilespmem:s18+$0x6480]  }
0x1a3: {  	v43 =	vld [tilespmem:s18+$0xE500]  }
0x1a4: {  	v44 =	vld [tilespmem:s18+$0xE400]  }
0x1a5: {  	v45 =	vld [tilespmem:s18+$0xE380]  }
0x1a6: {  	v46 =	vld [tilespmem:s18+$0x6400]  }
0x1a7: {  	v47 =	vld [tilespmem:s18+$0x6380]  }
0x1a8: {  	v48 =	vld [tilespmem:s18+$0xE300]  }
0x1a9: {  	v49 =	vld [tilespmem:s18+$0xE280];
	v3 =	vadd.f32 v3, v5  }
0x1aa: {  	v50 =	vld [tilespmem:s18+$0x6280]  }
0x1ab: {  	v5 =	vld [tilespmem:s18+$0x6300];
	[tilespmem:s18+$0x12480] =	vst v3;
	v3 =	vadd.f32 v43, v4  }
0x1ac: {  	v4 =	vld [tilespmem:s18+$0xE200]  }
0x1ad: {  	[tilespmem:s18+$0x12500] =	vst v3;
	v3 =	vld [tilespmem:s18+$0x6200]  }
0x1ae: {  	v7 =	vadd.f32 v44, v46  }
0x1af: {  	v51 =	vadd.f32 v45, v47  }
0x1b0: {  	v52 =	vadd.f32 v49, v50;
	[tilespmem:s18+$0x12400] =	vst v7  }
0x1b1: {  	[tilespmem:s18+$0x12380] =	vst v51;
	v5 =	vadd.f32 v48, v5  }
0x1b2: {  	[tilespmem:s18+$0x12280] =	vst v52;
	v3 =	vadd.f32 v4, v3  }
0x1b3: {  	[tilespmem:s18+$0x12300] =	vst v5  }
0x1b4: {  	s26 =	sor.u32 $0x6380, s19;
	[tilespmem:s18+$0x12200] =	vst v3  }
0x1b5: {  	v3 =	vld [tilespmem:s26+$0x200]  }
0x1b6: {  	v4 =	vld [tilespmem:s26+$0x8200];
	_ =	sdelay $0x4  }
0x1b7: {  	v3 =	vadd.f32 v4, v3;
	_ =	sdelay $0x1  }
0x1b8: {  	s19 =	rddreg [dreg:$0xa];
	s22 =	simm.s32 $0x0;
	[tilespmem:s18+$0x12580] =	vst v3  }
0x1b9: {  	[hbm4b:s19+s22] =	stream.linear.scatter [tilespmem:s9], [sflag:$0x3], $0x4000, $0x38;
	[tilespmem:$0x14200] =	vst v63  }
0x1ba: {  	_ =	swait.ge [sflag:s20], $0x4000  }
0x1bb: {  	[sflag:s20] =	ssyncset.done $0x0  }
0x1bc: {  	[sflag:s20] =	ssyncadd.s32 $0xFFFFC000  }
0x1bd: {  	_ =	swait.ge [sflag:s10], $0x4000  }
0x1be: {  	[sflag:s10] =	ssyncset.done $0x0  }
0x1bf: {  	[sflag:s10] =	ssyncadd.s32 $0xFFFFC000  }
0x1c0: {  	_ =	swait.ge [sflag:s10], $0x4000  }
0x1c1: {  	[sflag:s10] =	ssyncset.done $0x0  }
0x1c2: {  	s24 =	simm.s32 $0x80;
	s23 =	rddreg [dreg:$0xb];
	[sflag:s10] =	ssyncadd.s32 $0xFFFFC000  }
0x1c3: {  	[tilespmem:s24], [sflag:$0x3] =	stream.linear.gather [hbm4b:s23+s22], $0x10, $0x38;
	[tilespmem:$0x14200] =	vst v63  }
0x1c4: {  	_ =	swait.ge [sflag:s20], $0x10  }
0x1c5: {  	[sflag:s20] =	ssyncset.done $0x0  }
0x1c6: {  	s26 =	simm.s32 $0x180;
	s25 =	rddreg [dreg:$0xc];
	[sflag:s20] =	ssyncadd.s32 $0xFFFFFFF0  }
0x1c7: {  	[tilespmem:s26], [sflag:$0x3] =	stream.linear.gather [hbm4b:s25+s22], $0x10, $0x38;
	[tilespmem:$0x14200] =	vst v63  }
0x1c8: {  	_ =	swait.ge [sflag:s20], $0x10  }
0x1c9: {  	[sflag:s20] =	ssyncset.done $0x0  }
0x1ca: {  	[sflag:s20] =	ssyncadd.s32 $0xFFFFFFF0  }
0x1cb: {  	v3 =	vld [tilespmem:$0x80];
	_ =	sdelay $0x4  }
0x1cc: {  	v4 =	vshll.u32 v3, $0x3  }
0x1cd: {  	v3 =	vand.u32 $0x7, v3;
	v4 =	vand.u32 $0xFFFFFFC0, v4  }
0x1ce: {  	v3 =	vor.u32 v3, v4  }
0x1cf: {  	v4 =	vperm.xlane v3, v0;
	_ =	sdelay $0x1  }
0x1d0: {  	v4 =	vadd.s32 v1, v4;
	_ =	sdelay $0x3  }
0x1d1: {  	s18 =	simm.s32 $0x4200  }
0x1d2: {  	[tilespmem:s18], [sflag:$0x2] =	stream.indirect_vreg.gather [hbm4b:s3+s22], $0x80, v4, vm0, $0xb8;
	[tilespmem:$0x14200] =	vst v63  }
0x1d3: {  	s19 =	simm.s32 $0x4A00;
	v3 =	vperm.xlane v3, v2  }
0x1d4: {  	[tilespmem:s19], [sflag:$0x2] =	stream.indirect_vreg.gather [hbm4b:s6+s22], $0x80, v4, vm0, $0xb8;
	[tilespmem:$0x14200] =	vst v63  }
0x1d5: {  	s23 =	simm.s32 $0x5200;
	v3 =	vadd.s32 v1, v3  }
0x1d6: {  	[tilespmem:s23], [sflag:$0x2] =	stream.indirect_vreg.gather [hbm4b:s7+s22], $0x80, v4, vm0, $0xb8;
	[tilespmem:$0x14200] =	vst v63  }
0x1d7: {  	_ = 	snop  }
0x1d8: {  	[tilespmem:s12], [sflag:$0x2] =	stream.indirect_vreg.gather [hbm4b:s8+s22], $0x80, v4, vm0, $0xb8;
	[tilespmem:$0x14200] =	vst v63  }
0x1d9: {  	_ = 	snop  }
0x1da: {  	[tilespmem:s28], [sflag:$0x2] =	stream.indirect_vreg.gather [hbm4b:s3+s22], $0x80, v3, vm0, $0xb8;
	[tilespmem:$0x14200] =	vst v63  }
0x1db: {  	_ = 	snop  }
0x1dc: {  	[tilespmem:s29], [sflag:$0x2] =	stream.indirect_vreg.gather [hbm4b:s6+s22], $0x80, v3, vm0, $0xb8;
	[tilespmem:$0x14200] =	vst v63  }
0x1dd: {  	_ = 	snop  }
0x1de: {  	[tilespmem:s13], [sflag:$0x2] =	stream.indirect_vreg.gather [hbm4b:s7+s22], $0x80, v3, vm0, $0xb8;
	[tilespmem:$0x14200] =	vst v63  }
0x1df: {  	_ = 	snop  }
0x1e0: {  	[tilespmem:s30], [sflag:$0x2] =	stream.indirect_vreg.gather [hbm4b:s8+s22], $0x80, v3, vm0, $0xb8;
	[tilespmem:$0x14200] =	vst v63  }
0x1e1: {  	v3 =	vld [tilespmem:$0x180];
	_ =	sdelay $0x4  }
0x1e2: {  	v4 =	vshll.u32 v3, $0x3  }
0x1e3: {  	v3 =	vand.u32 $0x7, v3;
	v4 =	vand.u32 $0xFFFFFFC0, v4  }
0x1e4: {  	v3 =	vor.u32 v3, v4  }
0x1e5: {  	v4 =	vperm.xlane v3, v0;
	_ =	sdelay $0x1  }
0x1e6: {  	v4 =	vadd.s32 v1, v4;
	_ =	sdelay $0x4  }
0x1e7: {  	[tilespmem:s31], [sflag:$0x2] =	stream.indirect_vreg.gather [hbm4b:s3+s22], $0x80, v4, vm0, $0xb8;
	[tilespmem:$0x14200] =	vst v63  }
0x1e8: {  	v3 =	vperm.xlane v3, v2  }
0x1e9: {  	[tilespmem:s0], [sflag:$0x2] =	stream.indirect_vreg.gather [hbm4b:s6+s22], $0x80, v4, vm0, $0xb8;
	[tilespmem:$0x14200] =	vst v63  }
0x1ea: {  	v3 =	vadd.s32 v1, v3  }
0x1eb: {  	[tilespmem:s14], [sflag:$0x2] =	stream.indirect_vreg.gather [hbm4b:s7+s22], $0x80, v4, vm0, $0xb8;
	[tilespmem:$0x14200] =	vst v63  }
0x1ec: {  	_ = 	snop  }
0x1ed: {  	[tilespmem:s2], [sflag:$0x2] =	stream.indirect_vreg.gather [hbm4b:s8+s22], $0x80, v4, vm0, $0xb8;
	[tilespmem:$0x14200] =	vst v63  }
0x1ee: {  	_ = 	snop  }
0x1ef: {  	[tilespmem:s15], [sflag:$0x2] =	stream.indirect_vreg.gather [hbm4b:s3+s22], $0x80, v3, vm0, $0xb8;
	[tilespmem:$0x14200] =	vst v63  }
0x1f0: {  	_ = 	snop  }
0x1f1: {  	[tilespmem:s4], [sflag:$0x2] =	stream.indirect_vreg.gather [hbm4b:s6+s22], $0x80, v3, vm0, $0xb8;
	[tilespmem:$0x14200] =	vst v63  }
0x1f2: {  	s24 =	sand.u32 $0x70, s22;
	s25 =	sand.u32 $0x1C00, s22  }
0x1f3: {  	[tilespmem:s5], [sflag:$0x2] =	stream.indirect_vreg.gather [hbm4b:s7+s22], $0x80, v3, vm0, $0xb8;
	[tilespmem:$0x14200] =	vst v63  }
0x1f4: {  	s18 =	sor.u32 s24, s25  }
0x1f5: {  	[tilespmem:s16], [sflag:$0x2] =	stream.indirect_vreg.gather [hbm4b:s8+s22], $0x80, v3, vm0, $0xb8;
	[tilespmem:$0x14200] =	vst v63  }
0x1f6: {  	v3 =	vld [tilespmem:s18+$0x8500]  }
0x1f7: {  	v4 =	vld [tilespmem:s18+$0x8380]  }
0x1f8: {  	v5 =	vld [tilespmem:s18+$0x8400]  }
0x1f9: {  	v53 =	vld [tilespmem:s18+$0x500]  }
0x1fa: {  	v54 =	vld [tilespmem:s18+$0x8480]  }
0x1fb: {  	v55 =	vld [tilespmem:s18+$0x380]  }
0x1fc: {  	v56 =	vld [tilespmem:s18+$0x480]  }
0x1fd: {  	v57 =	vld [tilespmem:s18+$0x300]  }
0x1fe: {  	v58 =	vld [tilespmem:s18+$0x8300]  }
0x1ff: {  	v60 =	vld [tilespmem:s18+$0x8200]  }
0x200: {  	v62 =	vld [tilespmem:s18+$0x200]  }
0x201: {  	v59 =	vld [tilespmem:s18+$0x8280]  }
0x202: {  	v61 =	vld [tilespmem:s18+$0x280];
	v3 =	vadd.f32 v3, v53  }
0x203: {  	v63 =	vld [tilespmem:s18+$0x400];
	v4 =	vadd.f32 v4, v55  }
0x204: {  	v7 =	vadd.f32 v54, v56;
	[tilespmem:s18+$0x10500] =	vst v3  }
0x205: {  	v6 =	vadd.f32 v60, v62;
	[tilespmem:s18+$0x10380] =	vst v4  }
0x206: {  	v3 =	vadd.f32 v58, v57;
	[tilespmem:s18+$0x10480] =	vst v7  }
0x207: {  	v4 =	vadd.f32 v59, v61;
	[tilespmem:s18+$0x10200] =	vst v6  }
0x208: {  	[tilespmem:s18+$0x10300] =	vst v3;
	v3 =	vadd.f32 v5, v63  }
0x209: {  	s24 =	sor.u32 s22, s22;
	[tilespmem:s18+$0x10280] =	vst v4  }
0x20a: {  	s26 =	sor.u32 $0x380, s24;
	[tilespmem:s18+$0x10400] =	vst v3  }
0x20b: {  	v3 =	vld [tilespmem:s26+$0x200]  }
0x20c: {  	v4 =	vld [tilespmem:s26+$0x8200];
	_ =	sdelay $0x4  }
0x20d: {  	v3 =	vadd.f32 v4, v3;
	_ =	sdelay $0x1  }
0x20e: {  	[tilespmem:s26+$0x10200] =	vst v3  }
0x20f: {  	s19 =	simm.s32 $0x10;
	v3 =	vld [tilespmem:s18+$0xA500]  }
.LBB2_6:
0x210: {  	p0 =	sne.s32 s19, $0x3F0  }
0x211: {  	v4 =	vld [tilespmem:s18+$0x2500];
	s22 =	sadd.s32 $0x80, s22;
	s23 =	smov.u32 s19;
	s19 =	sadd.s32 $0x10, s19  }
0x212: {  	v5 =	vld [tilespmem:s18+$0x2480]  }
0x213: {  	v6 =	vld [tilespmem:s18+$0xA480]  }
0x214: {  	v7 =	vld [tilespmem:s18+$0x2400]  }
0x215: {  	v8 =	vld [tilespmem:s18+$0x2380]  }
0x216: {  	v9 =	vld [tilespmem:s18+$0xA400];
	v3 =	vadd.f32 v3, v4  }
0x217: {  	v4 =	vld [tilespmem:s18+$0xA300]  }
0x218: {  	v10 =	vld [tilespmem:s18+$0xA380];
	[tilespmem:s18+$0x12500] =	vst v3  }
0x219: {  	v3 =	vld [tilespmem:s18+$0x2280]  }
0x21a: {  	v11 =	vld [tilespmem:s18+$0xA200]  }
0x21b: {  	v12 =	vld [tilespmem:s18+$0x2300];
	v7 =	vadd.f32 v9, v7  }
0x21c: {  	v9 =	vld [tilespmem:s18+$0xA280]  }
0x21d: {  	v5 =	vadd.f32 v6, v5;
	v13 =	vld [tilespmem:s18+$0x2200];
	v8 =	vadd.f32 v10, v8;
	[tilespmem:s18+$0x12400] =	vst v7;
	_ =	sdelay $0x1  }
0x21e: {  	[tilespmem:s18+$0x12480] =	vst v5  }
0x21f: {  	v4 =	vadd.f32 v4, v12;
	[tilespmem:s18+$0x12380] =	vst v8  }
0x220: {  	v3 =	vadd.f32 v9, v3  }
0x221: {  	v5 =	vadd.f32 v11, v13;
	[tilespmem:s18+$0x12300] =	vst v4  }
0x222: {  	[tilespmem:s18+$0x12280] =	vst v3  }
0x223: {  	s11 =	sor.u32 $0x2380, s24;
	[tilespmem:s18+$0x12200] =	vst v5  }
0x224: {  	v3 =	vld [tilespmem:s11+$0x200]  }
0x225: {  	v4 =	vld [tilespmem:s11+$0x8200];
	_ =	sdelay $0x4  }
0x226: {  	v3 =	vadd.f32 v4, v3  }
0x227: {  	s24 =	sand.u32 $0x1C00, s22;
	s18 =	sand.u32 $0x70, s23  }
0x228: {  	s18 =	sor.u32 s18, s24;
	[tilespmem:s11+$0x10200] =	vst v3  }
0x229: {  	v3 =	vld [tilespmem:s18+$0x8500]  }
0x22a: {  	v4 =	vld [tilespmem:s18+$0x8380]  }
0x22b: {  	v5 =	vld [tilespmem:s18+$0x8400]  }
0x22c: {  	v6 =	vld [tilespmem:s18+$0x500]  }
0x22d: {  	v7 =	vld [tilespmem:s18+$0x8480]  }
0x22e: {  	v8 =	vld [tilespmem:s18+$0x380]  }
0x22f: {  	v9 =	vld [tilespmem:s18+$0x480]  }
0x230: {  	v10 =	vld [tilespmem:s18+$0x300]  }
0x231: {  	v11 =	vld [tilespmem:s18+$0x8300];
	v3 =	vadd.f32 v3, v6  }
0x232: {  	v6 =	vld [tilespmem:s18+$0x8280]  }
0x233: {  	v12 =	vld [tilespmem:s18+$0x8200];
	v4 =	vadd.f32 v4, v8  }
0x234: {  	v8 =	vld [tilespmem:s18+$0x280];
	v7 =	vadd.f32 v7, v9  }
0x235: {  	v9 =	vld [tilespmem:s18+$0x200]  }
0x236: {  	v10 =	vadd.f32 v11, v10;
	v11 =	vld [tilespmem:s18+$0x400]  }
0x237: {  	[tilespmem:s18+$0x10500] =	vst v3  }
0x238: {  	[tilespmem:s18+$0x10380] =	vst v4  }
0x239: {  	v3 =	vadd.f32 v6, v8;
	[tilespmem:s18+$0x10480] =	vst v7  }
0x23a: {  	v4 =	vadd.f32 v12, v9;
	[tilespmem:s18+$0x10300] =	vst v10  }
0x23b: {  	[tilespmem:s18+$0x10280] =	vst v3;
	v3 =	vadd.f32 v5, v11  }
0x23c: {  	s24 =	sor.u32 s23, s22;
	[tilespmem:s18+$0x10200] =	vst v4  }
0x23d: {  	s11 =	sor.u32 $0x380, s24;
	[tilespmem:s18+$0x10400] =	vst v3  }
0x23e: {  	v3 =	vld [tilespmem:s11+$0x200]  }
0x23f: {  	v4 =	vld [tilespmem:s11+$0x8200];
	_ =	sdelay $0x3  }
.Ltmp2:
0x240: {  	(pc) =	sbr.rel @p0 .LBB2_6-.Ltmp2, $3  }
0x241: {  	v3 =	vadd.f32 v4, v3;
	_ =	sdelay $0x1  }
0x242: {  	[tilespmem:s11+$0x10200] =	vst v3  }
0x243: {  	v3 =	vld [tilespmem:s18+$0xA500]  }
0x244: {  	v4 =	vld [tilespmem:s18+$0x2500]  }
0x245: {  	v5 =	vld [tilespmem:s18+$0x2480]  }
0x246: {  	v6 =	vld [tilespmem:s18+$0xA480]  }
0x247: {  	v7 =	vld [tilespmem:s18+$0x2400]  }
0x248: {  	v8 =	vld [tilespmem:s18+$0x2380]  }
0x249: {  	v9 =	vld [tilespmem:s18+$0xA400]  }
0x24a: {  	v10 =	vld [tilespmem:s18+$0xA380]  }
0x24b: {  	v11 =	vld [tilespmem:s18+$0xA200]  }
0x24c: {  	v12 =	vld [tilespmem:s18+$0x2300]  }
0x24d: {  	v13 =	vld [tilespmem:s18+$0xA280]  }
0x24e: {  	v3 =	vadd.f32 v3, v4;
	v4 =	vld [tilespmem:s18+$0xA300]  }
0x24f: {  	v7 =	vadd.f32 v9, v7;
	v9 =	vld [tilespmem:s18+$0x2200]  }
0x250: {  	[tilespmem:s18+$0x12500] =	vst v3;
	v3 =	vld [tilespmem:s18+$0x2280]  }
0x251: {  	v5 =	vadd.f32 v6, v5  }
0x252: {  	v6 =	vadd.f32 v10, v8;
	[tilespmem:s18+$0x12400] =	vst v7  }
0x253: {  	[tilespmem:s18+$0x12480] =	vst v5;
	v4 =	vadd.f32 v4, v12  }
0x254: {  	[tilespmem:s18+$0x12380] =	vst v6;
	v5 =	vadd.f32 v11, v9  }
0x255: {  	v3 =	vadd.f32 v13, v3;
	[tilespmem:s18+$0x12300] =	vst v4  }
0x256: {  	[tilespmem:s18+$0x12200] =	vst v5  }
0x257: {  	s11 =	sor.u32 $0x2380, s24;
	[tilespmem:s18+$0x12280] =	vst v3  }
0x258: {  	v3 =	vld [tilespmem:s11+$0x200]  }
0x259: {  	v4 =	vld [tilespmem:s11+$0x8200];
	_ =	sdelay $0x4  }
0x25a: {  	v3 =	vadd.f32 v4, v3;
	_ =	sdelay $0x1  }
0x25b: {  	s26 =	simm.s32 $0x0;
	s19 =	rddreg [dreg:$0xd];
	[tilespmem:s11+$0x10200] =	vst v3  }
0x25c: {  	[hbm4b:s19+s26] =	stream.linear.scatter [tilespmem:s9], [sflag:$0x3], $0x4000, $0x38;
	[tilespmem:$0x14200] =	vst v63  }
0x25d: {  	_ =	swait.ge [sflag:s20], $0x4000  }
0x25e: {  	[sflag:s20] =	ssyncset.done $0x0  }
0x25f: {  	[sflag:s20] =	ssyncadd.s32 $0xFFFFC000  }
0x260: {  	_ =	swait.ge [sflag:s17], $0x4000  }
0x261: {  	[sflag:s17] =	ssyncset.done $0x0  }
0x262: {  	[sflag:s17] =	ssyncadd.s32 $0xFFFFC000  }
0x263: {  	_ =	swait.ge [sflag:s17], $0x4000  }
0x264: {  	s22 =	sand.u32 $0x70, s26;
	s19 =	sand.u32 $0x1C00, s26;
	[sflag:s17] =	ssyncset.done $0x0  }
0x265: {  	s22 =	sor.u32 s22, s19;
	[sflag:s17] =	ssyncadd.s32 $0xFFFFC000  }
0x266: {  	v3 =	vld [tilespmem:s22+$0xC280]  }
0x267: {  	v4 =	vld [tilespmem:s22+$0x4500]  }
0x268: {  	v5 =	vld [tilespmem:s22+$0xC500]  }
0x269: {  	v6 =	vld [tilespmem:s22+$0xC380]  }
0x26a: {  	v7 =	vld [tilespmem:s22+$0x4380]  }
0x26b: {  	v8 =	vld [tilespmem:s22+$0xC200]  }
0x26c: {  	v9 =	vld [tilespmem:s22+$0xC400]  }
0x26d: {  	v10 =	vld [tilespmem:s22+$0x4400]  }
0x26e: {  	v11 =	vld [tilespmem:s22+$0x4200]  }
0x26f: {  	v12 =	vld [tilespmem:s22+$0x4300]  }
0x270: {  	v13 =	vld [tilespmem:s22+$0xC480]  }
0x271: {  	v14 =	vld [tilespmem:s22+$0x4480]  }
0x272: {  	v15 =	vld [tilespmem:s22+$0xC300];
	v9 =	vadd.f32 v9, v10  }
0x273: {  	v10 =	vld [tilespmem:s22+$0x4280];
	v8 =	vadd.f32 v8, v11  }
0x274: {  	v6 =	vadd.f32 v6, v7;
	[tilespmem:s22+$0x10400] =	vst v9  }
0x275: {  	v4 =	vadd.f32 v5, v4;
	[tilespmem:s22+$0x10200] =	vst v8  }
0x276: {  	v5 =	vadd.f32 v13, v14;
	[tilespmem:s22+$0x10380] =	vst v6  }
0x277: {  	[tilespmem:s22+$0x10500] =	vst v4;
	v4 =	vadd.f32 v15, v12  }
0x278: {  	[tilespmem:s22+$0x10480] =	vst v5;
	v3 =	vadd.f32 v3, v10  }
0x279: {  	s11 =	sor.u32 s26, s26;
	[tilespmem:s22+$0x10300] =	vst v4  }
0x27a: {  	s23 =	sor.u32 $0x4380, s11;
	[tilespmem:s22+$0x10280] =	vst v3  }
0x27b: {  	v3 =	vld [tilespmem:s23+$0x200]  }
0x27c: {  	v4 =	vld [tilespmem:s23+$0x8200];
	_ =	sdelay $0x4  }
0x27d: {  	v3 =	vadd.f32 v4, v3  }
0x27e: {  	s24 =	sor.u32 $0x380, s11  }
0x27f: {  	[tilespmem:s24+$0x10200] =	vst v3  }
0x280: {  	v3 =	vld [tilespmem:s22+$0xE480]  }
0x281: {  	v5 =	vld [tilespmem:s22+$0x6500]  }
0x282: {  	v4 =	vld [tilespmem:s22+$0x6480]  }
0x283: {  	v6 =	vld [tilespmem:s22+$0xE500]  }
0x284: {  	v7 =	vld [tilespmem:s22+$0xE400]  }
0x285: {  	v8 =	vld [tilespmem:s22+$0xE380]  }
0x286: {  	v9 =	vld [tilespmem:s22+$0x6400]  }
0x287: {  	v10 =	vld [tilespmem:s22+$0x6380]  }
0x288: {  	v11 =	vld [tilespmem:s22+$0xE300]  }
0x289: {  	s19 =	simm.s32 $0x10;
	s23 =	simm.s32 $0x80;
	v12 =	vld [tilespmem:s22+$0xE280]  }
0x28a: {  	s25 =	sand.u32 $0x70, s19;
	s26 =	sand.u32 $0x1C00, s23;
	v13 =	vld [tilespmem:s22+$0x6280]  }
0x28b: {  	s18 =	sor.u32 s25, s26;
	v14 =	vld [tilespmem:s22+$0x6300];
	v15 =	vadd.f32 v3, v4  }
0x28c: {  	v3 =	vld [tilespmem:s18+$0xC280];
	v7 =	vadd.f32 v7, v9  }
0x28d: {  	v4 =	vld [tilespmem:s18+$0x4500];
	v5 =	vadd.f32 v6, v5;
	[tilespmem:s22+$0x12480] =	vst v15  }
0x28e: {  	[tilespmem:s22+$0x12400] =	vst v7  }
0x28f: {  	v6 =	vld [tilespmem:s22+$0xE200];
	[tilespmem:s22+$0x12500] =	vst v5;
	v7 =	vadd.f32 v8, v10  }
0x290: {  	v8 =	vadd.f32 v11, v14;
	v5 =	vld [tilespmem:s18+$0xC500]  }
0x291: {  	v9 =	vadd.f32 v12, v13;
	v15 =	vld [tilespmem:s18+$0xC380];
	[tilespmem:s22+$0x12380] =	vst v7  }
0x292: {  	v7 =	vld [tilespmem:s22+$0x6200];
	[tilespmem:s22+$0x12300] =	vst v8  }
0x293: {  	v11 =	vld [tilespmem:s18+$0x4380];
	[tilespmem:s22+$0x12280] =	vst v9  }
0x294: {  	v12 =	vld [tilespmem:s18+$0x4300]  }
0x295: {  	v13 =	vld [tilespmem:s18+$0xC300]  }
0x296: {  	v16 =	vld [tilespmem:s18+$0xC200]  }
0x297: {  	v14 =	vld [tilespmem:s18+$0xC400];
	v6 =	vadd.f32 v6, v7  }
0x298: {  	v17 =	vld [tilespmem:s18+$0x4400]  }
0x299: {  	s11 =	sor.u32 $0x6380, s11;
	v18 =	vld [tilespmem:s18+$0x4200];
	[tilespmem:s22+$0x12200] =	vst v6  }
0x29a: {  	v8 =	vld [tilespmem:s11+$0x200]  }
0x29b: {  	v10 =	vld [tilespmem:s11+$0x8200]  }
0x29c: {  	v9 =	vld [tilespmem:s18+$0xC480]  }
0x29d: {  	v7 =	vadd.f32 v15, v11;
	v6 =	vadd.f32 v13, v12;
	v11 =	vld [tilespmem:s18+$0x4480]  }
0x29e: {  	s19 =	sor.u32 s19, s23;
	s24 =	simm.s32 $0x20;
	v14 =	vadd.f32 v14, v17;
	v13 =	vadd.f32 v16, v18;
	v12 =	vld [tilespmem:s18+$0x4280]  }
.LBB2_8:
0x29f: {  	p0 =	sne.s32 s24, $0x3F0  }
0x2a0: {  	[tilespmem:s18+$0x10400] =	vst v14;
	s23 =	sadd.s32 $0x80, s23;
	s11 =	smov.u32 s24;
	s24 =	sadd.s32 $0x10, s24  }
0x2a1: {  	v4 =	vadd.f32 v5, v4;
	s25 =	sor.u32 s11, s23;
	[tilespmem:s18+$0x10200] =	vst v13;
	v5 =	vadd.f32 v10, v8  }
0x2a2: {  	[tilespmem:s18+$0x10380] =	vst v7  }
0x2a3: {  	v7 =	vadd.f32 v9, v11;
	[tilespmem:s18+$0x10500] =	vst v4  }
0x2a4: {  	v3 =	vadd.f32 v3, v12;
	[tilespmem:s22+$0x12580] =	vst v5;
	s22 =	smov.u32 s18  }
0x2a5: {  	[tilespmem:s22+$0x10480] =	vst v7  }
0x2a6: {  	[tilespmem:s22+$0x10280] =	vst v3  }
0x2a7: {  	s18 =	sor.u32 $0x4380, s19;
	[tilespmem:s22+$0x10300] =	vst v6  }
0x2a8: {  	v3 =	vld [tilespmem:s18+$0x200]  }
0x2a9: {  	v4 =	vld [tilespmem:s18+$0x8200];
	_ =	sdelay $0x4  }
0x2aa: {  	v3 =	vadd.f32 v4, v3  }
0x2ab: {  	s26 =	sor.u32 $0x380, s19;
	s11 =	sand.u32 $0x70, s11;
	s18 =	sand.u32 $0x1C00, s23  }
0x2ac: {  	s18 =	sor.u32 s11, s18;
	[tilespmem:s26+$0x10200] =	vst v3  }
0x2ad: {  	v3 =	vld [tilespmem:s22+$0xE480]  }
0x2ae: {  	v5 =	vld [tilespmem:s22+$0x6500]  }
0x2af: {  	v4 =	vld [tilespmem:s22+$0x6480]  }
0x2b0: {  	v6 =	vld [tilespmem:s22+$0xE500]  }
0x2b1: {  	v7 =	vld [tilespmem:s22+$0xE400]  }
0x2b2: {  	v8 =	vld [tilespmem:s22+$0xE380]  }
0x2b3: {  	v9 =	vld [tilespmem:s22+$0x6400]  }
0x2b4: {  	v10 =	vld [tilespmem:s22+$0x6380]  }
0x2b5: {  	v11 =	vld [tilespmem:s22+$0xE300]  }
0x2b6: {  	v12 =	vld [tilespmem:s22+$0xE280]  }
0x2b7: {  	v13 =	vld [tilespmem:s22+$0x6280]  }
0x2b8: {  	v14 =	vld [tilespmem:s22+$0x6300];
	v7 =	vadd.f32 v7, v9;
	v9 =	vadd.f32 v3, v4  }
0x2b9: {  	v3 =	vld [tilespmem:s18+$0xC280]  }
0x2ba: {  	v5 =	vadd.f32 v6, v5;
	v4 =	vld [tilespmem:s18+$0x4500];
	[tilespmem:s22+$0x12480] =	vst v9  }
0x2bb: {  	v6 =	vld [tilespmem:s22+$0xE200];
	[tilespmem:s22+$0x12400] =	vst v7  }
0x2bc: {  	v8 =	vadd.f32 v8, v10;
	v7 =	vadd.f32 v12, v13;
	[tilespmem:s22+$0x12500] =	vst v5  }
0x2bd: {  	v5 =	vld [tilespmem:s18+$0xC500];
	v9 =	vadd.f32 v11, v14  }
0x2be: {  	v10 =	vld [tilespmem:s18+$0xC380];
	[tilespmem:s22+$0x12380] =	vst v8  }
0x2bf: {  	v8 =	vld [tilespmem:s22+$0x6200];
	[tilespmem:s22+$0x12300] =	vst v9  }
0x2c0: {  	v9 =	vld [tilespmem:s18+$0x4380];
	[tilespmem:s22+$0x12280] =	vst v7  }
0x2c1: {  	v11 =	vld [tilespmem:s18+$0x4300]  }
0x2c2: {  	v12 =	vld [tilespmem:s18+$0xC300]  }
0x2c3: {  	v13 =	vld [tilespmem:s18+$0xC200]  }
0x2c4: {  	v14 =	vld [tilespmem:s18+$0xC400];
	v6 =	vadd.f32 v6, v8  }
0x2c5: {  	v7 =	vadd.f32 v10, v9;
	v15 =	vld [tilespmem:s18+$0x4400]  }
0x2c6: {  	s11 =	sor.u32 $0x6380, s19;
	s19 =	smov.u32 s25;
	v16 =	vld [tilespmem:s18+$0x4200];
	[tilespmem:s22+$0x12200] =	vst v6  }
.Ltmp3:
0x2c7: {  	v6 =	vadd.f32 v12, v11;
	v8 =	vld [tilespmem:s11+$0x200];
	(pc) =	sbr.rel @p0 .LBB2_8-.Ltmp3, $4  }
0x2c8: {  	v10 =	vld [tilespmem:s11+$0x8200]  }
0x2c9: {  	v9 =	vld [tilespmem:s18+$0xC480]  }
0x2ca: {  	v14 =	vadd.f32 v14, v15;
	v11 =	vld [tilespmem:s18+$0x4480]  }
0x2cb: {  	v13 =	vadd.f32 v13, v16;
	v12 =	vld [tilespmem:s18+$0x4280]  }
0x2cc: {  	[tilespmem:s18+$0x10400] =	vst v14  }
0x2cd: {  	v4 =	vadd.f32 v5, v4;
	[tilespmem:s18+$0x10380] =	vst v7  }
0x2ce: {  	[tilespmem:s18+$0x10200] =	vst v13;
	v48 =	vadd.f32 v10, v8  }
0x2cf: {  	[tilespmem:s18+$0x10500] =	vst v4  }
0x2d0: {  	v49 =	vadd.f32 v9, v11;
	[tilespmem:s22+$0x12580] =	vst v48  }
0x2d1: {  	v3 =	vadd.f32 v3, v12;
	[tilespmem:s18+$0x10300] =	vst v6  }
0x2d2: {  	[tilespmem:s18+$0x10480] =	vst v49  }
0x2d3: {  	s11 =	sor.u32 $0x4380, s19;
	[tilespmem:s18+$0x10280] =	vst v3  }
0x2d4: {  	v3 =	vld [tilespmem:s11+$0x200]  }
0x2d5: {  	v4 =	vld [tilespmem:s11+$0x8200];
	_ =	sdelay $0x4  }
0x2d6: {  	v3 =	vadd.f32 v4, v3  }
0x2d7: {  	s23 =	sor.u32 $0x380, s19  }
0x2d8: {  	[tilespmem:s23+$0x10200] =	vst v3  }
0x2d9: {  	v3 =	vld [tilespmem:s18+$0xE480]  }
0x2da: {  	v50 =	vld [tilespmem:s18+$0x6500]  }
0x2db: {  	v5 =	vld [tilespmem:s18+$0x6480]  }
0x2dc: {  	v51 =	vld [tilespmem:s18+$0xE500]  }
0x2dd: {  	v52 =	vld [tilespmem:s18+$0xE400]  }
0x2de: {  	v53 =	vld [tilespmem:s18+$0xE380]  }
0x2df: {  	v54 =	vld [tilespmem:s18+$0x6400]  }
0x2e0: {  	v55 =	vld [tilespmem:s18+$0x6380]  }
0x2e1: {  	v56 =	vld [tilespmem:s18+$0xE300]  }
0x2e2: {  	v57 =	vld [tilespmem:s18+$0xE280];
	v3 =	vadd.f32 v3, v5  }
0x2e3: {  	v58 =	vld [tilespmem:s18+$0x6280]  }
0x2e4: {  	v59 =	vld [tilespmem:s18+$0x6300];
	[tilespmem:s18+$0x12480] =	vst v3;
	v3 =	vadd.f32 v51, v50  }
0x2e5: {  	v60 =	vld [tilespmem:s18+$0xE200]  }
0x2e6: {  	[tilespmem:s18+$0x12500] =	vst v3;
	v3 =	vld [tilespmem:s18+$0x6200]  }
0x2e7: {  	v7 =	vadd.f32 v52, v54  }
0x2e8: {  	v61 =	vadd.f32 v53, v55  }
0x2e9: {  	v5 =	vadd.f32 v56, v59;
	[tilespmem:s18+$0x12400] =	vst v7  }
0x2ea: {  	v62 =	vadd.f32 v57, v58;
	[tilespmem:s18+$0x12380] =	vst v61  }
0x2eb: {  	[tilespmem:s18+$0x12300] =	vst v5;
	v3 =	vadd.f32 v60, v3  }
0x2ec: {  	[tilespmem:s18+$0x12280] =	vst v62  }
0x2ed: {  	s24 =	sor.u32 $0x6380, s19;
	[tilespmem:s18+$0x12200] =	vst v3  }
0x2ee: {  	v3 =	vld [tilespmem:s24+$0x200]  }
0x2ef: {  	v63 =	vld [tilespmem:s24+$0x8200];
	_ =	sdelay $0x4  }
0x2f0: {  	v3 =	vadd.f32 v63, v3;
	_ =	sdelay $0x1  }
0x2f1: {  	s25 =	rddreg [dreg:$0xe];
	[tilespmem:s18+$0x12580] =	vst v3  }
0x2f2: {  	[hbm4b:s25+s1] =	stream.linear.scatter [tilespmem:s9], [sflag:$0x3], $0x4000, $0x38;
	[tilespmem:$0x14200] =	vst v63  }
0x2f3: {  	_ =	swait.ge [sflag:s20], $0x4000  }
0x2f4: {  	s21 =	sadd.s32 $0x1, s21;
	s26 =	rddreg [dreg:$0xf]  }
0x2f5: {  	p0 =	sne.s32 s21, s26  }
.Ltmp4:
0x2f6: {  	_ = 	snop;
	(pc) =	sbr.rel @p0 .LBB2_1-.Ltmp4, $3  }
0x2f7: {  	_ =	sdelay $0x1  }
0x2f8: {  	[sflag:s20] =	ssyncset.done $0x0  }
0x2f9: {  	[sflag:s20] =	ssyncadd.s32 $0xFFFFC000;
	s26 =	simm.s32 $0x100  }
0x2fa: {  	_ =	sfence.sel $0x180000  }
0x2fb: {  	[bflag:$0x0] =	sbarrier.arrive $0xFFFF  }
0x2fc: {  	_ =	strace $0x9000004A  }
0x2fd: {  	s0 =	stileid.u32;
	[bflag:$0x2] =	sbarrier.arrive $0xFFFF  }
0x2fe: {  	p0 =	sne.s32 s0, $0x0;
	s0 =	rddreg [dreg:$0x2]  }
0x2ff: {  	s0 =	sadd.s32 @!p0 $0x100000, s0  }
0x300: {  	[sflag:s0] =	ssyncadd.tile.s32 @!p0 $0x1;
	_ =	shalt  }
.Lfunc_end2:
_tile_overlayer_lowered:
.L_overlay_start_2:
0x301: {  	(tag) =	ssettag $0x2  }
0x302: {  	s0 =	rddreg [dreg:$0x0];
	s2 =	stileid.u32  }
0x303: {  	s1 =	rddreg [dreg:$0x1];
	p0 =	sne.s32 s2, $0x0  }
0x304: {  	s3 =	rddreg [dreg:$0x2];
	[bflag:$0x3] =	sbarrier.arrive $0xFFFF;
	s2 =	simm.s32 @!p0 $0x1C03  }
0x305: {  	[timem:s3], [sflag:s2] =	dma.local @!p0 [hbm:s0], s1  }
0x306: {  	s0 =	simm.s32 @!p0 $0x3  }
0x307: {  	_ =	swait.ge @!p0 [sflag:s0], s1  }
0x308: {  	s1 =	ssub.s32 @!p0 $0x0, s1;
	[sflag:s0] =	ssyncset.done @!p0 $0x0  }
0x309: {  	[sflag:s0] =	ssyncadd.s32 @!p0 s1  }
0x30a: {  	[bflag:$0x3] =	sbarrier.arrive $0xFFFF  }
0x30b: {  	_ =	shalt  }

</sc_bundles>
